<compile_context>
chip_gen: v7x
topology: tpu7x:2x2x1
jax: 0.10.2.dev20260603
libtpu: 0.0.44.dev20260713+nightly
codegen_flags: <defaults>
</compile_context>

<pallas_src>
import functools

import jax
import jax.numpy as jnp
from jax import lax
from jax.experimental import pallas as pl
from jax.experimental.pallas import tpu as pltpu
from jax.experimental.pallas import tpu_sc as plsc

_NUM_EMB = 1000000
_EMB_DIM = 64
_SUB_DIM = 32
_BASE_SEED = 42

_NC = 2
_NS = 16
_NW = _NC * _NS
_CHUNK = 128


def _hash16(h, seed):
    h = h ^ jnp.uint32(seed)
    h = h * jnp.uint32(2654435761)
    h = h ^ (h >> jnp.uint32(16))
    h = h * jnp.uint32(2246822519)
    h = h ^ (h >> jnp.uint32(13))
    hf = h.astype(jnp.float32)
    q = (hf * jnp.float32(1.0 / _NUM_EMB)).astype(jnp.uint32)
    r = (h - q * jnp.uint32(_NUM_EMB)).astype(jnp.int32)
    m = jnp.int32(_NUM_EMB)
    r = jnp.where(r < 0, r + m, r)
    r = jnp.where(r < 0, r + m, r)
    r = jnp.where(r >= m, r - m, r)
    r = jnp.where(r >= m, r - m, r)
    return r


def _make_sc_kernel(batch, fields, fpad):
    assert batch % (_NW * _CHUNK) == 0
    b_per_w = batch // _NW
    n_chunks = b_per_w // _CHUNK
    n_out_rows = (batch // fields) * fpad * (128 // _SUB_DIM)
    inv_f = 1.0 / fields
    mesh = plsc.VectorSubcoreMesh(core_axis_name="c", subcore_axis_name="s")

    n_blk = 2
    blk = n_chunks // n_blk
    assert blk * n_blk == n_chunks

    @functools.partial(
        pl.kernel,
        mesh=mesh,
        compiler_params=pltpu.CompilerParams(use_tc_tiling_on_sc=False),
        out_type=jax.ShapeDtypeStruct((n_out_rows, _SUB_DIM), jnp.float32),
        scratch_types=[
            pltpu.VMEM((b_per_w,), jnp.int32),
            pltpu.VMEM((n_chunks, _CHUNK), jnp.int32),
            pltpu.VMEM((n_chunks, _CHUNK), jnp.int32),
            pltpu.VMEM((n_chunks, _CHUNK), jnp.int32),
            pltpu.VMEM((n_chunks, _CHUNK), jnp.int32),
            pltpu.VMEM((blk, _CHUNK, _SUB_DIM), jnp.float32),
            pltpu.VMEM((blk, _CHUNK, _SUB_DIM), jnp.float32),
            pltpu.SemaphoreType.DMA,
            pltpu.SemaphoreType.DMA,
        ],
    )
    def k(ids_hbm, w0_hbm, w1_hbm, out_hbm, ids_v, idx0_v, idx1_v,
          oe_v, oo_v, rows0_v, rows1_v, sem_g, sem_s):
        wid = lax.axis_index("s") * _NC + lax.axis_index("c")
        base = wid * b_per_w
        pltpu.sync_copy(ids_hbm.at[pl.ds(base, b_per_w)], ids_v)
        lanes = lax.iota(jnp.int32, 16)

        def hash_chunk(j, _):
            for i in range(_CHUNK // 16):
                raw = ids_v[pl.ds(j * _CHUNK + i * 16, 16)].astype(jnp.uint32)
                idx0_v[j, pl.ds(i * 16, 16)] = _hash16(raw, _BASE_SEED)
                idx1_v[j, pl.ds(i * 16, 16)] = _hash16(raw, _BASE_SEED + 1)
                g = base + j * _CHUNK + i * 16 + lanes
                bq = (g.astype(jnp.float32) * jnp.float32(inv_f)
                      + jnp.float32(0.001)).astype(jnp.int32)
                fr = g - bq * fields
                oe = 4 * (bq * fpad + fr)
                oe_v[j, pl.ds(i * 16, 16)] = oe
                oo_v[j, pl.ds(i * 16, 16)] = oe + 1
            return 0

        lax.fori_loop(0, n_chunks, hash_chunk, 0)

        for b in range(n_blk):
            gathers = []
            for j in range(b * blk, (b + 1) * blk):
                s = j - b * blk
                gathers.append(pltpu.async_copy(
                    w0_hbm.at[idx0_v.at[j]], rows0_v.at[s], sem_g))
                gathers.append(pltpu.async_copy(
                    w1_hbm.at[idx1_v.at[j]], rows1_v.at[s], sem_g))
            for g in gathers:
                g.wait()
            scatters = []
            for j in range(b * blk, (b + 1) * blk):
                s = j - b * blk
                scatters.append(pltpu.async_copy(
                    rows0_v.at[s], out_hbm.at[oe_v.at[j]], sem_s))
                scatters.append(pltpu.async_copy(
                    rows1_v.at[s], out_hbm.at[oo_v.at[j]], sem_s))
            for sc in scatters:
                sc.wait()

    return k


def kernel(input_ids, W0, W1):
    shape = input_ids.shape
    b0, fields = shape
    fpad = -(-fields // 8) * 8
    flat = input_ids.reshape(-1)
    out2 = _make_sc_kernel(flat.shape[0], fields, fpad)(flat, W0, W1)
    out3 = out2.reshape(b0, fpad, 128)[:, :fields, :_EMB_DIM]
    return out3.reshape(shape + (_EMB_DIM,))

# --- scband reference (transcript-rebuilt; emitter-appended) ---
"""Pipeline reference for scband-collisionless-embedding-15745350107436 (READ-ONLY COPY).

The authoritative reference and input builder live on the scoring server;
editing this copy changes nothing except your own understanding.
"""

import jax, jax.numpy as jnp
import numpy as np

NUM_EMB = 1000000
EMB_DIM = 64
NUM_HASH = 2
SUB_DIM = EMB_DIM // NUM_HASH
BASE_SEED = 42
BATCH = 4096
FIELDS = 26


def _hash_ids(ids, seed, num_embeddings):
    # Deterministic murmur-style integer mixing hash (stand-in for Python's
    # non-deterministic hash() in the 'murmur' branch of the original module).
    h = ids.astype(jnp.uint32)
    h = h ^ jnp.uint32(seed)
    h = h * jnp.uint32(2654435761)
    h = h ^ (h >> 16)
    h = h * jnp.uint32(2246822519)
    h = h ^ (h >> 13)
    return (h % jnp.uint32(num_embeddings)).astype(jnp.int32)


def setup_inputs(seed: int = 0) -> dict:
    key = jax.random.key(seed)
    k_ids, k_w0, k_w1 = jax.random.split(key, 3)
    input_ids = jax.random.randint(k_ids, (BATCH, FIELDS), 0, 100000000, dtype=jnp.int32)
    # nn.Embedding default init: N(0, 1)
    W0 = jax.random.normal(k_w0, (NUM_EMB, SUB_DIM), dtype=jnp.float32)
    W1 = jax.random.normal(k_w1, (NUM_EMB, SUB_DIM), dtype=jnp.float32)
    return {"input_ids": input_ids, "W0": W0, "W1": W1}


def reference(input_ids, W0, W1):
    original_shape = input_ids.shape
    flat_ids = input_ids.reshape(-1)
    idx0 = _hash_ids(flat_ids, BASE_SEED + 0, NUM_EMB)
    idx1 = _hash_ids(flat_ids, BASE_SEED + 1, NUM_EMB)
    e0 = jnp.take(W0, idx0, axis=0)
    e1 = jnp.take(W1, idx1, axis=0)
    out = jnp.concatenate([e0, e1], axis=-1)
    return out.reshape(original_shape + (EMB_DIM,))

if __name__ == "__main__":
    import jax
    _d = setup_inputs()
    print(jax.jit(kernel)(*tuple(_d.values())))

</pallas_src>

<mosaic_0001>
#map = affine_map<(d0, d1) -> (0)>
#map1 = affine_map<(d0, d1) -> (0, 0)>
module attributes {stable_mosaic.version = 14 : i64} {
  func.func @k(%arg0: i32, %arg1: i32, %arg2: memref<106496xi32, #tpu.memory_space<hbm>>, %arg3: memref<1000000x32xf32, #tpu.memory_space<hbm>>, %arg4: memref<1000000x32xf32, #tpu.memory_space<hbm>>, %arg5: memref<524288x32xf32, #tpu.memory_space<hbm>>, %arg6: memref<3328xi32, #tpu.memory_space<vmem>>, %arg7: memref<26x128xi32, #tpu.memory_space<vmem>>, %arg8: memref<26x128xi32, #tpu.memory_space<vmem>>, %arg9: memref<26x128xi32, #tpu.memory_space<vmem>>, %arg10: memref<26x128xi32, #tpu.memory_space<vmem>>, %arg11: memref<13x128x32xf32, #tpu.memory_space<vmem>>, %arg12: memref<13x128x32xf32, #tpu.memory_space<vmem>>, %arg13: memref<!tpu.dma_semaphore, #tpu.memory_space<semaphore_mem>>, %arg14: memref<!tpu.dma_semaphore, #tpu.memory_space<semaphore_mem>>) attributes {dimension_semantics = [#tpu.dimension_semantics<core_parallel>, #tpu.dimension_semantics<subcore_parallel>], iteration_bounds = array<i64: 2, 16>, scalar_prefetch = 0 : i64, scratch_operands = 9 : i64, tpu.core_type = #tpu.core_type<sc_vector_subcore>, window_params = [{transform_indices = #map}, {transform_indices = #map1}, {transform_indices = #map1}, {transform_indices = #map1}]} {
    %mul3A = arith.constant 2 : i32
    %mul3A_0 = arith.muli %arg1, %mul3A : i32
    %add3A = arith.addi %mul3A_0, %arg0 : i32
    %mul3A_1 = arith.constant 3328 : i32
    %mul3A_2 = arith.muli %add3A, %mul3A_1 : i32
    "tpu.region"() ({
      %run_scoped3A = tpu.sem_alloc : memref<!tpu.dma_semaphore, #tpu.memory_space<semaphore_mem>>
      %dma_start3A_2503 = tpu.memref_slice %arg2[%mul3A_2] : memref<106496xi32, #tpu.memory_space<hbm>> -> memref<3328xi32, #tpu.memory_space<hbm>>
      %dma_start3A_2504 = tpu.memref_slice %arg2[%mul3A_2] : memref<106496xi32, #tpu.memory_space<hbm>> -> memref<3328xi32, #tpu.memory_space<hbm>>
      tpu.enqueue_dma source(%dma_start3A_2504 : memref<3328xi32, #tpu.memory_space<hbm>>) target(%arg6 : memref<3328xi32, #tpu.memory_space<vmem>>) target_semaphore(%run_scoped3A : memref<!tpu.dma_semaphore, #tpu.memory_space<semaphore_mem>>)
      %dma_wait3A_2505 = tpu.memref_slice %arg2[%mul3A_2] : memref<106496xi32, #tpu.memory_space<hbm>> -> memref<3328xi32, #tpu.memory_space<hbm>>
      %dma_wait3A_2506 = tpu.memref_slice %arg2[%mul3A_2] : memref<106496xi32, #tpu.memory_space<hbm>> -> memref<3328xi32, #tpu.memory_space<hbm>>
      tpu.wait_dma2 semaphore(%run_scoped3A : memref<!tpu.dma_semaphore, #tpu.memory_space<semaphore_mem>>) src(%dma_wait3A_2506 : memref<3328xi32, #tpu.memory_space<hbm>>) dst(%arg6 : memref<3328xi32, #tpu.memory_space<vmem>>)
      tpu.yield
    }) : () -> ()
    %iota3A = tpu.iota {dimensions = array<i32: 0>} : vector<16xi32>
    %scan3A = arith.constant 0 : i32
    %scan3A_3 = arith.constant 0 : i32
    %scan3A_4 = arith.constant 26 : i32
    %scan3A_5 = arith.addi %scan3A_3, %scan3A_4 : i32
    %scan3A_6 = arith.constant 1 : i32
    %scan3A_7 = scf.for %scan3A_2503 = %scan3A_3 to %scan3A_5 step %scan3A_6 iter_args(%scan3A_2504 = %scan3A) -> (i32)  : i32 {
      %mul3A_2505 = arith.constant 128 : i32
      %mul3A_2506 = arith.muli %scan3A_2503, %mul3A_2505 : i32
      %add3A_2507 = arith.constant 0 : i32
      %add3A_2508 = arith.addi %mul3A_2506, %add3A_2507 : i32
      %get3A = arith.index_cast %add3A_2508 : i32 to index
      %get3A_2509 = tpu.vector_load %arg6[%get3A] {strides = array<i32>} : memref<3328xi32, #tpu.memory_space<vmem>>, vector<16xi32>,
      %get3A_2510 = vector.shape_cast %get3A_2509 : vector<16xi32> to vector<16xi32>
      %xor3A = arith.constant 42 : i32
      %xor3A_2511 = vector.broadcast %xor3A : i32 to vector<16xi32>
      %xor3A_2512 = arith.xori %get3A_2510, %xor3A_2511 : vector<16xi32>
      %mul3A_2513 = arith.constant -1640531535 : i32
      %mul3A_2514 = vector.broadcast %mul3A_2513 : i32 to vector<16xi32>
      %mul3A_2515 = arith.muli %xor3A_2512, %mul3A_2514 : vector<16xi32>
      %shift_right_logical3A = arith.constant 16 : i32
      %shift_right_logical3A_2516 = vector.broadcast %shift_right_logical3A : i32 to vector<16xi32>
      %shift_right_logical3A_2517 = arith.shrui %mul3A_2515, %shift_right_logical3A_2516 : vector<16xi32>
      %xor3A_2518 = arith.xori %mul3A_2515, %shift_right_logical3A_2517 : vector<16xi32>
      %mul3A_2519 = arith.constant -2048144777 : i32
      %mul3A_2520 = vector.broadcast %mul3A_2519 : i32 to vector<16xi32>
      %mul3A_2521 = arith.muli %xor3A_2518, %mul3A_2520 : vector<16xi32>
      %shift_right_logical3A_2522 = arith.constant 13 : i32
      %shift_right_logical3A_2523 = vector.broadcast %shift_right_logical3A_2522 : i32 to vector<16xi32>
      %shift_right_logical3A_2524 = arith.shrui %mul3A_2521, %shift_right_logical3A_2523 : vector<16xi32>
      %xor3A_2525 = arith.xori %mul3A_2521, %shift_right_logical3A_2524 : vector<16xi32>
      %convert_element_type3A = arith.uitofp %xor3A_2525 : vector<16xi32> to vector<16xf32>
      %mul3A_2526 = arith.constant 9.99999997E-7 : f32
      %mul3A_2527 = vector.broadcast %mul3A_2526 : f32 to vector<16xf32>
      %mul3A_2528 = arith.mulf %convert_element_type3A, %mul3A_2527 : vector<16xf32>
      %convert_element_type3A_2529 = arith.fptoui %mul3A_2528 : vector<16xf32> to vector<16xi32>
      %mul3A_2530 = arith.constant 1000000 : i32
      %mul3A_2531 = vector.broadcast %mul3A_2530 : i32 to vector<16xi32>
      %mul3A_2532 = arith.muli %convert_element_type3A_2529, %mul3A_2531 : vector<16xi32>
      %sub3A = arith.subi %xor3A_2525, %mul3A_2532 : vector<16xi32>
      %lt3A = arith.constant 0 : i32
      %lt3A_2533 = vector.broadcast %lt3A : i32 to vector<16xi32>
      %lt3A_2534 = arith.cmpi slt, %sub3A, %lt3A_2533 : vector<16xi32>
      %add3A_2535 = arith.constant 1000000 : i32
      %add3A_2536 = vector.broadcast %add3A_2535 : i32 to vector<16xi32>
      %add3A_2537 = arith.addi %sub3A, %add3A_2536 : vector<16xi32>
      %select_n3A = arith.select %lt3A_2534, %add3A_2537, %sub3A : vector<16xi1>, vector<16xi32>
      %lt3A_2538 = arith.constant 0 : i32
      %lt3A_2539 = vector.broadcast %lt3A_2538 : i32 to vector<16xi32>
      %lt3A_2540 = arith.cmpi slt, %select_n3A, %lt3A_2539 : vector<16xi32>
      %add3A_2541 = arith.constant 1000000 : i32
      %add3A_2542 = vector.broadcast %add3A_2541 : i32 to vector<16xi32>
      %add3A_2543 = arith.addi %select_n3A, %add3A_2542 : vector<16xi32>
      %select_n3A_2544 = arith.select %lt3A_2540, %add3A_2543, %select_n3A : vector<16xi1>, vector<16xi32>
      %ge3A = arith.constant 1000000 : i32
      %ge3A_2545 = vector.broadcast %ge3A : i32 to vector<16xi32>
      %ge3A_2546 = arith.cmpi sge, %select_n3A_2544, %ge3A_2545 : vector<16xi32>
      %sub3A_2547 = arith.constant 1000000 : i32
      %sub3A_2548 = vector.broadcast %sub3A_2547 : i32 to vector<16xi32>
      %sub3A_2549 = arith.subi %select_n3A_2544, %sub3A_2548 : vector<16xi32>
      %select_n3A_2550 = arith.select %ge3A_2546, %sub3A_2549, %select_n3A_2544 : vector<16xi1>, vector<16xi32>
      %ge3A_2551 = arith.constant 1000000 : i32
      %ge3A_2552 = vector.broadcast %ge3A_2551 : i32 to vector<16xi32>
      %ge3A_2553 = arith.cmpi sge, %select_n3A_2550, %ge3A_2552 : vector<16xi32>
      %sub3A_2554 = arith.constant 1000000 : i32
      %sub3A_2555 = vector.broadcast %sub3A_2554 : i32 to vector<16xi32>
      %sub3A_2556 = arith.subi %select_n3A_2550, %sub3A_2555 : vector<16xi32>
      %select_n3A_2557 = arith.select %ge3A_2553, %sub3A_2556, %select_n3A_2550 : vector<16xi1>, vector<16xi32>
      %swap3A = arith.index_cast %scan3A_2503 : i32 to index
      %swap3A_2558 = arith.constant 0 : index
      %swap3A_2559 = tpu.vector_load %arg7[%swap3A, %swap3A_2558] {strides = array<i32>} : memref<26x128xi32, #tpu.memory_space<vmem>>, vector<1x16xi32>,
      %swap3A_2560 = vector.shape_cast %swap3A_2559 : vector<1x16xi32> to vector<16xi32>
      %swap3A_2561 = vector.shape_cast %select_n3A_2557 : vector<16xi32> to vector<1x16xi32>
      tpu.vector_store %arg7[%swap3A, %swap3A_2558], %swap3A_2561 {strides = array<i32>} : memref<26x128xi32, #tpu.memory_space<vmem>>, vector<1x16xi32>,
      %xor3A_2562 = arith.constant 43 : i32
      %xor3A_2563 = vector.broadcast %xor3A_2562 : i32 to vector<16xi32>
      %xor3A_2564 = arith.xori %get3A_2510, %xor3A_2563 : vector<16xi32>
      %mul3A_2565 = arith.constant -1640531535 : i32
      %mul3A_2566 = vector.broadcast %mul3A_2565 : i32 to vector<16xi32>
      %mul3A_2567 = arith.muli %xor3A_2564, %mul3A_2566 : vector<16xi32>
      %shift_right_logical3A_2568 = arith.constant 16 : i32
      %shift_right_logical3A_2569 = vector.broadcast %shift_right_logical3A_2568 : i32 to vector<16xi32>
      %shift_right_logical3A_2570 = arith.shrui %mul3A_2567, %shift_right_logical3A_2569 : vector<16xi32>
      %xor3A_2571 = arith.xori %mul3A_2567, %shift_right_logical3A_2570 : vector<16xi32>
      %mul3A_2572 = arith.constant -2048144777 : i32
      %mul3A_2573 = vector.broadcast %mul3A_2572 : i32 to vector<16xi32>
      %mul3A_2574 = arith.muli %xor3A_2571, %mul3A_2573 : vector<16xi32>
      %shift_right_logical3A_2575 = arith.constant 13 : i32
      %shift_right_logical3A_2576 = vector.broadcast %shift_right_logical3A_2575 : i32 to vector<16xi32>
      %shift_right_logical3A_2577 = arith.shrui %mul3A_2574, %shift_right_logical3A_2576 : vector<16xi32>
      %xor3A_2578 = arith.xori %mul3A_2574, %shift_right_logical3A_2577 : vector<16xi32>
      %convert_element_type3A_2579 = arith.uitofp %xor3A_2578 : vector<16xi32> to vector<16xf32>
      %mul3A_2580 = arith.constant 9.99999997E-7 : f32
      %mul3A_2581 = vector.broadcast %mul3A_2580 : f32 to vector<16xf32>
      %mul3A_2582 = arith.mulf %convert_element_type3A_2579, %mul3A_2581 : vector<16xf32>
      %convert_element_type3A_2583 = arith.fptoui %mul3A_2582 : vector<16xf32> to vector<16xi32>
      %mul3A_2584 = arith.constant 1000000 : i32
      %mul3A_2585 = vector.broadcast %mul3A_2584 : i32 to vector<16xi32>
      %mul3A_2586 = arith.muli %convert_element_type3A_2583, %mul3A_2585 : vector<16xi32>
      %sub3A_2587 = arith.subi %xor3A_2578, %mul3A_2586 : vector<16xi32>
      %lt3A_2588 = arith.constant 0 : i32
      %lt3A_2589 = vector.broadcast %lt3A_2588 : i32 to vector<16xi32>
      %lt3A_2590 = arith.cmpi slt, %sub3A_2587, %lt3A_2589 : vector<16xi32>
      %add3A_2591 = arith.constant 1000000 : i32
      %add3A_2592 = vector.broadcast %add3A_2591 : i32 to vector<16xi32>
      %add3A_2593 = arith.addi %sub3A_2587, %add3A_2592 : vector<16xi32>
      %select_n3A_2594 = arith.select %lt3A_2590, %add3A_2593, %sub3A_2587 : vector<16xi1>, vector<16xi32>
      %lt3A_2595 = arith.constant 0 : i32
      %lt3A_2596 = vector.broadcast %lt3A_2595 : i32 to vector<16xi32>
      %lt3A_2597 = arith.cmpi slt, %select_n3A_2594, %lt3A_2596 : vector<16xi32>
      %add3A_2598 = arith.constant 1000000 : i32
      %add3A_2599 = vector.broadcast %add3A_2598 : i32 to vector<16xi32>
      %add3A_2600 = arith.addi %select_n3A_2594, %add3A_2599 : vector<16xi32>
      %select_n3A_2601 = arith.select %lt3A_2597, %add3A_2600, %select_n3A_2594 : vector<16xi1>, vector<16xi32>
      %ge3A_2602 = arith.constant 1000000 : i32
      %ge3A_2603 = vector.broadcast %ge3A_2602 : i32 to vector<16xi32>
      %ge3A_2604 = arith.cmpi sge, %select_n3A_2601, %ge3A_2603 : vector<16xi32>
      %sub3A_2605 = arith.constant 1000000 : i32
      %sub3A_2606 = vector.broadcast %sub3A_2605 : i32 to vector<16xi32>
      %sub3A_2607 = arith.subi %select_n3A_2601, %sub3A_2606 : vector<16xi32>
      %select_n3A_2608 = arith.select %ge3A_2604, %sub3A_2607, %select_n3A_2601 : vector<16xi1>, vector<16xi32>
      %ge3A_2609 = arith.constant 1000000 : i32
      %ge3A_2610 = vector.broadcast %ge3A_2609 : i32 to vector<16xi32>
      %ge3A_2611 = arith.cmpi sge, %select_n3A_2608, %ge3A_2610 : vector<16xi32>
      %sub3A_2612 = arith.constant 1000000 : i32
      %sub3A_2613 = vector.broadcast %sub3A_2612 : i32 to vector<16xi32>
      %sub3A_2614 = arith.subi %select_n3A_2608, %sub3A_2613 : vector<16xi32>
      %select_n3A_2615 = arith.select %ge3A_2611, %sub3A_2614, %select_n3A_2608 : vector<16xi1>, vector<16xi32>
      %swap3A_2616 = arith.index_cast %scan3A_2503 : i32 to index
      %swap3A_2617 = arith.constant 0 : index
      %swap3A_2618 = tpu.vector_load %arg8[%swap3A_2616, %swap3A_2617] {strides = array<i32>} : memref<26x128xi32, #tpu.memory_space<vmem>>, vector<1x16xi32>,
      %swap3A_2619 = vector.shape_cast %swap3A_2618 : vector<1x16xi32> to vector<16xi32>
      %swap3A_2620 = vector.shape_cast %select_n3A_2615 : vector<16xi32> to vector<1x16xi32>
      tpu.vector_store %arg8[%swap3A_2616, %swap3A_2617], %swap3A_2620 {strides = array<i32>} : memref<26x128xi32, #tpu.memory_space<vmem>>, vector<1x16xi32>,
      %mul3A_2621 = arith.constant 128 : i32
      %mul3A_2622 = arith.muli %scan3A_2503, %mul3A_2621 : i32
      %add3A_2623 = arith.addi %mul3A_2, %mul3A_2622 : i32
      %add3A_2624 = arith.constant 0 : i32
      %add3A_2625 = arith.addi %add3A_2623, %add3A_2624 : i32
      %add3A_2626 = vector.broadcast %add3A_2625 : i32 to vector<16xi32>
      %add3A_2627 = arith.addi %add3A_2626, %iota3A : vector<16xi32>
      %convert_element_type3A_2628 = arith.sitofp %add3A_2627 : vector<16xi32> to vector<16xf32>
      %mul3A_2629 = arith.constant 0.0384615399 : f32
      %mul3A_2630 = vector.broadcast %mul3A_2629 : f32 to vector<16xf32>
      %mul3A_2631 = arith.mulf %convert_element_type3A_2628, %mul3A_2630 : vector<16xf32>
      %add3A_2632 = arith.constant 1.000000e-03 : f32
      %add3A_2633 = vector.broadcast %add3A_2632 : f32 to vector<16xf32>
      %add3A_2634 = arith.addf %mul3A_2631, %add3A_2633 : vector<16xf32>
      %convert_element_type3A_2635 = arith.fptosi %add3A_2634 : vector<16xf32> to vector<16xi32>
      %mul3A_2636 = arith.constant 26 : i32
      %mul3A_2637 = vector.broadcast %mul3A_2636 : i32 to vector<16xi32>
      %mul3A_2638 = arith.muli %convert_element_type3A_2635, %mul3A_2637 : vector<16xi32>
      %sub3A_2639 = arith.subi %add3A_2627, %mul3A_2638 : vector<16xi32>
      %mul3A_2640 = arith.constant 32 : i32
      %mul3A_2641 = vector.broadcast %mul3A_2640 : i32 to vector<16xi32>
      %mul3A_2642 = arith.muli %convert_element_type3A_2635, %mul3A_2641 : vector<16xi32>
      %add3A_2643 = arith.addi %mul3A_2642, %sub3A_2639 : vector<16xi32>
      %mul3A_2644 = arith.constant 4 : i32
      %mul3A_2645 = vector.broadcast %mul3A_2644 : i32 to vector<16xi32>
      %mul3A_2646 = arith.muli %mul3A_2645, %add3A_2643 : vector<16xi32>
      %swap3A_2647 = arith.index_cast %scan3A_2503 : i32 to index
      %swap3A_2648 = arith.constant 0 : index
      %swap3A_2649 = tpu.vector_load %arg9[%swap3A_2647, %swap3A_2648] {strides = array<i32>} : memref<26x128xi32, #tpu.memory_space<vmem>>, vector<1x16xi32>,
      %swap3A_2650 = vector.shape_cast %swap3A_2649 : vector<1x16xi32> to vector<16xi32>
      %swap3A_2651 = vector.shape_cast %mul3A_2646 : vector<16xi32> to vector<1x16xi32>
      tpu.vector_store %arg9[%swap3A_2647, %swap3A_2648], %swap3A_2651 {strides = array<i32>} : memref<26x128xi32, #tpu.memory_space<vmem>>, vector<1x16xi32>,
      %add3A_2652 = arith.constant 1 : i32
      %add3A_2653 = vector.broadcast %add3A_2652 : i32 to vector<16xi32>
      %add3A_2654 = arith.addi %mul3A_2646, %add3A_2653 : vector<16xi32>
      %swap3A_2655 = arith.index_cast %scan3A_2503 : i32 to index
      %swap3A_2656 = arith.constant 0 : index
      %swap3A_2657 = tpu.vector_load %arg10[%swap3A_2655, %swap3A_2656] {strides = array<i32>} : memref<26x128xi32, #tpu.memory_space<vmem>>, vector<1x16xi32>,
      %swap3A_2658 = vector.shape_cast %swap3A_2657 : vector<1x16xi32> to vector<16xi32>
      %swap3A_2659 = vector.shape_cast %add3A_2654 : vector<16xi32> to vector<1x16xi32>
      tpu.vector_store %arg10[%swap3A_2655, %swap3A_2656], %swap3A_2659 {strides = array<i32>} : memref<26x128xi32, #tpu.memory_space<vmem>>, vector<1x16xi32>,
      %mul3A_2660 = arith.constant 128 : i32
      %mul3A_2661 = arith.muli %scan3A_2503, %mul3A_2660 : i32
      %add3A_2662 = arith.constant 16 : i32
      %add3A_2663 = arith.addi %mul3A_2661, %add3A_2662 : i32
      %get3A_2664 = arith.index_cast %add3A_2663 : i32 to index
      %get3A_2665 = tpu.vector_load %arg6[%get3A_2664] {strides = array<i32>} : memref<3328xi32, #tpu.memory_space<vmem>>, vector<16xi32>,
      %get3A_2666 = vector.shape_cast %get3A_2665 : vector<16xi32> to vector<16xi32>
      %xor3A_2667 = arith.constant 42 : i32
      %xor3A_2668 = vector.broadcast %xor3A_2667 : i32 to vector<16xi32>
      %xor3A_2669 = arith.xori %get3A_2666, %xor3A_2668 : vector<16xi32>
      %mul3A_2670 = arith.constant -1640531535 : i32
      %mul3A_2671 = vector.broadcast %mul3A_2670 : i32 to vector<16xi32>
      %mul3A_2672 = arith.muli %xor3A_2669, %mul3A_2671 : vector<16xi32>
      %shift_right_logical3A_2673 = arith.constant 16 : i32
      %shift_right_logical3A_2674 = vector.broadcast %shift_right_logical3A_2673 : i32 to vector<16xi32>
      %shift_right_logical3A_2675 = arith.shrui %mul3A_2672, %shift_right_logical3A_2674 : vector<16xi32>
      %xor3A_2676 = arith.xori %mul3A_2672, %shift_right_logical3A_2675 : vector<16xi32>
      %mul3A_2677 = arith.constant -2048144777 : i32
      %mul3A_2678 = vector.broadcast %mul3A_2677 : i32 to vector<16xi32>
      %mul3A_2679 = arith.muli %xor3A_2676, %mul3A_2678 : vector<16xi32>
      %shift_right_logical3A_2680 = arith.constant 13 : i32
      %shift_right_logical3A_2681 = vector.broadcast %shift_right_logical3A_2680 : i32 to vector<16xi32>
      %shift_right_logical3A_2682 = arith.shrui %mul3A_2679, %shift_right_logical3A_2681 : vector<16xi32>
      %xor3A_2683 = arith.xori %mul3A_2679, %shift_right_logical3A_2682 : vector<16xi32>
      %convert_element_type3A_2684 = arith.uitofp %xor3A_2683 : vector<16xi32> to vector<16xf32>
      %mul3A_2685 = arith.constant 9.99999997E-7 : f32
      %mul3A_2686 = vector.broadcast %mul3A_2685 : f32 to vector<16xf32>
      %mul3A_2687 = arith.mulf %convert_element_type3A_2684, %mul3A_2686 : vector<16xf32>
      %convert_element_type3A_2688 = arith.fptoui %mul3A_2687 : vector<16xf32> to vector<16xi32>
      %mul3A_2689 = arith.constant 1000000 : i32
      %mul3A_2690 = vector.broadcast %mul3A_2689 : i32 to vector<16xi32>
      %mul3A_2691 = arith.muli %convert_element_type3A_2688, %mul3A_2690 : vector<16xi32>
      %sub3A_2692 = arith.subi %xor3A_2683, %mul3A_2691 : vector<16xi32>
      %lt3A_2693 = arith.constant 0 : i32
      %lt3A_2694 = vector.broadcast %lt3A_2693 : i32 to vector<16xi32>
      %lt3A_2695 = arith.cmpi slt, %sub3A_2692, %lt3A_2694 : vector<16xi32>
      %add3A_2696 = arith.constant 1000000 : i32
      %add3A_2697 = vector.broadcast %add3A_2696 : i32 to vector<16xi32>
      %add3A_2698 = arith.addi %sub3A_2692, %add3A_2697 : vector<16xi32>
      %select_n3A_2699 = arith.select %lt3A_2695, %add3A_2698, %sub3A_2692 : vector<16xi1>, vector<16xi32>
      %lt3A_2700 = arith.constant 0 : i32
      %lt3A_2701 = vector.broadcast %lt3A_2700 : i32 to vector<16xi32>
      %lt3A_2702 = arith.cmpi slt, %select_n3A_2699, %lt3A_2701 : vector<16xi32>
      %add3A_2703 = arith.constant 1000000 : i32
      %add3A_2704 = vector.broadcast %add3A_2703 : i32 to vector<16xi32>
      %add3A_2705 = arith.addi %select_n3A_2699, %add3A_2704 : vector<16xi32>
      %select_n3A_2706 = arith.select %lt3A_2702, %add3A_2705, %select_n3A_2699 : vector<16xi1>, vector<16xi32>
      %ge3A_2707 = arith.constant 1000000 : i32
      %ge3A_2708 = vector.broadcast %ge3A_2707 : i32 to vector<16xi32>
      %ge3A_2709 = arith.cmpi sge, %select_n3A_2706, %ge3A_2708 : vector<16xi32>
      %sub3A_2710 = arith.constant 1000000 : i32
      %sub3A_2711 = vector.broadcast %sub3A_2710 : i32 to vector<16xi32>
      %sub3A_2712 = arith.subi %select_n3A_2706, %sub3A_2711 : vector<16xi32>
      %select_n3A_2713 = arith.select %ge3A_2709, %sub3A_2712, %select_n3A_2706 : vector<16xi1>, vector<16xi32>
      %ge3A_2714 = arith.constant 1000000 : i32
      %ge3A_2715 = vector.broadcast %ge3A_2714 : i32 to vector<16xi32>
      %ge3A_2716 = arith.cmpi sge, %select_n3A_2713, %ge3A_2715 : vector<16xi32>
      %sub3A_2717 = arith.constant 1000000 : i32
      %sub3A_2718 = vector.broadcast %sub3A_2717 : i32 to vector<16xi32>
      %sub3A_2719 = arith.subi %select_n3A_2713, %sub3A_2718 : vector<16xi32>
      %select_n3A_2720 = arith.select %ge3A_2716, %sub3A_2719, %select_n3A_2713 : vector<16xi1>, vector<16xi32>
      %swap3A_2721 = arith.index_cast %scan3A_2503 : i32 to index
      %swap3A_2722 = arith.constant 16 : index
      %swap3A_2723 = tpu.vector_load %arg7[%swap3A_2721, %swap3A_2722] {strides = array<i32>} : memref<26x128xi32, #tpu.memory_space<vmem>>, vector<1x16xi32>,
      %swap3A_2724 = vector.shape_cast %swap3A_2723 : vector<1x16xi32> to vector<16xi32>
      %swap3A_2725 = vector.shape_cast %select_n3A_2720 : vector<16xi32> to vector<1x16xi32>
      tpu.vector_store %arg7[%swap3A_2721, %swap3A_2722], %swap3A_2725 {strides = array<i32>} : memref<26x128xi32, #tpu.memory_space<vmem>>, vector<1x16xi32>,
      %xor3A_2726 = arith.constant 43 : i32
      %xor3A_2727 = vector.broadcast %xor3A_2726 : i32 to vector<16xi32>
      %xor3A_2728 = arith.xori %get3A_2666, %xor3A_2727 : vector<16xi32>
      %mul3A_2729 = arith.constant -1640531535 : i32
      %mul3A_2730 = vector.broadcast %mul3A_2729 : i32 to vector<16xi32>
      %mul3A_2731 = arith.muli %xor3A_2728, %mul3A_2730 : vector<16xi32>
      %shift_right_logical3A_2732 = arith.constant 16 : i32
      %shift_right_logical3A_2733 = vector.broadcast %shift_right_logical3A_2732 : i32 to vector<16xi32>
      %shift_right_logical3A_2734 = arith.shrui %mul3A_2731, %shift_right_logical3A_2733 : vector<16xi32>
      %xor3A_2735 = arith.xori %mul3A_2731, %shift_right_logical3A_2734 : vector<16xi32>
      %mul3A_2736 = arith.constant -2048144777 : i32
      %mul3A_2737 = vector.broadcast %mul3A_2736 : i32 to vector<16xi32>
      %mul3A_2738 = arith.muli %xor3A_2735, %mul3A_2737 : vector<16xi32>
      %shift_right_logical3A_2739 = arith.constant 13 : i32
      %shift_right_logical3A_2740 = vector.broadcast %shift_right_logical3A_2739 : i32 to vector<16xi32>
      %shift_right_logical3A_2741 = arith.shrui %mul3A_2738, %shift_right_logical3A_2740 : vector<16xi32>
      %xor3A_2742 = arith.xori %mul3A_2738, %shift_right_logical3A_2741 : vector<16xi32>
      %convert_element_type3A_2743 = arith.uitofp %xor3A_2742 : vector<16xi32> to vector<16xf32>
      %mul3A_2744 = arith.constant 9.99999997E-7 : f32
      %mul3A_2745 = vector.broadcast %mul3A_2744 : f32 to vector<16xf32>
      %mul3A_2746 = arith.mulf %convert_element_type3A_2743, %mul3A_2745 : vector<16xf32>
      %convert_element_type3A_2747 = arith.fptoui %mul3A_2746 : vector<16xf32> to vector<16xi32>
      %mul3A_2748 = arith.constant 1000000 : i32
      %mul3A_2749 = vector.broadcast %mul3A_2748 : i32 to vector<16xi32>
      %mul3A_2750 = arith.muli %convert_element_type3A_2747, %mul3A_2749 : vector<16xi32>
      %sub3A_2751 = arith.subi %xor3A_2742, %mul3A_2750 : vector<16xi32>
      %lt3A_2752 = arith.constant 0 : i32
      %lt3A_2753 = vector.broadcast %lt3A_2752 : i32 to vector<16xi32>
      %lt3A_2754 = arith.cmpi slt, %sub3A_2751, %lt3A_2753 : vector<16xi32>
      %add3A_2755 = arith.constant 1000000 : i32
      %add3A_2756 = vector.broadcast %add3A_2755 : i32 to vector<16xi32>
      %add3A_2757 = arith.addi %sub3A_2751, %add3A_2756 : vector<16xi32>
      %select_n3A_2758 = arith.select %lt3A_2754, %add3A_2757, %sub3A_2751 : vector<16xi1>, vector<16xi32>
      %lt3A_2759 = arith.constant 0 : i32
      %lt3A_2760 = vector.broadcast %lt3A_2759 : i32 to vector<16xi32>
      %lt3A_2761 = arith.cmpi slt, %select_n3A_2758, %lt3A_2760 : vector<16xi32>
      %add3A_2762 = arith.constant 1000000 : i32
      %add3A_2763 = vector.broadcast %add3A_2762 : i32 to vector<16xi32>
      %add3A_2764 = arith.addi %select_n3A_2758, %add3A_2763 : vector<16xi32>
      %select_n3A_2765 = arith.select %lt3A_2761, %add3A_2764, %select_n3A_2758 : vector<16xi1>, vector<16xi32>
      %ge3A_2766 = arith.constant 1000000 : i32
      %ge3A_2767 = vector.broadcast %ge3A_2766 : i32 to vector<16xi32>
      %ge3A_2768 = arith.cmpi sge, %select_n3A_2765, %ge3A_2767 : vector<16xi32>
      %sub3A_2769 = arith.constant 1000000 : i32
      %sub3A_2770 = vector.broadcast %sub3A_2769 : i32 to vector<16xi32>
      %sub3A_2771 = arith.subi %select_n3A_2765, %sub3A_2770 : vector<16xi32>
      %select_n3A_2772 = arith.select %ge3A_2768, %sub3A_2771, %select_n3A_2765 : vector<16xi1>, vector<16xi32>
      %ge3A_2773 = arith.constant 1000000 : i32
      %ge3A_2774 = vector.broadcast %ge3A_2773 : i32 to vector<16xi32>
      %ge3A_2775 = arith.cmpi sge, %select_n3A_2772, %ge3A_2774 : vector<16xi32>
      %sub3A_2776 = arith.constant 1000000 : i32
      %sub3A_2777 = vector.broadcast %sub3A_2776 : i32 to vector<16xi32>
      %sub3A_2778 = arith.subi %select_n3A_2772, %sub3A_2777 : vector<16xi32>
      %select_n3A_2779 = arith.select %ge3A_2775, %sub3A_2778, %select_n3A_2772 : vector<16xi1>, vector<16xi32>
      %swap3A_2780 = arith.index_cast %scan3A_2503 : i32 to index
      %swap3A_2781 = arith.constant 16 : index
      %swap3A_2782 = tpu.vector_load %arg8[%swap3A_2780, %swap3A_2781] {strides = array<i32>} : memref<26x128xi32, #tpu.memory_space<vmem>>, vector<1x16xi32>,
      %swap3A_2783 = vector.shape_cast %swap3A_2782 : vector<1x16xi32> to vector<16xi32>
      %swap3A_2784 = vector.shape_cast %select_n3A_2779 : vector<16xi32> to vector<1x16xi32>
      tpu.vector_store %arg8[%swap3A_2780, %swap3A_2781], %swap3A_2784 {strides = array<i32>} : memref<26x128xi32, #tpu.memory_space<vmem>>, vector<1x16xi32>,
      %mul3A_2785 = arith.constant 128 : i32
      %mul3A_2786 = arith.muli %scan3A_2503, %mul3A_2785 : i32
      %add3A_2787 = arith.addi %mul3A_2, %mul3A_2786 : i32
      %add3A_2788 = arith.constant 16 : i32
      %add3A_2789 = arith.addi %add3A_2787, %add3A_2788 : i32
      %add3A_2790 = vector.broadcast %add3A_2789 : i32 to vector<16xi32>
      %add3A_2791 = arith.addi %add3A_2790, %iota3A : vector<16xi32>
      %convert_element_type3A_2792 = arith.sitofp %add3A_2791 : vector<16xi32> to vector<16xf32>
      %mul3A_2793 = arith.constant 0.0384615399 : f32
      %mul3A_2794 = vector.broadcast %mul3A_2793 : f32 to vector<16xf32>
      %mul3A_2795 = arith.mulf %convert_element_type3A_2792, %mul3A_2794 : vector<16xf32>
      %add3A_2796 = arith.constant 1.000000e-03 : f32
      %add3A_2797 = vector.broadcast %add3A_2796 : f32 to vector<16xf32>
      %add3A_2798 = arith.addf %mul3A_2795, %add3A_2797 : vector<16xf32>
      %convert_element_type3A_2799 = arith.fptosi %add3A_2798 : vector<16xf32> to vector<16xi32>
      %mul3A_2800 = arith.constant 26 : i32
      %mul3A_2801 = vector.broadcast %mul3A_2800 : i32 to vector<16xi32>
      %mul3A_2802 = arith.muli %convert_element_type3A_2799, %mul3A_2801 : vector<16xi32>
      %sub3A_2803 = arith.subi %add3A_2791, %mul3A_2802 : vector<16xi32>
      %mul3A_2804 = arith.constant 32 : i32
      %mul3A_2805 = vector.broadcast %mul3A_2804 : i32 to vector<16xi32>
      %mul3A_2806 = arith.muli %convert_element_type3A_2799, %mul3A_2805 : vector<16xi32>
      %add3A_2807 = arith.addi %mul3A_2806, %sub3A_2803 : vector<16xi32>
      %mul3A_2808 = arith.constant 4 : i32
      %mul3A_2809 = vector.broadcast %mul3A_2808 : i32 to vector<16xi32>
      %mul3A_2810 = arith.muli %mul3A_2809, %add3A_2807 : vector<16xi32>
      %swap3A_2811 = arith.index_cast %scan3A_2503 : i32 to index
      %swap3A_2812 = arith.constant 16 : index
      %swap3A_2813 = tpu.vector_load %arg9[%swap3A_2811, %swap3A_2812] {strides = array<i32>} : memref<26x128xi32, #tpu.memory_space<vmem>>, vector<1x16xi32>,
      %swap3A_2814 = vector.shape_cast %swap3A_2813 : vector<1x16xi32> to vector<16xi32>
      %swap3A_2815 = vector.shape_cast %mul3A_2810 : vector<16xi32> to vector<1x16xi32>
      tpu.vector_store %arg9[%swap3A_2811, %swap3A_2812], %swap3A_2815 {strides = array<i32>} : memref<26x128xi32, #tpu.memory_space<vmem>>, vector<1x16xi32>,
      %add3A_2816 = arith.constant 1 : i32
      %add3A_2817 = vector.broadcast %add3A_2816 : i32 to vector<16xi32>
      %add3A_2818 = arith.addi %mul3A_2810, %add3A_2817 : vector<16xi32>
      %swap3A_2819 = arith.index_cast %scan3A_2503 : i32 to index
      %swap3A_2820 = arith.constant 16 : index
      %swap3A_2821 = tpu.vector_load %arg10[%swap3A_2819, %swap3A_2820] {strides = array<i32>} : memref<26x128xi32, #tpu.memory_space<vmem>>, vector<1x16xi32>,
      %swap3A_2822 = vector.shape_cast %swap3A_2821 : vector<1x16xi32> to vector<16xi32>
      %swap3A_2823 = vector.shape_cast %add3A_2818 : vector<16xi32> to vector<1x16xi32>
      tpu.vector_store %arg10[%swap3A_2819, %swap3A_2820], %swap3A_2823 {strides = array<i32>} : memref<26x128xi32, #tpu.memory_space<vmem>>, vector<1x16xi32>,
      %mul3A_2824 = arith.constant 128 : i32
      %mul3A_2825 = arith.muli %scan3A_2503, %mul3A_2824 : i32
      %add3A_2826 = arith.constant 32 : i32
      %add3A_2827 = arith.addi %mul3A_2825, %add3A_2826 : i32
      %get3A_2828 = arith.index_cast %add3A_2827 : i32 to index
      %get3A_2829 = tpu.vector_load %arg6[%get3A_2828] {strides = array<i32>} : memref<3328xi32, #tpu.memory_space<vmem>>, vector<16xi32>,
      %get3A_2830 = vector.shape_cast %get3A_2829 : vector<16xi32> to vector<16xi32>
      %xor3A_2831 = arith.constant 42 : i32
      %xor3A_2832 = vector.broadcast %xor3A_2831 : i32 to vector<16xi32>
      %xor3A_2833 = arith.xori %get3A_2830, %xor3A_2832 : vector<16xi32>
      %mul3A_2834 = arith.constant -1640531535 : i32
      %mul3A_2835 = vector.broadcast %mul3A_2834 : i32 to vector<16xi32>
      %mul3A_2836 = arith.muli %xor3A_2833, %mul3A_2835 : vector<16xi32>
      %shift_right_logical3A_2837 = arith.constant 16 : i32
      %shift_right_logical3A_2838 = vector.broadcast %shift_right_logical3A_2837 : i32 to vector<16xi32>
      %shift_right_logical3A_2839 = arith.shrui %mul3A_2836, %shift_right_logical3A_2838 : vector<16xi32>
      %xor3A_2840 = arith.xori %mul3A_2836, %shift_right_logical3A_2839 : vector<16xi32>
      %mul3A_2841 = arith.constant -2048144777 : i32
      %mul3A_2842 = vector.broadcast %mul3A_2841 : i32 to vector<16xi32>
      %mul3A_2843 = arith.muli %xor3A_2840, %mul3A_2842 : vector<16xi32>
      %shift_right_logical3A_2844 = arith.constant 13 : i32
      %shift_right_logical3A_2845 = vector.broadcast %shift_right_logical3A_2844 : i32 to vector<16xi32>
      %shift_right_logical3A_2846 = arith.shrui %mul3A_2843, %shift_right_logical3A_2845 : vector<16xi32>
      %xor3A_2847 = arith.xori %mul3A_2843, %shift_right_logical3A_2846 : vector<16xi32>
      %convert_element_type3A_2848 = arith.uitofp %xor3A_2847 : vector<16xi32> to vector<16xf32>
      %mul3A_2849 = arith.constant 9.99999997E-7 : f32
      %mul3A_2850 = vector.broadcast %mul3A_2849 : f32 to vector<16xf32>
      %mul3A_2851 = arith.mulf %convert_element_type3A_2848, %mul3A_2850 : vector<16xf32>
      %convert_element_type3A_2852 = arith.fptoui %mul3A_2851 : vector<16xf32> to vector<16xi32>
      %mul3A_2853 = arith.constant 1000000 : i32
      %mul3A_2854 = vector.broadcast %mul3A_2853 : i32 to vector<16xi32>
      %mul3A_2855 = arith.muli %convert_element_type3A_2852, %mul3A_2854 : vector<16xi32>
      %sub3A_2856 = arith.subi %xor3A_2847, %mul3A_2855 : vector<16xi32>
      %lt3A_2857 = arith.constant 0 : i32
      %lt3A_2858 = vector.broadcast %lt3A_2857 : i32 to vector<16xi32>
      %lt3A_2859 = arith.cmpi slt, %sub3A_2856, %lt3A_2858 : vector<16xi32>
      %add3A_2860 = arith.constant 1000000 : i32
      %add3A_2861 = vector.broadcast %add3A_2860 : i32 to vector<16xi32>
      %add3A_2862 = arith.addi %sub3A_2856, %add3A_2861 : vector<16xi32>
      %select_n3A_2863 = arith.select %lt3A_2859, %add3A_2862, %sub3A_2856 : vector<16xi1>, vector<16xi32>
      %lt3A_2864 = arith.constant 0 : i32
      %lt3A_2865 = vector.broadcast %lt3A_2864 : i32 to vector<16xi32>
      %lt3A_2866 = arith.cmpi slt, %select_n3A_2863, %lt3A_2865 : vector<16xi32>
      %add3A_2867 = arith.constant 1000000 : i32
      %add3A_2868 = vector.broadcast %add3A_2867 : i32 to vector<16xi32>
      %add3A_2869 = arith.addi %select_n3A_2863, %add3A_2868 : vector<16xi32>
      %select_n3A_2870 = arith.select %lt3A_2866, %add3A_2869, %select_n3A_2863 : vector<16xi1>, vector<16xi32>
      %ge3A_2871 = arith.constant 1000000 : i32
      %ge3A_2872 = vector.broadcast %ge3A_2871 : i32 to vector<16xi32>
      %ge3A_2873 = arith.cmpi sge, %select_n3A_2870, %ge3A_2872 : vector<16xi32>
      %sub3A_2874 = arith.constant 1000000 : i32
      %sub3A_2875 = vector.broadcast %sub3A_2874 : i32 to vector<16xi32>
      %sub3A_2876 = arith.subi %select_n3A_2870, %sub3A_2875 : vector<16xi32>
      %select_n3A_2877 = arith.select %ge3A_2873, %sub3A_2876, %select_n3A_2870 : vector<16xi1>, vector<16xi32>
      %ge3A_2878 = arith.constant 1000000 : i32
      %ge3A_2879 = vector.broadcast %ge3A_2878 : i32 to vector<16xi32>
      %ge3A_2880 = arith.cmpi sge, %select_n3A_2877, %ge3A_2879 : vector<16xi32>
      %sub3A_2881 = arith.constant 1000000 : i32
      %sub3A_2882 = vector.broadcast %sub3A_2881 : i32 to vector<16xi32>
      %sub3A_2883 = arith.subi %select_n3A_2877, %sub3A_2882 : vector<16xi32>
      %select_n3A_2884 = arith.select %ge3A_2880, %sub3A_2883, %select_n3A_2877 : vector<16xi1>, vector<16xi32>
      %swap3A_2885 = arith.index_cast %scan3A_2503 : i32 to index
      %swap3A_2886 = arith.constant 32 : index
      %swap3A_2887 = tpu.vector_load %arg7[%swap3A_2885, %swap3A_2886] {strides = array<i32>} : memref<26x128xi32, #tpu.memory_space<vmem>>, vector<1x16xi32>,
      %swap3A_2888 = vector.shape_cast %swap3A_2887 : vector<1x16xi32> to vector<16xi32>
      %swap3A_2889 = vector.shape_cast %select_n3A_2884 : vector<16xi32> to vector<1x16xi32>
      tpu.vector_store %arg7[%swap3A_2885, %swap3A_2886], %swap3A_2889 {strides = array<i32>} : memref<26x128xi32, #tpu.memory_space<vmem>>, vector<1x16xi32>,
      %xor3A_2890 = arith.constant 43 : i32
      %xor3A_2891 = vector.broadcast %xor3A_2890 : i32 to vector<16xi32>
      %xor3A_2892 = arith.xori %get3A_2830, %xor3A_2891 : vector<16xi32>
      %mul3A_2893 = arith.constant -1640531535 : i32
      %mul3A_2894 = vector.broadcast %mul3A_2893 : i32 to vector<16xi32>
      %mul3A_2895 = arith.muli %xor3A_2892, %mul3A_2894 : vector<16xi32>
      %shift_right_logical3A_2896 = arith.constant 16 : i32
      %shift_right_logical3A_2897 = vector.broadcast %shift_right_logical3A_2896 : i32 to vector<16xi32>
      %shift_right_logical3A_2898 = arith.shrui %mul3A_2895, %shift_right_logical3A_2897 : vector<16xi32>
      %xor3A_2899 = arith.xori %mul3A_2895, %shift_right_logical3A_2898 : vector<16xi32>
      %mul3A_2900 = arith.constant -2048144777 : i32
      %mul3A_2901 = vector.broadcast %mul3A_2900 : i32 to vector<16xi32>
      %mul3A_2902 = arith.muli %xor3A_2899, %mul3A_2901 : vector<16xi32>
      %shift_right_logical3A_2903 = arith.constant 13 : i32
      %shift_right_logical3A_2904 = vector.broadcast %shift_right_logical3A_2903 : i32 to vector<16xi32>
      %shift_right_logical3A_2905 = arith.shrui %mul3A_2902, %shift_right_logical3A_2904 : vector<16xi32>
      %xor3A_2906 = arith.xori %mul3A_2902, %shift_right_logical3A_2905 : vector<16xi32>
      %convert_element_type3A_2907 = arith.uitofp %xor3A_2906 : vector<16xi32> to vector<16xf32>
      %mul3A_2908 = arith.constant 9.99999997E-7 : f32
      %mul3A_2909 = vector.broadcast %mul3A_2908 : f32 to vector<16xf32>
      %mul3A_2910 = arith.mulf %convert_element_type3A_2907, %mul3A_2909 : vector<16xf32>
      %convert_element_type3A_2911 = arith.fptoui %mul3A_2910 : vector<16xf32> to vector<16xi32>
      %mul3A_2912 = arith.constant 1000000 : i32
      %mul3A_2913 = vector.broadcast %mul3A_2912 : i32 to vector<16xi32>
      %mul3A_2914 = arith.muli %convert_element_type3A_2911, %mul3A_2913 : vector<16xi32>
      %sub3A_2915 = arith.subi %xor3A_2906, %mul3A_2914 : vector<16xi32>
      %lt3A_2916 = arith.constant 0 : i32
      %lt3A_2917 = vector.broadcast %lt3A_2916 : i32 to vector<16xi32>
      %lt3A_2918 = arith.cmpi slt, %sub3A_2915, %lt3A_2917 : vector<16xi32>
      %add3A_2919 = arith.constant 1000000 : i32
      %add3A_2920 = vector.broadcast %add3A_2919 : i32 to vector<16xi32>
      %add3A_2921 = arith.addi %sub3A_2915, %add3A_2920 : vector<16xi32>
      %select_n3A_2922 = arith.select %lt3A_2918, %add3A_2921, %sub3A_2915 : vector<16xi1>, vector<16xi32>
      %lt3A_2923 = arith.constant 0 : i32
      %lt3A_2924 = vector.broadcast %lt3A_2923 : i32 to vector<16xi32>
      %lt3A_2925 = arith.cmpi slt, %select_n3A_2922, %lt3A_2924 : vector<16xi32>
      %add3A_2926 = arith.constant 1000000 : i32
      %add3A_2927 = vector.broadcast %add3A_2926 : i32 to vector<16xi32>
      %add3A_2928 = arith.addi %select_n3A_2922, %add3A_2927 : vector<16xi32>
      %select_n3A_2929 = arith.select %lt3A_2925, %add3A_2928, %select_n3A_2922 : vector<16xi1>, vector<16xi32>
      %ge3A_2930 = arith.constant 1000000 : i32
      %ge3A_2931 = vector.broadcast %ge3A_2930 : i32 to vector<16xi32>
      %ge3A_2932 = arith.cmpi sge, %select_n3A_2929, %ge3A_2931 : vector<16xi32>
      %sub3A_2933 = arith.constant 1000000 : i32
      %sub3A_2934 = vector.broadcast %sub3A_2933 : i32 to vector<16xi32>
      %sub3A_2935 = arith.subi %select_n3A_2929, %sub3A_2934 : vector<16xi32>
      %select_n3A_2936 = arith.select %ge3A_2932, %sub3A_2935, %select_n3A_2929 : vector<16xi1>, vector<16xi32>
      %ge3A_2937 = arith.constant 1000000 : i32
      %ge3A_2938 = vector.broadcast %ge3A_2937 : i32 to vector<16xi32>
      %ge3A_2939 = arith.cmpi sge, %select_n3A_2936, %ge3A_2938 : vector<16xi32>
      %sub3A_2940 = arith.constant 1000000 : i32
      %sub3A_2941 = vector.broadcast %sub3A_2940 : i32 to vector<16xi32>
      %sub3A_2942 = arith.subi %select_n3A_2936, %sub3A_2941 : vector<16xi32>
      %select_n3A_2943 = arith.select %ge3A_2939, %sub3A_2942, %select_n3A_2936 : vector<16xi1>, vector<16xi32>
      %swap3A_2944 = arith.index_cast %scan3A_2503 : i32 to index
      %swap3A_2945 = arith.constant 32 : index
      %swap3A_2946 = tpu.vector_load %arg8[%swap3A_2944, %swap3A_2945] {strides = array<i32>} : memref<26x128xi32, #tpu.memory_space<vmem>>, vector<1x16xi32>,
      %swap3A_2947 = vector.shape_cast %swap3A_2946 : vector<1x16xi32> to vector<16xi32>
      %swap3A_2948 = vector.shape_cast %select_n3A_2943 : vector<16xi32> to vector<1x16xi32>
      tpu.vector_store %arg8[%swap3A_2944, %swap3A_2945], %swap3A_2948 {strides = array<i32>} : memref<26x128xi32, #tpu.memory_space<vmem>>, vector<1x16xi32>,
      %mul3A_2949 = arith.constant 128 : i32
      %mul3A_2950 = arith.muli %scan3A_2503, %mul3A_2949 : i32
      %add3A_2951 = arith.addi %mul3A_2, %mul3A_2950 : i32
      %add3A_2952 = arith.constant 32 : i32
      %add3A_2953 = arith.addi %add3A_2951, %add3A_2952 : i32
      %add3A_2954 = vector.broadcast %add3A_2953 : i32 to vector<16xi32>
      %add3A_2955 = arith.addi %add3A_2954, %iota3A : vector<16xi32>
      %convert_element_type3A_2956 = arith.sitofp %add3A_2955 : vector<16xi32> to vector<16xf32>
      %mul3A_2957 = arith.constant 0.0384615399 : f32
      %mul3A_2958 = vector.broadcast %mul3A_2957 : f32 to vector<16xf32>
      %mul3A_2959 = arith.mulf %convert_element_type3A_2956, %mul3A_2958 : vector<16xf32>
      %add3A_2960 = arith.constant 1.000000e-03 : f32
      %add3A_2961 = vector.broadcast %add3A_2960 : f32 to vector<16xf32>
      %add3A_2962 = arith.addf %mul3A_2959, %add3A_2961 : vector<16xf32>
      %convert_element_type3A_2963 = arith.fptosi %add3A_2962 : vector<16xf32> to vector<16xi32>
      %mul3A_2964 = arith.constant 26 : i32
      %mul3A_2965 = vector.broadcast %mul3A_2964 : i32 to vector<16xi32>
      %mul3A_2966 = arith.muli %convert_element_type3A_2963, %mul3A_2965 : vector<16xi32>
      %sub3A_2967 = arith.subi %add3A_2955, %mul3A_2966 : vector<16xi32>
      %mul3A_2968 = arith.constant 32 : i32
      %mul3A_2969 = vector.broadcast %mul3A_2968 : i32 to vector<16xi32>
      %mul3A_2970 = arith.muli %convert_element_type3A_2963, %mul3A_2969 : vector<16xi32>
      %add3A_2971 = arith.addi %mul3A_2970, %sub3A_2967 : vector<16xi32>
      %mul3A_2972 = arith.constant 4 : i32
      %mul3A_2973 = vector.broadcast %mul3A_2972 : i32 to vector<16xi32>
      %mul3A_2974 = arith.muli %mul3A_2973, %add3A_2971 : vector<16xi32>
      %swap3A_2975 = arith.index_cast %scan3A_2503 : i32 to index
      %swap3A_2976 = arith.constant 32 : index
      %swap3A_2977 = tpu.vector_load %arg9[%swap3A_2975, %swap3A_2976] {strides = array<i32>} : memref<26x128xi32, #tpu.memory_space<vmem>>, vector<1x16xi32>,
      %swap3A_2978 = vector.shape_cast %swap3A_2977 : vector<1x16xi32> to vector<16xi32>
      %swap3A_2979 = vector.shape_cast %mul3A_2974 : vector<16xi32> to vector<1x16xi32>
      tpu.vector_store %arg9[%swap3A_2975, %swap3A_2976], %swap3A_2979 {strides = array<i32>} : memref<26x128xi32, #tpu.memory_space<vmem>>, vector<1x16xi32>,
      %add3A_2980 = arith.constant 1 : i32
      %add3A_2981 = vector.broadcast %add3A_2980 : i32 to vector<16xi32>
      %add3A_2982 = arith.addi %mul3A_2974, %add3A_2981 : vector<16xi32>
      %swap3A_2983 = arith.index_cast %scan3A_2503 : i32 to index
      %swap3A_2984 = arith.constant 32 : index
      %swap3A_2985 = tpu.vector_load %arg10[%swap3A_2983, %swap3A_2984] {strides = array<i32>} : memref<26x128xi32, #tpu.memory_space<vmem>>, vector<1x16xi32>,
      %swap3A_2986 = vector.shape_cast %swap3A_2985 : vector<1x16xi32> to vector<16xi32>
      %swap3A_2987 = vector.shape_cast %add3A_2982 : vector<16xi32> to vector<1x16xi32>
      tpu.vector_store %arg10[%swap3A_2983, %swap3A_2984], %swap3A_2987 {strides = array<i32>} : memref<26x128xi32, #tpu.memory_space<vmem>>, vector<1x16xi32>,
      %mul3A_2988 = arith.constant 128 : i32
      %mul3A_2989 = arith.muli %scan3A_2503, %mul3A_2988 : i32
      %add3A_2990 = arith.constant 48 : i32
      %add3A_2991 = arith.addi %mul3A_2989, %add3A_2990 : i32
      %get3A_2992 = arith.index_cast %add3A_2991 : i32 to index
      %get3A_2993 = tpu.vector_load %arg6[%get3A_2992] {strides = array<i32>} : memref<3328xi32, #tpu.memory_space<vmem>>, vector<16xi32>,
      %get3A_2994 = vector.shape_cast %get3A_2993 : vector<16xi32> to vector<16xi32>
      %xor3A_2995 = arith.constant 42 : i32
      %xor3A_2996 = vector.broadcast %xor3A_2995 : i32 to vector<16xi32>
      %xor3A_2997 = arith.xori %get3A_2994, %xor3A_2996 : vector<16xi32>
      %mul3A_2998 = arith.constant -1640531535 : i32
      %mul3A_2999 = vector.broadcast %mul3A_2998 : i32 to vector<16xi32>
      %mul3A_3000 = arith.muli %xor3A_2997, %mul3A_2999 : vector<16xi32>
      %shift_right_logical3A_3001 = arith.constant 16 : i32
      %shift_right_logical3A_3002 = vector.broadcast %shift_right_logical3A_3001 : i32 to vector<16xi32>
      %shift_right_logical3A_3003 = arith.shrui %mul3A_3000, %shift_right_logical3A_3002 : vector<16xi32>
      %xor3A_3004 = arith.xori %mul3A_3000, %shift_right_logical3A_3003 : vector<16xi32>
      %mul3A_3005 = arith.constant -2048144777 : i32
      %mul3A_3006 = vector.broadcast %mul3A_3005 : i32 to vector<16xi32>
      %mul3A_3007 = arith.muli %xor3A_3004, %mul3A_3006 : vector<16xi32>
      %shift_right_logical3A_3008 = arith.constant 13 : i32
      %shift_right_logical3A_3009 = vector.broadcast %shift_right_logical3A_3008 : i32 to vector<16xi32>
      %shift_right_logical3A_3010 = arith.shrui %mul3A_3007, %shift_right_logical3A_3009 : vector<16xi32>
      %xor3A_3011 = arith.xori %mul3A_3007, %shift_right_logical3A_3010 : vector<16xi32>
      %convert_element_type3A_3012 = arith.uitofp %xor3A_3011 : vector<16xi32> to vector<16xf32>
      %mul3A_3013 = arith.constant 9.99999997E-7 : f32
      %mul3A_3014 = vector.broadcast %mul3A_3013 : f32 to vector<16xf32>
      %mul3A_3015 = arith.mulf %convert_element_type3A_3012, %mul3A_3014 : vector<16xf32>
      %convert_element_type3A_3016 = arith.fptoui %mul3A_3015 : vector<16xf32> to vector<16xi32>
      %mul3A_3017 = arith.constant 1000000 : i32
      %mul3A_3018 = vector.broadcast %mul3A_3017 : i32 to vector<16xi32>
      %mul3A_3019 = arith.muli %convert_element_type3A_3016, %mul3A_3018 : vector<16xi32>
      %sub3A_3020 = arith.subi %xor3A_3011, %mul3A_3019 : vector<16xi32>
      %lt3A_3021 = arith.constant 0 : i32
      %lt3A_3022 = vector.broadcast %lt3A_3021 : i32 to vector<16xi32>
      %lt3A_3023 = arith.cmpi slt, %sub3A_3020, %lt3A_3022 : vector<16xi32>
      %add3A_3024 = arith.constant 1000000 : i32
      %add3A_3025 = vector.broadcast %add3A_3024 : i32 to vector<16xi32>
      %add3A_3026 = arith.addi %sub3A_3020, %add3A_3025 : vector<16xi32>
      %select_n3A_3027 = arith.select %lt3A_3023, %add3A_3026, %sub3A_3020 : vector<16xi1>, vector<16xi32>
      %lt3A_3028 = arith.constant 0 : i32
      %lt3A_3029 = vector.broadcast %lt3A_3028 : i32 to vector<16xi32>
      %lt3A_3030 = arith.cmpi slt, %select_n3A_3027, %lt3A_3029 : vector<16xi32>
      %add3A_3031 = arith.constant 1000000 : i32
      %add3A_3032 = vector.broadcast %add3A_3031 : i32 to vector<16xi32>
      %add3A_3033 = arith.addi %select_n3A_3027, %add3A_3032 : vector<16xi32>
      %select_n3A_3034 = arith.select %lt3A_3030, %add3A_3033, %select_n3A_3027 : vector<16xi1>, vector<16xi32>
      %ge3A_3035 = arith.constant 1000000 : i32
      %ge3A_3036 = vector.broadcast %ge3A_3035 : i32 to vector<16xi32>
      %ge3A_3037 = arith.cmpi sge, %select_n3A_3034, %ge3A_3036 : vector<16xi32>
      %sub3A_3038 = arith.constant 1000000 : i32
      %sub3A_3039 = vector.broadcast %sub3A_3038 : i32 to vector<16xi32>
      %sub3A_3040 = arith.subi %select_n3A_3034, %sub3A_3039 : vector<16xi32>
      %select_n3A_3041 = arith.select %ge3A_3037, %sub3A_3040, %select_n3A_3034 : vector<16xi1>, vector<16xi32>
      %ge3A_3042 = arith.constant 1000000 : i32
      %ge3A_3043 = vector.broadcast %ge3A_3042 : i32 to vector<16xi32>
      %ge3A_3044 = arith.cmpi sge, %select_n3A_3041, %ge3A_3043 : vector<16xi32>
      %sub3A_3045 = arith.constant 1000000 : i32
      %sub3A_3046 = vector.broadcast %sub3A_3045 : i32 to vector<16xi32>
      %sub3A_3047 = arith.subi %select_n3A_3041, %sub3A_3046 : vector<16xi32>
      %select_n3A_3048 = arith.select %ge3A_3044, %sub3A_3047, %select_n3A_3041 : vector<16xi1>, vector<16xi32>
      %swap3A_3049 = arith.index_cast %scan3A_2503 : i32 to index
      %swap3A_3050 = arith.constant 48 : index
      %swap3A_3051 = tpu.vector_load %arg7[%swap3A_3049, %swap3A_3050] {strides = array<i32>} : memref<26x128xi32, #tpu.memory_space<vmem>>, vector<1x16xi32>,
      %swap3A_3052 = vector.shape_cast %swap3A_3051 : vector<1x16xi32> to vector<16xi32>
      %swap3A_3053 = vector.shape_cast %select_n3A_3048 : vector<16xi32> to vector<1x16xi32>
      tpu.vector_store %arg7[%swap3A_3049, %swap3A_3050], %swap3A_3053 {strides = array<i32>} : memref<26x128xi32, #tpu.memory_space<vmem>>, vector<1x16xi32>,
      %xor3A_3054 = arith.constant 43 : i32
      %xor3A_3055 = vector.broadcast %xor3A_3054 : i32 to vector<16xi32>
      %xor3A_3056 = arith.xori %get3A_2994, %xor3A_3055 : vector<16xi32>
      %mul3A_3057 = arith.constant -1640531535 : i32
      %mul3A_3058 = vector.broadcast %mul3A_3057 : i32 to vector<16xi32>
      %mul3A_3059 = arith.muli %xor3A_3056, %mul3A_3058 : vector<16xi32>
      %shift_right_logical3A_3060 = arith.constant 16 : i32
      %shift_right_logical3A_3061 = vector.broadcast %shift_right_logical3A_3060 : i32 to vector<16xi32>
      %shift_right_logical3A_3062 = arith.shrui %mul3A_3059, %shift_right_logical3A_3061 : vector<16xi32>
      %xor3A_3063 = arith.xori %mul3A_3059, %shift_right_logical3A_3062 : vector<16xi32>
      %mul3A_3064 = arith.constant -2048144777 : i32
      %mul3A_3065 = vector.broadcast %mul3A_3064 : i32 to vector<16xi32>
      %mul3A_3066 = arith.muli %xor3A_3063, %mul3A_3065 : vector<16xi32>
      %shift_right_logical3A_3067 = arith.constant 13 : i32
      %shift_right_logical3A_3068 = vector.broadcast %shift_right_logical3A_3067 : i32 to vector<16xi32>
      %shift_right_logical3A_3069 = arith.shrui %mul3A_3066, %shift_right_logical3A_3068 : vector<16xi32>
      %xor3A_3070 = arith.xori %mul3A_3066, %shift_right_logical3A_3069 : vector<16xi32>
      %convert_element_type3A_3071 = arith.uitofp %xor3A_3070 : vector<16xi32> to vector<16xf32>
      %mul3A_3072 = arith.constant 9.99999997E-7 : f32
      %mul3A_3073 = vector.broadcast %mul3A_3072 : f32 to vector<16xf32>
      %mul3A_3074 = arith.mulf %convert_element_type3A_3071, %mul3A_3073 : vector<16xf32>
      %convert_element_type3A_3075 = arith.fptoui %mul3A_3074 : vector<16xf32> to vector<16xi32>
      %mul3A_3076 = arith.constant 1000000 : i32
      %mul3A_3077 = vector.broadcast %mul3A_3076 : i32 to vector<16xi32>
      %mul3A_3078 = arith.muli %convert_element_type3A_3075, %mul3A_3077 : vector<16xi32>
      %sub3A_3079 = arith.subi %xor3A_3070, %mul3A_3078 : vector<16xi32>
      %lt3A_3080 = arith.constant 0 : i32
      %lt3A_3081 = vector.broadcast %lt3A_3080 : i32 to vector<16xi32>
      %lt3A_3082 = arith.cmpi slt, %sub3A_3079, %lt3A_3081 : vector<16xi32>
      %add3A_3083 = arith.constant 1000000 : i32
      %add3A_3084 = vector.broadcast %add3A_3083 : i32 to vector<16xi32>
      %add3A_3085 = arith.addi %sub3A_3079, %add3A_3084 : vector<16xi32>
      %select_n3A_3086 = arith.select %lt3A_3082, %add3A_3085, %sub3A_3079 : vector<16xi1>, vector<16xi32>
      %lt3A_3087 = arith.constant 0 : i32
      %lt3A_3088 = vector.broadcast %lt3A_3087 : i32 to vector<16xi32>
      %lt3A_3089 = arith.cmpi slt, %select_n3A_3086, %lt3A_3088 : vector<16xi32>
      %add3A_3090 = arith.constant 1000000 : i32
      %add3A_3091 = vector.broadcast %add3A_3090 : i32 to vector<16xi32>
      %add3A_3092 = arith.addi %select_n3A_3086, %add3A_3091 : vector<16xi32>
      %select_n3A_3093 = arith.select %lt3A_3089, %add3A_3092, %select_n3A_3086 : vector<16xi1>, vector<16xi32>
      %ge3A_3094 = arith.constant 1000000 : i32
      %ge3A_3095 = vector.broadcast %ge3A_3094 : i32 to vector<16xi32>
      %ge3A_3096 = arith.cmpi sge, %select_n3A_3093, %ge3A_3095 : vector<16xi32>
      %sub3A_3097 = arith.constant 1000000 : i32
      %sub3A_3098 = vector.broadcast %sub3A_3097 : i32 to vector<16xi32>
      %sub3A_3099 = arith.subi %select_n3A_3093, %sub3A_3098 : vector<16xi32>
      %select_n3A_3100 = arith.select %ge3A_3096, %sub3A_3099, %select_n3A_3093 : vector<16xi1>, vector<16xi32>
      %ge3A_3101 = arith.constant 1000000 : i32
      %ge3A_3102 = vector.broadcast %ge3A_3101 : i32 to vector<16xi32>
      %ge3A_3103 = arith.cmpi sge, %select_n3A_3100, %ge3A_3102 : vector<16xi32>
      %sub3A_3104 = arith.constant 1000000 : i32
      %sub3A_3105 = vector.broadcast %sub3A_3104 : i32 to vector<16xi32>
      %sub3A_3106 = arith.subi %select_n3A_3100, %sub3A_3105 : vector<16xi32>
      %select_n3A_3107 = arith.select %ge3A_3103, %sub3A_3106, %select_n3A_3100 : vector<16xi1>, vector<16xi32>
      %swap3A_3108 = arith.index_cast %scan3A_2503 : i32 to index
      %swap3A_3109 = arith.constant 48 : index
      %swap3A_3110 = tpu.vector_load %arg8[%swap3A_3108, %swap3A_3109] {strides = array<i32>} : memref<26x128xi32, #tpu.memory_space<vmem>>, vector<1x16xi32>,
      %swap3A_3111 = vector.shape_cast %swap3A_3110 : vector<1x16xi32> to vector<16xi32>
      %swap3A_3112 = vector.shape_cast %select_n3A_3107 : vector<16xi32> to vector<1x16xi32>
      tpu.vector_store %arg8[%swap3A_3108, %swap3A_3109], %swap3A_3112 {strides = array<i32>} : memref<26x128xi32, #tpu.memory_space<vmem>>, vector<1x16xi32>,
      %mul3A_3113 = arith.constant 128 : i32
      %mul3A_3114 = arith.muli %scan3A_2503, %mul3A_3113 : i32
      %add3A_3115 = arith.addi %mul3A_2, %mul3A_3114 : i32
      %add3A_3116 = arith.constant 48 : i32
      %add3A_3117 = arith.addi %add3A_3115, %add3A_3116 : i32
      %add3A_3118 = vector.broadcast %add3A_3117 : i32 to vector<16xi32>
      %add3A_3119 = arith.addi %add3A_3118, %iota3A : vector<16xi32>
      %convert_element_type3A_3120 = arith.sitofp %add3A_3119 : vector<16xi32> to vector<16xf32>
      %mul3A_3121 = arith.constant 0.0384615399 : f32
      %mul3A_3122 = vector.broadcast %mul3A_3121 : f32 to vector<16xf32>
      %mul3A_3123 = arith.mulf %convert_element_type3A_3120, %mul3A_3122 : vector<16xf32>
      %add3A_3124 = arith.constant 1.000000e-03 : f32
      %add3A_3125 = vector.broadcast %add3A_3124 : f32 to vector<16xf32>
      %add3A_3126 = arith.addf %mul3A_3123, %add3A_3125 : vector<16xf32>
      %convert_element_type3A_3127 = arith.fptosi %add3A_3126 : vector<16xf32> to vector<16xi32>
      %mul3A_3128 = arith.constant 26 : i32
      %mul3A_3129 = vector.broadcast %mul3A_3128 : i32 to vector<16xi32>
      %mul3A_3130 = arith.muli %convert_element_type3A_3127, %mul3A_3129 : vector<16xi32>
      %sub3A_3131 = arith.subi %add3A_3119, %mul3A_3130 : vector<16xi32>
      %mul3A_3132 = arith.constant 32 : i32
      %mul3A_3133 = vector.broadcast %mul3A_3132 : i32 to vector<16xi32>
      %mul3A_3134 = arith.muli %convert_element_type3A_3127, %mul3A_3133 : vector<16xi32>
      %add3A_3135 = arith.addi %mul3A_3134, %sub3A_3131 : vector<16xi32>
      %mul3A_3136 = arith.constant 4 : i32
      %mul3A_3137 = vector.broadcast %mul3A_3136 : i32 to vector<16xi32>
      %mul3A_3138 = arith.muli %mul3A_3137, %add3A_3135 : vector<16xi32>
      %swap3A_3139 = arith.index_cast %scan3A_2503 : i32 to index
      %swap3A_3140 = arith.constant 48 : index
      %swap3A_3141 = tpu.vector_load %arg9[%swap3A_3139, %swap3A_3140] {strides = array<i32>} : memref<26x128xi32, #tpu.memory_space<vmem>>, vector<1x16xi32>,
      %swap3A_3142 = vector.shape_cast %swap3A_3141 : vector<1x16xi32> to vector<16xi32>
      %swap3A_3143 = vector.shape_cast %mul3A_3138 : vector<16xi32> to vector<1x16xi32>
      tpu.vector_store %arg9[%swap3A_3139, %swap3A_3140], %swap3A_3143 {strides = array<i32>} : memref<26x128xi32, #tpu.memory_space<vmem>>, vector<1x16xi32>,
      %add3A_3144 = arith.constant 1 : i32
      %add3A_3145 = vector.broadcast %add3A_3144 : i32 to vector<16xi32>
      %add3A_3146 = arith.addi %mul3A_3138, %add3A_3145 : vector<16xi32>
      %swap3A_3147 = arith.index_cast %scan3A_2503 : i32 to index
      %swap3A_3148 = arith.constant 48 : index
      %swap3A_3149 = tpu.vector_load %arg10[%swap3A_3147, %swap3A_3148] {strides = array<i32>} : memref<26x128xi32, #tpu.memory_space<vmem>>, vector<1x16xi32>,
      %swap3A_3150 = vector.shape_cast %swap3A_3149 : vector<1x16xi32> to vector<16xi32>
      %swap3A_3151 = vector.shape_cast %add3A_3146 : vector<16xi32> to vector<1x16xi32>
      tpu.vector_store %arg10[%swap3A_3147, %swap3A_3148], %swap3A_3151 {strides = array<i32>} : memref<26x128xi32, #tpu.memory_space<vmem>>, vector<1x16xi32>,
      %mul3A_3152 = arith.constant 128 : i32
      %mul3A_3153 = arith.muli %scan3A_2503, %mul3A_3152 : i32
      %add3A_3154 = arith.constant 64 : i32
      %add3A_3155 = arith.addi %mul3A_3153, %add3A_3154 : i32
      %get3A_3156 = arith.index_cast %add3A_3155 : i32 to index
      %get3A_3157 = tpu.vector_load %arg6[%get3A_3156] {strides = array<i32>} : memref<3328xi32, #tpu.memory_space<vmem>>, vector<16xi32>,
      %get3A_3158 = vector.shape_cast %get3A_3157 : vector<16xi32> to vector<16xi32>
      %xor3A_3159 = arith.constant 42 : i32
      %xor3A_3160 = vector.broadcast %xor3A_3159 : i32 to vector<16xi32>
      %xor3A_3161 = arith.xori %get3A_3158, %xor3A_3160 : vector<16xi32>
      %mul3A_3162 = arith.constant -1640531535 : i32
      %mul3A_3163 = vector.broadcast %mul3A_3162 : i32 to vector<16xi32>
      %mul3A_3164 = arith.muli %xor3A_3161, %mul3A_3163 : vector<16xi32>
      %shift_right_logical3A_3165 = arith.constant 16 : i32
      %shift_right_logical3A_3166 = vector.broadcast %shift_right_logical3A_3165 : i32 to vector<16xi32>
      %shift_right_logical3A_3167 = arith.shrui %mul3A_3164, %shift_right_logical3A_3166 : vector<16xi32>
      %xor3A_3168 = arith.xori %mul3A_3164, %shift_right_logical3A_3167 : vector<16xi32>
      %mul3A_3169 = arith.constant -2048144777 : i32
      %mul3A_3170 = vector.broadcast %mul3A_3169 : i32 to vector<16xi32>
      %mul3A_3171 = arith.muli %xor3A_3168, %mul3A_3170 : vector<16xi32>
      %shift_right_logical3A_3172 = arith.constant 13 : i32
      %shift_right_logical3A_3173 = vector.broadcast %shift_right_logical3A_3172 : i32 to vector<16xi32>
      %shift_right_logical3A_3174 = arith.shrui %mul3A_3171, %shift_right_logical3A_3173 : vector<16xi32>
      %xor3A_3175 = arith.xori %mul3A_3171, %shift_right_logical3A_3174 : vector<16xi32>
      %convert_element_type3A_3176 = arith.uitofp %xor3A_3175 : vector<16xi32> to vector<16xf32>
      %mul3A_3177 = arith.constant 9.99999997E-7 : f32
      %mul3A_3178 = vector.broadcast %mul3A_3177 : f32 to vector<16xf32>
      %mul3A_3179 = arith.mulf %convert_element_type3A_3176, %mul3A_3178 : vector<16xf32>
      %convert_element_type3A_3180 = arith.fptoui %mul3A_3179 : vector<16xf32> to vector<16xi32>
      %mul3A_3181 = arith.constant 1000000 : i32
      %mul3A_3182 = vector.broadcast %mul3A_3181 : i32 to vector<16xi32>
      %mul3A_3183 = arith.muli %convert_element_type3A_3180, %mul3A_3182 : vector<16xi32>
      %sub3A_3184 = arith.subi %xor3A_3175, %mul3A_3183 : vector<16xi32>
      %lt3A_3185 = arith.constant 0 : i32
      %lt3A_3186 = vector.broadcast %lt3A_3185 : i32 to vector<16xi32>
      %lt3A_3187 = arith.cmpi slt, %sub3A_3184, %lt3A_3186 : vector<16xi32>
      %add3A_3188 = arith.constant 1000000 : i32
      %add3A_3189 = vector.broadcast %add3A_3188 : i32 to vector<16xi32>
      %add3A_3190 = arith.addi %sub3A_3184, %add3A_3189 : vector<16xi32>
      %select_n3A_3191 = arith.select %lt3A_3187, %add3A_3190, %sub3A_3184 : vector<16xi1>, vector<16xi32>
      %lt3A_3192 = arith.constant 0 : i32
      %lt3A_3193 = vector.broadcast %lt3A_3192 : i32 to vector<16xi32>
      %lt3A_3194 = arith.cmpi slt, %select_n3A_3191, %lt3A_3193 : vector<16xi32>
      %add3A_3195 = arith.constant 1000000 : i32
      %add3A_3196 = vector.broadcast %add3A_3195 : i32 to vector<16xi32>
      %add3A_3197 = arith.addi %select_n3A_3191, %add3A_3196 : vector<16xi32>
      %select_n3A_3198 = arith.select %lt3A_3194, %add3A_3197, %select_n3A_3191 : vector<16xi1>, vector<16xi32>
      %ge3A_3199 = arith.constant 1000000 : i32
      %ge3A_3200 = vector.broadcast %ge3A_3199 : i32 to vector<16xi32>
      %ge3A_3201 = arith.cmpi sge, %select_n3A_3198, %ge3A_3200 : vector<16xi32>
      %sub3A_3202 = arith.constant 1000000 : i32
      %sub3A_3203 = vector.broadcast %sub3A_3202 : i32 to vector<16xi32>
      %sub3A_3204 = arith.subi %select_n3A_3198, %sub3A_3203 : vector<16xi32>
      %select_n3A_3205 = arith.select %ge3A_3201, %sub3A_3204, %select_n3A_3198 : vector<16xi1>, vector<16xi32>
      %ge3A_3206 = arith.constant 1000000 : i32
      %ge3A_3207 = vector.broadcast %ge3A_3206 : i32 to vector<16xi32>
      %ge3A_3208 = arith.cmpi sge, %select_n3A_3205, %ge3A_3207 : vector<16xi32>
      %sub3A_3209 = arith.constant 1000000 : i32
      %sub3A_3210 = vector.broadcast %sub3A_3209 : i32 to vector<16xi32>
      %sub3A_3211 = arith.subi %select_n3A_3205, %sub3A_3210 : vector<16xi32>
      %select_n3A_3212 = arith.select %ge3A_3208, %sub3A_3211, %select_n3A_3205 : vector<16xi1>, vector<16xi32>
      %swap3A_3213 = arith.index_cast %scan3A_2503 : i32 to index
      %swap3A_3214 = arith.constant 64 : index
      %swap3A_3215 = tpu.vector_load %arg7[%swap3A_3213, %swap3A_3214] {strides = array<i32>} : memref<26x128xi32, #tpu.memory_space<vmem>>, vector<1x16xi32>,
      %swap3A_3216 = vector.shape_cast %swap3A_3215 : vector<1x16xi32> to vector<16xi32>
      %swap3A_3217 = vector.shape_cast %select_n3A_3212 : vector<16xi32> to vector<1x16xi32>
      tpu.vector_store %arg7[%swap3A_3213, %swap3A_3214], %swap3A_3217 {strides = array<i32>} : memref<26x128xi32, #tpu.memory_space<vmem>>, vector<1x16xi32>,
      %xor3A_3218 = arith.constant 43 : i32
      %xor3A_3219 = vector.broadcast %xor3A_3218 : i32 to vector<16xi32>
      %xor3A_3220 = arith.xori %get3A_3158, %xor3A_3219 : vector<16xi32>
      %mul3A_3221 = arith.constant -1640531535 : i32
      %mul3A_3222 = vector.broadcast %mul3A_3221 : i32 to vector<16xi32>
      %mul3A_3223 = arith.muli %xor3A_3220, %mul3A_3222 : vector<16xi32>
      %shift_right_logical3A_3224 = arith.constant 16 : i32
      %shift_right_logical3A_3225 = vector.broadcast %shift_right_logical3A_3224 : i32 to vector<16xi32>
      %shift_right_logical3A_3226 = arith.shrui %mul3A_3223, %shift_right_logical3A_3225 : vector<16xi32>
      %xor3A_3227 = arith.xori %mul3A_3223, %shift_right_logical3A_3226 : vector<16xi32>
      %mul3A_3228 = arith.constant -2048144777 : i32
      %mul3A_3229 = vector.broadcast %mul3A_3228 : i32 to vector<16xi32>
      %mul3A_3230 = arith.muli %xor3A_3227, %mul3A_3229 : vector<16xi32>
      %shift_right_logical3A_3231 = arith.constant 13 : i32
      %shift_right_logical3A_3232 = vector.broadcast %shift_right_logical3A_3231 : i32 to vector<16xi32>
      %shift_right_logical3A_3233 = arith.shrui %mul3A_3230, %shift_right_logical3A_3232 : vector<16xi32>
      %xor3A_3234 = arith.xori %mul3A_3230, %shift_right_logical3A_3233 : vector<16xi32>
      %convert_element_type3A_3235 = arith.uitofp %xor3A_3234 : vector<16xi32> to vector<16xf32>
      %mul3A_3236 = arith.constant 9.99999997E-7 : f32
      %mul3A_3237 = vector.broadcast %mul3A_3236 : f32 to vector<16xf32>
      %mul3A_3238 = arith.mulf %convert_element_type3A_3235, %mul3A_3237 : vector<16xf32>
      %convert_element_type3A_3239 = arith.fptoui %mul3A_3238 : vector<16xf32> to vector<16xi32>
      %mul3A_3240 = arith.constant 1000000 : i32
      %mul3A_3241 = vector.broadcast %mul3A_3240 : i32 to vector<16xi32>
      %mul3A_3242 = arith.muli %convert_element_type3A_3239, %mul3A_3241 : vector<16xi32>
      %sub3A_3243 = arith.subi %xor3A_3234, %mul3A_3242 : vector<16xi32>
      %lt3A_3244 = arith.constant 0 : i32
      %lt3A_3245 = vector.broadcast %lt3A_3244 : i32 to vector<16xi32>
      %lt3A_3246 = arith.cmpi slt, %sub3A_3243, %lt3A_3245 : vector<16xi32>
      %add3A_3247 = arith.constant 1000000 : i32
      %add3A_3248 = vector.broadcast %add3A_3247 : i32 to vector<16xi32>
      %add3A_3249 = arith.addi %sub3A_3243, %add3A_3248 : vector<16xi32>
      %select_n3A_3250 = arith.select %lt3A_3246, %add3A_3249, %sub3A_3243 : vector<16xi1>, vector<16xi32>
      %lt3A_3251 = arith.constant 0 : i32
      %lt3A_3252 = vector.broadcast %lt3A_3251 : i32 to vector<16xi32>
      %lt3A_3253 = arith.cmpi slt, %select_n3A_3250, %lt3A_3252 : vector<16xi32>
      %add3A_3254 = arith.constant 1000000 : i32
      %add3A_3255 = vector.broadcast %add3A_3254 : i32 to vector<16xi32>
      %add3A_3256 = arith.addi %select_n3A_3250, %add3A_3255 : vector<16xi32>
      %select_n3A_3257 = arith.select %lt3A_3253, %add3A_3256, %select_n3A_3250 : vector<16xi1>, vector<16xi32>
      %ge3A_3258 = arith.constant 1000000 : i32
      %ge3A_3259 = vector.broadcast %ge3A_3258 : i32 to vector<16xi32>
      %ge3A_3260 = arith.cmpi sge, %select_n3A_3257, %ge3A_3259 : vector<16xi32>
      %sub3A_3261 = arith.constant 1000000 : i32
      %sub3A_3262 = vector.broadcast %sub3A_3261 : i32 to vector<16xi32>
      %sub3A_3263 = arith.subi %select_n3A_3257, %sub3A_3262 : vector<16xi32>
      %select_n3A_3264 = arith.select %ge3A_3260, %sub3A_3263, %select_n3A_3257 : vector<16xi1>, vector<16xi32>
      %ge3A_3265 = arith.constant 1000000 : i32
      %ge3A_3266 = vector.broadcast %ge3A_3265 : i32 to vector<16xi32>
      %ge3A_3267 = arith.cmpi sge, %select_n3A_3264, %ge3A_3266 : vector<16xi32>
      %sub3A_3268 = arith.constant 1000000 : i32
      %sub3A_3269 = vector.broadcast %sub3A_3268 : i32 to vector<16xi32>
      %sub3A_3270 = arith.subi %select_n3A_3264, %sub3A_3269 : vector<16xi32>
      %select_n3A_3271 = arith.select %ge3A_3267, %sub3A_3270, %select_n3A_3264 : vector<16xi1>, vector<16xi32>
      %swap3A_3272 = arith.index_cast %scan3A_2503 : i32 to index
      %swap3A_3273 = arith.constant 64 : index
      %swap3A_3274 = tpu.vector_load %arg8[%swap3A_3272, %swap3A_3273] {strides = array<i32>} : memref<26x128xi32, #tpu.memory_space<vmem>>, vector<1x16xi32>,
      %swap3A_3275 = vector.shape_cast %swap3A_3274 : vector<1x16xi32> to vector<16xi32>
      %swap3A_3276 = vector.shape_cast %select_n3A_3271 : vector<16xi32> to vector<1x16xi32>
      tpu.vector_store %arg8[%swap3A_3272, %swap3A_3273], %swap3A_3276 {strides = array<i32>} : memref<26x128xi32, #tpu.memory_space<vmem>>, vector<1x16xi32>,
      %mul3A_3277 = arith.constant 128 : i32
      %mul3A_3278 = arith.muli %scan3A_2503, %mul3A_3277 : i32
      %add3A_3279 = arith.addi %mul3A_2, %mul3A_3278 : i32
      %add3A_3280 = arith.constant 64 : i32
      %add3A_3281 = arith.addi %add3A_3279, %add3A_3280 : i32
      %add3A_3282 = vector.broadcast %add3A_3281 : i32 to vector<16xi32>
      %add3A_3283 = arith.addi %add3A_3282, %iota3A : vector<16xi32>
      %convert_element_type3A_3284 = arith.sitofp %add3A_3283 : vector<16xi32> to vector<16xf32>
      %mul3A_3285 = arith.constant 0.0384615399 : f32
      %mul3A_3286 = vector.broadcast %mul3A_3285 : f32 to vector<16xf32>
      %mul3A_3287 = arith.mulf %convert_element_type3A_3284, %mul3A_3286 : vector<16xf32>
      %add3A_3288 = arith.constant 1.000000e-03 : f32
      %add3A_3289 = vector.broadcast %add3A_3288 : f32 to vector<16xf32>
      %add3A_3290 = arith.addf %mul3A_3287, %add3A_3289 : vector<16xf32>
      %convert_element_type3A_3291 = arith.fptosi %add3A_3290 : vector<16xf32> to vector<16xi32>
      %mul3A_3292 = arith.constant 26 : i32
      %mul3A_3293 = vector.broadcast %mul3A_3292 : i32 to vector<16xi32>
      %mul3A_3294 = arith.muli %convert_element_type3A_3291, %mul3A_3293 : vector<16xi32>
      %sub3A_3295 = arith.subi %add3A_3283, %mul3A_3294 : vector<16xi32>
      %mul3A_3296 = arith.constant 32 : i32
      %mul3A_3297 = vector.broadcast %mul3A_3296 : i32 to vector<16xi32>
      %mul3A_3298 = arith.muli %convert_element_type3A_3291, %mul3A_3297 : vector<16xi32>
      %add3A_3299 = arith.addi %mul3A_3298, %sub3A_3295 : vector<16xi32>
      %mul3A_3300 = arith.constant 4 : i32
      %mul3A_3301 = vector.broadcast %mul3A_3300 : i32 to vector<16xi32>
      %mul3A_3302 = arith.muli %mul3A_3301, %add3A_3299 : vector<16xi32>
      %swap3A_3303 = arith.index_cast %scan3A_2503 : i32 to index
      %swap3A_3304 = arith.constant 64 : index
      %swap3A_3305 = tpu.vector_load %arg9[%swap3A_3303, %swap3A_3304] {strides = array<i32>} : memref<26x128xi32, #tpu.memory_space<vmem>>, vector<1x16xi32>,
      %swap3A_3306 = vector.shape_cast %swap3A_3305 : vector<1x16xi32> to vector<16xi32>
      %swap3A_3307 = vector.shape_cast %mul3A_3302 : vector<16xi32> to vector<1x16xi32>
      tpu.vector_store %arg9[%swap3A_3303, %swap3A_3304], %swap3A_3307 {strides = array<i32>} : memref<26x128xi32, #tpu.memory_space<vmem>>, vector<1x16xi32>,
      %add3A_3308 = arith.constant 1 : i32
      %add3A_3309 = vector.broadcast %add3A_3308 : i32 to vector<16xi32>
      %add3A_3310 = arith.addi %mul3A_3302, %add3A_3309 : vector<16xi32>
      %swap3A_3311 = arith.index_cast %scan3A_2503 : i32 to index
      %swap3A_3312 = arith.constant 64 : index
      %swap3A_3313 = tpu.vector_load %arg10[%swap3A_3311, %swap3A_3312] {strides = array<i32>} : memref<26x128xi32, #tpu.memory_space<vmem>>, vector<1x16xi32>,
      %swap3A_3314 = vector.shape_cast %swap3A_3313 : vector<1x16xi32> to vector<16xi32>
      %swap3A_3315 = vector.shape_cast %add3A_3310 : vector<16xi32> to vector<1x16xi32>
      tpu.vector_store %arg10[%swap3A_3311, %swap3A_3312], %swap3A_3315 {strides = array<i32>} : memref<26x128xi32, #tpu.memory_space<vmem>>, vector<1x16xi32>,
      %mul3A_3316 = arith.constant 128 : i32
      %mul3A_3317 = arith.muli %scan3A_2503, %mul3A_3316 : i32
      %add3A_3318 = arith.constant 80 : i32
      %add3A_3319 = arith.addi %mul3A_3317, %add3A_3318 : i32
      %get3A_3320 = arith.index_cast %add3A_3319 : i32 to index
      %get3A_3321 = tpu.vector_load %arg6[%get3A_3320] {strides = array<i32>} : memref<3328xi32, #tpu.memory_space<vmem>>, vector<16xi32>,
      %get3A_3322 = vector.shape_cast %get3A_3321 : vector<16xi32> to vector<16xi32>
      %xor3A_3323 = arith.constant 42 : i32
      %xor3A_3324 = vector.broadcast %xor3A_3323 : i32 to vector<16xi32>
      %xor3A_3325 = arith.xori %get3A_3322, %xor3A_3324 : vector<16xi32>
      %mul3A_3326 = arith.constant -1640531535 : i32
      %mul3A_3327 = vector.broadcast %mul3A_3326 : i32 to vector<16xi32>
      %mul3A_3328 = arith.muli %xor3A_3325, %mul3A_3327 : vector<16xi32>
      %shift_right_logical3A_3329 = arith.constant 16 : i32
      %shift_right_logical3A_3330 = vector.broadcast %shift_right_logical3A_3329 : i32 to vector<16xi32>
      %shift_right_logical3A_3331 = arith.shrui %mul3A_3328, %shift_right_logical3A_3330 : vector<16xi32>
      %xor3A_3332 = arith.xori %mul3A_3328, %shift_right_logical3A_3331 : vector<16xi32>
      %mul3A_3333 = arith.constant -2048144777 : i32
      %mul3A_3334 = vector.broadcast %mul3A_3333 : i32 to vector<16xi32>
      %mul3A_3335 = arith.muli %xor3A_3332, %mul3A_3334 : vector<16xi32>
      %shift_right_logical3A_3336 = arith.constant 13 : i32
      %shift_right_logical3A_3337 = vector.broadcast %shift_right_logical3A_3336 : i32 to vector<16xi32>
      %shift_right_logical3A_3338 = arith.shrui %mul3A_3335, %shift_right_logical3A_3337 : vector<16xi32>
      %xor3A_3339 = arith.xori %mul3A_3335, %shift_right_logical3A_3338 : vector<16xi32>
      %convert_element_type3A_3340 = arith.uitofp %xor3A_3339 : vector<16xi32> to vector<16xf32>
      %mul3A_3341 = arith.constant 9.99999997E-7 : f32
      %mul3A_3342 = vector.broadcast %mul3A_3341 : f32 to vector<16xf32>
      %mul3A_3343 = arith.mulf %convert_element_type3A_3340, %mul3A_3342 : vector<16xf32>
      %convert_element_type3A_3344 = arith.fptoui %mul3A_3343 : vector<16xf32> to vector<16xi32>
      %mul3A_3345 = arith.constant 1000000 : i32
      %mul3A_3346 = vector.broadcast %mul3A_3345 : i32 to vector<16xi32>
      %mul3A_3347 = arith.muli %convert_element_type3A_3344, %mul3A_3346 : vector<16xi32>
      %sub3A_3348 = arith.subi %xor3A_3339, %mul3A_3347 : vector<16xi32>
      %lt3A_3349 = arith.constant 0 : i32
      %lt3A_3350 = vector.broadcast %lt3A_3349 : i32 to vector<16xi32>
      %lt3A_3351 = arith.cmpi slt, %sub3A_3348, %lt3A_3350 : vector<16xi32>
      %add3A_3352 = arith.constant 1000000 : i32
      %add3A_3353 = vector.broadcast %add3A_3352 : i32 to vector<16xi32>
      %add3A_3354 = arith.addi %sub3A_3348, %add3A_3353 : vector<16xi32>
      %select_n3A_3355 = arith.select %lt3A_3351, %add3A_3354, %sub3A_3348 : vector<16xi1>, vector<16xi32>
      %lt3A_3356 = arith.constant 0 : i32
      %lt3A_3357 = vector.broadcast %lt3A_3356 : i32 to vector<16xi32>
      %lt3A_3358 = arith.cmpi slt, %select_n3A_3355, %lt3A_3357 : vector<16xi32>
      %add3A_3359 = arith.constant 1000000 : i32
      %add3A_3360 = vector.broadcast %add3A_3359 : i32 to vector<16xi32>
      %add3A_3361 = arith.addi %select_n3A_3355, %add3A_3360 : vector<16xi32>
      %select_n3A_3362 = arith.select %lt3A_3358, %add3A_3361, %select_n3A_3355 : vector<16xi1>, vector<16xi32>
      %ge3A_3363 = arith.constant 1000000 : i32
      %ge3A_3364 = vector.broadcast %ge3A_3363 : i32 to vector<16xi32>
      %ge3A_3365 = arith.cmpi sge, %select_n3A_3362, %ge3A_3364 : vector<16xi32>
      %sub3A_3366 = arith.constant 1000000 : i32
      %sub3A_3367 = vector.broadcast %sub3A_3366 : i32 to vector<16xi32>
      %sub3A_3368 = arith.subi %select_n3A_3362, %sub3A_3367 : vector<16xi32>
      %select_n3A_3369 = arith.select %ge3A_3365, %sub3A_3368, %select_n3A_3362 : vector<16xi1>, vector<16xi32>
      %ge3A_3370 = arith.constant 1000000 : i32
      %ge3A_3371 = vector.broadcast %ge3A_3370 : i32 to vector<16xi32>
      %ge3A_3372 = arith.cmpi sge, %select_n3A_3369, %ge3A_3371 : vector<16xi32>
      %sub3A_3373 = arith.constant 1000000 : i32
      %sub3A_3374 = vector.broadcast %sub3A_3373 : i32 to vector<16xi32>
      %sub3A_3375 = arith.subi %select_n3A_3369, %sub3A_3374 : vector<16xi32>
      %select_n3A_3376 = arith.select %ge3A_3372, %sub3A_3375, %select_n3A_3369 : vector<16xi1>, vector<16xi32>
      %swap3A_3377 = arith.index_cast %scan3A_2503 : i32 to index
      %swap3A_3378 = arith.constant 80 : index
      %swap3A_3379 = tpu.vector_load %arg7[%swap3A_3377, %swap3A_3378] {strides = array<i32>} : memref<26x128xi32, #tpu.memory_space<vmem>>, vector<1x16xi32>,
      %swap3A_3380 = vector.shape_cast %swap3A_3379 : vector<1x16xi32> to vector<16xi32>
      %swap3A_3381 = vector.shape_cast %select_n3A_3376 : vector<16xi32> to vector<1x16xi32>
      tpu.vector_store %arg7[%swap3A_3377, %swap3A_3378], %swap3A_3381 {strides = array<i32>} : memref<26x128xi32, #tpu.memory_space<vmem>>, vector<1x16xi32>,
      %xor3A_3382 = arith.constant 43 : i32
      %xor3A_3383 = vector.broadcast %xor3A_3382 : i32 to vector<16xi32>
      %xor3A_3384 = arith.xori %get3A_3322, %xor3A_3383 : vector<16xi32>
      %mul3A_3385 = arith.constant -1640531535 : i32
      %mul3A_3386 = vector.broadcast %mul3A_3385 : i32 to vector<16xi32>
      %mul3A_3387 = arith.muli %xor3A_3384, %mul3A_3386 : vector<16xi32>
      %shift_right_logical3A_3388 = arith.constant 16 : i32
      %shift_right_logical3A_3389 = vector.broadcast %shift_right_logical3A_3388 : i32 to vector<16xi32>
      %shift_right_logical3A_3390 = arith.shrui %mul3A_3387, %shift_right_logical3A_3389 : vector<16xi32>
      %xor3A_3391 = arith.xori %mul3A_3387, %shift_right_logical3A_3390 : vector<16xi32>
      %mul3A_3392 = arith.constant -2048144777 : i32
      %mul3A_3393 = vector.broadcast %mul3A_3392 : i32 to vector<16xi32>
      %mul3A_3394 = arith.muli %xor3A_3391, %mul3A_3393 : vector<16xi32>
      %shift_right_logical3A_3395 = arith.constant 13 : i32
      %shift_right_logical3A_3396 = vector.broadcast %shift_right_logical3A_3395 : i32 to vector<16xi32>
      %shift_right_logical3A_3397 = arith.shrui %mul3A_3394, %shift_right_logical3A_3396 : vector<16xi32>
      %xor3A_3398 = arith.xori %mul3A_3394, %shift_right_logical3A_3397 : vector<16xi32>
      %convert_element_type3A_3399 = arith.uitofp %xor3A_3398 : vector<16xi32> to vector<16xf32>
      %mul3A_3400 = arith.constant 9.99999997E-7 : f32
      %mul3A_3401 = vector.broadcast %mul3A_3400 : f32 to vector<16xf32>
      %mul3A_3402 = arith.mulf %convert_element_type3A_3399, %mul3A_3401 : vector<16xf32>
      %convert_element_type3A_3403 = arith.fptoui %mul3A_3402 : vector<16xf32> to vector<16xi32>
      %mul3A_3404 = arith.constant 1000000 : i32
      %mul3A_3405 = vector.broadcast %mul3A_3404 : i32 to vector<16xi32>
      %mul3A_3406 = arith.muli %convert_element_type3A_3403, %mul3A_3405 : vector<16xi32>
      %sub3A_3407 = arith.subi %xor3A_3398, %mul3A_3406 : vector<16xi32>
      %lt3A_3408 = arith.constant 0 : i32
      %lt3A_3409 = vector.broadcast %lt3A_3408 : i32 to vector<16xi32>
      %lt3A_3410 = arith.cmpi slt, %sub3A_3407, %lt3A_3409 : vector<16xi32>
      %add3A_3411 = arith.constant 1000000 : i32
      %add3A_3412 = vector.broadcast %add3A_3411 : i32 to vector<16xi32>
      %add3A_3413 = arith.addi %sub3A_3407, %add3A_3412 : vector<16xi32>
      %select_n3A_3414 = arith.select %lt3A_3410, %add3A_3413, %sub3A_3407 : vector<16xi1>, vector<16xi32>
      %lt3A_3415 = arith.constant 0 : i32
      %lt3A_3416 = vector.broadcast %lt3A_3415 : i32 to vector<16xi32>
      %lt3A_3417 = arith.cmpi slt, %select_n3A_3414, %lt3A_3416 : vector<16xi32>
      %add3A_3418 = arith.constant 1000000 : i32
      %add3A_3419 = vector.broadcast %add3A_3418 : i32 to vector<16xi32>
      %add3A_3420 = arith.addi %select_n3A_3414, %add3A_3419 : vector<16xi32>
      %select_n3A_3421 = arith.select %lt3A_3417, %add3A_3420, %select_n3A_3414 : vector<16xi1>, vector<16xi32>
      %ge3A_3422 = arith.constant 1000000 : i32
      %ge3A_3423 = vector.broadcast %ge3A_3422 : i32 to vector<16xi32>
      %ge3A_3424 = arith.cmpi sge, %select_n3A_3421, %ge3A_3423 : vector<16xi32>
      %sub3A_3425 = arith.constant 1000000 : i32
      %sub3A_3426 = vector.broadcast %sub3A_3425 : i32 to vector<16xi32>
      %sub3A_3427 = arith.subi %select_n3A_3421, %sub3A_3426 : vector<16xi32>
      %select_n3A_3428 = arith.select %ge3A_3424, %sub3A_3427, %select_n3A_3421 : vector<16xi1>, vector<16xi32>
      %ge3A_3429 = arith.constant 1000000 : i32
      %ge3A_3430 = vector.broadcast %ge3A_3429 : i32 to vector<16xi32>
      %ge3A_3431 = arith.cmpi sge, %select_n3A_3428, %ge3A_3430 : vector<16xi32>
      %sub3A_3432 = arith.constant 1000000 : i32
      %sub3A_3433 = vector.broadcast %sub3A_3432 : i32 to vector<16xi32>
      %sub3A_3434 = arith.subi %select_n3A_3428, %sub3A_3433 : vector<16xi32>
      %select_n3A_3435 = arith.select %ge3A_3431, %sub3A_3434, %select_n3A_3428 : vector<16xi1>, vector<16xi32>
      %swap3A_3436 = arith.index_cast %scan3A_2503 : i32 to index
      %swap3A_3437 = arith.constant 80 : index
      %swap3A_3438 = tpu.vector_load %arg8[%swap3A_3436, %swap3A_3437] {strides = array<i32>} : memref<26x128xi32, #tpu.memory_space<vmem>>, vector<1x16xi32>,
      %swap3A_3439 = vector.shape_cast %swap3A_3438 : vector<1x16xi32> to vector<16xi32>
      %swap3A_3440 = vector.shape_cast %select_n3A_3435 : vector<16xi32> to vector<1x16xi32>
      tpu.vector_store %arg8[%swap3A_3436, %swap3A_3437], %swap3A_3440 {strides = array<i32>} : memref<26x128xi32, #tpu.memory_space<vmem>>, vector<1x16xi32>,
      %mul3A_3441 = arith.constant 128 : i32
      %mul3A_3442 = arith.muli %scan3A_2503, %mul3A_3441 : i32
      %add3A_3443 = arith.addi %mul3A_2, %mul3A_3442 : i32
      %add3A_3444 = arith.constant 80 : i32
      %add3A_3445 = arith.addi %add3A_3443, %add3A_3444 : i32
      %add3A_3446 = vector.broadcast %add3A_3445 : i32 to vector<16xi32>
      %add3A_3447 = arith.addi %add3A_3446, %iota3A : vector<16xi32>
      %convert_element_type3A_3448 = arith.sitofp %add3A_3447 : vector<16xi32> to vector<16xf32>
      %mul3A_3449 = arith.constant 0.0384615399 : f32
      %mul3A_3450 = vector.broadcast %mul3A_3449 : f32 to vector<16xf32>
      %mul3A_3451 = arith.mulf %convert_element_type3A_3448, %mul3A_3450 : vector<16xf32>
      %add3A_3452 = arith.constant 1.000000e-03 : f32
      %add3A_3453 = vector.broadcast %add3A_3452 : f32 to vector<16xf32>
      %add3A_3454 = arith.addf %mul3A_3451, %add3A_3453 : vector<16xf32>
      %convert_element_type3A_3455 = arith.fptosi %add3A_3454 : vector<16xf32> to vector<16xi32>
      %mul3A_3456 = arith.constant 26 : i32
      %mul3A_3457 = vector.broadcast %mul3A_3456 : i32 to vector<16xi32>
      %mul3A_3458 = arith.muli %convert_element_type3A_3455, %mul3A_3457 : vector<16xi32>
      %sub3A_3459 = arith.subi %add3A_3447, %mul3A_3458 : vector<16xi32>
      %mul3A_3460 = arith.constant 32 : i32
      %mul3A_3461 = vector.broadcast %mul3A_3460 : i32 to vector<16xi32>
      %mul3A_3462 = arith.muli %convert_element_type3A_3455, %mul3A_3461 : vector<16xi32>
      %add3A_3463 = arith.addi %mul3A_3462, %sub3A_3459 : vector<16xi32>
      %mul3A_3464 = arith.constant 4 : i32
      %mul3A_3465 = vector.broadcast %mul3A_3464 : i32 to vector<16xi32>
      %mul3A_3466 = arith.muli %mul3A_3465, %add3A_3463 : vector<16xi32>
      %swap3A_3467 = arith.index_cast %scan3A_2503 : i32 to index
      %swap3A_3468 = arith.constant 80 : index
      %swap3A_3469 = tpu.vector_load %arg9[%swap3A_3467, %swap3A_3468] {strides = array<i32>} : memref<26x128xi32, #tpu.memory_space<vmem>>, vector<1x16xi32>,
      %swap3A_3470 = vector.shape_cast %swap3A_3469 : vector<1x16xi32> to vector<16xi32>
      %swap3A_3471 = vector.shape_cast %mul3A_3466 : vector<16xi32> to vector<1x16xi32>
      tpu.vector_store %arg9[%swap3A_3467, %swap3A_3468], %swap3A_3471 {strides = array<i32>} : memref<26x128xi32, #tpu.memory_space<vmem>>, vector<1x16xi32>,
      %add3A_3472 = arith.constant 1 : i32
      %add3A_3473 = vector.broadcast %add3A_3472 : i32 to vector<16xi32>
      %add3A_3474 = arith.addi %mul3A_3466, %add3A_3473 : vector<16xi32>
      %swap3A_3475 = arith.index_cast %scan3A_2503 : i32 to index
      %swap3A_3476 = arith.constant 80 : index
      %swap3A_3477 = tpu.vector_load %arg10[%swap3A_3475, %swap3A_3476] {strides = array<i32>} : memref<26x128xi32, #tpu.memory_space<vmem>>, vector<1x16xi32>,
      %swap3A_3478 = vector.shape_cast %swap3A_3477 : vector<1x16xi32> to vector<16xi32>
      %swap3A_3479 = vector.shape_cast %add3A_3474 : vector<16xi32> to vector<1x16xi32>
      tpu.vector_store %arg10[%swap3A_3475, %swap3A_3476], %swap3A_3479 {strides = array<i32>} : memref<26x128xi32, #tpu.memory_space<vmem>>, vector<1x16xi32>,
      %mul3A_3480 = arith.constant 128 : i32
      %mul3A_3481 = arith.muli %scan3A_2503, %mul3A_3480 : i32
      %add3A_3482 = arith.constant 96 : i32
      %add3A_3483 = arith.addi %mul3A_3481, %add3A_3482 : i32
      %get3A_3484 = arith.index_cast %add3A_3483 : i32 to index
      %get3A_3485 = tpu.vector_load %arg6[%get3A_3484] {strides = array<i32>} : memref<3328xi32, #tpu.memory_space<vmem>>, vector<16xi32>,
      %get3A_3486 = vector.shape_cast %get3A_3485 : vector<16xi32> to vector<16xi32>
      %xor3A_3487 = arith.constant 42 : i32
      %xor3A_3488 = vector.broadcast %xor3A_3487 : i32 to vector<16xi32>
      %xor3A_3489 = arith.xori %get3A_3486, %xor3A_3488 : vector<16xi32>
      %mul3A_3490 = arith.constant -1640531535 : i32
      %mul3A_3491 = vector.broadcast %mul3A_3490 : i32 to vector<16xi32>
      %mul3A_3492 = arith.muli %xor3A_3489, %mul3A_3491 : vector<16xi32>
      %shift_right_logical3A_3493 = arith.constant 16 : i32
      %shift_right_logical3A_3494 = vector.broadcast %shift_right_logical3A_3493 : i32 to vector<16xi32>
      %shift_right_logical3A_3495 = arith.shrui %mul3A_3492, %shift_right_logical3A_3494 : vector<16xi32>
      %xor3A_3496 = arith.xori %mul3A_3492, %shift_right_logical3A_3495 : vector<16xi32>
      %mul3A_3497 = arith.constant -2048144777 : i32
      %mul3A_3498 = vector.broadcast %mul3A_3497 : i32 to vector<16xi32>
      %mul3A_3499 = arith.muli %xor3A_3496, %mul3A_3498 : vector<16xi32>
      %shift_right_logical3A_3500 = arith.constant 13 : i32
      %shift_right_logical3A_3501 = vector.broadcast %shift_right_logical3A_3500 : i32 to vector<16xi32>
      %shift_right_logical3A_3502 = arith.shrui %mul3A_3499, %shift_right_logical3A_3501 : vector<16xi32>
      %xor3A_3503 = arith.xori %mul3A_3499, %shift_right_logical3A_3502 : vector<16xi32>
      %convert_element_type3A_3504 = arith.uitofp %xor3A_3503 : vector<16xi32> to vector<16xf32>
      %mul3A_3505 = arith.constant 9.99999997E-7 : f32
      %mul3A_3506 = vector.broadcast %mul3A_3505 : f32 to vector<16xf32>
      %mul3A_3507 = arith.mulf %convert_element_type3A_3504, %mul3A_3506 : vector<16xf32>
      %convert_element_type3A_3508 = arith.fptoui %mul3A_3507 : vector<16xf32> to vector<16xi32>
      %mul3A_3509 = arith.constant 1000000 : i32
      %mul3A_3510 = vector.broadcast %mul3A_3509 : i32 to vector<16xi32>
      %mul3A_3511 = arith.muli %convert_element_type3A_3508, %mul3A_3510 : vector<16xi32>
      %sub3A_3512 = arith.subi %xor3A_3503, %mul3A_3511 : vector<16xi32>
      %lt3A_3513 = arith.constant 0 : i32
      %lt3A_3514 = vector.broadcast %lt3A_3513 : i32 to vector<16xi32>
      %lt3A_3515 = arith.cmpi slt, %sub3A_3512, %lt3A_3514 : vector<16xi32>
      %add3A_3516 = arith.constant 1000000 : i32
      %add3A_3517 = vector.broadcast %add3A_3516 : i32 to vector<16xi32>
      %add3A_3518 = arith.addi %sub3A_3512, %add3A_3517 : vector<16xi32>
      %select_n3A_3519 = arith.select %lt3A_3515, %add3A_3518, %sub3A_3512 : vector<16xi1>, vector<16xi32>
      %lt3A_3520 = arith.constant 0 : i32
      %lt3A_3521 = vector.broadcast %lt3A_3520 : i32 to vector<16xi32>
      %lt3A_3522 = arith.cmpi slt, %select_n3A_3519, %lt3A_3521 : vector<16xi32>
      %add3A_3523 = arith.constant 1000000 : i32
      %add3A_3524 = vector.broadcast %add3A_3523 : i32 to vector<16xi32>
      %add3A_3525 = arith.addi %select_n3A_3519, %add3A_3524 : vector<16xi32>
      %select_n3A_3526 = arith.select %lt3A_3522, %add3A_3525, %select_n3A_3519 : vector<16xi1>, vector<16xi32>
      %ge3A_3527 = arith.constant 1000000 : i32
      %ge3A_3528 = vector.broadcast %ge3A_3527 : i32 to vector<16xi32>
      %ge3A_3529 = arith.cmpi sge, %select_n3A_3526, %ge3A_3528 : vector<16xi32>
      %sub3A_3530 = arith.constant 1000000 : i32
      %sub3A_3531 = vector.broadcast %sub3A_3530 : i32 to vector<16xi32>
      %sub3A_3532 = arith.subi %select_n3A_3526, %sub3A_3531 : vector<16xi32>
      %select_n3A_3533 = arith.select %ge3A_3529, %sub3A_3532, %select_n3A_3526 : vector<16xi1>, vector<16xi32>
      %ge3A_3534 = arith.constant 1000000 : i32
      %ge3A_3535 = vector.broadcast %ge3A_3534 : i32 to vector<16xi32>
      %ge3A_3536 = arith.cmpi sge, %select_n3A_3533, %ge3A_3535 : vector<16xi32>
      %sub3A_3537 = arith.constant 1000000 : i32
      %sub3A_3538 = vector.broadcast %sub3A_3537 : i32 to vector<16xi32>
      %sub3A_3539 = arith.subi %select_n3A_3533, %sub3A_3538 : vector<16xi32>
      %select_n3A_3540 = arith.select %ge3A_3536, %sub3A_3539, %select_n3A_3533 : vector<16xi1>, vector<16xi32>
      %swap3A_3541 = arith.index_cast %scan3A_2503 : i32 to index
      %swap3A_3542 = arith.constant 96 : index
      %swap3A_3543 = tpu.vector_load %arg7[%swap3A_3541, %swap3A_3542] {strides = array<i32>} : memref<26x128xi32, #tpu.memory_space<vmem>>, vector<1x16xi32>,
      %swap3A_3544 = vector.shape_cast %swap3A_3543 : vector<1x16xi32> to vector<16xi32>
      %swap3A_3545 = vector.shape_cast %select_n3A_3540 : vector<16xi32> to vector<1x16xi32>
      tpu.vector_store %arg7[%swap3A_3541, %swap3A_3542], %swap3A_3545 {strides = array<i32>} : memref<26x128xi32, #tpu.memory_space<vmem>>, vector<1x16xi32>,
      %xor3A_3546 = arith.constant 43 : i32
      %xor3A_3547 = vector.broadcast %xor3A_3546 : i32 to vector<16xi32>
      %xor3A_3548 = arith.xori %get3A_3486, %xor3A_3547 : vector<16xi32>
      %mul3A_3549 = arith.constant -1640531535 : i32
      %mul3A_3550 = vector.broadcast %mul3A_3549 : i32 to vector<16xi32>
      %mul3A_3551 = arith.muli %xor3A_3548, %mul3A_3550 : vector<16xi32>
      %shift_right_logical3A_3552 = arith.constant 16 : i32
      %shift_right_logical3A_3553 = vector.broadcast %shift_right_logical3A_3552 : i32 to vector<16xi32>
      %shift_right_logical3A_3554 = arith.shrui %mul3A_3551, %shift_right_logical3A_3553 : vector<16xi32>
      %xor3A_3555 = arith.xori %mul3A_3551, %shift_right_logical3A_3554 : vector<16xi32>
      %mul3A_3556 = arith.constant -2048144777 : i32
      %mul3A_3557 = vector.broadcast %mul3A_3556 : i32 to vector<16xi32>
      %mul3A_3558 = arith.muli %xor3A_3555, %mul3A_3557 : vector<16xi32>
      %shift_right_logical3A_3559 = arith.constant 13 : i32
      %shift_right_logical3A_3560 = vector.broadcast %shift_right_logical3A_3559 : i32 to vector<16xi32>
      %shift_right_logical3A_3561 = arith.shrui %mul3A_3558, %shift_right_logical3A_3560 : vector<16xi32>
      %xor3A_3562 = arith.xori %mul3A_3558, %shift_right_logical3A_3561 : vector<16xi32>
      %convert_element_type3A_3563 = arith.uitofp %xor3A_3562 : vector<16xi32> to vector<16xf32>
      %mul3A_3564 = arith.constant 9.99999997E-7 : f32
      %mul3A_3565 = vector.broadcast %mul3A_3564 : f32 to vector<16xf32>
      %mul3A_3566 = arith.mulf %convert_element_type3A_3563, %mul3A_3565 : vector<16xf32>
      %convert_element_type3A_3567 = arith.fptoui %mul3A_3566 : vector<16xf32> to vector<16xi32>
      %mul3A_3568 = arith.constant 1000000 : i32
      %mul3A_3569 = vector.broadcast %mul3A_3568 : i32 to vector<16xi32>
      %mul3A_3570 = arith.muli %convert_element_type3A_3567, %mul3A_3569 : vector<16xi32>
      %sub3A_3571 = arith.subi %xor3A_3562, %mul3A_3570 : vector<16xi32>
      %lt3A_3572 = arith.constant 0 : i32
      %lt3A_3573 = vector.broadcast %lt3A_3572 : i32 to vector<16xi32>
      %lt3A_3574 = arith.cmpi slt, %sub3A_3571, %lt3A_3573 : vector<16xi32>
      %add3A_3575 = arith.constant 1000000 : i32
      %add3A_3576 = vector.broadcast %add3A_3575 : i32 to vector<16xi32>
      %add3A_3577 = arith.addi %sub3A_3571, %add3A_3576 : vector<16xi32>
      %select_n3A_3578 = arith.select %lt3A_3574, %add3A_3577, %sub3A_3571 : vector<16xi1>, vector<16xi32>
      %lt3A_3579 = arith.constant 0 : i32
      %lt3A_3580 = vector.broadcast %lt3A_3579 : i32 to vector<16xi32>
      %lt3A_3581 = arith.cmpi slt, %select_n3A_3578, %lt3A_3580 : vector<16xi32>
      %add3A_3582 = arith.constant 1000000 : i32
      %add3A_3583 = vector.broadcast %add3A_3582 : i32 to vector<16xi32>
      %add3A_3584 = arith.addi %select_n3A_3578, %add3A_3583 : vector<16xi32>
      %select_n3A_3585 = arith.select %lt3A_3581, %add3A_3584, %select_n3A_3578 : vector<16xi1>, vector<16xi32>
      %ge3A_3586 = arith.constant 1000000 : i32
      %ge3A_3587 = vector.broadcast %ge3A_3586 : i32 to vector<16xi32>
      %ge3A_3588 = arith.cmpi sge, %select_n3A_3585, %ge3A_3587 : vector<16xi32>
      %sub3A_3589 = arith.constant 1000000 : i32
      %sub3A_3590 = vector.broadcast %sub3A_3589 : i32 to vector<16xi32>
      %sub3A_3591 = arith.subi %select_n3A_3585, %sub3A_3590 : vector<16xi32>
      %select_n3A_3592 = arith.select %ge3A_3588, %sub3A_3591, %select_n3A_3585 : vector<16xi1>, vector<16xi32>
      %ge3A_3593 = arith.constant 1000000 : i32
      %ge3A_3594 = vector.broadcast %ge3A_3593 : i32 to vector<16xi32>
      %ge3A_3595 = arith.cmpi sge, %select_n3A_3592, %ge3A_3594 : vector<16xi32>
      %sub3A_3596 = arith.constant 1000000 : i32
      %sub3A_3597 = vector.broadcast %sub3A_3596 : i32 to vector<16xi32>
      %sub3A_3598 = arith.subi %select_n3A_3592, %sub3A_3597 : vector<16xi32>
      %select_n3A_3599 = arith.select %ge3A_3595, %sub3A_3598, %select_n3A_3592 : vector<16xi1>, vector<16xi32>
      %swap3A_3600 = arith.index_cast %scan3A_2503 : i32 to index
      %swap3A_3601 = arith.constant 96 : index
      %swap3A_3602 = tpu.vector_load %arg8[%swap3A_3600, %swap3A_3601] {strides = array<i32>} : memref<26x128xi32, #tpu.memory_space<vmem>>, vector<1x16xi32>,
      %swap3A_3603 = vector.shape_cast %swap3A_3602 : vector<1x16xi32> to vector<16xi32>
      %swap3A_3604 = vector.shape_cast %select_n3A_3599 : vector<16xi32> to vector<1x16xi32>
      tpu.vector_store %arg8[%swap3A_3600, %swap3A_3601], %swap3A_3604 {strides = array<i32>} : memref<26x128xi32, #tpu.memory_space<vmem>>, vector<1x16xi32>,
      %mul3A_3605 = arith.constant 128 : i32
      %mul3A_3606 = arith.muli %scan3A_2503, %mul3A_3605 : i32
      %add3A_3607 = arith.addi %mul3A_2, %mul3A_3606 : i32
      %add3A_3608 = arith.constant 96 : i32
      %add3A_3609 = arith.addi %add3A_3607, %add3A_3608 : i32
      %add3A_3610 = vector.broadcast %add3A_3609 : i32 to vector<16xi32>
      %add3A_3611 = arith.addi %add3A_3610, %iota3A : vector<16xi32>
      %convert_element_type3A_3612 = arith.sitofp %add3A_3611 : vector<16xi32> to vector<16xf32>
      %mul3A_3613 = arith.constant 0.0384615399 : f32
      %mul3A_3614 = vector.broadcast %mul3A_3613 : f32 to vector<16xf32>
      %mul3A_3615 = arith.mulf %convert_element_type3A_3612, %mul3A_3614 : vector<16xf32>
      %add3A_3616 = arith.constant 1.000000e-03 : f32
      %add3A_3617 = vector.broadcast %add3A_3616 : f32 to vector<16xf32>
      %add3A_3618 = arith.addf %mul3A_3615, %add3A_3617 : vector<16xf32>
      %convert_element_type3A_3619 = arith.fptosi %add3A_3618 : vector<16xf32> to vector<16xi32>
      %mul3A_3620 = arith.constant 26 : i32
      %mul3A_3621 = vector.broadcast %mul3A_3620 : i32 to vector<16xi32>
      %mul3A_3622 = arith.muli %convert_element_type3A_3619, %mul3A_3621 : vector<16xi32>
      %sub3A_3623 = arith.subi %add3A_3611, %mul3A_3622 : vector<16xi32>
      %mul3A_3624 = arith.constant 32 : i32
      %mul3A_3625 = vector.broadcast %mul3A_3624 : i32 to vector<16xi32>
      %mul3A_3626 = arith.muli %convert_element_type3A_3619, %mul3A_3625 : vector<16xi32>
      %add3A_3627 = arith.addi %mul3A_3626, %sub3A_3623 : vector<16xi32>
      %mul3A_3628 = arith.constant 4 : i32
      %mul3A_3629 = vector.broadcast %mul3A_3628 : i32 to vector<16xi32>
      %mul3A_3630 = arith.muli %mul3A_3629, %add3A_3627 : vector<16xi32>
      %swap3A_3631 = arith.index_cast %scan3A_2503 : i32 to index
      %swap3A_3632 = arith.constant 96 : index
      %swap3A_3633 = tpu.vector_load %arg9[%swap3A_3631, %swap3A_3632] {strides = array<i32>} : memref<26x128xi32, #tpu.memory_space<vmem>>, vector<1x16xi32>,
      %swap3A_3634 = vector.shape_cast %swap3A_3633 : vector<1x16xi32> to vector<16xi32>
      %swap3A_3635 = vector.shape_cast %mul3A_3630 : vector<16xi32> to vector<1x16xi32>
      tpu.vector_store %arg9[%swap3A_3631, %swap3A_3632], %swap3A_3635 {strides = array<i32>} : memref<26x128xi32, #tpu.memory_space<vmem>>, vector<1x16xi32>,
      %add3A_3636 = arith.constant 1 : i32
      %add3A_3637 = vector.broadcast %add3A_3636 : i32 to vector<16xi32>
      %add3A_3638 = arith.addi %mul3A_3630, %add3A_3637 : vector<16xi32>
      %swap3A_3639 = arith.index_cast %scan3A_2503 : i32 to index
      %swap3A_3640 = arith.constant 96 : index
      %swap3A_3641 = tpu.vector_load %arg10[%swap3A_3639, %swap3A_3640] {strides = array<i32>} : memref<26x128xi32, #tpu.memory_space<vmem>>, vector<1x16xi32>,
      %swap3A_3642 = vector.shape_cast %swap3A_3641 : vector<1x16xi32> to vector<16xi32>
      %swap3A_3643 = vector.shape_cast %add3A_3638 : vector<16xi32> to vector<1x16xi32>
      tpu.vector_store %arg10[%swap3A_3639, %swap3A_3640], %swap3A_3643 {strides = array<i32>} : memref<26x128xi32, #tpu.memory_space<vmem>>, vector<1x16xi32>,
      %mul3A_3644 = arith.constant 128 : i32
      %mul3A_3645 = arith.muli %scan3A_2503, %mul3A_3644 : i32
      %add3A_3646 = arith.constant 112 : i32
      %add3A_3647 = arith.addi %mul3A_3645, %add3A_3646 : i32
      %get3A_3648 = arith.index_cast %add3A_3647 : i32 to index
      %get3A_3649 = tpu.vector_load %arg6[%get3A_3648] {strides = array<i32>} : memref<3328xi32, #tpu.memory_space<vmem>>, vector<16xi32>,
      %get3A_3650 = vector.shape_cast %get3A_3649 : vector<16xi32> to vector<16xi32>
      %xor3A_3651 = arith.constant 42 : i32
      %xor3A_3652 = vector.broadcast %xor3A_3651 : i32 to vector<16xi32>
      %xor3A_3653 = arith.xori %get3A_3650, %xor3A_3652 : vector<16xi32>
      %mul3A_3654 = arith.constant -1640531535 : i32
      %mul3A_3655 = vector.broadcast %mul3A_3654 : i32 to vector<16xi32>
      %mul3A_3656 = arith.muli %xor3A_3653, %mul3A_3655 : vector<16xi32>
      %shift_right_logical3A_3657 = arith.constant 16 : i32
      %shift_right_logical3A_3658 = vector.broadcast %shift_right_logical3A_3657 : i32 to vector<16xi32>
      %shift_right_logical3A_3659 = arith.shrui %mul3A_3656, %shift_right_logical3A_3658 : vector<16xi32>
      %xor3A_3660 = arith.xori %mul3A_3656, %shift_right_logical3A_3659 : vector<16xi32>
      %mul3A_3661 = arith.constant -2048144777 : i32
      %mul3A_3662 = vector.broadcast %mul3A_3661 : i32 to vector<16xi32>
      %mul3A_3663 = arith.muli %xor3A_3660, %mul3A_3662 : vector<16xi32>
      %shift_right_logical3A_3664 = arith.constant 13 : i32
      %shift_right_logical3A_3665 = vector.broadcast %shift_right_logical3A_3664 : i32 to vector<16xi32>
      %shift_right_logical3A_3666 = arith.shrui %mul3A_3663, %shift_right_logical3A_3665 : vector<16xi32>
      %xor3A_3667 = arith.xori %mul3A_3663, %shift_right_logical3A_3666 : vector<16xi32>
      %convert_element_type3A_3668 = arith.uitofp %xor3A_3667 : vector<16xi32> to vector<16xf32>
      %mul3A_3669 = arith.constant 9.99999997E-7 : f32
      %mul3A_3670 = vector.broadcast %mul3A_3669 : f32 to vector<16xf32>
      %mul3A_3671 = arith.mulf %convert_element_type3A_3668, %mul3A_3670 : vector<16xf32>
      %convert_element_type3A_3672 = arith.fptoui %mul3A_3671 : vector<16xf32> to vector<16xi32>
      %mul3A_3673 = arith.constant 1000000 : i32
      %mul3A_3674 = vector.broadcast %mul3A_3673 : i32 to vector<16xi32>
      %mul3A_3675 = arith.muli %convert_element_type3A_3672, %mul3A_3674 : vector<16xi32>
      %sub3A_3676 = arith.subi %xor3A_3667, %mul3A_3675 : vector<16xi32>
      %lt3A_3677 = arith.constant 0 : i32
      %lt3A_3678 = vector.broadcast %lt3A_3677 : i32 to vector<16xi32>
      %lt3A_3679 = arith.cmpi slt, %sub3A_3676, %lt3A_3678 : vector<16xi32>
      %add3A_3680 = arith.constant 1000000 : i32
      %add3A_3681 = vector.broadcast %add3A_3680 : i32 to vector<16xi32>
      %add3A_3682 = arith.addi %sub3A_3676, %add3A_3681 : vector<16xi32>
      %select_n3A_3683 = arith.select %lt3A_3679, %add3A_3682, %sub3A_3676 : vector<16xi1>, vector<16xi32>
      %lt3A_3684 = arith.constant 0 : i32
      %lt3A_3685 = vector.broadcast %lt3A_3684 : i32 to vector<16xi32>
      %lt3A_3686 = arith.cmpi slt, %select_n3A_3683, %lt3A_3685 : vector<16xi32>
      %add3A_3687 = arith.constant 1000000 : i32
      %add3A_3688 = vector.broadcast %add3A_3687 : i32 to vector<16xi32>
      %add3A_3689 = arith.addi %select_n3A_3683, %add3A_3688 : vector<16xi32>
      %select_n3A_3690 = arith.select %lt3A_3686, %add3A_3689, %select_n3A_3683 : vector<16xi1>, vector<16xi32>
      %ge3A_3691 = arith.constant 1000000 : i32
      %ge3A_3692 = vector.broadcast %ge3A_3691 : i32 to vector<16xi32>
      %ge3A_3693 = arith.cmpi sge, %select_n3A_3690, %ge3A_3692 : vector<16xi32>
      %sub3A_3694 = arith.constant 1000000 : i32
      %sub3A_3695 = vector.broadcast %sub3A_3694 : i32 to vector<16xi32>
      %sub3A_3696 = arith.subi %select_n3A_3690, %sub3A_3695 : vector<16xi32>
      %select_n3A_3697 = arith.select %ge3A_3693, %sub3A_3696, %select_n3A_3690 : vector<16xi1>, vector<16xi32>
      %ge3A_3698 = arith.constant 1000000 : i32
      %ge3A_3699 = vector.broadcast %ge3A_3698 : i32 to vector<16xi32>
      %ge3A_3700 = arith.cmpi sge, %select_n3A_3697, %ge3A_3699 : vector<16xi32>
      %sub3A_3701 = arith.constant 1000000 : i32
      %sub3A_3702 = vector.broadcast %sub3A_3701 : i32 to vector<16xi32>
      %sub3A_3703 = arith.subi %select_n3A_3697, %sub3A_3702 : vector<16xi32>
      %select_n3A_3704 = arith.select %ge3A_3700, %sub3A_3703, %select_n3A_3697 : vector<16xi1>, vector<16xi32>
      %swap3A_3705 = arith.index_cast %scan3A_2503 : i32 to index
      %swap3A_3706 = arith.constant 112 : index
      %swap3A_3707 = tpu.vector_load %arg7[%swap3A_3705, %swap3A_3706] {strides = array<i32>} : memref<26x128xi32, #tpu.memory_space<vmem>>, vector<1x16xi32>,
      %swap3A_3708 = vector.shape_cast %swap3A_3707 : vector<1x16xi32> to vector<16xi32>
      %swap3A_3709 = vector.shape_cast %select_n3A_3704 : vector<16xi32> to vector<1x16xi32>
      tpu.vector_store %arg7[%swap3A_3705, %swap3A_3706], %swap3A_3709 {strides = array<i32>} : memref<26x128xi32, #tpu.memory_space<vmem>>, vector<1x16xi32>,
      %xor3A_3710 = arith.constant 43 : i32
      %xor3A_3711 = vector.broadcast %xor3A_3710 : i32 to vector<16xi32>
      %xor3A_3712 = arith.xori %get3A_3650, %xor3A_3711 : vector<16xi32>
      %mul3A_3713 = arith.constant -1640531535 : i32
      %mul3A_3714 = vector.broadcast %mul3A_3713 : i32 to vector<16xi32>
      %mul3A_3715 = arith.muli %xor3A_3712, %mul3A_3714 : vector<16xi32>
      %shift_right_logical3A_3716 = arith.constant 16 : i32
      %shift_right_logical3A_3717 = vector.broadcast %shift_right_logical3A_3716 : i32 to vector<16xi32>
      %shift_right_logical3A_3718 = arith.shrui %mul3A_3715, %shift_right_logical3A_3717 : vector<16xi32>
      %xor3A_3719 = arith.xori %mul3A_3715, %shift_right_logical3A_3718 : vector<16xi32>
      %mul3A_3720 = arith.constant -2048144777 : i32
      %mul3A_3721 = vector.broadcast %mul3A_3720 : i32 to vector<16xi32>
      %mul3A_3722 = arith.muli %xor3A_3719, %mul3A_3721 : vector<16xi32>
      %shift_right_logical3A_3723 = arith.constant 13 : i32
      %shift_right_logical3A_3724 = vector.broadcast %shift_right_logical3A_3723 : i32 to vector<16xi32>
      %shift_right_logical3A_3725 = arith.shrui %mul3A_3722, %shift_right_logical3A_3724 : vector<16xi32>
      %xor3A_3726 = arith.xori %mul3A_3722, %shift_right_logical3A_3725 : vector<16xi32>
      %convert_element_type3A_3727 = arith.uitofp %xor3A_3726 : vector<16xi32> to vector<16xf32>
      %mul3A_3728 = arith.constant 9.99999997E-7 : f32
      %mul3A_3729 = vector.broadcast %mul3A_3728 : f32 to vector<16xf32>
      %mul3A_3730 = arith.mulf %convert_element_type3A_3727, %mul3A_3729 : vector<16xf32>
      %convert_element_type3A_3731 = arith.fptoui %mul3A_3730 : vector<16xf32> to vector<16xi32>
      %mul3A_3732 = arith.constant 1000000 : i32
      %mul3A_3733 = vector.broadcast %mul3A_3732 : i32 to vector<16xi32>
      %mul3A_3734 = arith.muli %convert_element_type3A_3731, %mul3A_3733 : vector<16xi32>
      %sub3A_3735 = arith.subi %xor3A_3726, %mul3A_3734 : vector<16xi32>
      %lt3A_3736 = arith.constant 0 : i32
      %lt3A_3737 = vector.broadcast %lt3A_3736 : i32 to vector<16xi32>
      %lt3A_3738 = arith.cmpi slt, %sub3A_3735, %lt3A_3737 : vector<16xi32>
      %add3A_3739 = arith.constant 1000000 : i32
      %add3A_3740 = vector.broadcast %add3A_3739 : i32 to vector<16xi32>
      %add3A_3741 = arith.addi %sub3A_3735, %add3A_3740 : vector<16xi32>
      %select_n3A_3742 = arith.select %lt3A_3738, %add3A_3741, %sub3A_3735 : vector<16xi1>, vector<16xi32>
      %lt3A_3743 = arith.constant 0 : i32
      %lt3A_3744 = vector.broadcast %lt3A_3743 : i32 to vector<16xi32>
      %lt3A_3745 = arith.cmpi slt, %select_n3A_3742, %lt3A_3744 : vector<16xi32>
      %add3A_3746 = arith.constant 1000000 : i32
      %add3A_3747 = vector.broadcast %add3A_3746 : i32 to vector<16xi32>
      %add3A_3748 = arith.addi %select_n3A_3742, %add3A_3747 : vector<16xi32>
      %select_n3A_3749 = arith.select %lt3A_3745, %add3A_3748, %select_n3A_3742 : vector<16xi1>, vector<16xi32>
      %ge3A_3750 = arith.constant 1000000 : i32
      %ge3A_3751 = vector.broadcast %ge3A_3750 : i32 to vector<16xi32>
      %ge3A_3752 = arith.cmpi sge, %select_n3A_3749, %ge3A_3751 : vector<16xi32>
      %sub3A_3753 = arith.constant 1000000 : i32
      %sub3A_3754 = vector.broadcast %sub3A_3753 : i32 to vector<16xi32>
      %sub3A_3755 = arith.subi %select_n3A_3749, %sub3A_3754 : vector<16xi32>
      %select_n3A_3756 = arith.select %ge3A_3752, %sub3A_3755, %select_n3A_3749 : vector<16xi1>, vector<16xi32>
      %ge3A_3757 = arith.constant 1000000 : i32
      %ge3A_3758 = vector.broadcast %ge3A_3757 : i32 to vector<16xi32>
      %ge3A_3759 = arith.cmpi sge, %select_n3A_3756, %ge3A_3758 : vector<16xi32>
      %sub3A_3760 = arith.constant 1000000 : i32
      %sub3A_3761 = vector.broadcast %sub3A_3760 : i32 to vector<16xi32>
      %sub3A_3762 = arith.subi %select_n3A_3756, %sub3A_3761 : vector<16xi32>
      %select_n3A_3763 = arith.select %ge3A_3759, %sub3A_3762, %select_n3A_3756 : vector<16xi1>, vector<16xi32>
      %swap3A_3764 = arith.index_cast %scan3A_2503 : i32 to index
      %swap3A_3765 = arith.constant 112 : index
      %swap3A_3766 = tpu.vector_load %arg8[%swap3A_3764, %swap3A_3765] {strides = array<i32>} : memref<26x128xi32, #tpu.memory_space<vmem>>, vector<1x16xi32>,
      %swap3A_3767 = vector.shape_cast %swap3A_3766 : vector<1x16xi32> to vector<16xi32>
      %swap3A_3768 = vector.shape_cast %select_n3A_3763 : vector<16xi32> to vector<1x16xi32>
      tpu.vector_store %arg8[%swap3A_3764, %swap3A_3765], %swap3A_3768 {strides = array<i32>} : memref<26x128xi32, #tpu.memory_space<vmem>>, vector<1x16xi32>,
      %mul3A_3769 = arith.constant 128 : i32
      %mul3A_3770 = arith.muli %scan3A_2503, %mul3A_3769 : i32
      %add3A_3771 = arith.addi %mul3A_2, %mul3A_3770 : i32
      %add3A_3772 = arith.constant 112 : i32
      %add3A_3773 = arith.addi %add3A_3771, %add3A_3772 : i32
      %add3A_3774 = vector.broadcast %add3A_3773 : i32 to vector<16xi32>
      %add3A_3775 = arith.addi %add3A_3774, %iota3A : vector<16xi32>
      %convert_element_type3A_3776 = arith.sitofp %add3A_3775 : vector<16xi32> to vector<16xf32>
      %mul3A_3777 = arith.constant 0.0384615399 : f32
      %mul3A_3778 = vector.broadcast %mul3A_3777 : f32 to vector<16xf32>
      %mul3A_3779 = arith.mulf %convert_element_type3A_3776, %mul3A_3778 : vector<16xf32>
      %add3A_3780 = arith.constant 1.000000e-03 : f32
      %add3A_3781 = vector.broadcast %add3A_3780 : f32 to vector<16xf32>
      %add3A_3782 = arith.addf %mul3A_3779, %add3A_3781 : vector<16xf32>
      %convert_element_type3A_3783 = arith.fptosi %add3A_3782 : vector<16xf32> to vector<16xi32>
      %mul3A_3784 = arith.constant 26 : i32
      %mul3A_3785 = vector.broadcast %mul3A_3784 : i32 to vector<16xi32>
      %mul3A_3786 = arith.muli %convert_element_type3A_3783, %mul3A_3785 : vector<16xi32>
      %sub3A_3787 = arith.subi %add3A_3775, %mul3A_3786 : vector<16xi32>
      %mul3A_3788 = arith.constant 32 : i32
      %mul3A_3789 = vector.broadcast %mul3A_3788 : i32 to vector<16xi32>
      %mul3A_3790 = arith.muli %convert_element_type3A_3783, %mul3A_3789 : vector<16xi32>
      %add3A_3791 = arith.addi %mul3A_3790, %sub3A_3787 : vector<16xi32>
      %mul3A_3792 = arith.constant 4 : i32
      %mul3A_3793 = vector.broadcast %mul3A_3792 : i32 to vector<16xi32>
      %mul3A_3794 = arith.muli %mul3A_3793, %add3A_3791 : vector<16xi32>
      %swap3A_3795 = arith.index_cast %scan3A_2503 : i32 to index
      %swap3A_3796 = arith.constant 112 : index
      %swap3A_3797 = tpu.vector_load %arg9[%swap3A_3795, %swap3A_3796] {strides = array<i32>} : memref<26x128xi32, #tpu.memory_space<vmem>>, vector<1x16xi32>,
      %swap3A_3798 = vector.shape_cast %swap3A_3797 : vector<1x16xi32> to vector<16xi32>
      %swap3A_3799 = vector.shape_cast %mul3A_3794 : vector<16xi32> to vector<1x16xi32>
      tpu.vector_store %arg9[%swap3A_3795, %swap3A_3796], %swap3A_3799 {strides = array<i32>} : memref<26x128xi32, #tpu.memory_space<vmem>>, vector<1x16xi32>,
      %add3A_3800 = arith.constant 1 : i32
      %add3A_3801 = vector.broadcast %add3A_3800 : i32 to vector<16xi32>
      %add3A_3802 = arith.addi %mul3A_3794, %add3A_3801 : vector<16xi32>
      %swap3A_3803 = arith.index_cast %scan3A_2503 : i32 to index
      %swap3A_3804 = arith.constant 112 : index
      %swap3A_3805 = tpu.vector_load %arg10[%swap3A_3803, %swap3A_3804] {strides = array<i32>} : memref<26x128xi32, #tpu.memory_space<vmem>>, vector<1x16xi32>,
      %swap3A_3806 = vector.shape_cast %swap3A_3805 : vector<1x16xi32> to vector<16xi32>
      %swap3A_3807 = vector.shape_cast %add3A_3802 : vector<16xi32> to vector<1x16xi32>
      tpu.vector_store %arg10[%swap3A_3803, %swap3A_3804], %swap3A_3807 {strides = array<i32>} : memref<26x128xi32, #tpu.memory_space<vmem>>, vector<1x16xi32>,
      %scan3A_3808 = arith.constant 0 : i32
      scf.yield %scan3A_3808 : i32
    }
    %scan3A_8 = arith.constant 26 : i32
    %dma_start3A = arith.constant 0 : i32
    %dma_start3A_9 = arith.constant 0 : i32
    %dma_start3A_10 = arith.constant 0 : i32
    %dma_start3A_11 = arith.constant 0 : i32
    %dma_start3A_12 = tpu.memref_slice %arg11[%dma_start3A_9, %dma_start3A_10, %dma_start3A_11] : memref<13x128x32xf32, #tpu.memory_space<vmem>> -> memref<1x128x32xf32, #tpu.memory_space<vmem>>
    %dma_start3A_13 = tpu.memref_squeeze %dma_start3A_12 : memref<1x128x32xf32, #tpu.memory_space<vmem>> -> memref<128x32xf32, #tpu.memory_space<vmem>>
    %dma_start3A_14 = arith.constant 0 : i32
    %dma_start3A_15 = tpu.memref_slice %arg7[%dma_start3A, %dma_start3A_14] : memref<26x128xi32, #tpu.memory_space<vmem>> -> memref<1x128xi32, #tpu.memory_space<vmem>>
    %dma_start3A_16 = tpu.memref_squeeze %dma_start3A_15 : memref<1x128xi32, #tpu.memory_space<vmem>> -> memref<128xi32, #tpu.memory_space<vmem>>
    %dma_start3A_17 = arith.constant 0 : i32
    %dma_start3A_18 = arith.constant 0 : i32
    %dma_start3A_19 = tpu.memref_slice %arg3[%dma_start3A_17, %dma_start3A_18] : memref<1000000x32xf32, #tpu.memory_space<hbm>> -> memref<1000000x32xf32, #tpu.memory_space<hbm>>
    tpu.enqueue_indirect_dma source(%dma_start3A_19 : memref<1000000x32xf32, #tpu.memory_space<hbm>>) target(%dma_start3A_13 : memref<128x32xf32, #tpu.memory_space<vmem>>) offsets(%dma_start3A_16 : memref<128xi32, #tpu.memory_space<vmem>>) semaphore(%arg13 : memref<!tpu.dma_semaphore, #tpu.memory_space<semaphore_mem>>)
    %dma_start3A_20 = arith.constant 0 : i32
    %dma_start3A_21 = arith.constant 0 : i32
    %dma_start3A_22 = arith.constant 0 : i32
    %dma_start3A_23 = arith.constant 0 : i32
    %dma_start3A_24 = tpu.memref_slice %arg12[%dma_start3A_21, %dma_start3A_22, %dma_start3A_23] : memref<13x128x32xf32, #tpu.memory_space<vmem>> -> memref<1x128x32xf32, #tpu.memory_space<vmem>>
    %dma_start3A_25 = tpu.memref_squeeze %dma_start3A_24 : memref<1x128x32xf32, #tpu.memory_space<vmem>> -> memref<128x32xf32, #tpu.memory_space<vmem>>
    %dma_start3A_26 = arith.constant 0 : i32
    %dma_start3A_27 = tpu.memref_slice %arg8[%dma_start3A_20, %dma_start3A_26] : memref<26x128xi32, #tpu.memory_space<vmem>> -> memref<1x128xi32, #tpu.memory_space<vmem>>
    %dma_start3A_28 = tpu.memref_squeeze %dma_start3A_27 : memref<1x128xi32, #tpu.memory_space<vmem>> -> memref<128xi32, #tpu.memory_space<vmem>>
    %dma_start3A_29 = arith.constant 0 : i32
    %dma_start3A_30 = arith.constant 0 : i32
    %dma_start3A_31 = tpu.memref_slice %arg4[%dma_start3A_29, %dma_start3A_30] : memref<1000000x32xf32, #tpu.memory_space<hbm>> -> memref<1000000x32xf32, #tpu.memory_space<hbm>>
    tpu.enqueue_indirect_dma source(%dma_start3A_31 : memref<1000000x32xf32, #tpu.memory_space<hbm>>) target(%dma_start3A_25 : memref<128x32xf32, #tpu.memory_space<vmem>>) offsets(%dma_start3A_28 : memref<128xi32, #tpu.memory_space<vmem>>) semaphore(%arg13 : memref<!tpu.dma_semaphore, #tpu.memory_space<semaphore_mem>>)
    %dma_start3A_32 = arith.constant 1 : i32
    %dma_start3A_33 = arith.constant 1 : i32
    %dma_start3A_34 = arith.constant 0 : i32
    %dma_start3A_35 = arith.constant 0 : i32
    %dma_start3A_36 = tpu.memref_slice %arg11[%dma_start3A_33, %dma_start3A_34, %dma_start3A_35] : memref<13x128x32xf32, #tpu.memory_space<vmem>> -> memref<1x128x32xf32, #tpu.memory_space<vmem>>
    %dma_start3A_37 = tpu.memref_squeeze %dma_start3A_36 : memref<1x128x32xf32, #tpu.memory_space<vmem>> -> memref<128x32xf32, #tpu.memory_space<vmem>>
    %dma_start3A_38 = arith.constant 0 : i32
    %dma_start3A_39 = tpu.memref_slice %arg7[%dma_start3A_32, %dma_start3A_38] : memref<26x128xi32, #tpu.memory_space<vmem>> -> memref<1x128xi32, #tpu.memory_space<vmem>>
    %dma_start3A_40 = tpu.memref_squeeze %dma_start3A_39 : memref<1x128xi32, #tpu.memory_space<vmem>> -> memref<128xi32, #tpu.memory_space<vmem>>
    %dma_start3A_41 = arith.constant 0 : i32
    %dma_start3A_42 = arith.constant 0 : i32
    %dma_start3A_43 = tpu.memref_slice %arg3[%dma_start3A_41, %dma_start3A_42] : memref<1000000x32xf32, #tpu.memory_space<hbm>> -> memref<1000000x32xf32, #tpu.memory_space<hbm>>
    tpu.enqueue_indirect_dma source(%dma_start3A_43 : memref<1000000x32xf32, #tpu.memory_space<hbm>>) target(%dma_start3A_37 : memref<128x32xf32, #tpu.memory_space<vmem>>) offsets(%dma_start3A_40 : memref<128xi32, #tpu.memory_space<vmem>>) semaphore(%arg13 : memref<!tpu.dma_semaphore, #tpu.memory_space<semaphore_mem>>)
    %dma_start3A_44 = arith.constant 1 : i32
    %dma_start3A_45 = arith.constant 1 : i32
    %dma_start3A_46 = arith.constant 0 : i32
    %dma_start3A_47 = arith.constant 0 : i32
    %dma_start3A_48 = tpu.memref_slice %arg12[%dma_start3A_45, %dma_start3A_46, %dma_start3A_47] : memref<13x128x32xf32, #tpu.memory_space<vmem>> -> memref<1x128x32xf32, #tpu.memory_space<vmem>>
    %dma_start3A_49 = tpu.memref_squeeze %dma_start3A_48 : memref<1x128x32xf32, #tpu.memory_space<vmem>> -> memref<128x32xf32, #tpu.memory_space<vmem>>
    %dma_start3A_50 = arith.constant 0 : i32
    %dma_start3A_51 = tpu.memref_slice %arg8[%dma_start3A_44, %dma_start3A_50] : memref<26x128xi32, #tpu.memory_space<vmem>> -> memref<1x128xi32, #tpu.memory_space<vmem>>
    %dma_start3A_52 = tpu.memref_squeeze %dma_start3A_51 : memref<1x128xi32, #tpu.memory_space<vmem>> -> memref<128xi32, #tpu.memory_space<vmem>>
    %dma_start3A_53 = arith.constant 0 : i32
    %dma_start3A_54 = arith.constant 0 : i32
    %dma_start3A_55 = tpu.memref_slice %arg4[%dma_start3A_53, %dma_start3A_54] : memref<1000000x32xf32, #tpu.memory_space<hbm>> -> memref<1000000x32xf32, #tpu.memory_space<hbm>>
    tpu.enqueue_indirect_dma source(%dma_start3A_55 : memref<1000000x32xf32, #tpu.memory_space<hbm>>) target(%dma_start3A_49 : memref<128x32xf32, #tpu.memory_space<vmem>>) offsets(%dma_start3A_52 : memref<128xi32, #tpu.memory_space<vmem>>) semaphore(%arg13 : memref<!tpu.dma_semaphore, #tpu.memory_space<semaphore_mem>>)
    %dma_start3A_56 = arith.constant 2 : i32
    %dma_start3A_57 = arith.constant 2 : i32
    %dma_start3A_58 = arith.constant 0 : i32
    %dma_start3A_59 = arith.constant 0 : i32
    %dma_start3A_60 = tpu.memref_slice %arg11[%dma_start3A_57, %dma_start3A_58, %dma_start3A_59] : memref<13x128x32xf32, #tpu.memory_space<vmem>> -> memref<1x128x32xf32, #tpu.memory_space<vmem>>
    %dma_start3A_61 = tpu.memref_squeeze %dma_start3A_60 : memref<1x128x32xf32, #tpu.memory_space<vmem>> -> memref<128x32xf32, #tpu.memory_space<vmem>>
    %dma_start3A_62 = arith.constant 0 : i32
    %dma_start3A_63 = tpu.memref_slice %arg7[%dma_start3A_56, %dma_start3A_62] : memref<26x128xi32, #tpu.memory_space<vmem>> -> memref<1x128xi32, #tpu.memory_space<vmem>>
    %dma_start3A_64 = tpu.memref_squeeze %dma_start3A_63 : memref<1x128xi32, #tpu.memory_space<vmem>> -> memref<128xi32, #tpu.memory_space<vmem>>
    %dma_start3A_65 = arith.constant 0 : i32
    %dma_start3A_66 = arith.constant 0 : i32
    %dma_start3A_67 = tpu.memref_slice %arg3[%dma_start3A_65, %dma_start3A_66] : memref<1000000x32xf32, #tpu.memory_space<hbm>> -> memref<1000000x32xf32, #tpu.memory_space<hbm>>
    tpu.enqueue_indirect_dma source(%dma_start3A_67 : memref<1000000x32xf32, #tpu.memory_space<hbm>>) target(%dma_start3A_61 : memref<128x32xf32, #tpu.memory_space<vmem>>) offsets(%dma_start3A_64 : memref<128xi32, #tpu.memory_space<vmem>>) semaphore(%arg13 : memref<!tpu.dma_semaphore, #tpu.memory_space<semaphore_mem>>)
    %dma_start3A_68 = arith.constant 2 : i32
    %dma_start3A_69 = arith.constant 2 : i32
    %dma_start3A_70 = arith.constant 0 : i32
    %dma_start3A_71 = arith.constant 0 : i32
    %dma_start3A_72 = tpu.memref_slice %arg12[%dma_start3A_69, %dma_start3A_70, %dma_start3A_71] : memref<13x128x32xf32, #tpu.memory_space<vmem>> -> memref<1x128x32xf32, #tpu.memory_space<vmem>>
    %dma_start3A_73 = tpu.memref_squeeze %dma_start3A_72 : memref<1x128x32xf32, #tpu.memory_space<vmem>> -> memref<128x32xf32, #tpu.memory_space<vmem>>
    %dma_start3A_74 = arith.constant 0 : i32
    %dma_start3A_75 = tpu.memref_slice %arg8[%dma_start3A_68, %dma_start3A_74] : memref<26x128xi32, #tpu.memory_space<vmem>> -> memref<1x128xi32, #tpu.memory_space<vmem>>
    %dma_start3A_76 = tpu.memref_squeeze %dma_start3A_75 : memref<1x128xi32, #tpu.memory_space<vmem>> -> memref<128xi32, #tpu.memory_space<vmem>>
    %dma_start3A_77 = arith.constant 0 : i32
    %dma_start3A_78 = arith.constant 0 : i32
    %dma_start3A_79 = tpu.memref_slice %arg4[%dma_start3A_77, %dma_start3A_78] : memref<1000000x32xf32, #tpu.memory_space<hbm>> -> memref<1000000x32xf32, #tpu.memory_space<hbm>>
    tpu.enqueue_indirect_dma source(%dma_start3A_79 : memref<1000000x32xf32, #tpu.memory_space<hbm>>) target(%dma_start3A_73 : memref<128x32xf32, #tpu.memory_space<vmem>>) offsets(%dma_start3A_76 : memref<128xi32, #tpu.memory_space<vmem>>) semaphore(%arg13 : memref<!tpu.dma_semaphore, #tpu.memory_space<semaphore_mem>>)
    %dma_start3A_80 = arith.constant 3 : i32
    %dma_start3A_81 = arith.constant 3 : i32
    %dma_start3A_82 = arith.constant 0 : i32
    %dma_start3A_83 = arith.constant 0 : i32
    %dma_start3A_84 = tpu.memref_slice %arg11[%dma_start3A_81, %dma_start3A_82, %dma_start3A_83] : memref<13x128x32xf32, #tpu.memory_space<vmem>> -> memref<1x128x32xf32, #tpu.memory_space<vmem>>
    %dma_start3A_85 = tpu.memref_squeeze %dma_start3A_84 : memref<1x128x32xf32, #tpu.memory_space<vmem>> -> memref<128x32xf32, #tpu.memory_space<vmem>>
    %dma_start3A_86 = arith.constant 0 : i32
    %dma_start3A_87 = tpu.memref_slice %arg7[%dma_start3A_80, %dma_start3A_86] : memref<26x128xi32, #tpu.memory_space<vmem>> -> memref<1x128xi32, #tpu.memory_space<vmem>>
    %dma_start3A_88 = tpu.memref_squeeze %dma_start3A_87 : memref<1x128xi32, #tpu.memory_space<vmem>> -> memref<128xi32, #tpu.memory_space<vmem>>
    %dma_start3A_89 = arith.constant 0 : i32
    %dma_start3A_90 = arith.constant 0 : i32
    %dma_start3A_91 = tpu.memref_slice %arg3[%dma_start3A_89, %dma_start3A_90] : memref<1000000x32xf32, #tpu.memory_space<hbm>> -> memref<1000000x32xf32, #tpu.memory_space<hbm>>
    tpu.enqueue_indirect_dma source(%dma_start3A_91 : memref<1000000x32xf32, #tpu.memory_space<hbm>>) target(%dma_start3A_85 : memref<128x32xf32, #tpu.memory_space<vmem>>) offsets(%dma_start3A_88 : memref<128xi32, #tpu.memory_space<vmem>>) semaphore(%arg13 : memref<!tpu.dma_semaphore, #tpu.memory_space<semaphore_mem>>)
    %dma_start3A_92 = arith.constant 3 : i32
    %dma_start3A_93 = arith.constant 3 : i32
    %dma_start3A_94 = arith.constant 0 : i32
    %dma_start3A_95 = arith.constant 0 : i32
    %dma_start3A_96 = tpu.memref_slice %arg12[%dma_start3A_93, %dma_start3A_94, %dma_start3A_95] : memref<13x128x32xf32, #tpu.memory_space<vmem>> -> memref<1x128x32xf32, #tpu.memory_space<vmem>>
    %dma_start3A_97 = tpu.memref_squeeze %dma_start3A_96 : memref<1x128x32xf32, #tpu.memory_space<vmem>> -> memref<128x32xf32, #tpu.memory_space<vmem>>
    %dma_start3A_98 = arith.constant 0 : i32
    %dma_start3A_99 = tpu.memref_slice %arg8[%dma_start3A_92, %dma_start3A_98] : memref<26x128xi32, #tpu.memory_space<vmem>> -> memref<1x128xi32, #tpu.memory_space<vmem>>
    %dma_start3A_100 = tpu.memref_squeeze %dma_start3A_99 : memref<1x128xi32, #tpu.memory_space<vmem>> -> memref<128xi32, #tpu.memory_space<vmem>>
    %dma_start3A_101 = arith.constant 0 : i32
    %dma_start3A_102 = arith.constant 0 : i32
    %dma_start3A_103 = tpu.memref_slice %arg4[%dma_start3A_101, %dma_start3A_102] : memref<1000000x32xf32, #tpu.memory_space<hbm>> -> memref<1000000x32xf32, #tpu.memory_space<hbm>>
    tpu.enqueue_indirect_dma source(%dma_start3A_103 : memref<1000000x32xf32, #tpu.memory_space<hbm>>) target(%dma_start3A_97 : memref<128x32xf32, #tpu.memory_space<vmem>>) offsets(%dma_start3A_100 : memref<128xi32, #tpu.memory_space<vmem>>) semaphore(%arg13 : memref<!tpu.dma_semaphore, #tpu.memory_space<semaphore_mem>>)
    %dma_start3A_104 = arith.constant 4 : i32
    %dma_start3A_105 = arith.constant 4 : i32
    %dma_start3A_106 = arith.constant 0 : i32
    %dma_start3A_107 = arith.constant 0 : i32
    %dma_start3A_108 = tpu.memref_slice %arg11[%dma_start3A_105, %dma_start3A_106, %dma_start3A_107] : memref<13x128x32xf32, #tpu.memory_space<vmem>> -> memref<1x128x32xf32, #tpu.memory_space<vmem>>
    %dma_start3A_109 = tpu.memref_squeeze %dma_start3A_108 : memref<1x128x32xf32, #tpu.memory_space<vmem>> -> memref<128x32xf32, #tpu.memory_space<vmem>>
    %dma_start3A_110 = arith.constant 0 : i32
    %dma_start3A_111 = tpu.memref_slice %arg7[%dma_start3A_104, %dma_start3A_110] : memref<26x128xi32, #tpu.memory_space<vmem>> -> memref<1x128xi32, #tpu.memory_space<vmem>>
    %dma_start3A_112 = tpu.memref_squeeze %dma_start3A_111 : memref<1x128xi32, #tpu.memory_space<vmem>> -> memref<128xi32, #tpu.memory_space<vmem>>
    %dma_start3A_113 = arith.constant 0 : i32
    %dma_start3A_114 = arith.constant 0 : i32
    %dma_start3A_115 = tpu.memref_slice %arg3[%dma_start3A_113, %dma_start3A_114] : memref<1000000x32xf32, #tpu.memory_space<hbm>> -> memref<1000000x32xf32, #tpu.memory_space<hbm>>
    tpu.enqueue_indirect_dma source(%dma_start3A_115 : memref<1000000x32xf32, #tpu.memory_space<hbm>>) target(%dma_start3A_109 : memref<128x32xf32, #tpu.memory_space<vmem>>) offsets(%dma_start3A_112 : memref<128xi32, #tpu.memory_space<vmem>>) semaphore(%arg13 : memref<!tpu.dma_semaphore, #tpu.memory_space<semaphore_mem>>)
    %dma_start3A_116 = arith.constant 4 : i32
    %dma_start3A_117 = arith.constant 4 : i32
    %dma_start3A_118 = arith.constant 0 : i32
    %dma_start3A_119 = arith.constant 0 : i32
    %dma_start3A_120 = tpu.memref_slice %arg12[%dma_start3A_117, %dma_start3A_118, %dma_start3A_119] : memref<13x128x32xf32, #tpu.memory_space<vmem>> -> memref<1x128x32xf32, #tpu.memory_space<vmem>>
    %dma_start3A_121 = tpu.memref_squeeze %dma_start3A_120 : memref<1x128x32xf32, #tpu.memory_space<vmem>> -> memref<128x32xf32, #tpu.memory_space<vmem>>
    %dma_start3A_122 = arith.constant 0 : i32
    %dma_start3A_123 = tpu.memref_slice %arg8[%dma_start3A_116, %dma_start3A_122] : memref<26x128xi32, #tpu.memory_space<vmem>> -> memref<1x128xi32, #tpu.memory_space<vmem>>
    %dma_start3A_124 = tpu.memref_squeeze %dma_start3A_123 : memref<1x128xi32, #tpu.memory_space<vmem>> -> memref<128xi32, #tpu.memory_space<vmem>>
    %dma_start3A_125 = arith.constant 0 : i32
    %dma_start3A_126 = arith.constant 0 : i32
    %dma_start3A_127 = tpu.memref_slice %arg4[%dma_start3A_125, %dma_start3A_126] : memref<1000000x32xf32, #tpu.memory_space<hbm>> -> memref<1000000x32xf32, #tpu.memory_space<hbm>>
    tpu.enqueue_indirect_dma source(%dma_start3A_127 : memref<1000000x32xf32, #tpu.memory_space<hbm>>) target(%dma_start3A_121 : memref<128x32xf32, #tpu.memory_space<vmem>>) offsets(%dma_start3A_124 : memref<128xi32, #tpu.memory_space<vmem>>) semaphore(%arg13 : memref<!tpu.dma_semaphore, #tpu.memory_space<semaphore_mem>>)
    %dma_start3A_128 = arith.constant 5 : i32
    %dma_start3A_129 = arith.constant 5 : i32
    %dma_start3A_130 = arith.constant 0 : i32
    %dma_start3A_131 = arith.constant 0 : i32
    %dma_start3A_132 = tpu.memref_slice %arg11[%dma_start3A_129, %dma_start3A_130, %dma_start3A_131] : memref<13x128x32xf32, #tpu.memory_space<vmem>> -> memref<1x128x32xf32, #tpu.memory_space<vmem>>
    %dma_start3A_133 = tpu.memref_squeeze %dma_start3A_132 : memref<1x128x32xf32, #tpu.memory_space<vmem>> -> memref<128x32xf32, #tpu.memory_space<vmem>>
    %dma_start3A_134 = arith.constant 0 : i32
    %dma_start3A_135 = tpu.memref_slice %arg7[%dma_start3A_128, %dma_start3A_134] : memref<26x128xi32, #tpu.memory_space<vmem>> -> memref<1x128xi32, #tpu.memory_space<vmem>>
    %dma_start3A_136 = tpu.memref_squeeze %dma_start3A_135 : memref<1x128xi32, #tpu.memory_space<vmem>> -> memref<128xi32, #tpu.memory_space<vmem>>
    %dma_start3A_137 = arith.constant 0 : i32
    %dma_start3A_138 = arith.constant 0 : i32
    %dma_start3A_139 = tpu.memref_slice %arg3[%dma_start3A_137, %dma_start3A_138] : memref<1000000x32xf32, #tpu.memory_space<hbm>> -> memref<1000000x32xf32, #tpu.memory_space<hbm>>
    tpu.enqueue_indirect_dma source(%dma_start3A_139 : memref<1000000x32xf32, #tpu.memory_space<hbm>>) target(%dma_start3A_133 : memref<128x32xf32, #tpu.memory_space<vmem>>) offsets(%dma_start3A_136 : memref<128xi32, #tpu.memory_space<vmem>>) semaphore(%arg13 : memref<!tpu.dma_semaphore, #tpu.memory_space<semaphore_mem>>)
    %dma_start3A_140 = arith.constant 5 : i32
    %dma_start3A_141 = arith.constant 5 : i32
    %dma_start3A_142 = arith.constant 0 : i32
    %dma_start3A_143 = arith.constant 0 : i32
    %dma_start3A_144 = tpu.memref_slice %arg12[%dma_start3A_141, %dma_start3A_142, %dma_start3A_143] : memref<13x128x32xf32, #tpu.memory_space<vmem>> -> memref<1x128x32xf32, #tpu.memory_space<vmem>>
    %dma_start3A_145 = tpu.memref_squeeze %dma_start3A_144 : memref<1x128x32xf32, #tpu.memory_space<vmem>> -> memref<128x32xf32, #tpu.memory_space<vmem>>
    %dma_start3A_146 = arith.constant 0 : i32
    %dma_start3A_147 = tpu.memref_slice %arg8[%dma_start3A_140, %dma_start3A_146] : memref<26x128xi32, #tpu.memory_space<vmem>> -> memref<1x128xi32, #tpu.memory_space<vmem>>
    %dma_start3A_148 = tpu.memref_squeeze %dma_start3A_147 : memref<1x128xi32, #tpu.memory_space<vmem>> -> memref<128xi32, #tpu.memory_space<vmem>>
    %dma_start3A_149 = arith.constant 0 : i32
    %dma_start3A_150 = arith.constant 0 : i32
    %dma_start3A_151 = tpu.memref_slice %arg4[%dma_start3A_149, %dma_start3A_150] : memref<1000000x32xf32, #tpu.memory_space<hbm>> -> memref<1000000x32xf32, #tpu.memory_space<hbm>>
    tpu.enqueue_indirect_dma source(%dma_start3A_151 : memref<1000000x32xf32, #tpu.memory_space<hbm>>) target(%dma_start3A_145 : memref<128x32xf32, #tpu.memory_space<vmem>>) offsets(%dma_start3A_148 : memref<128xi32, #tpu.memory_space<vmem>>) semaphore(%arg13 : memref<!tpu.dma_semaphore, #tpu.memory_space<semaphore_mem>>)
    %dma_start3A_152 = arith.constant 6 : i32
    %dma_start3A_153 = arith.constant 6 : i32
    %dma_start3A_154 = arith.constant 0 : i32
    %dma_start3A_155 = arith.constant 0 : i32
    %dma_start3A_156 = tpu.memref_slice %arg11[%dma_start3A_153, %dma_start3A_154, %dma_start3A_155] : memref<13x128x32xf32, #tpu.memory_space<vmem>> -> memref<1x128x32xf32, #tpu.memory_space<vmem>>
    %dma_start3A_157 = tpu.memref_squeeze %dma_start3A_156 : memref<1x128x32xf32, #tpu.memory_space<vmem>> -> memref<128x32xf32, #tpu.memory_space<vmem>>
    %dma_start3A_158 = arith.constant 0 : i32
    %dma_start3A_159 = tpu.memref_slice %arg7[%dma_start3A_152, %dma_start3A_158] : memref<26x128xi32, #tpu.memory_space<vmem>> -> memref<1x128xi32, #tpu.memory_space<vmem>>
    %dma_start3A_160 = tpu.memref_squeeze %dma_start3A_159 : memref<1x128xi32, #tpu.memory_space<vmem>> -> memref<128xi32, #tpu.memory_space<vmem>>
    %dma_start3A_161 = arith.constant 0 : i32
    %dma_start3A_162 = arith.constant 0 : i32
    %dma_start3A_163 = tpu.memref_slice %arg3[%dma_start3A_161, %dma_start3A_162] : memref<1000000x32xf32, #tpu.memory_space<hbm>> -> memref<1000000x32xf32, #tpu.memory_space<hbm>>
    tpu.enqueue_indirect_dma source(%dma_start3A_163 : memref<1000000x32xf32, #tpu.memory_space<hbm>>) target(%dma_start3A_157 : memref<128x32xf32, #tpu.memory_space<vmem>>) offsets(%dma_start3A_160 : memref<128xi32, #tpu.memory_space<vmem>>) semaphore(%arg13 : memref<!tpu.dma_semaphore, #tpu.memory_space<semaphore_mem>>)
    %dma_start3A_164 = arith.constant 6 : i32
    %dma_start3A_165 = arith.constant 6 : i32
    %dma_start3A_166 = arith.constant 0 : i32
    %dma_start3A_167 = arith.constant 0 : i32
    %dma_start3A_168 = tpu.memref_slice %arg12[%dma_start3A_165, %dma_start3A_166, %dma_start3A_167] : memref<13x128x32xf32, #tpu.memory_space<vmem>> -> memref<1x128x32xf32, #tpu.memory_space<vmem>>
    %dma_start3A_169 = tpu.memref_squeeze %dma_start3A_168 : memref<1x128x32xf32, #tpu.memory_space<vmem>> -> memref<128x32xf32, #tpu.memory_space<vmem>>
    %dma_start3A_170 = arith.constant 0 : i32
    %dma_start3A_171 = tpu.memref_slice %arg8[%dma_start3A_164, %dma_start3A_170] : memref<26x128xi32, #tpu.memory_space<vmem>> -> memref<1x128xi32, #tpu.memory_space<vmem>>
    %dma_start3A_172 = tpu.memref_squeeze %dma_start3A_171 : memref<1x128xi32, #tpu.memory_space<vmem>> -> memref<128xi32, #tpu.memory_space<vmem>>
    %dma_start3A_173 = arith.constant 0 : i32
    %dma_start3A_174 = arith.constant 0 : i32
    %dma_start3A_175 = tpu.memref_slice %arg4[%dma_start3A_173, %dma_start3A_174] : memref<1000000x32xf32, #tpu.memory_space<hbm>> -> memref<1000000x32xf32, #tpu.memory_space<hbm>>
    tpu.enqueue_indirect_dma source(%dma_start3A_175 : memref<1000000x32xf32, #tpu.memory_space<hbm>>) target(%dma_start3A_169 : memref<128x32xf32, #tpu.memory_space<vmem>>) offsets(%dma_start3A_172 : memref<128xi32, #tpu.memory_space<vmem>>) semaphore(%arg13 : memref<!tpu.dma_semaphore, #tpu.memory_space<semaphore_mem>>)
    %dma_start3A_176 = arith.constant 7 : i32
    %dma_start3A_177 = arith.constant 7 : i32
    %dma_start3A_178 = arith.constant 0 : i32
    %dma_start3A_179 = arith.constant 0 : i32
    %dma_start3A_180 = tpu.memref_slice %arg11[%dma_start3A_177, %dma_start3A_178, %dma_start3A_179] : memref<13x128x32xf32, #tpu.memory_space<vmem>> -> memref<1x128x32xf32, #tpu.memory_space<vmem>>
    %dma_start3A_181 = tpu.memref_squeeze %dma_start3A_180 : memref<1x128x32xf32, #tpu.memory_space<vmem>> -> memref<128x32xf32, #tpu.memory_space<vmem>>
    %dma_start3A_182 = arith.constant 0 : i32
    %dma_start3A_183 = tpu.memref_slice %arg7[%dma_start3A_176, %dma_start3A_182] : memref<26x128xi32, #tpu.memory_space<vmem>> -> memref<1x128xi32, #tpu.memory_space<vmem>>
    %dma_start3A_184 = tpu.memref_squeeze %dma_start3A_183 : memref<1x128xi32, #tpu.memory_space<vmem>> -> memref<128xi32, #tpu.memory_space<vmem>>
    %dma_start3A_185 = arith.constant 0 : i32
    %dma_start3A_186 = arith.constant 0 : i32
    %dma_start3A_187 = tpu.memref_slice %arg3[%dma_start3A_185, %dma_start3A_186] : memref<1000000x32xf32, #tpu.memory_space<hbm>> -> memref<1000000x32xf32, #tpu.memory_space<hbm>>
    tpu.enqueue_indirect_dma source(%dma_start3A_187 : memref<1000000x32xf32, #tpu.memory_space<hbm>>) target(%dma_start3A_181 : memref<128x32xf32, #tpu.memory_space<vmem>>) offsets(%dma_start3A_184 : memref<128xi32, #tpu.memory_space<vmem>>) semaphore(%arg13 : memref<!tpu.dma_semaphore, #tpu.memory_space<semaphore_mem>>)
    %dma_start3A_188 = arith.constant 7 : i32
    %dma_start3A_189 = arith.constant 7 : i32
    %dma_start3A_190 = arith.constant 0 : i32
    %dma_start3A_191 = arith.constant 0 : i32
    %dma_start3A_192 = tpu.memref_slice %arg12[%dma_start3A_189, %dma_start3A_190, %dma_start3A_191] : memref<13x128x32xf32, #tpu.memory_space<vmem>> -> memref<1x128x32xf32, #tpu.memory_space<vmem>>
    %dma_start3A_193 = tpu.memref_squeeze %dma_start3A_192 : memref<1x128x32xf32, #tpu.memory_space<vmem>> -> memref<128x32xf32, #tpu.memory_space<vmem>>
    %dma_start3A_194 = arith.constant 0 : i32
    %dma_start3A_195 = tpu.memref_slice %arg8[%dma_start3A_188, %dma_start3A_194] : memref<26x128xi32, #tpu.memory_space<vmem>> -> memref<1x128xi32, #tpu.memory_space<vmem>>
    %dma_start3A_196 = tpu.memref_squeeze %dma_start3A_195 : memref<1x128xi32, #tpu.memory_space<vmem>> -> memref<128xi32, #tpu.memory_space<vmem>>
    %dma_start3A_197 = arith.constant 0 : i32
    %dma_start3A_198 = arith.constant 0 : i32
    %dma_start3A_199 = tpu.memref_slice %arg4[%dma_start3A_197, %dma_start3A_198] : memref<1000000x32xf32, #tpu.memory_space<hbm>> -> memref<1000000x32xf32, #tpu.memory_space<hbm>>
    tpu.enqueue_indirect_dma source(%dma_start3A_199 : memref<1000000x32xf32, #tpu.memory_space<hbm>>) target(%dma_start3A_193 : memref<128x32xf32, #tpu.memory_space<vmem>>) offsets(%dma_start3A_196 : memref<128xi32, #tpu.memory_space<vmem>>) semaphore(%arg13 : memref<!tpu.dma_semaphore, #tpu.memory_space<semaphore_mem>>)
    %dma_start3A_200 = arith.constant 8 : i32
    %dma_start3A_201 = arith.constant 8 : i32
    %dma_start3A_202 = arith.constant 0 : i32
    %dma_start3A_203 = arith.constant 0 : i32
    %dma_start3A_204 = tpu.memref_slice %arg11[%dma_start3A_201, %dma_start3A_202, %dma_start3A_203] : memref<13x128x32xf32, #tpu.memory_space<vmem>> -> memref<1x128x32xf32, #tpu.memory_space<vmem>>
    %dma_start3A_205 = tpu.memref_squeeze %dma_start3A_204 : memref<1x128x32xf32, #tpu.memory_space<vmem>> -> memref<128x32xf32, #tpu.memory_space<vmem>>
    %dma_start3A_206 = arith.constant 0 : i32
    %dma_start3A_207 = tpu.memref_slice %arg7[%dma_start3A_200, %dma_start3A_206] : memref<26x128xi32, #tpu.memory_space<vmem>> -> memref<1x128xi32, #tpu.memory_space<vmem>>
    %dma_start3A_208 = tpu.memref_squeeze %dma_start3A_207 : memref<1x128xi32, #tpu.memory_space<vmem>> -> memref<128xi32, #tpu.memory_space<vmem>>
    %dma_start3A_209 = arith.constant 0 : i32
    %dma_start3A_210 = arith.constant 0 : i32
    %dma_start3A_211 = tpu.memref_slice %arg3[%dma_start3A_209, %dma_start3A_210] : memref<1000000x32xf32, #tpu.memory_space<hbm>> -> memref<1000000x32xf32, #tpu.memory_space<hbm>>
    tpu.enqueue_indirect_dma source(%dma_start3A_211 : memref<1000000x32xf32, #tpu.memory_space<hbm>>) target(%dma_start3A_205 : memref<128x32xf32, #tpu.memory_space<vmem>>) offsets(%dma_start3A_208 : memref<128xi32, #tpu.memory_space<vmem>>) semaphore(%arg13 : memref<!tpu.dma_semaphore, #tpu.memory_space<semaphore_mem>>)
    %dma_start3A_212 = arith.constant 8 : i32
    %dma_start3A_213 = arith.constant 8 : i32
    %dma_start3A_214 = arith.constant 0 : i32
    %dma_start3A_215 = arith.constant 0 : i32
    %dma_start3A_216 = tpu.memref_slice %arg12[%dma_start3A_213, %dma_start3A_214, %dma_start3A_215] : memref<13x128x32xf32, #tpu.memory_space<vmem>> -> memref<1x128x32xf32, #tpu.memory_space<vmem>>
    %dma_start3A_217 = tpu.memref_squeeze %dma_start3A_216 : memref<1x128x32xf32, #tpu.memory_space<vmem>> -> memref<128x32xf32, #tpu.memory_space<vmem>>
    %dma_start3A_218 = arith.constant 0 : i32
    %dma_start3A_219 = tpu.memref_slice %arg8[%dma_start3A_212, %dma_start3A_218] : memref<26x128xi32, #tpu.memory_space<vmem>> -> memref<1x128xi32, #tpu.memory_space<vmem>>
    %dma_start3A_220 = tpu.memref_squeeze %dma_start3A_219 : memref<1x128xi32, #tpu.memory_space<vmem>> -> memref<128xi32, #tpu.memory_space<vmem>>
    %dma_start3A_221 = arith.constant 0 : i32
    %dma_start3A_222 = arith.constant 0 : i32
    %dma_start3A_223 = tpu.memref_slice %arg4[%dma_start3A_221, %dma_start3A_222] : memref<1000000x32xf32, #tpu.memory_space<hbm>> -> memref<1000000x32xf32, #tpu.memory_space<hbm>>
    tpu.enqueue_indirect_dma source(%dma_start3A_223 : memref<1000000x32xf32, #tpu.memory_space<hbm>>) target(%dma_start3A_217 : memref<128x32xf32, #tpu.memory_space<vmem>>) offsets(%dma_start3A_220 : memref<128xi32, #tpu.memory_space<vmem>>) semaphore(%arg13 : memref<!tpu.dma_semaphore, #tpu.memory_space<semaphore_mem>>)
    %dma_start3A_224 = arith.constant 9 : i32
    %dma_start3A_225 = arith.constant 9 : i32
    %dma_start3A_226 = arith.constant 0 : i32
    %dma_start3A_227 = arith.constant 0 : i32
    %dma_start3A_228 = tpu.memref_slice %arg11[%dma_start3A_225, %dma_start3A_226, %dma_start3A_227] : memref<13x128x32xf32, #tpu.memory_space<vmem>> -> memref<1x128x32xf32, #tpu.memory_space<vmem>>
    %dma_start3A_229 = tpu.memref_squeeze %dma_start3A_228 : memref<1x128x32xf32, #tpu.memory_space<vmem>> -> memref<128x32xf32, #tpu.memory_space<vmem>>
    %dma_start3A_230 = arith.constant 0 : i32
    %dma_start3A_231 = tpu.memref_slice %arg7[%dma_start3A_224, %dma_start3A_230] : memref<26x128xi32, #tpu.memory_space<vmem>> -> memref<1x128xi32, #tpu.memory_space<vmem>>
    %dma_start3A_232 = tpu.memref_squeeze %dma_start3A_231 : memref<1x128xi32, #tpu.memory_space<vmem>> -> memref<128xi32, #tpu.memory_space<vmem>>
    %dma_start3A_233 = arith.constant 0 : i32
    %dma_start3A_234 = arith.constant 0 : i32
    %dma_start3A_235 = tpu.memref_slice %arg3[%dma_start3A_233, %dma_start3A_234] : memref<1000000x32xf32, #tpu.memory_space<hbm>> -> memref<1000000x32xf32, #tpu.memory_space<hbm>>
    tpu.enqueue_indirect_dma source(%dma_start3A_235 : memref<1000000x32xf32, #tpu.memory_space<hbm>>) target(%dma_start3A_229 : memref<128x32xf32, #tpu.memory_space<vmem>>) offsets(%dma_start3A_232 : memref<128xi32, #tpu.memory_space<vmem>>) semaphore(%arg13 : memref<!tpu.dma_semaphore, #tpu.memory_space<semaphore_mem>>)
    %dma_start3A_236 = arith.constant 9 : i32
    %dma_start3A_237 = arith.constant 9 : i32
    %dma_start3A_238 = arith.constant 0 : i32
    %dma_start3A_239 = arith.constant 0 : i32
    %dma_start3A_240 = tpu.memref_slice %arg12[%dma_start3A_237, %dma_start3A_238, %dma_start3A_239] : memref<13x128x32xf32, #tpu.memory_space<vmem>> -> memref<1x128x32xf32, #tpu.memory_space<vmem>>
    %dma_start3A_241 = tpu.memref_squeeze %dma_start3A_240 : memref<1x128x32xf32, #tpu.memory_space<vmem>> -> memref<128x32xf32, #tpu.memory_space<vmem>>
    %dma_start3A_242 = arith.constant 0 : i32
    %dma_start3A_243 = tpu.memref_slice %arg8[%dma_start3A_236, %dma_start3A_242] : memref<26x128xi32, #tpu.memory_space<vmem>> -> memref<1x128xi32, #tpu.memory_space<vmem>>
    %dma_start3A_244 = tpu.memref_squeeze %dma_start3A_243 : memref<1x128xi32, #tpu.memory_space<vmem>> -> memref<128xi32, #tpu.memory_space<vmem>>
    %dma_start3A_245 = arith.constant 0 : i32
    %dma_start3A_246 = arith.constant 0 : i32
    %dma_start3A_247 = tpu.memref_slice %arg4[%dma_start3A_245, %dma_start3A_246] : memref<1000000x32xf32, #tpu.memory_space<hbm>> -> memref<1000000x32xf32, #tpu.memory_space<hbm>>
    tpu.enqueue_indirect_dma source(%dma_start3A_247 : memref<1000000x32xf32, #tpu.memory_space<hbm>>) target(%dma_start3A_241 : memref<128x32xf32, #tpu.memory_space<vmem>>) offsets(%dma_start3A_244 : memref<128xi32, #tpu.memory_space<vmem>>) semaphore(%arg13 : memref<!tpu.dma_semaphore, #tpu.memory_space<semaphore_mem>>)
    %dma_start3A_248 = arith.constant 10 : i32
    %dma_start3A_249 = arith.constant 10 : i32
    %dma_start3A_250 = arith.constant 0 : i32
    %dma_start3A_251 = arith.constant 0 : i32
    %dma_start3A_252 = tpu.memref_slice %arg11[%dma_start3A_249, %dma_start3A_250, %dma_start3A_251] : memref<13x128x32xf32, #tpu.memory_space<vmem>> -> memref<1x128x32xf32, #tpu.memory_space<vmem>>
    %dma_start3A_253 = tpu.memref_squeeze %dma_start3A_252 : memref<1x128x32xf32, #tpu.memory_space<vmem>> -> memref<128x32xf32, #tpu.memory_space<vmem>>
    %dma_start3A_254 = arith.constant 0 : i32
    %dma_start3A_255 = tpu.memref_slice %arg7[%dma_start3A_248, %dma_start3A_254] : memref<26x128xi32, #tpu.memory_space<vmem>> -> memref<1x128xi32, #tpu.memory_space<vmem>>
    %dma_start3A_256 = tpu.memref_squeeze %dma_start3A_255 : memref<1x128xi32, #tpu.memory_space<vmem>> -> memref<128xi32, #tpu.memory_space<vmem>>
    %dma_start3A_257 = arith.constant 0 : i32
    %dma_start3A_258 = arith.constant 0 : i32
    %dma_start3A_259 = tpu.memref_slice %arg3[%dma_start3A_257, %dma_start3A_258] : memref<1000000x32xf32, #tpu.memory_space<hbm>> -> memref<1000000x32xf32, #tpu.memory_space<hbm>>
    tpu.enqueue_indirect_dma source(%dma_start3A_259 : memref<1000000x32xf32, #tpu.memory_space<hbm>>) target(%dma_start3A_253 : memref<128x32xf32, #tpu.memory_space<vmem>>) offsets(%dma_start3A_256 : memref<128xi32, #tpu.memory_space<vmem>>) semaphore(%arg13 : memref<!tpu.dma_semaphore, #tpu.memory_space<semaphore_mem>>)
    %dma_start3A_260 = arith.constant 10 : i32
    %dma_start3A_261 = arith.constant 10 : i32
    %dma_start3A_262 = arith.constant 0 : i32
    %dma_start3A_263 = arith.constant 0 : i32
    %dma_start3A_264 = tpu.memref_slice %arg12[%dma_start3A_261, %dma_start3A_262, %dma_start3A_263] : memref<13x128x32xf32, #tpu.memory_space<vmem>> -> memref<1x128x32xf32, #tpu.memory_space<vmem>>
    %dma_start3A_265 = tpu.memref_squeeze %dma_start3A_264 : memref<1x128x32xf32, #tpu.memory_space<vmem>> -> memref<128x32xf32, #tpu.memory_space<vmem>>
    %dma_start3A_266 = arith.constant 0 : i32
    %dma_start3A_267 = tpu.memref_slice %arg8[%dma_start3A_260, %dma_start3A_266] : memref<26x128xi32, #tpu.memory_space<vmem>> -> memref<1x128xi32, #tpu.memory_space<vmem>>
    %dma_start3A_268 = tpu.memref_squeeze %dma_start3A_267 : memref<1x128xi32, #tpu.memory_space<vmem>> -> memref<128xi32, #tpu.memory_space<vmem>>
    %dma_start3A_269 = arith.constant 0 : i32
    %dma_start3A_270 = arith.constant 0 : i32
    %dma_start3A_271 = tpu.memref_slice %arg4[%dma_start3A_269, %dma_start3A_270] : memref<1000000x32xf32, #tpu.memory_space<hbm>> -> memref<1000000x32xf32, #tpu.memory_space<hbm>>
    tpu.enqueue_indirect_dma source(%dma_start3A_271 : memref<1000000x32xf32, #tpu.memory_space<hbm>>) target(%dma_start3A_265 : memref<128x32xf32, #tpu.memory_space<vmem>>) offsets(%dma_start3A_268 : memref<128xi32, #tpu.memory_space<vmem>>) semaphore(%arg13 : memref<!tpu.dma_semaphore, #tpu.memory_space<semaphore_mem>>)
    %dma_start3A_272 = arith.constant 11 : i32
    %dma_start3A_273 = arith.constant 11 : i32
    %dma_start3A_274 = arith.constant 0 : i32
    %dma_start3A_275 = arith.constant 0 : i32
    %dma_start3A_276 = tpu.memref_slice %arg11[%dma_start3A_273, %dma_start3A_274, %dma_start3A_275] : memref<13x128x32xf32, #tpu.memory_space<vmem>> -> memref<1x128x32xf32, #tpu.memory_space<vmem>>
    %dma_start3A_277 = tpu.memref_squeeze %dma_start3A_276 : memref<1x128x32xf32, #tpu.memory_space<vmem>> -> memref<128x32xf32, #tpu.memory_space<vmem>>
    %dma_start3A_278 = arith.constant 0 : i32
    %dma_start3A_279 = tpu.memref_slice %arg7[%dma_start3A_272, %dma_start3A_278] : memref<26x128xi32, #tpu.memory_space<vmem>> -> memref<1x128xi32, #tpu.memory_space<vmem>>
    %dma_start3A_280 = tpu.memref_squeeze %dma_start3A_279 : memref<1x128xi32, #tpu.memory_space<vmem>> -> memref<128xi32, #tpu.memory_space<vmem>>
    %dma_start3A_281 = arith.constant 0 : i32
    %dma_start3A_282 = arith.constant 0 : i32
    %dma_start3A_283 = tpu.memref_slice %arg3[%dma_start3A_281, %dma_start3A_282] : memref<1000000x32xf32, #tpu.memory_space<hbm>> -> memref<1000000x32xf32, #tpu.memory_space<hbm>>
    tpu.enqueue_indirect_dma source(%dma_start3A_283 : memref<1000000x32xf32, #tpu.memory_space<hbm>>) target(%dma_start3A_277 : memref<128x32xf32, #tpu.memory_space<vmem>>) offsets(%dma_start3A_280 : memref<128xi32, #tpu.memory_space<vmem>>) semaphore(%arg13 : memref<!tpu.dma_semaphore, #tpu.memory_space<semaphore_mem>>)
    %dma_start3A_284 = arith.constant 11 : i32
    %dma_start3A_285 = arith.constant 11 : i32
    %dma_start3A_286 = arith.constant 0 : i32
    %dma_start3A_287 = arith.constant 0 : i32
    %dma_start3A_288 = tpu.memref_slice %arg12[%dma_start3A_285, %dma_start3A_286, %dma_start3A_287] : memref<13x128x32xf32, #tpu.memory_space<vmem>> -> memref<1x128x32xf32, #tpu.memory_space<vmem>>
    %dma_start3A_289 = tpu.memref_squeeze %dma_start3A_288 : memref<1x128x32xf32, #tpu.memory_space<vmem>> -> memref<128x32xf32, #tpu.memory_space<vmem>>
    %dma_start3A_290 = arith.constant 0 : i32
    %dma_start3A_291 = tpu.memref_slice %arg8[%dma_start3A_284, %dma_start3A_290] : memref<26x128xi32, #tpu.memory_space<vmem>> -> memref<1x128xi32, #tpu.memory_space<vmem>>
    %dma_start3A_292 = tpu.memref_squeeze %dma_start3A_291 : memref<1x128xi32, #tpu.memory_space<vmem>> -> memref<128xi32, #tpu.memory_space<vmem>>
    %dma_start3A_293 = arith.constant 0 : i32
    %dma_start3A_294 = arith.constant 0 : i32
    %dma_start3A_295 = tpu.memref_slice %arg4[%dma_start3A_293, %dma_start3A_294] : memref<1000000x32xf32, #tpu.memory_space<hbm>> -> memref<1000000x32xf32, #tpu.memory_space<hbm>>
    tpu.enqueue_indirect_dma source(%dma_start3A_295 : memref<1000000x32xf32, #tpu.memory_space<hbm>>) target(%dma_start3A_289 : memref<128x32xf32, #tpu.memory_space<vmem>>) offsets(%dma_start3A_292 : memref<128xi32, #tpu.memory_space<vmem>>) semaphore(%arg13 : memref<!tpu.dma_semaphore, #tpu.memory_space<semaphore_mem>>)
    %dma_start3A_296 = arith.constant 12 : i32
    %dma_start3A_297 = arith.constant 12 : i32
    %dma_start3A_298 = arith.constant 0 : i32
    %dma_start3A_299 = arith.constant 0 : i32
    %dma_start3A_300 = tpu.memref_slice %arg11[%dma_start3A_297, %dma_start3A_298, %dma_start3A_299] : memref<13x128x32xf32, #tpu.memory_space<vmem>> -> memref<1x128x32xf32, #tpu.memory_space<vmem>>
    %dma_start3A_301 = tpu.memref_squeeze %dma_start3A_300 : memref<1x128x32xf32, #tpu.memory_space<vmem>> -> memref<128x32xf32, #tpu.memory_space<vmem>>
    %dma_start3A_302 = arith.constant 0 : i32
    %dma_start3A_303 = tpu.memref_slice %arg7[%dma_start3A_296, %dma_start3A_302] : memref<26x128xi32, #tpu.memory_space<vmem>> -> memref<1x128xi32, #tpu.memory_space<vmem>>
    %dma_start3A_304 = tpu.memref_squeeze %dma_start3A_303 : memref<1x128xi32, #tpu.memory_space<vmem>> -> memref<128xi32, #tpu.memory_space<vmem>>
    %dma_start3A_305 = arith.constant 0 : i32
    %dma_start3A_306 = arith.constant 0 : i32
    %dma_start3A_307 = tpu.memref_slice %arg3[%dma_start3A_305, %dma_start3A_306] : memref<1000000x32xf32, #tpu.memory_space<hbm>> -> memref<1000000x32xf32, #tpu.memory_space<hbm>>
    tpu.enqueue_indirect_dma source(%dma_start3A_307 : memref<1000000x32xf32, #tpu.memory_space<hbm>>) target(%dma_start3A_301 : memref<128x32xf32, #tpu.memory_space<vmem>>) offsets(%dma_start3A_304 : memref<128xi32, #tpu.memory_space<vmem>>) semaphore(%arg13 : memref<!tpu.dma_semaphore, #tpu.memory_space<semaphore_mem>>)
    %dma_start3A_308 = arith.constant 12 : i32
    %dma_start3A_309 = arith.constant 12 : i32
    %dma_start3A_310 = arith.constant 0 : i32
    %dma_start3A_311 = arith.constant 0 : i32
    %dma_start3A_312 = tpu.memref_slice %arg12[%dma_start3A_309, %dma_start3A_310, %dma_start3A_311] : memref<13x128x32xf32, #tpu.memory_space<vmem>> -> memref<1x128x32xf32, #tpu.memory_space<vmem>>
    %dma_start3A_313 = tpu.memref_squeeze %dma_start3A_312 : memref<1x128x32xf32, #tpu.memory_space<vmem>> -> memref<128x32xf32, #tpu.memory_space<vmem>>
    %dma_start3A_314 = arith.constant 0 : i32
    %dma_start3A_315 = tpu.memref_slice %arg8[%dma_start3A_308, %dma_start3A_314] : memref<26x128xi32, #tpu.memory_space<vmem>> -> memref<1x128xi32, #tpu.memory_space<vmem>>
    %dma_start3A_316 = tpu.memref_squeeze %dma_start3A_315 : memref<1x128xi32, #tpu.memory_space<vmem>> -> memref<128xi32, #tpu.memory_space<vmem>>
    %dma_start3A_317 = arith.constant 0 : i32
    %dma_start3A_318 = arith.constant 0 : i32
    %dma_start3A_319 = tpu.memref_slice %arg4[%dma_start3A_317, %dma_start3A_318] : memref<1000000x32xf32, #tpu.memory_space<hbm>> -> memref<1000000x32xf32, #tpu.memory_space<hbm>>
    tpu.enqueue_indirect_dma source(%dma_start3A_319 : memref<1000000x32xf32, #tpu.memory_space<hbm>>) target(%dma_start3A_313 : memref<128x32xf32, #tpu.memory_space<vmem>>) offsets(%dma_start3A_316 : memref<128xi32, #tpu.memory_space<vmem>>) semaphore(%arg13 : memref<!tpu.dma_semaphore, #tpu.memory_space<semaphore_mem>>)
    %dma_wait3A = arith.constant 0 : i32
    %dma_wait3A_320 = arith.constant 0 : i32
    %dma_wait3A_321 = arith.constant 0 : i32
    %dma_wait3A_322 = arith.constant 0 : i32
    %dma_wait3A_323 = tpu.memref_slice %arg11[%dma_wait3A_320, %dma_wait3A_321, %dma_wait3A_322] : memref<13x128x32xf32, #tpu.memory_space<vmem>> -> memref<1x128x32xf32, #tpu.memory_space<vmem>>
    %dma_wait3A_324 = tpu.memref_squeeze %dma_wait3A_323 : memref<1x128x32xf32, #tpu.memory_space<vmem>> -> memref<128x32xf32, #tpu.memory_space<vmem>>
    %dma_wait3A_325 = arith.constant 0 : i32
    %dma_wait3A_326 = tpu.memref_slice %arg7[%dma_wait3A, %dma_wait3A_325] : memref<26x128xi32, #tpu.memory_space<vmem>> -> memref<1x128xi32, #tpu.memory_space<vmem>>
    %dma_wait3A_327 = tpu.memref_squeeze %dma_wait3A_326 : memref<1x128xi32, #tpu.memory_space<vmem>> -> memref<128xi32, #tpu.memory_space<vmem>>
    %dma_wait3A_328 = arith.constant 0 : i32
    %dma_wait3A_329 = arith.constant 0 : i32
    %dma_wait3A_330 = tpu.memref_slice %arg3[%dma_wait3A_328, %dma_wait3A_329] : memref<1000000x32xf32, #tpu.memory_space<hbm>> -> memref<1000000x32xf32, #tpu.memory_space<hbm>>
    tpu.wait_indirect_dma semaphore(%arg13 : memref<!tpu.dma_semaphore, #tpu.memory_space<semaphore_mem>>) src(%dma_wait3A_330 : memref<1000000x32xf32, #tpu.memory_space<hbm>>) dst(%dma_wait3A_324 : memref<128x32xf32, #tpu.memory_space<vmem>>)
    %dma_wait3A_331 = arith.constant 0 : i32
    %dma_wait3A_332 = arith.constant 0 : i32
    %dma_wait3A_333 = arith.constant 0 : i32
    %dma_wait3A_334 = arith.constant 0 : i32
    %dma_wait3A_335 = tpu.memref_slice %arg12[%dma_wait3A_332, %dma_wait3A_333, %dma_wait3A_334] : memref<13x128x32xf32, #tpu.memory_space<vmem>> -> memref<1x128x32xf32, #tpu.memory_space<vmem>>
    %dma_wait3A_336 = tpu.memref_squeeze %dma_wait3A_335 : memref<1x128x32xf32, #tpu.memory_space<vmem>> -> memref<128x32xf32, #tpu.memory_space<vmem>>
    %dma_wait3A_337 = arith.constant 0 : i32
    %dma_wait3A_338 = tpu.memref_slice %arg8[%dma_wait3A_331, %dma_wait3A_337] : memref<26x128xi32, #tpu.memory_space<vmem>> -> memref<1x128xi32, #tpu.memory_space<vmem>>
    %dma_wait3A_339 = tpu.memref_squeeze %dma_wait3A_338 : memref<1x128xi32, #tpu.memory_space<vmem>> -> memref<128xi32, #tpu.memory_space<vmem>>
    %dma_wait3A_340 = arith.constant 0 : i32
    %dma_wait3A_341 = arith.constant 0 : i32
    %dma_wait3A_342 = tpu.memref_slice %arg4[%dma_wait3A_340, %dma_wait3A_341] : memref<1000000x32xf32, #tpu.memory_space<hbm>> -> memref<1000000x32xf32, #tpu.memory_space<hbm>>
    tpu.wait_indirect_dma semaphore(%arg13 : memref<!tpu.dma_semaphore, #tpu.memory_space<semaphore_mem>>) src(%dma_wait3A_342 : memref<1000000x32xf32, #tpu.memory_space<hbm>>) dst(%dma_wait3A_336 : memref<128x32xf32, #tpu.memory_space<vmem>>)
    %dma_wait3A_343 = arith.constant 1 : i32
    %dma_wait3A_344 = arith.constant 1 : i32
    %dma_wait3A_345 = arith.constant 0 : i32
    %dma_wait3A_346 = arith.constant 0 : i32
    %dma_wait3A_347 = tpu.memref_slice %arg11[%dma_wait3A_344, %dma_wait3A_345, %dma_wait3A_346] : memref<13x128x32xf32, #tpu.memory_space<vmem>> -> memref<1x128x32xf32, #tpu.memory_space<vmem>>
    %dma_wait3A_348 = tpu.memref_squeeze %dma_wait3A_347 : memref<1x128x32xf32, #tpu.memory_space<vmem>> -> memref<128x32xf32, #tpu.memory_space<vmem>>
    %dma_wait3A_349 = arith.constant 0 : i32
    %dma_wait3A_350 = tpu.memref_slice %arg7[%dma_wait3A_343, %dma_wait3A_349] : memref<26x128xi32, #tpu.memory_space<vmem>> -> memref<1x128xi32, #tpu.memory_space<vmem>>
    %dma_wait3A_351 = tpu.memref_squeeze %dma_wait3A_350 : memref<1x128xi32, #tpu.memory_space<vmem>> -> memref<128xi32, #tpu.memory_space<vmem>>
    %dma_wait3A_352 = arith.constant 0 : i32
    %dma_wait3A_353 = arith.constant 0 : i32
    %dma_wait3A_354 = tpu.memref_slice %arg3[%dma_wait3A_352, %dma_wait3A_353] : memref<1000000x32xf32, #tpu.memory_space<hbm>> -> memref<1000000x32xf32, #tpu.memory_space<hbm>>
    tpu.wait_indirect_dma semaphore(%arg13 : memref<!tpu.dma_semaphore, #tpu.memory_space<semaphore_mem>>) src(%dma_wait3A_354 : memref<1000000x32xf32, #tpu.memory_space<hbm>>) dst(%dma_wait3A_348 : memref<128x32xf32, #tpu.memory_space<vmem>>)
    %dma_wait3A_355 = arith.constant 1 : i32
    %dma_wait3A_356 = arith.constant 1 : i32
    %dma_wait3A_357 = arith.constant 0 : i32
    %dma_wait3A_358 = arith.constant 0 : i32
    %dma_wait3A_359 = tpu.memref_slice %arg12[%dma_wait3A_356, %dma_wait3A_357, %dma_wait3A_358] : memref<13x128x32xf32, #tpu.memory_space<vmem>> -> memref<1x128x32xf32, #tpu.memory_space<vmem>>
    %dma_wait3A_360 = tpu.memref_squeeze %dma_wait3A_359 : memref<1x128x32xf32, #tpu.memory_space<vmem>> -> memref<128x32xf32, #tpu.memory_space<vmem>>
    %dma_wait3A_361 = arith.constant 0 : i32
    %dma_wait3A_362 = tpu.memref_slice %arg8[%dma_wait3A_355, %dma_wait3A_361] : memref<26x128xi32, #tpu.memory_space<vmem>> -> memref<1x128xi32, #tpu.memory_space<vmem>>
    %dma_wait3A_363 = tpu.memref_squeeze %dma_wait3A_362 : memref<1x128xi32, #tpu.memory_space<vmem>> -> memref<128xi32, #tpu.memory_space<vmem>>
    %dma_wait3A_364 = arith.constant 0 : i32
    %dma_wait3A_365 = arith.constant 0 : i32
    %dma_wait3A_366 = tpu.memref_slice %arg4[%dma_wait3A_364, %dma_wait3A_365] : memref<1000000x32xf32, #tpu.memory_space<hbm>> -> memref<1000000x32xf32, #tpu.memory_space<hbm>>
    tpu.wait_indirect_dma semaphore(%arg13 : memref<!tpu.dma_semaphore, #tpu.memory_space<semaphore_mem>>) src(%dma_wait3A_366 : memref<1000000x32xf32, #tpu.memory_space<hbm>>) dst(%dma_wait3A_360 : memref<128x32xf32, #tpu.memory_space<vmem>>)
    %dma_wait3A_367 = arith.constant 2 : i32
    %dma_wait3A_368 = arith.constant 2 : i32
    %dma_wait3A_369 = arith.constant 0 : i32
    %dma_wait3A_370 = arith.constant 0 : i32
    %dma_wait3A_371 = tpu.memref_slice %arg11[%dma_wait3A_368, %dma_wait3A_369, %dma_wait3A_370] : memref<13x128x32xf32, #tpu.memory_space<vmem>> -> memref<1x128x32xf32, #tpu.memory_space<vmem>>
    %dma_wait3A_372 = tpu.memref_squeeze %dma_wait3A_371 : memref<1x128x32xf32, #tpu.memory_space<vmem>> -> memref<128x32xf32, #tpu.memory_space<vmem>>
    %dma_wait3A_373 = arith.constant 0 : i32
    %dma_wait3A_374 = tpu.memref_slice %arg7[%dma_wait3A_367, %dma_wait3A_373] : memref<26x128xi32, #tpu.memory_space<vmem>> -> memref<1x128xi32, #tpu.memory_space<vmem>>
    %dma_wait3A_375 = tpu.memref_squeeze %dma_wait3A_374 : memref<1x128xi32, #tpu.memory_space<vmem>> -> memref<128xi32, #tpu.memory_space<vmem>>
    %dma_wait3A_376 = arith.constant 0 : i32
    %dma_wait3A_377 = arith.constant 0 : i32
    %dma_wait3A_378 = tpu.memref_slice %arg3[%dma_wait3A_376, %dma_wait3A_377] : memref<1000000x32xf32, #tpu.memory_space<hbm>> -> memref<1000000x32xf32, #tpu.memory_space<hbm>>
    tpu.wait_indirect_dma semaphore(%arg13 : memref<!tpu.dma_semaphore, #tpu.memory_space<semaphore_mem>>) src(%dma_wait3A_378 : memref<1000000x32xf32, #tpu.memory_space<hbm>>) dst(%dma_wait3A_372 : memref<128x32xf32, #tpu.memory_space<vmem>>)
    %dma_wait3A_379 = arith.constant 2 : i32
    %dma_wait3A_380 = arith.constant 2 : i32
    %dma_wait3A_381 = arith.constant 0 : i32
    %dma_wait3A_382 = arith.constant 0 : i32
    %dma_wait3A_383 = tpu.memref_slice %arg12[%dma_wait3A_380, %dma_wait3A_381, %dma_wait3A_382] : memref<13x128x32xf32, #tpu.memory_space<vmem>> -> memref<1x128x32xf32, #tpu.memory_space<vmem>>
    %dma_wait3A_384 = tpu.memref_squeeze %dma_wait3A_383 : memref<1x128x32xf32, #tpu.memory_space<vmem>> -> memref<128x32xf32, #tpu.memory_space<vmem>>
    %dma_wait3A_385 = arith.constant 0 : i32
    %dma_wait3A_386 = tpu.memref_slice %arg8[%dma_wait3A_379, %dma_wait3A_385] : memref<26x128xi32, #tpu.memory_space<vmem>> -> memref<1x128xi32, #tpu.memory_space<vmem>>
    %dma_wait3A_387 = tpu.memref_squeeze %dma_wait3A_386 : memref<1x128xi32, #tpu.memory_space<vmem>> -> memref<128xi32, #tpu.memory_space<vmem>>
    %dma_wait3A_388 = arith.constant 0 : i32
    %dma_wait3A_389 = arith.constant 0 : i32
    %dma_wait3A_390 = tpu.memref_slice %arg4[%dma_wait3A_388, %dma_wait3A_389] : memref<1000000x32xf32, #tpu.memory_space<hbm>> -> memref<1000000x32xf32, #tpu.memory_space<hbm>>
    tpu.wait_indirect_dma semaphore(%arg13 : memref<!tpu.dma_semaphore, #tpu.memory_space<semaphore_mem>>) src(%dma_wait3A_390 : memref<1000000x32xf32, #tpu.memory_space<hbm>>) dst(%dma_wait3A_384 : memref<128x32xf32, #tpu.memory_space<vmem>>)
    %dma_wait3A_391 = arith.constant 3 : i32
    %dma_wait3A_392 = arith.constant 3 : i32
    %dma_wait3A_393 = arith.constant 0 : i32
    %dma_wait3A_394 = arith.constant 0 : i32
    %dma_wait3A_395 = tpu.memref_slice %arg11[%dma_wait3A_392, %dma_wait3A_393, %dma_wait3A_394] : memref<13x128x32xf32, #tpu.memory_space<vmem>> -> memref<1x128x32xf32, #tpu.memory_space<vmem>>
    %dma_wait3A_396 = tpu.memref_squeeze %dma_wait3A_395 : memref<1x128x32xf32, #tpu.memory_space<vmem>> -> memref<128x32xf32, #tpu.memory_space<vmem>>
    %dma_wait3A_397 = arith.constant 0 : i32
    %dma_wait3A_398 = tpu.memref_slice %arg7[%dma_wait3A_391, %dma_wait3A_397] : memref<26x128xi32, #tpu.memory_space<vmem>> -> memref<1x128xi32, #tpu.memory_space<vmem>>
    %dma_wait3A_399 = tpu.memref_squeeze %dma_wait3A_398 : memref<1x128xi32, #tpu.memory_space<vmem>> -> memref<128xi32, #tpu.memory_space<vmem>>
    %dma_wait3A_400 = arith.constant 0 : i32
    %dma_wait3A_401 = arith.constant 0 : i32
    %dma_wait3A_402 = tpu.memref_slice %arg3[%dma_wait3A_400, %dma_wait3A_401] : memref<1000000x32xf32, #tpu.memory_space<hbm>> -> memref<1000000x32xf32, #tpu.memory_space<hbm>>
    tpu.wait_indirect_dma semaphore(%arg13 : memref<!tpu.dma_semaphore, #tpu.memory_space<semaphore_mem>>) src(%dma_wait3A_402 : memref<1000000x32xf32, #tpu.memory_space<hbm>>) dst(%dma_wait3A_396 : memref<128x32xf32, #tpu.memory_space<vmem>>)
    %dma_wait3A_403 = arith.constant 3 : i32
    %dma_wait3A_404 = arith.constant 3 : i32
    %dma_wait3A_405 = arith.constant 0 : i32
    %dma_wait3A_406 = arith.constant 0 : i32
    %dma_wait3A_407 = tpu.memref_slice %arg12[%dma_wait3A_404, %dma_wait3A_405, %dma_wait3A_406] : memref<13x128x32xf32, #tpu.memory_space<vmem>> -> memref<1x128x32xf32, #tpu.memory_space<vmem>>
    %dma_wait3A_408 = tpu.memref_squeeze %dma_wait3A_407 : memref<1x128x32xf32, #tpu.memory_space<vmem>> -> memref<128x32xf32, #tpu.memory_space<vmem>>
    %dma_wait3A_409 = arith.constant 0 : i32
    %dma_wait3A_410 = tpu.memref_slice %arg8[%dma_wait3A_403, %dma_wait3A_409] : memref<26x128xi32, #tpu.memory_space<vmem>> -> memref<1x128xi32, #tpu.memory_space<vmem>>
    %dma_wait3A_411 = tpu.memref_squeeze %dma_wait3A_410 : memref<1x128xi32, #tpu.memory_space<vmem>> -> memref<128xi32, #tpu.memory_space<vmem>>
    %dma_wait3A_412 = arith.constant 0 : i32
    %dma_wait3A_413 = arith.constant 0 : i32
    %dma_wait3A_414 = tpu.memref_slice %arg4[%dma_wait3A_412, %dma_wait3A_413] : memref<1000000x32xf32, #tpu.memory_space<hbm>> -> memref<1000000x32xf32, #tpu.memory_space<hbm>>
    tpu.wait_indirect_dma semaphore(%arg13 : memref<!tpu.dma_semaphore, #tpu.memory_space<semaphore_mem>>) src(%dma_wait3A_414 : memref<1000000x32xf32, #tpu.memory_space<hbm>>) dst(%dma_wait3A_408 : memref<128x32xf32, #tpu.memory_space<vmem>>)
    %dma_wait3A_415 = arith.constant 4 : i32
    %dma_wait3A_416 = arith.constant 4 : i32
    %dma_wait3A_417 = arith.constant 0 : i32
    %dma_wait3A_418 = arith.constant 0 : i32
    %dma_wait3A_419 = tpu.memref_slice %arg11[%dma_wait3A_416, %dma_wait3A_417, %dma_wait3A_418] : memref<13x128x32xf32, #tpu.memory_space<vmem>> -> memref<1x128x32xf32, #tpu.memory_space<vmem>>
    %dma_wait3A_420 = tpu.memref_squeeze %dma_wait3A_419 : memref<1x128x32xf32, #tpu.memory_space<vmem>> -> memref<128x32xf32, #tpu.memory_space<vmem>>
    %dma_wait3A_421 = arith.constant 0 : i32
    %dma_wait3A_422 = tpu.memref_slice %arg7[%dma_wait3A_415, %dma_wait3A_421] : memref<26x128xi32, #tpu.memory_space<vmem>> -> memref<1x128xi32, #tpu.memory_space<vmem>>
    %dma_wait3A_423 = tpu.memref_squeeze %dma_wait3A_422 : memref<1x128xi32, #tpu.memory_space<vmem>> -> memref<128xi32, #tpu.memory_space<vmem>>
    %dma_wait3A_424 = arith.constant 0 : i32
    %dma_wait3A_425 = arith.constant 0 : i32
    %dma_wait3A_426 = tpu.memref_slice %arg3[%dma_wait3A_424, %dma_wait3A_425] : memref<1000000x32xf32, #tpu.memory_space<hbm>> -> memref<1000000x32xf32, #tpu.memory_space<hbm>>
    tpu.wait_indirect_dma semaphore(%arg13 : memref<!tpu.dma_semaphore, #tpu.memory_space<semaphore_mem>>) src(%dma_wait3A_426 : memref<1000000x32xf32, #tpu.memory_space<hbm>>) dst(%dma_wait3A_420 : memref<128x32xf32, #tpu.memory_space<vmem>>)
    %dma_wait3A_427 = arith.constant 4 : i32
    %dma_wait3A_428 = arith.constant 4 : i32
    %dma_wait3A_429 = arith.constant 0 : i32
    %dma_wait3A_430 = arith.constant 0 : i32
    %dma_wait3A_431 = tpu.memref_slice %arg12[%dma_wait3A_428, %dma_wait3A_429, %dma_wait3A_430] : memref<13x128x32xf32, #tpu.memory_space<vmem>> -> memref<1x128x32xf32, #tpu.memory_space<vmem>>
    %dma_wait3A_432 = tpu.memref_squeeze %dma_wait3A_431 : memref<1x128x32xf32, #tpu.memory_space<vmem>> -> memref<128x32xf32, #tpu.memory_space<vmem>>
    %dma_wait3A_433 = arith.constant 0 : i32
    %dma_wait3A_434 = tpu.memref_slice %arg8[%dma_wait3A_427, %dma_wait3A_433] : memref<26x128xi32, #tpu.memory_space<vmem>> -> memref<1x128xi32, #tpu.memory_space<vmem>>
    %dma_wait3A_435 = tpu.memref_squeeze %dma_wait3A_434 : memref<1x128xi32, #tpu.memory_space<vmem>> -> memref<128xi32, #tpu.memory_space<vmem>>
    %dma_wait3A_436 = arith.constant 0 : i32
    %dma_wait3A_437 = arith.constant 0 : i32
    %dma_wait3A_438 = tpu.memref_slice %arg4[%dma_wait3A_436, %dma_wait3A_437] : memref<1000000x32xf32, #tpu.memory_space<hbm>> -> memref<1000000x32xf32, #tpu.memory_space<hbm>>
    tpu.wait_indirect_dma semaphore(%arg13 : memref<!tpu.dma_semaphore, #tpu.memory_space<semaphore_mem>>) src(%dma_wait3A_438 : memref<1000000x32xf32, #tpu.memory_space<hbm>>) dst(%dma_wait3A_432 : memref<128x32xf32, #tpu.memory_space<vmem>>)
    %dma_wait3A_439 = arith.constant 5 : i32
    %dma_wait3A_440 = arith.constant 5 : i32
    %dma_wait3A_441 = arith.constant 0 : i32
    %dma_wait3A_442 = arith.constant 0 : i32
    %dma_wait3A_443 = tpu.memref_slice %arg11[%dma_wait3A_440, %dma_wait3A_441, %dma_wait3A_442] : memref<13x128x32xf32, #tpu.memory_space<vmem>> -> memref<1x128x32xf32, #tpu.memory_space<vmem>>
    %dma_wait3A_444 = tpu.memref_squeeze %dma_wait3A_443 : memref<1x128x32xf32, #tpu.memory_space<vmem>> -> memref<128x32xf32, #tpu.memory_space<vmem>>
    %dma_wait3A_445 = arith.constant 0 : i32
    %dma_wait3A_446 = tpu.memref_slice %arg7[%dma_wait3A_439, %dma_wait3A_445] : memref<26x128xi32, #tpu.memory_space<vmem>> -> memref<1x128xi32, #tpu.memory_space<vmem>>
    %dma_wait3A_447 = tpu.memref_squeeze %dma_wait3A_446 : memref<1x128xi32, #tpu.memory_space<vmem>> -> memref<128xi32, #tpu.memory_space<vmem>>
    %dma_wait3A_448 = arith.constant 0 : i32
    %dma_wait3A_449 = arith.constant 0 : i32
    %dma_wait3A_450 = tpu.memref_slice %arg3[%dma_wait3A_448, %dma_wait3A_449] : memref<1000000x32xf32, #tpu.memory_space<hbm>> -> memref<1000000x32xf32, #tpu.memory_space<hbm>>
    tpu.wait_indirect_dma semaphore(%arg13 : memref<!tpu.dma_semaphore, #tpu.memory_space<semaphore_mem>>) src(%dma_wait3A_450 : memref<1000000x32xf32, #tpu.memory_space<hbm>>) dst(%dma_wait3A_444 : memref<128x32xf32, #tpu.memory_space<vmem>>)
    %dma_wait3A_451 = arith.constant 5 : i32
    %dma_wait3A_452 = arith.constant 5 : i32
    %dma_wait3A_453 = arith.constant 0 : i32
    %dma_wait3A_454 = arith.constant 0 : i32
    %dma_wait3A_455 = tpu.memref_slice %arg12[%dma_wait3A_452, %dma_wait3A_453, %dma_wait3A_454] : memref<13x128x32xf32, #tpu.memory_space<vmem>> -> memref<1x128x32xf32, #tpu.memory_space<vmem>>
    %dma_wait3A_456 = tpu.memref_squeeze %dma_wait3A_455 : memref<1x128x32xf32, #tpu.memory_space<vmem>> -> memref<128x32xf32, #tpu.memory_space<vmem>>
    %dma_wait3A_457 = arith.constant 0 : i32
    %dma_wait3A_458 = tpu.memref_slice %arg8[%dma_wait3A_451, %dma_wait3A_457] : memref<26x128xi32, #tpu.memory_space<vmem>> -> memref<1x128xi32, #tpu.memory_space<vmem>>
    %dma_wait3A_459 = tpu.memref_squeeze %dma_wait3A_458 : memref<1x128xi32, #tpu.memory_space<vmem>> -> memref<128xi32, #tpu.memory_space<vmem>>
    %dma_wait3A_460 = arith.constant 0 : i32
    %dma_wait3A_461 = arith.constant 0 : i32
    %dma_wait3A_462 = tpu.memref_slice %arg4[%dma_wait3A_460, %dma_wait3A_461] : memref<1000000x32xf32, #tpu.memory_space<hbm>> -> memref<1000000x32xf32, #tpu.memory_space<hbm>>
    tpu.wait_indirect_dma semaphore(%arg13 : memref<!tpu.dma_semaphore, #tpu.memory_space<semaphore_mem>>) src(%dma_wait3A_462 : memref<1000000x32xf32, #tpu.memory_space<hbm>>) dst(%dma_wait3A_456 : memref<128x32xf32, #tpu.memory_space<vmem>>)
    %dma_wait3A_463 = arith.constant 6 : i32
    %dma_wait3A_464 = arith.constant 6 : i32
    %dma_wait3A_465 = arith.constant 0 : i32
    %dma_wait3A_466 = arith.constant 0 : i32
    %dma_wait3A_467 = tpu.memref_slice %arg11[%dma_wait3A_464, %dma_wait3A_465, %dma_wait3A_466] : memref<13x128x32xf32, #tpu.memory_space<vmem>> -> memref<1x128x32xf32, #tpu.memory_space<vmem>>
    %dma_wait3A_468 = tpu.memref_squeeze %dma_wait3A_467 : memref<1x128x32xf32, #tpu.memory_space<vmem>> -> memref<128x32xf32, #tpu.memory_space<vmem>>
    %dma_wait3A_469 = arith.constant 0 : i32
    %dma_wait3A_470 = tpu.memref_slice %arg7[%dma_wait3A_463, %dma_wait3A_469] : memref<26x128xi32, #tpu.memory_space<vmem>> -> memref<1x128xi32, #tpu.memory_space<vmem>>
    %dma_wait3A_471 = tpu.memref_squeeze %dma_wait3A_470 : memref<1x128xi32, #tpu.memory_space<vmem>> -> memref<128xi32, #tpu.memory_space<vmem>>
    %dma_wait3A_472 = arith.constant 0 : i32
    %dma_wait3A_473 = arith.constant 0 : i32
    %dma_wait3A_474 = tpu.memref_slice %arg3[%dma_wait3A_472, %dma_wait3A_473] : memref<1000000x32xf32, #tpu.memory_space<hbm>> -> memref<1000000x32xf32, #tpu.memory_space<hbm>>
    tpu.wait_indirect_dma semaphore(%arg13 : memref<!tpu.dma_semaphore, #tpu.memory_space<semaphore_mem>>) src(%dma_wait3A_474 : memref<1000000x32xf32, #tpu.memory_space<hbm>>) dst(%dma_wait3A_468 : memref<128x32xf32, #tpu.memory_space<vmem>>)
    %dma_wait3A_475 = arith.constant 6 : i32
    %dma_wait3A_476 = arith.constant 6 : i32
    %dma_wait3A_477 = arith.constant 0 : i32
    %dma_wait3A_478 = arith.constant 0 : i32
    %dma_wait3A_479 = tpu.memref_slice %arg12[%dma_wait3A_476, %dma_wait3A_477, %dma_wait3A_478] : memref<13x128x32xf32, #tpu.memory_space<vmem>> -> memref<1x128x32xf32, #tpu.memory_space<vmem>>
    %dma_wait3A_480 = tpu.memref_squeeze %dma_wait3A_479 : memref<1x128x32xf32, #tpu.memory_space<vmem>> -> memref<128x32xf32, #tpu.memory_space<vmem>>
    %dma_wait3A_481 = arith.constant 0 : i32
    %dma_wait3A_482 = tpu.memref_slice %arg8[%dma_wait3A_475, %dma_wait3A_481] : memref<26x128xi32, #tpu.memory_space<vmem>> -> memref<1x128xi32, #tpu.memory_space<vmem>>
    %dma_wait3A_483 = tpu.memref_squeeze %dma_wait3A_482 : memref<1x128xi32, #tpu.memory_space<vmem>> -> memref<128xi32, #tpu.memory_space<vmem>>
    %dma_wait3A_484 = arith.constant 0 : i32
    %dma_wait3A_485 = arith.constant 0 : i32
    %dma_wait3A_486 = tpu.memref_slice %arg4[%dma_wait3A_484, %dma_wait3A_485] : memref<1000000x32xf32, #tpu.memory_space<hbm>> -> memref<1000000x32xf32, #tpu.memory_space<hbm>>
    tpu.wait_indirect_dma semaphore(%arg13 : memref<!tpu.dma_semaphore, #tpu.memory_space<semaphore_mem>>) src(%dma_wait3A_486 : memref<1000000x32xf32, #tpu.memory_space<hbm>>) dst(%dma_wait3A_480 : memref<128x32xf32, #tpu.memory_space<vmem>>)
    %dma_wait3A_487 = arith.constant 7 : i32
    %dma_wait3A_488 = arith.constant 7 : i32
    %dma_wait3A_489 = arith.constant 0 : i32
    %dma_wait3A_490 = arith.constant 0 : i32
    %dma_wait3A_491 = tpu.memref_slice %arg11[%dma_wait3A_488, %dma_wait3A_489, %dma_wait3A_490] : memref<13x128x32xf32, #tpu.memory_space<vmem>> -> memref<1x128x32xf32, #tpu.memory_space<vmem>>
    %dma_wait3A_492 = tpu.memref_squeeze %dma_wait3A_491 : memref<1x128x32xf32, #tpu.memory_space<vmem>> -> memref<128x32xf32, #tpu.memory_space<vmem>>
    %dma_wait3A_493 = arith.constant 0 : i32
    %dma_wait3A_494 = tpu.memref_slice %arg7[%dma_wait3A_487, %dma_wait3A_493] : memref<26x128xi32, #tpu.memory_space<vmem>> -> memref<1x128xi32, #tpu.memory_space<vmem>>
    %dma_wait3A_495 = tpu.memref_squeeze %dma_wait3A_494 : memref<1x128xi32, #tpu.memory_space<vmem>> -> memref<128xi32, #tpu.memory_space<vmem>>
    %dma_wait3A_496 = arith.constant 0 : i32
    %dma_wait3A_497 = arith.constant 0 : i32
    %dma_wait3A_498 = tpu.memref_slice %arg3[%dma_wait3A_496, %dma_wait3A_497] : memref<1000000x32xf32, #tpu.memory_space<hbm>> -> memref<1000000x32xf32, #tpu.memory_space<hbm>>
    tpu.wait_indirect_dma semaphore(%arg13 : memref<!tpu.dma_semaphore, #tpu.memory_space<semaphore_mem>>) src(%dma_wait3A_498 : memref<1000000x32xf32, #tpu.memory_space<hbm>>) dst(%dma_wait3A_492 : memref<128x32xf32, #tpu.memory_space<vmem>>)
    %dma_wait3A_499 = arith.constant 7 : i32
    %dma_wait3A_500 = arith.constant 7 : i32
    %dma_wait3A_501 = arith.constant 0 : i32
    %dma_wait3A_502 = arith.constant 0 : i32
    %dma_wait3A_503 = tpu.memref_slice %arg12[%dma_wait3A_500, %dma_wait3A_501, %dma_wait3A_502] : memref<13x128x32xf32, #tpu.memory_space<vmem>> -> memref<1x128x32xf32, #tpu.memory_space<vmem>>
    %dma_wait3A_504 = tpu.memref_squeeze %dma_wait3A_503 : memref<1x128x32xf32, #tpu.memory_space<vmem>> -> memref<128x32xf32, #tpu.memory_space<vmem>>
    %dma_wait3A_505 = arith.constant 0 : i32
    %dma_wait3A_506 = tpu.memref_slice %arg8[%dma_wait3A_499, %dma_wait3A_505] : memref<26x128xi32, #tpu.memory_space<vmem>> -> memref<1x128xi32, #tpu.memory_space<vmem>>
    %dma_wait3A_507 = tpu.memref_squeeze %dma_wait3A_506 : memref<1x128xi32, #tpu.memory_space<vmem>> -> memref<128xi32, #tpu.memory_space<vmem>>
    %dma_wait3A_508 = arith.constant 0 : i32
    %dma_wait3A_509 = arith.constant 0 : i32
    %dma_wait3A_510 = tpu.memref_slice %arg4[%dma_wait3A_508, %dma_wait3A_509] : memref<1000000x32xf32, #tpu.memory_space<hbm>> -> memref<1000000x32xf32, #tpu.memory_space<hbm>>
    tpu.wait_indirect_dma semaphore(%arg13 : memref<!tpu.dma_semaphore, #tpu.memory_space<semaphore_mem>>) src(%dma_wait3A_510 : memref<1000000x32xf32, #tpu.memory_space<hbm>>) dst(%dma_wait3A_504 : memref<128x32xf32, #tpu.memory_space<vmem>>)
    %dma_wait3A_511 = arith.constant 8 : i32
    %dma_wait3A_512 = arith.constant 8 : i32
    %dma_wait3A_513 = arith.constant 0 : i32
    %dma_wait3A_514 = arith.constant 0 : i32
    %dma_wait3A_515 = tpu.memref_slice %arg11[%dma_wait3A_512, %dma_wait3A_513, %dma_wait3A_514] : memref<13x128x32xf32, #tpu.memory_space<vmem>> -> memref<1x128x32xf32, #tpu.memory_space<vmem>>
    %dma_wait3A_516 = tpu.memref_squeeze %dma_wait3A_515 : memref<1x128x32xf32, #tpu.memory_space<vmem>> -> memref<128x32xf32, #tpu.memory_space<vmem>>
    %dma_wait3A_517 = arith.constant 0 : i32
    %dma_wait3A_518 = tpu.memref_slice %arg7[%dma_wait3A_511, %dma_wait3A_517] : memref<26x128xi32, #tpu.memory_space<vmem>> -> memref<1x128xi32, #tpu.memory_space<vmem>>
    %dma_wait3A_519 = tpu.memref_squeeze %dma_wait3A_518 : memref<1x128xi32, #tpu.memory_space<vmem>> -> memref<128xi32, #tpu.memory_space<vmem>>
    %dma_wait3A_520 = arith.constant 0 : i32
    %dma_wait3A_521 = arith.constant 0 : i32
    %dma_wait3A_522 = tpu.memref_slice %arg3[%dma_wait3A_520, %dma_wait3A_521] : memref<1000000x32xf32, #tpu.memory_space<hbm>> -> memref<1000000x32xf32, #tpu.memory_space<hbm>>
    tpu.wait_indirect_dma semaphore(%arg13 : memref<!tpu.dma_semaphore, #tpu.memory_space<semaphore_mem>>) src(%dma_wait3A_522 : memref<1000000x32xf32, #tpu.memory_space<hbm>>) dst(%dma_wait3A_516 : memref<128x32xf32, #tpu.memory_space<vmem>>)
    %dma_wait3A_523 = arith.constant 8 : i32
    %dma_wait3A_524 = arith.constant 8 : i32
    %dma_wait3A_525 = arith.constant 0 : i32
    %dma_wait3A_526 = arith.constant 0 : i32
    %dma_wait3A_527 = tpu.memref_slice %arg12[%dma_wait3A_524, %dma_wait3A_525, %dma_wait3A_526] : memref<13x128x32xf32, #tpu.memory_space<vmem>> -> memref<1x128x32xf32, #tpu.memory_space<vmem>>
    %dma_wait3A_528 = tpu.memref_squeeze %dma_wait3A_527 : memref<1x128x32xf32, #tpu.memory_space<vmem>> -> memref<128x32xf32, #tpu.memory_space<vmem>>
    %dma_wait3A_529 = arith.constant 0 : i32
    %dma_wait3A_530 = tpu.memref_slice %arg8[%dma_wait3A_523, %dma_wait3A_529] : memref<26x128xi32, #tpu.memory_space<vmem>> -> memref<1x128xi32, #tpu.memory_space<vmem>>
    %dma_wait3A_531 = tpu.memref_squeeze %dma_wait3A_530 : memref<1x128xi32, #tpu.memory_space<vmem>> -> memref<128xi32, #tpu.memory_space<vmem>>
    %dma_wait3A_532 = arith.constant 0 : i32
    %dma_wait3A_533 = arith.constant 0 : i32
    %dma_wait3A_534 = tpu.memref_slice %arg4[%dma_wait3A_532, %dma_wait3A_533] : memref<1000000x32xf32, #tpu.memory_space<hbm>> -> memref<1000000x32xf32, #tpu.memory_space<hbm>>
    tpu.wait_indirect_dma semaphore(%arg13 : memref<!tpu.dma_semaphore, #tpu.memory_space<semaphore_mem>>) src(%dma_wait3A_534 : memref<1000000x32xf32, #tpu.memory_space<hbm>>) dst(%dma_wait3A_528 : memref<128x32xf32, #tpu.memory_space<vmem>>)
    %dma_wait3A_535 = arith.constant 9 : i32
    %dma_wait3A_536 = arith.constant 9 : i32
    %dma_wait3A_537 = arith.constant 0 : i32
    %dma_wait3A_538 = arith.constant 0 : i32
    %dma_wait3A_539 = tpu.memref_slice %arg11[%dma_wait3A_536, %dma_wait3A_537, %dma_wait3A_538] : memref<13x128x32xf32, #tpu.memory_space<vmem>> -> memref<1x128x32xf32, #tpu.memory_space<vmem>>
    %dma_wait3A_540 = tpu.memref_squeeze %dma_wait3A_539 : memref<1x128x32xf32, #tpu.memory_space<vmem>> -> memref<128x32xf32, #tpu.memory_space<vmem>>
    %dma_wait3A_541 = arith.constant 0 : i32
    %dma_wait3A_542 = tpu.memref_slice %arg7[%dma_wait3A_535, %dma_wait3A_541] : memref<26x128xi32, #tpu.memory_space<vmem>> -> memref<1x128xi32, #tpu.memory_space<vmem>>
    %dma_wait3A_543 = tpu.memref_squeeze %dma_wait3A_542 : memref<1x128xi32, #tpu.memory_space<vmem>> -> memref<128xi32, #tpu.memory_space<vmem>>
    %dma_wait3A_544 = arith.constant 0 : i32
    %dma_wait3A_545 = arith.constant 0 : i32
    %dma_wait3A_546 = tpu.memref_slice %arg3[%dma_wait3A_544, %dma_wait3A_545] : memref<1000000x32xf32, #tpu.memory_space<hbm>> -> memref<1000000x32xf32, #tpu.memory_space<hbm>>
    tpu.wait_indirect_dma semaphore(%arg13 : memref<!tpu.dma_semaphore, #tpu.memory_space<semaphore_mem>>) src(%dma_wait3A_546 : memref<1000000x32xf32, #tpu.memory_space<hbm>>) dst(%dma_wait3A_540 : memref<128x32xf32, #tpu.memory_space<vmem>>)
    %dma_wait3A_547 = arith.constant 9 : i32
    %dma_wait3A_548 = arith.constant 9 : i32
    %dma_wait3A_549 = arith.constant 0 : i32
    %dma_wait3A_550 = arith.constant 0 : i32
    %dma_wait3A_551 = tpu.memref_slice %arg12[%dma_wait3A_548, %dma_wait3A_549, %dma_wait3A_550] : memref<13x128x32xf32, #tpu.memory_space<vmem>> -> memref<1x128x32xf32, #tpu.memory_space<vmem>>
    %dma_wait3A_552 = tpu.memref_squeeze %dma_wait3A_551 : memref<1x128x32xf32, #tpu.memory_space<vmem>> -> memref<128x32xf32, #tpu.memory_space<vmem>>
    %dma_wait3A_553 = arith.constant 0 : i32
    %dma_wait3A_554 = tpu.memref_slice %arg8[%dma_wait3A_547, %dma_wait3A_553] : memref<26x128xi32, #tpu.memory_space<vmem>> -> memref<1x128xi32, #tpu.memory_space<vmem>>
    %dma_wait3A_555 = tpu.memref_squeeze %dma_wait3A_554 : memref<1x128xi32, #tpu.memory_space<vmem>> -> memref<128xi32, #tpu.memory_space<vmem>>
    %dma_wait3A_556 = arith.constant 0 : i32
    %dma_wait3A_557 = arith.constant 0 : i32
    %dma_wait3A_558 = tpu.memref_slice %arg4[%dma_wait3A_556, %dma_wait3A_557] : memref<1000000x32xf32, #tpu.memory_space<hbm>> -> memref<1000000x32xf32, #tpu.memory_space<hbm>>
    tpu.wait_indirect_dma semaphore(%arg13 : memref<!tpu.dma_semaphore, #tpu.memory_space<semaphore_mem>>) src(%dma_wait3A_558 : memref<1000000x32xf32, #tpu.memory_space<hbm>>) dst(%dma_wait3A_552 : memref<128x32xf32, #tpu.memory_space<vmem>>)
    %dma_wait3A_559 = arith.constant 10 : i32
    %dma_wait3A_560 = arith.constant 10 : i32
    %dma_wait3A_561 = arith.constant 0 : i32
    %dma_wait3A_562 = arith.constant 0 : i32
    %dma_wait3A_563 = tpu.memref_slice %arg11[%dma_wait3A_560, %dma_wait3A_561, %dma_wait3A_562] : memref<13x128x32xf32, #tpu.memory_space<vmem>> -> memref<1x128x32xf32, #tpu.memory_space<vmem>>
    %dma_wait3A_564 = tpu.memref_squeeze %dma_wait3A_563 : memref<1x128x32xf32, #tpu.memory_space<vmem>> -> memref<128x32xf32, #tpu.memory_space<vmem>>
    %dma_wait3A_565 = arith.constant 0 : i32
    %dma_wait3A_566 = tpu.memref_slice %arg7[%dma_wait3A_559, %dma_wait3A_565] : memref<26x128xi32, #tpu.memory_space<vmem>> -> memref<1x128xi32, #tpu.memory_space<vmem>>
    %dma_wait3A_567 = tpu.memref_squeeze %dma_wait3A_566 : memref<1x128xi32, #tpu.memory_space<vmem>> -> memref<128xi32, #tpu.memory_space<vmem>>
    %dma_wait3A_568 = arith.constant 0 : i32
    %dma_wait3A_569 = arith.constant 0 : i32
    %dma_wait3A_570 = tpu.memref_slice %arg3[%dma_wait3A_568, %dma_wait3A_569] : memref<1000000x32xf32, #tpu.memory_space<hbm>> -> memref<1000000x32xf32, #tpu.memory_space<hbm>>
    tpu.wait_indirect_dma semaphore(%arg13 : memref<!tpu.dma_semaphore, #tpu.memory_space<semaphore_mem>>) src(%dma_wait3A_570 : memref<1000000x32xf32, #tpu.memory_space<hbm>>) dst(%dma_wait3A_564 : memref<128x32xf32, #tpu.memory_space<vmem>>)
    %dma_wait3A_571 = arith.constant 10 : i32
    %dma_wait3A_572 = arith.constant 10 : i32
    %dma_wait3A_573 = arith.constant 0 : i32
    %dma_wait3A_574 = arith.constant 0 : i32
    %dma_wait3A_575 = tpu.memref_slice %arg12[%dma_wait3A_572, %dma_wait3A_573, %dma_wait3A_574] : memref<13x128x32xf32, #tpu.memory_space<vmem>> -> memref<1x128x32xf32, #tpu.memory_space<vmem>>
    %dma_wait3A_576 = tpu.memref_squeeze %dma_wait3A_575 : memref<1x128x32xf32, #tpu.memory_space<vmem>> -> memref<128x32xf32, #tpu.memory_space<vmem>>
    %dma_wait3A_577 = arith.constant 0 : i32
    %dma_wait3A_578 = tpu.memref_slice %arg8[%dma_wait3A_571, %dma_wait3A_577] : memref<26x128xi32, #tpu.memory_space<vmem>> -> memref<1x128xi32, #tpu.memory_space<vmem>>
    %dma_wait3A_579 = tpu.memref_squeeze %dma_wait3A_578 : memref<1x128xi32, #tpu.memory_space<vmem>> -> memref<128xi32, #tpu.memory_space<vmem>>
    %dma_wait3A_580 = arith.constant 0 : i32
    %dma_wait3A_581 = arith.constant 0 : i32
    %dma_wait3A_582 = tpu.memref_slice %arg4[%dma_wait3A_580, %dma_wait3A_581] : memref<1000000x32xf32, #tpu.memory_space<hbm>> -> memref<1000000x32xf32, #tpu.memory_space<hbm>>
    tpu.wait_indirect_dma semaphore(%arg13 : memref<!tpu.dma_semaphore, #tpu.memory_space<semaphore_mem>>) src(%dma_wait3A_582 : memref<1000000x32xf32, #tpu.memory_space<hbm>>) dst(%dma_wait3A_576 : memref<128x32xf32, #tpu.memory_space<vmem>>)
    %dma_wait3A_583 = arith.constant 11 : i32
    %dma_wait3A_584 = arith.constant 11 : i32
    %dma_wait3A_585 = arith.constant 0 : i32
    %dma_wait3A_586 = arith.constant 0 : i32
    %dma_wait3A_587 = tpu.memref_slice %arg11[%dma_wait3A_584, %dma_wait3A_585, %dma_wait3A_586] : memref<13x128x32xf32, #tpu.memory_space<vmem>> -> memref<1x128x32xf32, #tpu.memory_space<vmem>>
    %dma_wait3A_588 = tpu.memref_squeeze %dma_wait3A_587 : memref<1x128x32xf32, #tpu.memory_space<vmem>> -> memref<128x32xf32, #tpu.memory_space<vmem>>
    %dma_wait3A_589 = arith.constant 0 : i32
    %dma_wait3A_590 = tpu.memref_slice %arg7[%dma_wait3A_583, %dma_wait3A_589] : memref<26x128xi32, #tpu.memory_space<vmem>> -> memref<1x128xi32, #tpu.memory_space<vmem>>
    %dma_wait3A_591 = tpu.memref_squeeze %dma_wait3A_590 : memref<1x128xi32, #tpu.memory_space<vmem>> -> memref<128xi32, #tpu.memory_space<vmem>>
    %dma_wait3A_592 = arith.constant 0 : i32
    %dma_wait3A_593 = arith.constant 0 : i32
    %dma_wait3A_594 = tpu.memref_slice %arg3[%dma_wait3A_592, %dma_wait3A_593] : memref<1000000x32xf32, #tpu.memory_space<hbm>> -> memref<1000000x32xf32, #tpu.memory_space<hbm>>
    tpu.wait_indirect_dma semaphore(%arg13 : memref<!tpu.dma_semaphore, #tpu.memory_space<semaphore_mem>>) src(%dma_wait3A_594 : memref<1000000x32xf32, #tpu.memory_space<hbm>>) dst(%dma_wait3A_588 : memref<128x32xf32, #tpu.memory_space<vmem>>)
    %dma_wait3A_595 = arith.constant 11 : i32
    %dma_wait3A_596 = arith.constant 11 : i32
    %dma_wait3A_597 = arith.constant 0 : i32
    %dma_wait3A_598 = arith.constant 0 : i32
    %dma_wait3A_599 = tpu.memref_slice %arg12[%dma_wait3A_596, %dma_wait3A_597, %dma_wait3A_598] : memref<13x128x32xf32, #tpu.memory_space<vmem>> -> memref<1x128x32xf32, #tpu.memory_space<vmem>>
    %dma_wait3A_600 = tpu.memref_squeeze %dma_wait3A_599 : memref<1x128x32xf32, #tpu.memory_space<vmem>> -> memref<128x32xf32, #tpu.memory_space<vmem>>
    %dma_wait3A_601 = arith.constant 0 : i32
    %dma_wait3A_602 = tpu.memref_slice %arg8[%dma_wait3A_595, %dma_wait3A_601] : memref<26x128xi32, #tpu.memory_space<vmem>> -> memref<1x128xi32, #tpu.memory_space<vmem>>
    %dma_wait3A_603 = tpu.memref_squeeze %dma_wait3A_602 : memref<1x128xi32, #tpu.memory_space<vmem>> -> memref<128xi32, #tpu.memory_space<vmem>>
    %dma_wait3A_604 = arith.constant 0 : i32
    %dma_wait3A_605 = arith.constant 0 : i32
    %dma_wait3A_606 = tpu.memref_slice %arg4[%dma_wait3A_604, %dma_wait3A_605] : memref<1000000x32xf32, #tpu.memory_space<hbm>> -> memref<1000000x32xf32, #tpu.memory_space<hbm>>
    tpu.wait_indirect_dma semaphore(%arg13 : memref<!tpu.dma_semaphore, #tpu.memory_space<semaphore_mem>>) src(%dma_wait3A_606 : memref<1000000x32xf32, #tpu.memory_space<hbm>>) dst(%dma_wait3A_600 : memref<128x32xf32, #tpu.memory_space<vmem>>)
    %dma_wait3A_607 = arith.constant 12 : i32
    %dma_wait3A_608 = arith.constant 12 : i32
    %dma_wait3A_609 = arith.constant 0 : i32
    %dma_wait3A_610 = arith.constant 0 : i32
    %dma_wait3A_611 = tpu.memref_slice %arg11[%dma_wait3A_608, %dma_wait3A_609, %dma_wait3A_610] : memref<13x128x32xf32, #tpu.memory_space<vmem>> -> memref<1x128x32xf32, #tpu.memory_space<vmem>>
    %dma_wait3A_612 = tpu.memref_squeeze %dma_wait3A_611 : memref<1x128x32xf32, #tpu.memory_space<vmem>> -> memref<128x32xf32, #tpu.memory_space<vmem>>
    %dma_wait3A_613 = arith.constant 0 : i32
    %dma_wait3A_614 = tpu.memref_slice %arg7[%dma_wait3A_607, %dma_wait3A_613] : memref<26x128xi32, #tpu.memory_space<vmem>> -> memref<1x128xi32, #tpu.memory_space<vmem>>
    %dma_wait3A_615 = tpu.memref_squeeze %dma_wait3A_614 : memref<1x128xi32, #tpu.memory_space<vmem>> -> memref<128xi32, #tpu.memory_space<vmem>>
    %dma_wait3A_616 = arith.constant 0 : i32
    %dma_wait3A_617 = arith.constant 0 : i32
    %dma_wait3A_618 = tpu.memref_slice %arg3[%dma_wait3A_616, %dma_wait3A_617] : memref<1000000x32xf32, #tpu.memory_space<hbm>> -> memref<1000000x32xf32, #tpu.memory_space<hbm>>
    tpu.wait_indirect_dma semaphore(%arg13 : memref<!tpu.dma_semaphore, #tpu.memory_space<semaphore_mem>>) src(%dma_wait3A_618 : memref<1000000x32xf32, #tpu.memory_space<hbm>>) dst(%dma_wait3A_612 : memref<128x32xf32, #tpu.memory_space<vmem>>)
    %dma_wait3A_619 = arith.constant 12 : i32
    %dma_wait3A_620 = arith.constant 12 : i32
    %dma_wait3A_621 = arith.constant 0 : i32
    %dma_wait3A_622 = arith.constant 0 : i32
    %dma_wait3A_623 = tpu.memref_slice %arg12[%dma_wait3A_620, %dma_wait3A_621, %dma_wait3A_622] : memref<13x128x32xf32, #tpu.memory_space<vmem>> -> memref<1x128x32xf32, #tpu.memory_space<vmem>>
    %dma_wait3A_624 = tpu.memref_squeeze %dma_wait3A_623 : memref<1x128x32xf32, #tpu.memory_space<vmem>> -> memref<128x32xf32, #tpu.memory_space<vmem>>
    %dma_wait3A_625 = arith.constant 0 : i32
    %dma_wait3A_626 = tpu.memref_slice %arg8[%dma_wait3A_619, %dma_wait3A_625] : memref<26x128xi32, #tpu.memory_space<vmem>> -> memref<1x128xi32, #tpu.memory_space<vmem>>
    %dma_wait3A_627 = tpu.memref_squeeze %dma_wait3A_626 : memref<1x128xi32, #tpu.memory_space<vmem>> -> memref<128xi32, #tpu.memory_space<vmem>>
    %dma_wait3A_628 = arith.constant 0 : i32
    %dma_wait3A_629 = arith.constant 0 : i32
    %dma_wait3A_630 = tpu.memref_slice %arg4[%dma_wait3A_628, %dma_wait3A_629] : memref<1000000x32xf32, #tpu.memory_space<hbm>> -> memref<1000000x32xf32, #tpu.memory_space<hbm>>
    tpu.wait_indirect_dma semaphore(%arg13 : memref<!tpu.dma_semaphore, #tpu.memory_space<semaphore_mem>>) src(%dma_wait3A_630 : memref<1000000x32xf32, #tpu.memory_space<hbm>>) dst(%dma_wait3A_624 : memref<128x32xf32, #tpu.memory_space<vmem>>)
    %dma_start3A_631 = arith.constant 0 : i32
    %dma_start3A_632 = arith.constant 0 : i32
    %dma_start3A_633 = arith.constant 0 : i32
    %dma_start3A_634 = arith.constant 0 : i32
    %dma_start3A_635 = tpu.memref_slice %arg11[%dma_start3A_631, %dma_start3A_633, %dma_start3A_634] : memref<13x128x32xf32, #tpu.memory_space<vmem>> -> memref<1x128x32xf32, #tpu.memory_space<vmem>>
    %dma_start3A_636 = tpu.memref_squeeze %dma_start3A_635 : memref<1x128x32xf32, #tpu.memory_space<vmem>> -> memref<128x32xf32, #tpu.memory_space<vmem>>
    %dma_start3A_637 = arith.constant 0 : i32
    %dma_start3A_638 = tpu.memref_slice %arg9[%dma_start3A_632, %dma_start3A_637] : memref<26x128xi32, #tpu.memory_space<vmem>> -> memref<1x128xi32, #tpu.memory_space<vmem>>
    %dma_start3A_639 = tpu.memref_squeeze %dma_start3A_638 : memref<1x128xi32, #tpu.memory_space<vmem>> -> memref<128xi32, #tpu.memory_space<vmem>>
    %dma_start3A_640 = arith.constant 0 : i32
    %dma_start3A_641 = arith.constant 0 : i32
    %dma_start3A_642 = tpu.memref_slice %arg5[%dma_start3A_640, %dma_start3A_641] : memref<524288x32xf32, #tpu.memory_space<hbm>> -> memref<524288x32xf32, #tpu.memory_space<hbm>>
    tpu.enqueue_indirect_dma source(%dma_start3A_636 : memref<128x32xf32, #tpu.memory_space<vmem>>) target(%dma_start3A_642 : memref<524288x32xf32, #tpu.memory_space<hbm>>) offsets(%dma_start3A_639 : memref<128xi32, #tpu.memory_space<vmem>>) semaphore(%arg14 : memref<!tpu.dma_semaphore, #tpu.memory_space<semaphore_mem>>)
    %dma_start3A_643 = arith.constant 0 : i32
    %dma_start3A_644 = arith.constant 0 : i32
    %dma_start3A_645 = arith.constant 0 : i32
    %dma_start3A_646 = arith.constant 0 : i32
    %dma_start3A_647 = tpu.memref_slice %arg12[%dma_start3A_643, %dma_start3A_645, %dma_start3A_646] : memref<13x128x32xf32, #tpu.memory_space<vmem>> -> memref<1x128x32xf32, #tpu.memory_space<vmem>>
    %dma_start3A_648 = tpu.memref_squeeze %dma_start3A_647 : memref<1x128x32xf32, #tpu.memory_space<vmem>> -> memref<128x32xf32, #tpu.memory_space<vmem>>
    %dma_start3A_649 = arith.constant 0 : i32
    %dma_start3A_650 = tpu.memref_slice %arg10[%dma_start3A_644, %dma_start3A_649] : memref<26x128xi32, #tpu.memory_space<vmem>> -> memref<1x128xi32, #tpu.memory_space<vmem>>
    %dma_start3A_651 = tpu.memref_squeeze %dma_start3A_650 : memref<1x128xi32, #tpu.memory_space<vmem>> -> memref<128xi32, #tpu.memory_space<vmem>>
    %dma_start3A_652 = arith.constant 0 : i32
    %dma_start3A_653 = arith.constant 0 : i32
    %dma_start3A_654 = tpu.memref_slice %arg5[%dma_start3A_652, %dma_start3A_653] : memref<524288x32xf32, #tpu.memory_space<hbm>> -> memref<524288x32xf32, #tpu.memory_space<hbm>>
    tpu.enqueue_indirect_dma source(%dma_start3A_648 : memref<128x32xf32, #tpu.memory_space<vmem>>) target(%dma_start3A_654 : memref<524288x32xf32, #tpu.memory_space<hbm>>) offsets(%dma_start3A_651 : memref<128xi32, #tpu.memory_space<vmem>>) semaphore(%arg14 : memref<!tpu.dma_semaphore, #tpu.memory_space<semaphore_mem>>)
    %dma_start3A_655 = arith.constant 1 : i32
    %dma_start3A_656 = arith.constant 1 : i32
    %dma_start3A_657 = arith.constant 0 : i32
    %dma_start3A_658 = arith.constant 0 : i32
    %dma_start3A_659 = tpu.memref_slice %arg11[%dma_start3A_655, %dma_start3A_657, %dma_start3A_658] : memref<13x128x32xf32, #tpu.memory_space<vmem>> -> memref<1x128x32xf32, #tpu.memory_space<vmem>>
    %dma_start3A_660 = tpu.memref_squeeze %dma_start3A_659 : memref<1x128x32xf32, #tpu.memory_space<vmem>> -> memref<128x32xf32, #tpu.memory_space<vmem>>
    %dma_start3A_661 = arith.constant 0 : i32
    %dma_start3A_662 = tpu.memref_slice %arg9[%dma_start3A_656, %dma_start3A_661] : memref<26x128xi32, #tpu.memory_space<vmem>> -> memref<1x128xi32, #tpu.memory_space<vmem>>
    %dma_start3A_663 = tpu.memref_squeeze %dma_start3A_662 : memref<1x128xi32, #tpu.memory_space<vmem>> -> memref<128xi32, #tpu.memory_space<vmem>>
    %dma_start3A_664 = arith.constant 0 : i32
    %dma_start3A_665 = arith.constant 0 : i32
    %dma_start3A_666 = tpu.memref_slice %arg5[%dma_start3A_664, %dma_start3A_665] : memref<524288x32xf32, #tpu.memory_space<hbm>> -> memref<524288x32xf32, #tpu.memory_space<hbm>>
    tpu.enqueue_indirect_dma source(%dma_start3A_660 : memref<128x32xf32, #tpu.memory_space<vmem>>) target(%dma_start3A_666 : memref<524288x32xf32, #tpu.memory_space<hbm>>) offsets(%dma_start3A_663 : memref<128xi32, #tpu.memory_space<vmem>>) semaphore(%arg14 : memref<!tpu.dma_semaphore, #tpu.memory_space<semaphore_mem>>)
    %dma_start3A_667 = arith.constant 1 : i32
    %dma_start3A_668 = arith.constant 1 : i32
    %dma_start3A_669 = arith.constant 0 : i32
    %dma_start3A_670 = arith.constant 0 : i32
    %dma_start3A_671 = tpu.memref_slice %arg12[%dma_start3A_667, %dma_start3A_669, %dma_start3A_670] : memref<13x128x32xf32, #tpu.memory_space<vmem>> -> memref<1x128x32xf32, #tpu.memory_space<vmem>>
    %dma_start3A_672 = tpu.memref_squeeze %dma_start3A_671 : memref<1x128x32xf32, #tpu.memory_space<vmem>> -> memref<128x32xf32, #tpu.memory_space<vmem>>
    %dma_start3A_673 = arith.constant 0 : i32
    %dma_start3A_674 = tpu.memref_slice %arg10[%dma_start3A_668, %dma_start3A_673] : memref<26x128xi32, #tpu.memory_space<vmem>> -> memref<1x128xi32, #tpu.memory_space<vmem>>
    %dma_start3A_675 = tpu.memref_squeeze %dma_start3A_674 : memref<1x128xi32, #tpu.memory_space<vmem>> -> memref<128xi32, #tpu.memory_space<vmem>>
    %dma_start3A_676 = arith.constant 0 : i32
    %dma_start3A_677 = arith.constant 0 : i32
    %dma_start3A_678 = tpu.memref_slice %arg5[%dma_start3A_676, %dma_start3A_677] : memref<524288x32xf32, #tpu.memory_space<hbm>> -> memref<524288x32xf32, #tpu.memory_space<hbm>>
    tpu.enqueue_indirect_dma source(%dma_start3A_672 : memref<128x32xf32, #tpu.memory_space<vmem>>) target(%dma_start3A_678 : memref<524288x32xf32, #tpu.memory_space<hbm>>) offsets(%dma_start3A_675 : memref<128xi32, #tpu.memory_space<vmem>>) semaphore(%arg14 : memref<!tpu.dma_semaphore, #tpu.memory_space<semaphore_mem>>)
    %dma_start3A_679 = arith.constant 2 : i32
    %dma_start3A_680 = arith.constant 2 : i32
    %dma_start3A_681 = arith.constant 0 : i32
    %dma_start3A_682 = arith.constant 0 : i32
    %dma_start3A_683 = tpu.memref_slice %arg11[%dma_start3A_679, %dma_start3A_681, %dma_start3A_682] : memref<13x128x32xf32, #tpu.memory_space<vmem>> -> memref<1x128x32xf32, #tpu.memory_space<vmem>>
    %dma_start3A_684 = tpu.memref_squeeze %dma_start3A_683 : memref<1x128x32xf32, #tpu.memory_space<vmem>> -> memref<128x32xf32, #tpu.memory_space<vmem>>
    %dma_start3A_685 = arith.constant 0 : i32
    %dma_start3A_686 = tpu.memref_slice %arg9[%dma_start3A_680, %dma_start3A_685] : memref<26x128xi32, #tpu.memory_space<vmem>> -> memref<1x128xi32, #tpu.memory_space<vmem>>
    %dma_start3A_687 = tpu.memref_squeeze %dma_start3A_686 : memref<1x128xi32, #tpu.memory_space<vmem>> -> memref<128xi32, #tpu.memory_space<vmem>>
    %dma_start3A_688 = arith.constant 0 : i32
    %dma_start3A_689 = arith.constant 0 : i32
    %dma_start3A_690 = tpu.memref_slice %arg5[%dma_start3A_688, %dma_start3A_689] : memref<524288x32xf32, #tpu.memory_space<hbm>> -> memref<524288x32xf32, #tpu.memory_space<hbm>>
    tpu.enqueue_indirect_dma source(%dma_start3A_684 : memref<128x32xf32, #tpu.memory_space<vmem>>) target(%dma_start3A_690 : memref<524288x32xf32, #tpu.memory_space<hbm>>) offsets(%dma_start3A_687 : memref<128xi32, #tpu.memory_space<vmem>>) semaphore(%arg14 : memref<!tpu.dma_semaphore, #tpu.memory_space<semaphore_mem>>)
    %dma_start3A_691 = arith.constant 2 : i32
    %dma_start3A_692 = arith.constant 2 : i32
    %dma_start3A_693 = arith.constant 0 : i32
    %dma_start3A_694 = arith.constant 0 : i32
    %dma_start3A_695 = tpu.memref_slice %arg12[%dma_start3A_691, %dma_start3A_693, %dma_start3A_694] : memref<13x128x32xf32, #tpu.memory_space<vmem>> -> memref<1x128x32xf32, #tpu.memory_space<vmem>>
    %dma_start3A_696 = tpu.memref_squeeze %dma_start3A_695 : memref<1x128x32xf32, #tpu.memory_space<vmem>> -> memref<128x32xf32, #tpu.memory_space<vmem>>
    %dma_start3A_697 = arith.constant 0 : i32
    %dma_start3A_698 = tpu.memref_slice %arg10[%dma_start3A_692, %dma_start3A_697] : memref<26x128xi32, #tpu.memory_space<vmem>> -> memref<1x128xi32, #tpu.memory_space<vmem>>
    %dma_start3A_699 = tpu.memref_squeeze %dma_start3A_698 : memref<1x128xi32, #tpu.memory_space<vmem>> -> memref<128xi32, #tpu.memory_space<vmem>>
    %dma_start3A_700 = arith.constant 0 : i32
    %dma_start3A_701 = arith.constant 0 : i32
    %dma_start3A_702 = tpu.memref_slice %arg5[%dma_start3A_700, %dma_start3A_701] : memref<524288x32xf32, #tpu.memory_space<hbm>> -> memref<524288x32xf32, #tpu.memory_space<hbm>>
    tpu.enqueue_indirect_dma source(%dma_start3A_696 : memref<128x32xf32, #tpu.memory_space<vmem>>) target(%dma_start3A_702 : memref<524288x32xf32, #tpu.memory_space<hbm>>) offsets(%dma_start3A_699 : memref<128xi32, #tpu.memory_space<vmem>>) semaphore(%arg14 : memref<!tpu.dma_semaphore, #tpu.memory_space<semaphore_mem>>)
    %dma_start3A_703 = arith.constant 3 : i32
    %dma_start3A_704 = arith.constant 3 : i32
    %dma_start3A_705 = arith.constant 0 : i32
    %dma_start3A_706 = arith.constant 0 : i32
    %dma_start3A_707 = tpu.memref_slice %arg11[%dma_start3A_703, %dma_start3A_705, %dma_start3A_706] : memref<13x128x32xf32, #tpu.memory_space<vmem>> -> memref<1x128x32xf32, #tpu.memory_space<vmem>>
    %dma_start3A_708 = tpu.memref_squeeze %dma_start3A_707 : memref<1x128x32xf32, #tpu.memory_space<vmem>> -> memref<128x32xf32, #tpu.memory_space<vmem>>
    %dma_start3A_709 = arith.constant 0 : i32
    %dma_start3A_710 = tpu.memref_slice %arg9[%dma_start3A_704, %dma_start3A_709] : memref<26x128xi32, #tpu.memory_space<vmem>> -> memref<1x128xi32, #tpu.memory_space<vmem>>
    %dma_start3A_711 = tpu.memref_squeeze %dma_start3A_710 : memref<1x128xi32, #tpu.memory_space<vmem>> -> memref<128xi32, #tpu.memory_space<vmem>>
    %dma_start3A_712 = arith.constant 0 : i32
    %dma_start3A_713 = arith.constant 0 : i32
    %dma_start3A_714 = tpu.memref_slice %arg5[%dma_start3A_712, %dma_start3A_713] : memref<524288x32xf32, #tpu.memory_space<hbm>> -> memref<524288x32xf32, #tpu.memory_space<hbm>>
    tpu.enqueue_indirect_dma source(%dma_start3A_708 : memref<128x32xf32, #tpu.memory_space<vmem>>) target(%dma_start3A_714 : memref<524288x32xf32, #tpu.memory_space<hbm>>) offsets(%dma_start3A_711 : memref<128xi32, #tpu.memory_space<vmem>>) semaphore(%arg14 : memref<!tpu.dma_semaphore, #tpu.memory_space<semaphore_mem>>)
    %dma_start3A_715 = arith.constant 3 : i32
    %dma_start3A_716 = arith.constant 3 : i32
    %dma_start3A_717 = arith.constant 0 : i32
    %dma_start3A_718 = arith.constant 0 : i32
    %dma_start3A_719 = tpu.memref_slice %arg12[%dma_start3A_715, %dma_start3A_717, %dma_start3A_718] : memref<13x128x32xf32, #tpu.memory_space<vmem>> -> memref<1x128x32xf32, #tpu.memory_space<vmem>>
    %dma_start3A_720 = tpu.memref_squeeze %dma_start3A_719 : memref<1x128x32xf32, #tpu.memory_space<vmem>> -> memref<128x32xf32, #tpu.memory_space<vmem>>
    %dma_start3A_721 = arith.constant 0 : i32
    %dma_start3A_722 = tpu.memref_slice %arg10[%dma_start3A_716, %dma_start3A_721] : memref<26x128xi32, #tpu.memory_space<vmem>> -> memref<1x128xi32, #tpu.memory_space<vmem>>
    %dma_start3A_723 = tpu.memref_squeeze %dma_start3A_722 : memref<1x128xi32, #tpu.memory_space<vmem>> -> memref<128xi32, #tpu.memory_space<vmem>>
    %dma_start3A_724 = arith.constant 0 : i32
    %dma_start3A_725 = arith.constant 0 : i32
    %dma_start3A_726 = tpu.memref_slice %arg5[%dma_start3A_724, %dma_start3A_725] : memref<524288x32xf32, #tpu.memory_space<hbm>> -> memref<524288x32xf32, #tpu.memory_space<hbm>>
    tpu.enqueue_indirect_dma source(%dma_start3A_720 : memref<128x32xf32, #tpu.memory_space<vmem>>) target(%dma_start3A_726 : memref<524288x32xf32, #tpu.memory_space<hbm>>) offsets(%dma_start3A_723 : memref<128xi32, #tpu.memory_space<vmem>>) semaphore(%arg14 : memref<!tpu.dma_semaphore, #tpu.memory_space<semaphore_mem>>)
    %dma_start3A_727 = arith.constant 4 : i32
    %dma_start3A_728 = arith.constant 4 : i32
    %dma_start3A_729 = arith.constant 0 : i32
    %dma_start3A_730 = arith.constant 0 : i32
    %dma_start3A_731 = tpu.memref_slice %arg11[%dma_start3A_727, %dma_start3A_729, %dma_start3A_730] : memref<13x128x32xf32, #tpu.memory_space<vmem>> -> memref<1x128x32xf32, #tpu.memory_space<vmem>>
    %dma_start3A_732 = tpu.memref_squeeze %dma_start3A_731 : memref<1x128x32xf32, #tpu.memory_space<vmem>> -> memref<128x32xf32, #tpu.memory_space<vmem>>
    %dma_start3A_733 = arith.constant 0 : i32
    %dma_start3A_734 = tpu.memref_slice %arg9[%dma_start3A_728, %dma_start3A_733] : memref<26x128xi32, #tpu.memory_space<vmem>> -> memref<1x128xi32, #tpu.memory_space<vmem>>
    %dma_start3A_735 = tpu.memref_squeeze %dma_start3A_734 : memref<1x128xi32, #tpu.memory_space<vmem>> -> memref<128xi32, #tpu.memory_space<vmem>>
    %dma_start3A_736 = arith.constant 0 : i32
    %dma_start3A_737 = arith.constant 0 : i32
    %dma_start3A_738 = tpu.memref_slice %arg5[%dma_start3A_736, %dma_start3A_737] : memref<524288x32xf32, #tpu.memory_space<hbm>> -> memref<524288x32xf32, #tpu.memory_space<hbm>>
    tpu.enqueue_indirect_dma source(%dma_start3A_732 : memref<128x32xf32, #tpu.memory_space<vmem>>) target(%dma_start3A_738 : memref<524288x32xf32, #tpu.memory_space<hbm>>) offsets(%dma_start3A_735 : memref<128xi32, #tpu.memory_space<vmem>>) semaphore(%arg14 : memref<!tpu.dma_semaphore, #tpu.memory_space<semaphore_mem>>)
    %dma_start3A_739 = arith.constant 4 : i32
    %dma_start3A_740 = arith.constant 4 : i32
    %dma_start3A_741 = arith.constant 0 : i32
    %dma_start3A_742 = arith.constant 0 : i32
    %dma_start3A_743 = tpu.memref_slice %arg12[%dma_start3A_739, %dma_start3A_741, %dma_start3A_742] : memref<13x128x32xf32, #tpu.memory_space<vmem>> -> memref<1x128x32xf32, #tpu.memory_space<vmem>>
    %dma_start3A_744 = tpu.memref_squeeze %dma_start3A_743 : memref<1x128x32xf32, #tpu.memory_space<vmem>> -> memref<128x32xf32, #tpu.memory_space<vmem>>
    %dma_start3A_745 = arith.constant 0 : i32
    %dma_start3A_746 = tpu.memref_slice %arg10[%dma_start3A_740, %dma_start3A_745] : memref<26x128xi32, #tpu.memory_space<vmem>> -> memref<1x128xi32, #tpu.memory_space<vmem>>
    %dma_start3A_747 = tpu.memref_squeeze %dma_start3A_746 : memref<1x128xi32, #tpu.memory_space<vmem>> -> memref<128xi32, #tpu.memory_space<vmem>>
    %dma_start3A_748 = arith.constant 0 : i32
    %dma_start3A_749 = arith.constant 0 : i32
    %dma_start3A_750 = tpu.memref_slice %arg5[%dma_start3A_748, %dma_start3A_749] : memref<524288x32xf32, #tpu.memory_space<hbm>> -> memref<524288x32xf32, #tpu.memory_space<hbm>>
    tpu.enqueue_indirect_dma source(%dma_start3A_744 : memref<128x32xf32, #tpu.memory_space<vmem>>) target(%dma_start3A_750 : memref<524288x32xf32, #tpu.memory_space<hbm>>) offsets(%dma_start3A_747 : memref<128xi32, #tpu.memory_space<vmem>>) semaphore(%arg14 : memref<!tpu.dma_semaphore, #tpu.memory_space<semaphore_mem>>)
    %dma_start3A_751 = arith.constant 5 : i32
    %dma_start3A_752 = arith.constant 5 : i32
    %dma_start3A_753 = arith.constant 0 : i32
    %dma_start3A_754 = arith.constant 0 : i32
    %dma_start3A_755 = tpu.memref_slice %arg11[%dma_start3A_751, %dma_start3A_753, %dma_start3A_754] : memref<13x128x32xf32, #tpu.memory_space<vmem>> -> memref<1x128x32xf32, #tpu.memory_space<vmem>>
    %dma_start3A_756 = tpu.memref_squeeze %dma_start3A_755 : memref<1x128x32xf32, #tpu.memory_space<vmem>> -> memref<128x32xf32, #tpu.memory_space<vmem>>
    %dma_start3A_757 = arith.constant 0 : i32
    %dma_start3A_758 = tpu.memref_slice %arg9[%dma_start3A_752, %dma_start3A_757] : memref<26x128xi32, #tpu.memory_space<vmem>> -> memref<1x128xi32, #tpu.memory_space<vmem>>
    %dma_start3A_759 = tpu.memref_squeeze %dma_start3A_758 : memref<1x128xi32, #tpu.memory_space<vmem>> -> memref<128xi32, #tpu.memory_space<vmem>>
    %dma_start3A_760 = arith.constant 0 : i32
    %dma_start3A_761 = arith.constant 0 : i32
    %dma_start3A_762 = tpu.memref_slice %arg5[%dma_start3A_760, %dma_start3A_761] : memref<524288x32xf32, #tpu.memory_space<hbm>> -> memref<524288x32xf32, #tpu.memory_space<hbm>>
    tpu.enqueue_indirect_dma source(%dma_start3A_756 : memref<128x32xf32, #tpu.memory_space<vmem>>) target(%dma_start3A_762 : memref<524288x32xf32, #tpu.memory_space<hbm>>) offsets(%dma_start3A_759 : memref<128xi32, #tpu.memory_space<vmem>>) semaphore(%arg14 : memref<!tpu.dma_semaphore, #tpu.memory_space<semaphore_mem>>)
    %dma_start3A_763 = arith.constant 5 : i32
    %dma_start3A_764 = arith.constant 5 : i32
    %dma_start3A_765 = arith.constant 0 : i32
    %dma_start3A_766 = arith.constant 0 : i32
    %dma_start3A_767 = tpu.memref_slice %arg12[%dma_start3A_763, %dma_start3A_765, %dma_start3A_766] : memref<13x128x32xf32, #tpu.memory_space<vmem>> -> memref<1x128x32xf32, #tpu.memory_space<vmem>>
    %dma_start3A_768 = tpu.memref_squeeze %dma_start3A_767 : memref<1x128x32xf32, #tpu.memory_space<vmem>> -> memref<128x32xf32, #tpu.memory_space<vmem>>
    %dma_start3A_769 = arith.constant 0 : i32
    %dma_start3A_770 = tpu.memref_slice %arg10[%dma_start3A_764, %dma_start3A_769] : memref<26x128xi32, #tpu.memory_space<vmem>> -> memref<1x128xi32, #tpu.memory_space<vmem>>
    %dma_start3A_771 = tpu.memref_squeeze %dma_start3A_770 : memref<1x128xi32, #tpu.memory_space<vmem>> -> memref<128xi32, #tpu.memory_space<vmem>>
    %dma_start3A_772 = arith.constant 0 : i32
    %dma_start3A_773 = arith.constant 0 : i32
    %dma_start3A_774 = tpu.memref_slice %arg5[%dma_start3A_772, %dma_start3A_773] : memref<524288x32xf32, #tpu.memory_space<hbm>> -> memref<524288x32xf32, #tpu.memory_space<hbm>>
    tpu.enqueue_indirect_dma source(%dma_start3A_768 : memref<128x32xf32, #tpu.memory_space<vmem>>) target(%dma_start3A_774 : memref<524288x32xf32, #tpu.memory_space<hbm>>) offsets(%dma_start3A_771 : memref<128xi32, #tpu.memory_space<vmem>>) semaphore(%arg14 : memref<!tpu.dma_semaphore, #tpu.memory_space<semaphore_mem>>)
    %dma_start3A_775 = arith.constant 6 : i32
    %dma_start3A_776 = arith.constant 6 : i32
    %dma_start3A_777 = arith.constant 0 : i32
    %dma_start3A_778 = arith.constant 0 : i32
    %dma_start3A_779 = tpu.memref_slice %arg11[%dma_start3A_775, %dma_start3A_777, %dma_start3A_778] : memref<13x128x32xf32, #tpu.memory_space<vmem>> -> memref<1x128x32xf32, #tpu.memory_space<vmem>>
    %dma_start3A_780 = tpu.memref_squeeze %dma_start3A_779 : memref<1x128x32xf32, #tpu.memory_space<vmem>> -> memref<128x32xf32, #tpu.memory_space<vmem>>
    %dma_start3A_781 = arith.constant 0 : i32
    %dma_start3A_782 = tpu.memref_slice %arg9[%dma_start3A_776, %dma_start3A_781] : memref<26x128xi32, #tpu.memory_space<vmem>> -> memref<1x128xi32, #tpu.memory_space<vmem>>
    %dma_start3A_783 = tpu.memref_squeeze %dma_start3A_782 : memref<1x128xi32, #tpu.memory_space<vmem>> -> memref<128xi32, #tpu.memory_space<vmem>>
    %dma_start3A_784 = arith.constant 0 : i32
    %dma_start3A_785 = arith.constant 0 : i32
    %dma_start3A_786 = tpu.memref_slice %arg5[%dma_start3A_784, %dma_start3A_785] : memref<524288x32xf32, #tpu.memory_space<hbm>> -> memref<524288x32xf32, #tpu.memory_space<hbm>>
    tpu.enqueue_indirect_dma source(%dma_start3A_780 : memref<128x32xf32, #tpu.memory_space<vmem>>) target(%dma_start3A_786 : memref<524288x32xf32, #tpu.memory_space<hbm>>) offsets(%dma_start3A_783 : memref<128xi32, #tpu.memory_space<vmem>>) semaphore(%arg14 : memref<!tpu.dma_semaphore, #tpu.memory_space<semaphore_mem>>)
    %dma_start3A_787 = arith.constant 6 : i32
    %dma_start3A_788 = arith.constant 6 : i32
    %dma_start3A_789 = arith.constant 0 : i32
    %dma_start3A_790 = arith.constant 0 : i32
    %dma_start3A_791 = tpu.memref_slice %arg12[%dma_start3A_787, %dma_start3A_789, %dma_start3A_790] : memref<13x128x32xf32, #tpu.memory_space<vmem>> -> memref<1x128x32xf32, #tpu.memory_space<vmem>>
    %dma_start3A_792 = tpu.memref_squeeze %dma_start3A_791 : memref<1x128x32xf32, #tpu.memory_space<vmem>> -> memref<128x32xf32, #tpu.memory_space<vmem>>
    %dma_start3A_793 = arith.constant 0 : i32
    %dma_start3A_794 = tpu.memref_slice %arg10[%dma_start3A_788, %dma_start3A_793] : memref<26x128xi32, #tpu.memory_space<vmem>> -> memref<1x128xi32, #tpu.memory_space<vmem>>
    %dma_start3A_795 = tpu.memref_squeeze %dma_start3A_794 : memref<1x128xi32, #tpu.memory_space<vmem>> -> memref<128xi32, #tpu.memory_space<vmem>>
    %dma_start3A_796 = arith.constant 0 : i32
    %dma_start3A_797 = arith.constant 0 : i32
    %dma_start3A_798 = tpu.memref_slice %arg5[%dma_start3A_796, %dma_start3A_797] : memref<524288x32xf32, #tpu.memory_space<hbm>> -> memref<524288x32xf32, #tpu.memory_space<hbm>>
    tpu.enqueue_indirect_dma source(%dma_start3A_792 : memref<128x32xf32, #tpu.memory_space<vmem>>) target(%dma_start3A_798 : memref<524288x32xf32, #tpu.memory_space<hbm>>) offsets(%dma_start3A_795 : memref<128xi32, #tpu.memory_space<vmem>>) semaphore(%arg14 : memref<!tpu.dma_semaphore, #tpu.memory_space<semaphore_mem>>)
    %dma_start3A_799 = arith.constant 7 : i32
    %dma_start3A_800 = arith.constant 7 : i32
    %dma_start3A_801 = arith.constant 0 : i32
    %dma_start3A_802 = arith.constant 0 : i32
    %dma_start3A_803 = tpu.memref_slice %arg11[%dma_start3A_799, %dma_start3A_801, %dma_start3A_802] : memref<13x128x32xf32, #tpu.memory_space<vmem>> -> memref<1x128x32xf32, #tpu.memory_space<vmem>>
    %dma_start3A_804 = tpu.memref_squeeze %dma_start3A_803 : memref<1x128x32xf32, #tpu.memory_space<vmem>> -> memref<128x32xf32, #tpu.memory_space<vmem>>
    %dma_start3A_805 = arith.constant 0 : i32
    %dma_start3A_806 = tpu.memref_slice %arg9[%dma_start3A_800, %dma_start3A_805] : memref<26x128xi32, #tpu.memory_space<vmem>> -> memref<1x128xi32, #tpu.memory_space<vmem>>
    %dma_start3A_807 = tpu.memref_squeeze %dma_start3A_806 : memref<1x128xi32, #tpu.memory_space<vmem>> -> memref<128xi32, #tpu.memory_space<vmem>>
    %dma_start3A_808 = arith.constant 0 : i32
    %dma_start3A_809 = arith.constant 0 : i32
    %dma_start3A_810 = tpu.memref_slice %arg5[%dma_start3A_808, %dma_start3A_809] : memref<524288x32xf32, #tpu.memory_space<hbm>> -> memref<524288x32xf32, #tpu.memory_space<hbm>>
    tpu.enqueue_indirect_dma source(%dma_start3A_804 : memref<128x32xf32, #tpu.memory_space<vmem>>) target(%dma_start3A_810 : memref<524288x32xf32, #tpu.memory_space<hbm>>) offsets(%dma_start3A_807 : memref<128xi32, #tpu.memory_space<vmem>>) semaphore(%arg14 : memref<!tpu.dma_semaphore, #tpu.memory_space<semaphore_mem>>)
    %dma_start3A_811 = arith.constant 7 : i32
    %dma_start3A_812 = arith.constant 7 : i32
    %dma_start3A_813 = arith.constant 0 : i32
    %dma_start3A_814 = arith.constant 0 : i32
    %dma_start3A_815 = tpu.memref_slice %arg12[%dma_start3A_811, %dma_start3A_813, %dma_start3A_814] : memref<13x128x32xf32, #tpu.memory_space<vmem>> -> memref<1x128x32xf32, #tpu.memory_space<vmem>>
    %dma_start3A_816 = tpu.memref_squeeze %dma_start3A_815 : memref<1x128x32xf32, #tpu.memory_space<vmem>> -> memref<128x32xf32, #tpu.memory_space<vmem>>
    %dma_start3A_817 = arith.constant 0 : i32
    %dma_start3A_818 = tpu.memref_slice %arg10[%dma_start3A_812, %dma_start3A_817] : memref<26x128xi32, #tpu.memory_space<vmem>> -> memref<1x128xi32, #tpu.memory_space<vmem>>
    %dma_start3A_819 = tpu.memref_squeeze %dma_start3A_818 : memref<1x128xi32, #tpu.memory_space<vmem>> -> memref<128xi32, #tpu.memory_space<vmem>>
    %dma_start3A_820 = arith.constant 0 : i32
    %dma_start3A_821 = arith.constant 0 : i32
    %dma_start3A_822 = tpu.memref_slice %arg5[%dma_start3A_820, %dma_start3A_821] : memref<524288x32xf32, #tpu.memory_space<hbm>> -> memref<524288x32xf32, #tpu.memory_space<hbm>>
    tpu.enqueue_indirect_dma source(%dma_start3A_816 : memref<128x32xf32, #tpu.memory_space<vmem>>) target(%dma_start3A_822 : memref<524288x32xf32, #tpu.memory_space<hbm>>) offsets(%dma_start3A_819 : memref<128xi32, #tpu.memory_space<vmem>>) semaphore(%arg14 : memref<!tpu.dma_semaphore, #tpu.memory_space<semaphore_mem>>)
    %dma_start3A_823 = arith.constant 8 : i32
    %dma_start3A_824 = arith.constant 8 : i32
    %dma_start3A_825 = arith.constant 0 : i32
    %dma_start3A_826 = arith.constant 0 : i32
    %dma_start3A_827 = tpu.memref_slice %arg11[%dma_start3A_823, %dma_start3A_825, %dma_start3A_826] : memref<13x128x32xf32, #tpu.memory_space<vmem>> -> memref<1x128x32xf32, #tpu.memory_space<vmem>>
    %dma_start3A_828 = tpu.memref_squeeze %dma_start3A_827 : memref<1x128x32xf32, #tpu.memory_space<vmem>> -> memref<128x32xf32, #tpu.memory_space<vmem>>
    %dma_start3A_829 = arith.constant 0 : i32
    %dma_start3A_830 = tpu.memref_slice %arg9[%dma_start3A_824, %dma_start3A_829] : memref<26x128xi32, #tpu.memory_space<vmem>> -> memref<1x128xi32, #tpu.memory_space<vmem>>
    %dma_start3A_831 = tpu.memref_squeeze %dma_start3A_830 : memref<1x128xi32, #tpu.memory_space<vmem>> -> memref<128xi32, #tpu.memory_space<vmem>>
    %dma_start3A_832 = arith.constant 0 : i32
    %dma_start3A_833 = arith.constant 0 : i32
    %dma_start3A_834 = tpu.memref_slice %arg5[%dma_start3A_832, %dma_start3A_833] : memref<524288x32xf32, #tpu.memory_space<hbm>> -> memref<524288x32xf32, #tpu.memory_space<hbm>>
    tpu.enqueue_indirect_dma source(%dma_start3A_828 : memref<128x32xf32, #tpu.memory_space<vmem>>) target(%dma_start3A_834 : memref<524288x32xf32, #tpu.memory_space<hbm>>) offsets(%dma_start3A_831 : memref<128xi32, #tpu.memory_space<vmem>>) semaphore(%arg14 : memref<!tpu.dma_semaphore, #tpu.memory_space<semaphore_mem>>)
    %dma_start3A_835 = arith.constant 8 : i32
    %dma_start3A_836 = arith.constant 8 : i32
    %dma_start3A_837 = arith.constant 0 : i32
    %dma_start3A_838 = arith.constant 0 : i32
    %dma_start3A_839 = tpu.memref_slice %arg12[%dma_start3A_835, %dma_start3A_837, %dma_start3A_838] : memref<13x128x32xf32, #tpu.memory_space<vmem>> -> memref<1x128x32xf32, #tpu.memory_space<vmem>>
    %dma_start3A_840 = tpu.memref_squeeze %dma_start3A_839 : memref<1x128x32xf32, #tpu.memory_space<vmem>> -> memref<128x32xf32, #tpu.memory_space<vmem>>
    %dma_start3A_841 = arith.constant 0 : i32
    %dma_start3A_842 = tpu.memref_slice %arg10[%dma_start3A_836, %dma_start3A_841] : memref<26x128xi32, #tpu.memory_space<vmem>> -> memref<1x128xi32, #tpu.memory_space<vmem>>
    %dma_start3A_843 = tpu.memref_squeeze %dma_start3A_842 : memref<1x128xi32, #tpu.memory_space<vmem>> -> memref<128xi32, #tpu.memory_space<vmem>>
    %dma_start3A_844 = arith.constant 0 : i32
    %dma_start3A_845 = arith.constant 0 : i32
    %dma_start3A_846 = tpu.memref_slice %arg5[%dma_start3A_844, %dma_start3A_845] : memref<524288x32xf32, #tpu.memory_space<hbm>> -> memref<524288x32xf32, #tpu.memory_space<hbm>>
    tpu.enqueue_indirect_dma source(%dma_start3A_840 : memref<128x32xf32, #tpu.memory_space<vmem>>) target(%dma_start3A_846 : memref<524288x32xf32, #tpu.memory_space<hbm>>) offsets(%dma_start3A_843 : memref<128xi32, #tpu.memory_space<vmem>>) semaphore(%arg14 : memref<!tpu.dma_semaphore, #tpu.memory_space<semaphore_mem>>)
    %dma_start3A_847 = arith.constant 9 : i32
    %dma_start3A_848 = arith.constant 9 : i32
    %dma_start3A_849 = arith.constant 0 : i32
    %dma_start3A_850 = arith.constant 0 : i32
    %dma_start3A_851 = tpu.memref_slice %arg11[%dma_start3A_847, %dma_start3A_849, %dma_start3A_850] : memref<13x128x32xf32, #tpu.memory_space<vmem>> -> memref<1x128x32xf32, #tpu.memory_space<vmem>>
    %dma_start3A_852 = tpu.memref_squeeze %dma_start3A_851 : memref<1x128x32xf32, #tpu.memory_space<vmem>> -> memref<128x32xf32, #tpu.memory_space<vmem>>
    %dma_start3A_853 = arith.constant 0 : i32
    %dma_start3A_854 = tpu.memref_slice %arg9[%dma_start3A_848, %dma_start3A_853] : memref<26x128xi32, #tpu.memory_space<vmem>> -> memref<1x128xi32, #tpu.memory_space<vmem>>
    %dma_start3A_855 = tpu.memref_squeeze %dma_start3A_854 : memref<1x128xi32, #tpu.memory_space<vmem>> -> memref<128xi32, #tpu.memory_space<vmem>>
    %dma_start3A_856 = arith.constant 0 : i32
    %dma_start3A_857 = arith.constant 0 : i32
    %dma_start3A_858 = tpu.memref_slice %arg5[%dma_start3A_856, %dma_start3A_857] : memref<524288x32xf32, #tpu.memory_space<hbm>> -> memref<524288x32xf32, #tpu.memory_space<hbm>>
    tpu.enqueue_indirect_dma source(%dma_start3A_852 : memref<128x32xf32, #tpu.memory_space<vmem>>) target(%dma_start3A_858 : memref<524288x32xf32, #tpu.memory_space<hbm>>) offsets(%dma_start3A_855 : memref<128xi32, #tpu.memory_space<vmem>>) semaphore(%arg14 : memref<!tpu.dma_semaphore, #tpu.memory_space<semaphore_mem>>)
    %dma_start3A_859 = arith.constant 9 : i32
    %dma_start3A_860 = arith.constant 9 : i32
    %dma_start3A_861 = arith.constant 0 : i32
    %dma_start3A_862 = arith.constant 0 : i32
    %dma_start3A_863 = tpu.memref_slice %arg12[%dma_start3A_859, %dma_start3A_861, %dma_start3A_862] : memref<13x128x32xf32, #tpu.memory_space<vmem>> -> memref<1x128x32xf32, #tpu.memory_space<vmem>>
    %dma_start3A_864 = tpu.memref_squeeze %dma_start3A_863 : memref<1x128x32xf32, #tpu.memory_space<vmem>> -> memref<128x32xf32, #tpu.memory_space<vmem>>
    %dma_start3A_865 = arith.constant 0 : i32
    %dma_start3A_866 = tpu.memref_slice %arg10[%dma_start3A_860, %dma_start3A_865] : memref<26x128xi32, #tpu.memory_space<vmem>> -> memref<1x128xi32, #tpu.memory_space<vmem>>
    %dma_start3A_867 = tpu.memref_squeeze %dma_start3A_866 : memref<1x128xi32, #tpu.memory_space<vmem>> -> memref<128xi32, #tpu.memory_space<vmem>>
    %dma_start3A_868 = arith.constant 0 : i32
    %dma_start3A_869 = arith.constant 0 : i32
    %dma_start3A_870 = tpu.memref_slice %arg5[%dma_start3A_868, %dma_start3A_869] : memref<524288x32xf32, #tpu.memory_space<hbm>> -> memref<524288x32xf32, #tpu.memory_space<hbm>>
    tpu.enqueue_indirect_dma source(%dma_start3A_864 : memref<128x32xf32, #tpu.memory_space<vmem>>) target(%dma_start3A_870 : memref<524288x32xf32, #tpu.memory_space<hbm>>) offsets(%dma_start3A_867 : memref<128xi32, #tpu.memory_space<vmem>>) semaphore(%arg14 : memref<!tpu.dma_semaphore, #tpu.memory_space<semaphore_mem>>)
    %dma_start3A_871 = arith.constant 10 : i32
    %dma_start3A_872 = arith.constant 10 : i32
    %dma_start3A_873 = arith.constant 0 : i32
    %dma_start3A_874 = arith.constant 0 : i32
    %dma_start3A_875 = tpu.memref_slice %arg11[%dma_start3A_871, %dma_start3A_873, %dma_start3A_874] : memref<13x128x32xf32, #tpu.memory_space<vmem>> -> memref<1x128x32xf32, #tpu.memory_space<vmem>>
    %dma_start3A_876 = tpu.memref_squeeze %dma_start3A_875 : memref<1x128x32xf32, #tpu.memory_space<vmem>> -> memref<128x32xf32, #tpu.memory_space<vmem>>
    %dma_start3A_877 = arith.constant 0 : i32
    %dma_start3A_878 = tpu.memref_slice %arg9[%dma_start3A_872, %dma_start3A_877] : memref<26x128xi32, #tpu.memory_space<vmem>> -> memref<1x128xi32, #tpu.memory_space<vmem>>
    %dma_start3A_879 = tpu.memref_squeeze %dma_start3A_878 : memref<1x128xi32, #tpu.memory_space<vmem>> -> memref<128xi32, #tpu.memory_space<vmem>>
    %dma_start3A_880 = arith.constant 0 : i32
    %dma_start3A_881 = arith.constant 0 : i32
    %dma_start3A_882 = tpu.memref_slice %arg5[%dma_start3A_880, %dma_start3A_881] : memref<524288x32xf32, #tpu.memory_space<hbm>> -> memref<524288x32xf32, #tpu.memory_space<hbm>>
    tpu.enqueue_indirect_dma source(%dma_start3A_876 : memref<128x32xf32, #tpu.memory_space<vmem>>) target(%dma_start3A_882 : memref<524288x32xf32, #tpu.memory_space<hbm>>) offsets(%dma_start3A_879 : memref<128xi32, #tpu.memory_space<vmem>>) semaphore(%arg14 : memref<!tpu.dma_semaphore, #tpu.memory_space<semaphore_mem>>)
    %dma_start3A_883 = arith.constant 10 : i32
    %dma_start3A_884 = arith.constant 10 : i32
    %dma_start3A_885 = arith.constant 0 : i32
    %dma_start3A_886 = arith.constant 0 : i32
    %dma_start3A_887 = tpu.memref_slice %arg12[%dma_start3A_883, %dma_start3A_885, %dma_start3A_886] : memref<13x128x32xf32, #tpu.memory_space<vmem>> -> memref<1x128x32xf32, #tpu.memory_space<vmem>>
    %dma_start3A_888 = tpu.memref_squeeze %dma_start3A_887 : memref<1x128x32xf32, #tpu.memory_space<vmem>> -> memref<128x32xf32, #tpu.memory_space<vmem>>
    %dma_start3A_889 = arith.constant 0 : i32
    %dma_start3A_890 = tpu.memref_slice %arg10[%dma_start3A_884, %dma_start3A_889] : memref<26x128xi32, #tpu.memory_space<vmem>> -> memref<1x128xi32, #tpu.memory_space<vmem>>
    %dma_start3A_891 = tpu.memref_squeeze %dma_start3A_890 : memref<1x128xi32, #tpu.memory_space<vmem>> -> memref<128xi32, #tpu.memory_space<vmem>>
    %dma_start3A_892 = arith.constant 0 : i32
    %dma_start3A_893 = arith.constant 0 : i32
    %dma_start3A_894 = tpu.memref_slice %arg5[%dma_start3A_892, %dma_start3A_893] : memref<524288x32xf32, #tpu.memory_space<hbm>> -> memref<524288x32xf32, #tpu.memory_space<hbm>>
    tpu.enqueue_indirect_dma source(%dma_start3A_888 : memref<128x32xf32, #tpu.memory_space<vmem>>) target(%dma_start3A_894 : memref<524288x32xf32, #tpu.memory_space<hbm>>) offsets(%dma_start3A_891 : memref<128xi32, #tpu.memory_space<vmem>>) semaphore(%arg14 : memref<!tpu.dma_semaphore, #tpu.memory_space<semaphore_mem>>)
    %dma_start3A_895 = arith.constant 11 : i32
    %dma_start3A_896 = arith.constant 11 : i32
    %dma_start3A_897 = arith.constant 0 : i32
    %dma_start3A_898 = arith.constant 0 : i32
    %dma_start3A_899 = tpu.memref_slice %arg11[%dma_start3A_895, %dma_start3A_897, %dma_start3A_898] : memref<13x128x32xf32, #tpu.memory_space<vmem>> -> memref<1x128x32xf32, #tpu.memory_space<vmem>>
    %dma_start3A_900 = tpu.memref_squeeze %dma_start3A_899 : memref<1x128x32xf32, #tpu.memory_space<vmem>> -> memref<128x32xf32, #tpu.memory_space<vmem>>
    %dma_start3A_901 = arith.constant 0 : i32
    %dma_start3A_902 = tpu.memref_slice %arg9[%dma_start3A_896, %dma_start3A_901] : memref<26x128xi32, #tpu.memory_space<vmem>> -> memref<1x128xi32, #tpu.memory_space<vmem>>
    %dma_start3A_903 = tpu.memref_squeeze %dma_start3A_902 : memref<1x128xi32, #tpu.memory_space<vmem>> -> memref<128xi32, #tpu.memory_space<vmem>>
    %dma_start3A_904 = arith.constant 0 : i32
    %dma_start3A_905 = arith.constant 0 : i32
    %dma_start3A_906 = tpu.memref_slice %arg5[%dma_start3A_904, %dma_start3A_905] : memref<524288x32xf32, #tpu.memory_space<hbm>> -> memref<524288x32xf32, #tpu.memory_space<hbm>>
    tpu.enqueue_indirect_dma source(%dma_start3A_900 : memref<128x32xf32, #tpu.memory_space<vmem>>) target(%dma_start3A_906 : memref<524288x32xf32, #tpu.memory_space<hbm>>) offsets(%dma_start3A_903 : memref<128xi32, #tpu.memory_space<vmem>>) semaphore(%arg14 : memref<!tpu.dma_semaphore, #tpu.memory_space<semaphore_mem>>)
    %dma_start3A_907 = arith.constant 11 : i32
    %dma_start3A_908 = arith.constant 11 : i32
    %dma_start3A_909 = arith.constant 0 : i32
    %dma_start3A_910 = arith.constant 0 : i32
    %dma_start3A_911 = tpu.memref_slice %arg12[%dma_start3A_907, %dma_start3A_909, %dma_start3A_910] : memref<13x128x32xf32, #tpu.memory_space<vmem>> -> memref<1x128x32xf32, #tpu.memory_space<vmem>>
    %dma_start3A_912 = tpu.memref_squeeze %dma_start3A_911 : memref<1x128x32xf32, #tpu.memory_space<vmem>> -> memref<128x32xf32, #tpu.memory_space<vmem>>
    %dma_start3A_913 = arith.constant 0 : i32
    %dma_start3A_914 = tpu.memref_slice %arg10[%dma_start3A_908, %dma_start3A_913] : memref<26x128xi32, #tpu.memory_space<vmem>> -> memref<1x128xi32, #tpu.memory_space<vmem>>
    %dma_start3A_915 = tpu.memref_squeeze %dma_start3A_914 : memref<1x128xi32, #tpu.memory_space<vmem>> -> memref<128xi32, #tpu.memory_space<vmem>>
    %dma_start3A_916 = arith.constant 0 : i32
    %dma_start3A_917 = arith.constant 0 : i32
    %dma_start3A_918 = tpu.memref_slice %arg5[%dma_start3A_916, %dma_start3A_917] : memref<524288x32xf32, #tpu.memory_space<hbm>> -> memref<524288x32xf32, #tpu.memory_space<hbm>>
    tpu.enqueue_indirect_dma source(%dma_start3A_912 : memref<128x32xf32, #tpu.memory_space<vmem>>) target(%dma_start3A_918 : memref<524288x32xf32, #tpu.memory_space<hbm>>) offsets(%dma_start3A_915 : memref<128xi32, #tpu.memory_space<vmem>>) semaphore(%arg14 : memref<!tpu.dma_semaphore, #tpu.memory_space<semaphore_mem>>)
    %dma_start3A_919 = arith.constant 12 : i32
    %dma_start3A_920 = arith.constant 12 : i32
    %dma_start3A_921 = arith.constant 0 : i32
    %dma_start3A_922 = arith.constant 0 : i32
    %dma_start3A_923 = tpu.memref_slice %arg11[%dma_start3A_919, %dma_start3A_921, %dma_start3A_922] : memref<13x128x32xf32, #tpu.memory_space<vmem>> -> memref<1x128x32xf32, #tpu.memory_space<vmem>>
    %dma_start3A_924 = tpu.memref_squeeze %dma_start3A_923 : memref<1x128x32xf32, #tpu.memory_space<vmem>> -> memref<128x32xf32, #tpu.memory_space<vmem>>
    %dma_start3A_925 = arith.constant 0 : i32
    %dma_start3A_926 = tpu.memref_slice %arg9[%dma_start3A_920, %dma_start3A_925] : memref<26x128xi32, #tpu.memory_space<vmem>> -> memref<1x128xi32, #tpu.memory_space<vmem>>
    %dma_start3A_927 = tpu.memref_squeeze %dma_start3A_926 : memref<1x128xi32, #tpu.memory_space<vmem>> -> memref<128xi32, #tpu.memory_space<vmem>>
    %dma_start3A_928 = arith.constant 0 : i32
    %dma_start3A_929 = arith.constant 0 : i32
    %dma_start3A_930 = tpu.memref_slice %arg5[%dma_start3A_928, %dma_start3A_929] : memref<524288x32xf32, #tpu.memory_space<hbm>> -> memref<524288x32xf32, #tpu.memory_space<hbm>>
    tpu.enqueue_indirect_dma source(%dma_start3A_924 : memref<128x32xf32, #tpu.memory_space<vmem>>) target(%dma_start3A_930 : memref<524288x32xf32, #tpu.memory_space<hbm>>) offsets(%dma_start3A_927 : memref<128xi32, #tpu.memory_space<vmem>>) semaphore(%arg14 : memref<!tpu.dma_semaphore, #tpu.memory_space<semaphore_mem>>)
    %dma_start3A_931 = arith.constant 12 : i32
    %dma_start3A_932 = arith.constant 12 : i32
    %dma_start3A_933 = arith.constant 0 : i32
    %dma_start3A_934 = arith.constant 0 : i32
    %dma_start3A_935 = tpu.memref_slice %arg12[%dma_start3A_931, %dma_start3A_933, %dma_start3A_934] : memref<13x128x32xf32, #tpu.memory_space<vmem>> -> memref<1x128x32xf32, #tpu.memory_space<vmem>>
    %dma_start3A_936 = tpu.memref_squeeze %dma_start3A_935 : memref<1x128x32xf32, #tpu.memory_space<vmem>> -> memref<128x32xf32, #tpu.memory_space<vmem>>
    %dma_start3A_937 = arith.constant 0 : i32
    %dma_start3A_938 = tpu.memref_slice %arg10[%dma_start3A_932, %dma_start3A_937] : memref<26x128xi32, #tpu.memory_space<vmem>> -> memref<1x128xi32, #tpu.memory_space<vmem>>
    %dma_start3A_939 = tpu.memref_squeeze %dma_start3A_938 : memref<1x128xi32, #tpu.memory_space<vmem>> -> memref<128xi32, #tpu.memory_space<vmem>>
    %dma_start3A_940 = arith.constant 0 : i32
    %dma_start3A_941 = arith.constant 0 : i32
    %dma_start3A_942 = tpu.memref_slice %arg5[%dma_start3A_940, %dma_start3A_941] : memref<524288x32xf32, #tpu.memory_space<hbm>> -> memref<524288x32xf32, #tpu.memory_space<hbm>>
    tpu.enqueue_indirect_dma source(%dma_start3A_936 : memref<128x32xf32, #tpu.memory_space<vmem>>) target(%dma_start3A_942 : memref<524288x32xf32, #tpu.memory_space<hbm>>) offsets(%dma_start3A_939 : memref<128xi32, #tpu.memory_space<vmem>>) semaphore(%arg14 : memref<!tpu.dma_semaphore, #tpu.memory_space<semaphore_mem>>)
    %dma_wait3A_943 = arith.constant 0 : i32
    %dma_wait3A_944 = arith.constant 0 : i32
    %dma_wait3A_945 = arith.constant 0 : i32
    %dma_wait3A_946 = arith.constant 0 : i32
    %dma_wait3A_947 = tpu.memref_slice %arg11[%dma_wait3A_943, %dma_wait3A_945, %dma_wait3A_946] : memref<13x128x32xf32, #tpu.memory_space<vmem>> -> memref<1x128x32xf32, #tpu.memory_space<vmem>>
    %dma_wait3A_948 = tpu.memref_squeeze %dma_wait3A_947 : memref<1x128x32xf32, #tpu.memory_space<vmem>> -> memref<128x32xf32, #tpu.memory_space<vmem>>
    %dma_wait3A_949 = arith.constant 0 : i32
    %dma_wait3A_950 = tpu.memref_slice %arg9[%dma_wait3A_944, %dma_wait3A_949] : memref<26x128xi32, #tpu.memory_space<vmem>> -> memref<1x128xi32, #tpu.memory_space<vmem>>
    %dma_wait3A_951 = tpu.memref_squeeze %dma_wait3A_950 : memref<1x128xi32, #tpu.memory_space<vmem>> -> memref<128xi32, #tpu.memory_space<vmem>>
    %dma_wait3A_952 = arith.constant 0 : i32
    %dma_wait3A_953 = arith.constant 0 : i32
    %dma_wait3A_954 = tpu.memref_slice %arg5[%dma_wait3A_952, %dma_wait3A_953] : memref<524288x32xf32, #tpu.memory_space<hbm>> -> memref<524288x32xf32, #tpu.memory_space<hbm>>
    tpu.wait_indirect_dma semaphore(%arg14 : memref<!tpu.dma_semaphore, #tpu.memory_space<semaphore_mem>>) src(%dma_wait3A_948 : memref<128x32xf32, #tpu.memory_space<vmem>>) dst(%dma_wait3A_954 : memref<524288x32xf32, #tpu.memory_space<hbm>>)
    %dma_wait3A_955 = arith.constant 0 : i32
    %dma_wait3A_956 = arith.constant 0 : i32
    %dma_wait3A_957 = arith.constant 0 : i32
    %dma_wait3A_958 = arith.constant 0 : i32
    %dma_wait3A_959 = tpu.memref_slice %arg12[%dma_wait3A_955, %dma_wait3A_957, %dma_wait3A_958] : memref<13x128x32xf32, #tpu.memory_space<vmem>> -> memref<1x128x32xf32, #tpu.memory_space<vmem>>
    %dma_wait3A_960 = tpu.memref_squeeze %dma_wait3A_959 : memref<1x128x32xf32, #tpu.memory_space<vmem>> -> memref<128x32xf32, #tpu.memory_space<vmem>>
    %dma_wait3A_961 = arith.constant 0 : i32
    %dma_wait3A_962 = tpu.memref_slice %arg10[%dma_wait3A_956, %dma_wait3A_961] : memref<26x128xi32, #tpu.memory_space<vmem>> -> memref<1x128xi32, #tpu.memory_space<vmem>>
    %dma_wait3A_963 = tpu.memref_squeeze %dma_wait3A_962 : memref<1x128xi32, #tpu.memory_space<vmem>> -> memref<128xi32, #tpu.memory_space<vmem>>
    %dma_wait3A_964 = arith.constant 0 : i32
    %dma_wait3A_965 = arith.constant 0 : i32
    %dma_wait3A_966 = tpu.memref_slice %arg5[%dma_wait3A_964, %dma_wait3A_965] : memref<524288x32xf32, #tpu.memory_space<hbm>> -> memref<524288x32xf32, #tpu.memory_space<hbm>>
    tpu.wait_indirect_dma semaphore(%arg14 : memref<!tpu.dma_semaphore, #tpu.memory_space<semaphore_mem>>) src(%dma_wait3A_960 : memref<128x32xf32, #tpu.memory_space<vmem>>) dst(%dma_wait3A_966 : memref<524288x32xf32, #tpu.memory_space<hbm>>)
    %dma_wait3A_967 = arith.constant 1 : i32
    %dma_wait3A_968 = arith.constant 1 : i32
    %dma_wait3A_969 = arith.constant 0 : i32
    %dma_wait3A_970 = arith.constant 0 : i32
    %dma_wait3A_971 = tpu.memref_slice %arg11[%dma_wait3A_967, %dma_wait3A_969, %dma_wait3A_970] : memref<13x128x32xf32, #tpu.memory_space<vmem>> -> memref<1x128x32xf32, #tpu.memory_space<vmem>>
    %dma_wait3A_972 = tpu.memref_squeeze %dma_wait3A_971 : memref<1x128x32xf32, #tpu.memory_space<vmem>> -> memref<128x32xf32, #tpu.memory_space<vmem>>
    %dma_wait3A_973 = arith.constant 0 : i32
    %dma_wait3A_974 = tpu.memref_slice %arg9[%dma_wait3A_968, %dma_wait3A_973] : memref<26x128xi32, #tpu.memory_space<vmem>> -> memref<1x128xi32, #tpu.memory_space<vmem>>
    %dma_wait3A_975 = tpu.memref_squeeze %dma_wait3A_974 : memref<1x128xi32, #tpu.memory_space<vmem>> -> memref<128xi32, #tpu.memory_space<vmem>>
    %dma_wait3A_976 = arith.constant 0 : i32
    %dma_wait3A_977 = arith.constant 0 : i32
    %dma_wait3A_978 = tpu.memref_slice %arg5[%dma_wait3A_976, %dma_wait3A_977] : memref<524288x32xf32, #tpu.memory_space<hbm>> -> memref<524288x32xf32, #tpu.memory_space<hbm>>
    tpu.wait_indirect_dma semaphore(%arg14 : memref<!tpu.dma_semaphore, #tpu.memory_space<semaphore_mem>>) src(%dma_wait3A_972 : memref<128x32xf32, #tpu.memory_space<vmem>>) dst(%dma_wait3A_978 : memref<524288x32xf32, #tpu.memory_space<hbm>>)
    %dma_wait3A_979 = arith.constant 1 : i32
    %dma_wait3A_980 = arith.constant 1 : i32
    %dma_wait3A_981 = arith.constant 0 : i32
    %dma_wait3A_982 = arith.constant 0 : i32
    %dma_wait3A_983 = tpu.memref_slice %arg12[%dma_wait3A_979, %dma_wait3A_981, %dma_wait3A_982] : memref<13x128x32xf32, #tpu.memory_space<vmem>> -> memref<1x128x32xf32, #tpu.memory_space<vmem>>
    %dma_wait3A_984 = tpu.memref_squeeze %dma_wait3A_983 : memref<1x128x32xf32, #tpu.memory_space<vmem>> -> memref<128x32xf32, #tpu.memory_space<vmem>>
    %dma_wait3A_985 = arith.constant 0 : i32
    %dma_wait3A_986 = tpu.memref_slice %arg10[%dma_wait3A_980, %dma_wait3A_985] : memref<26x128xi32, #tpu.memory_space<vmem>> -> memref<1x128xi32, #tpu.memory_space<vmem>>
    %dma_wait3A_987 = tpu.memref_squeeze %dma_wait3A_986 : memref<1x128xi32, #tpu.memory_space<vmem>> -> memref<128xi32, #tpu.memory_space<vmem>>
    %dma_wait3A_988 = arith.constant 0 : i32
    %dma_wait3A_989 = arith.constant 0 : i32
    %dma_wait3A_990 = tpu.memref_slice %arg5[%dma_wait3A_988, %dma_wait3A_989] : memref<524288x32xf32, #tpu.memory_space<hbm>> -> memref<524288x32xf32, #tpu.memory_space<hbm>>
    tpu.wait_indirect_dma semaphore(%arg14 : memref<!tpu.dma_semaphore, #tpu.memory_space<semaphore_mem>>) src(%dma_wait3A_984 : memref<128x32xf32, #tpu.memory_space<vmem>>) dst(%dma_wait3A_990 : memref<524288x32xf32, #tpu.memory_space<hbm>>)
    %dma_wait3A_991 = arith.constant 2 : i32
    %dma_wait3A_992 = arith.constant 2 : i32
    %dma_wait3A_993 = arith.constant 0 : i32
    %dma_wait3A_994 = arith.constant 0 : i32
    %dma_wait3A_995 = tpu.memref_slice %arg11[%dma_wait3A_991, %dma_wait3A_993, %dma_wait3A_994] : memref<13x128x32xf32, #tpu.memory_space<vmem>> -> memref<1x128x32xf32, #tpu.memory_space<vmem>>
    %dma_wait3A_996 = tpu.memref_squeeze %dma_wait3A_995 : memref<1x128x32xf32, #tpu.memory_space<vmem>> -> memref<128x32xf32, #tpu.memory_space<vmem>>
    %dma_wait3A_997 = arith.constant 0 : i32
    %dma_wait3A_998 = tpu.memref_slice %arg9[%dma_wait3A_992, %dma_wait3A_997] : memref<26x128xi32, #tpu.memory_space<vmem>> -> memref<1x128xi32, #tpu.memory_space<vmem>>
    %dma_wait3A_999 = tpu.memref_squeeze %dma_wait3A_998 : memref<1x128xi32, #tpu.memory_space<vmem>> -> memref<128xi32, #tpu.memory_space<vmem>>
    %dma_wait3A_1000 = arith.constant 0 : i32
    %dma_wait3A_1001 = arith.constant 0 : i32
    %dma_wait3A_1002 = tpu.memref_slice %arg5[%dma_wait3A_1000, %dma_wait3A_1001] : memref<524288x32xf32, #tpu.memory_space<hbm>> -> memref<524288x32xf32, #tpu.memory_space<hbm>>
    tpu.wait_indirect_dma semaphore(%arg14 : memref<!tpu.dma_semaphore, #tpu.memory_space<semaphore_mem>>) src(%dma_wait3A_996 : memref<128x32xf32, #tpu.memory_space<vmem>>) dst(%dma_wait3A_1002 : memref<524288x32xf32, #tpu.memory_space<hbm>>)
    %dma_wait3A_1003 = arith.constant 2 : i32
    %dma_wait3A_1004 = arith.constant 2 : i32
    %dma_wait3A_1005 = arith.constant 0 : i32
    %dma_wait3A_1006 = arith.constant 0 : i32
    %dma_wait3A_1007 = tpu.memref_slice %arg12[%dma_wait3A_1003, %dma_wait3A_1005, %dma_wait3A_1006] : memref<13x128x32xf32, #tpu.memory_space<vmem>> -> memref<1x128x32xf32, #tpu.memory_space<vmem>>
    %dma_wait3A_1008 = tpu.memref_squeeze %dma_wait3A_1007 : memref<1x128x32xf32, #tpu.memory_space<vmem>> -> memref<128x32xf32, #tpu.memory_space<vmem>>
    %dma_wait3A_1009 = arith.constant 0 : i32
    %dma_wait3A_1010 = tpu.memref_slice %arg10[%dma_wait3A_1004, %dma_wait3A_1009] : memref<26x128xi32, #tpu.memory_space<vmem>> -> memref<1x128xi32, #tpu.memory_space<vmem>>
    %dma_wait3A_1011 = tpu.memref_squeeze %dma_wait3A_1010 : memref<1x128xi32, #tpu.memory_space<vmem>> -> memref<128xi32, #tpu.memory_space<vmem>>
    %dma_wait3A_1012 = arith.constant 0 : i32
    %dma_wait3A_1013 = arith.constant 0 : i32
    %dma_wait3A_1014 = tpu.memref_slice %arg5[%dma_wait3A_1012, %dma_wait3A_1013] : memref<524288x32xf32, #tpu.memory_space<hbm>> -> memref<524288x32xf32, #tpu.memory_space<hbm>>
    tpu.wait_indirect_dma semaphore(%arg14 : memref<!tpu.dma_semaphore, #tpu.memory_space<semaphore_mem>>) src(%dma_wait3A_1008 : memref<128x32xf32, #tpu.memory_space<vmem>>) dst(%dma_wait3A_1014 : memref<524288x32xf32, #tpu.memory_space<hbm>>)
    %dma_wait3A_1015 = arith.constant 3 : i32
    %dma_wait3A_1016 = arith.constant 3 : i32
    %dma_wait3A_1017 = arith.constant 0 : i32
    %dma_wait3A_1018 = arith.constant 0 : i32
    %dma_wait3A_1019 = tpu.memref_slice %arg11[%dma_wait3A_1015, %dma_wait3A_1017, %dma_wait3A_1018] : memref<13x128x32xf32, #tpu.memory_space<vmem>> -> memref<1x128x32xf32, #tpu.memory_space<vmem>>
    %dma_wait3A_1020 = tpu.memref_squeeze %dma_wait3A_1019 : memref<1x128x32xf32, #tpu.memory_space<vmem>> -> memref<128x32xf32, #tpu.memory_space<vmem>>
    %dma_wait3A_1021 = arith.constant 0 : i32
    %dma_wait3A_1022 = tpu.memref_slice %arg9[%dma_wait3A_1016, %dma_wait3A_1021] : memref<26x128xi32, #tpu.memory_space<vmem>> -> memref<1x128xi32, #tpu.memory_space<vmem>>
    %dma_wait3A_1023 = tpu.memref_squeeze %dma_wait3A_1022 : memref<1x128xi32, #tpu.memory_space<vmem>> -> memref<128xi32, #tpu.memory_space<vmem>>
    %dma_wait3A_1024 = arith.constant 0 : i32
    %dma_wait3A_1025 = arith.constant 0 : i32
    %dma_wait3A_1026 = tpu.memref_slice %arg5[%dma_wait3A_1024, %dma_wait3A_1025] : memref<524288x32xf32, #tpu.memory_space<hbm>> -> memref<524288x32xf32, #tpu.memory_space<hbm>>
    tpu.wait_indirect_dma semaphore(%arg14 : memref<!tpu.dma_semaphore, #tpu.memory_space<semaphore_mem>>) src(%dma_wait3A_1020 : memref<128x32xf32, #tpu.memory_space<vmem>>) dst(%dma_wait3A_1026 : memref<524288x32xf32, #tpu.memory_space<hbm>>)
    %dma_wait3A_1027 = arith.constant 3 : i32
    %dma_wait3A_1028 = arith.constant 3 : i32
    %dma_wait3A_1029 = arith.constant 0 : i32
    %dma_wait3A_1030 = arith.constant 0 : i32
    %dma_wait3A_1031 = tpu.memref_slice %arg12[%dma_wait3A_1027, %dma_wait3A_1029, %dma_wait3A_1030] : memref<13x128x32xf32, #tpu.memory_space<vmem>> -> memref<1x128x32xf32, #tpu.memory_space<vmem>>
    %dma_wait3A_1032 = tpu.memref_squeeze %dma_wait3A_1031 : memref<1x128x32xf32, #tpu.memory_space<vmem>> -> memref<128x32xf32, #tpu.memory_space<vmem>>
    %dma_wait3A_1033 = arith.constant 0 : i32
    %dma_wait3A_1034 = tpu.memref_slice %arg10[%dma_wait3A_1028, %dma_wait3A_1033] : memref<26x128xi32, #tpu.memory_space<vmem>> -> memref<1x128xi32, #tpu.memory_space<vmem>>
    %dma_wait3A_1035 = tpu.memref_squeeze %dma_wait3A_1034 : memref<1x128xi32, #tpu.memory_space<vmem>> -> memref<128xi32, #tpu.memory_space<vmem>>
    %dma_wait3A_1036 = arith.constant 0 : i32
    %dma_wait3A_1037 = arith.constant 0 : i32
    %dma_wait3A_1038 = tpu.memref_slice %arg5[%dma_wait3A_1036, %dma_wait3A_1037] : memref<524288x32xf32, #tpu.memory_space<hbm>> -> memref<524288x32xf32, #tpu.memory_space<hbm>>
    tpu.wait_indirect_dma semaphore(%arg14 : memref<!tpu.dma_semaphore, #tpu.memory_space<semaphore_mem>>) src(%dma_wait3A_1032 : memref<128x32xf32, #tpu.memory_space<vmem>>) dst(%dma_wait3A_1038 : memref<524288x32xf32, #tpu.memory_space<hbm>>)
    %dma_wait3A_1039 = arith.constant 4 : i32
    %dma_wait3A_1040 = arith.constant 4 : i32
    %dma_wait3A_1041 = arith.constant 0 : i32
    %dma_wait3A_1042 = arith.constant 0 : i32
    %dma_wait3A_1043 = tpu.memref_slice %arg11[%dma_wait3A_1039, %dma_wait3A_1041, %dma_wait3A_1042] : memref<13x128x32xf32, #tpu.memory_space<vmem>> -> memref<1x128x32xf32, #tpu.memory_space<vmem>>
    %dma_wait3A_1044 = tpu.memref_squeeze %dma_wait3A_1043 : memref<1x128x32xf32, #tpu.memory_space<vmem>> -> memref<128x32xf32, #tpu.memory_space<vmem>>
    %dma_wait3A_1045 = arith.constant 0 : i32
    %dma_wait3A_1046 = tpu.memref_slice %arg9[%dma_wait3A_1040, %dma_wait3A_1045] : memref<26x128xi32, #tpu.memory_space<vmem>> -> memref<1x128xi32, #tpu.memory_space<vmem>>
    %dma_wait3A_1047 = tpu.memref_squeeze %dma_wait3A_1046 : memref<1x128xi32, #tpu.memory_space<vmem>> -> memref<128xi32, #tpu.memory_space<vmem>>
    %dma_wait3A_1048 = arith.constant 0 : i32
    %dma_wait3A_1049 = arith.constant 0 : i32
    %dma_wait3A_1050 = tpu.memref_slice %arg5[%dma_wait3A_1048, %dma_wait3A_1049] : memref<524288x32xf32, #tpu.memory_space<hbm>> -> memref<524288x32xf32, #tpu.memory_space<hbm>>
    tpu.wait_indirect_dma semaphore(%arg14 : memref<!tpu.dma_semaphore, #tpu.memory_space<semaphore_mem>>) src(%dma_wait3A_1044 : memref<128x32xf32, #tpu.memory_space<vmem>>) dst(%dma_wait3A_1050 : memref<524288x32xf32, #tpu.memory_space<hbm>>)
    %dma_wait3A_1051 = arith.constant 4 : i32
    %dma_wait3A_1052 = arith.constant 4 : i32
    %dma_wait3A_1053 = arith.constant 0 : i32
    %dma_wait3A_1054 = arith.constant 0 : i32
    %dma_wait3A_1055 = tpu.memref_slice %arg12[%dma_wait3A_1051, %dma_wait3A_1053, %dma_wait3A_1054] : memref<13x128x32xf32, #tpu.memory_space<vmem>> -> memref<1x128x32xf32, #tpu.memory_space<vmem>>
    %dma_wait3A_1056 = tpu.memref_squeeze %dma_wait3A_1055 : memref<1x128x32xf32, #tpu.memory_space<vmem>> -> memref<128x32xf32, #tpu.memory_space<vmem>>
    %dma_wait3A_1057 = arith.constant 0 : i32
    %dma_wait3A_1058 = tpu.memref_slice %arg10[%dma_wait3A_1052, %dma_wait3A_1057] : memref<26x128xi32, #tpu.memory_space<vmem>> -> memref<1x128xi32, #tpu.memory_space<vmem>>
    %dma_wait3A_1059 = tpu.memref_squeeze %dma_wait3A_1058 : memref<1x128xi32, #tpu.memory_space<vmem>> -> memref<128xi32, #tpu.memory_space<vmem>>
    %dma_wait3A_1060 = arith.constant 0 : i32
    %dma_wait3A_1061 = arith.constant 0 : i32
    %dma_wait3A_1062 = tpu.memref_slice %arg5[%dma_wait3A_1060, %dma_wait3A_1061] : memref<524288x32xf32, #tpu.memory_space<hbm>> -> memref<524288x32xf32, #tpu.memory_space<hbm>>
    tpu.wait_indirect_dma semaphore(%arg14 : memref<!tpu.dma_semaphore, #tpu.memory_space<semaphore_mem>>) src(%dma_wait3A_1056 : memref<128x32xf32, #tpu.memory_space<vmem>>) dst(%dma_wait3A_1062 : memref<524288x32xf32, #tpu.memory_space<hbm>>)
    %dma_wait3A_1063 = arith.constant 5 : i32
    %dma_wait3A_1064 = arith.constant 5 : i32
    %dma_wait3A_1065 = arith.constant 0 : i32
    %dma_wait3A_1066 = arith.constant 0 : i32
    %dma_wait3A_1067 = tpu.memref_slice %arg11[%dma_wait3A_1063, %dma_wait3A_1065, %dma_wait3A_1066] : memref<13x128x32xf32, #tpu.memory_space<vmem>> -> memref<1x128x32xf32, #tpu.memory_space<vmem>>
    %dma_wait3A_1068 = tpu.memref_squeeze %dma_wait3A_1067 : memref<1x128x32xf32, #tpu.memory_space<vmem>> -> memref<128x32xf32, #tpu.memory_space<vmem>>
    %dma_wait3A_1069 = arith.constant 0 : i32
    %dma_wait3A_1070 = tpu.memref_slice %arg9[%dma_wait3A_1064, %dma_wait3A_1069] : memref<26x128xi32, #tpu.memory_space<vmem>> -> memref<1x128xi32, #tpu.memory_space<vmem>>
    %dma_wait3A_1071 = tpu.memref_squeeze %dma_wait3A_1070 : memref<1x128xi32, #tpu.memory_space<vmem>> -> memref<128xi32, #tpu.memory_space<vmem>>
    %dma_wait3A_1072 = arith.constant 0 : i32
    %dma_wait3A_1073 = arith.constant 0 : i32
    %dma_wait3A_1074 = tpu.memref_slice %arg5[%dma_wait3A_1072, %dma_wait3A_1073] : memref<524288x32xf32, #tpu.memory_space<hbm>> -> memref<524288x32xf32, #tpu.memory_space<hbm>>
    tpu.wait_indirect_dma semaphore(%arg14 : memref<!tpu.dma_semaphore, #tpu.memory_space<semaphore_mem>>) src(%dma_wait3A_1068 : memref<128x32xf32, #tpu.memory_space<vmem>>) dst(%dma_wait3A_1074 : memref<524288x32xf32, #tpu.memory_space<hbm>>)
    %dma_wait3A_1075 = arith.constant 5 : i32
    %dma_wait3A_1076 = arith.constant 5 : i32
    %dma_wait3A_1077 = arith.constant 0 : i32
    %dma_wait3A_1078 = arith.constant 0 : i32
    %dma_wait3A_1079 = tpu.memref_slice %arg12[%dma_wait3A_1075, %dma_wait3A_1077, %dma_wait3A_1078] : memref<13x128x32xf32, #tpu.memory_space<vmem>> -> memref<1x128x32xf32, #tpu.memory_space<vmem>>
    %dma_wait3A_1080 = tpu.memref_squeeze %dma_wait3A_1079 : memref<1x128x32xf32, #tpu.memory_space<vmem>> -> memref<128x32xf32, #tpu.memory_space<vmem>>
    %dma_wait3A_1081 = arith.constant 0 : i32
    %dma_wait3A_1082 = tpu.memref_slice %arg10[%dma_wait3A_1076, %dma_wait3A_1081] : memref<26x128xi32, #tpu.memory_space<vmem>> -> memref<1x128xi32, #tpu.memory_space<vmem>>
    %dma_wait3A_1083 = tpu.memref_squeeze %dma_wait3A_1082 : memref<1x128xi32, #tpu.memory_space<vmem>> -> memref<128xi32, #tpu.memory_space<vmem>>
    %dma_wait3A_1084 = arith.constant 0 : i32
    %dma_wait3A_1085 = arith.constant 0 : i32
    %dma_wait3A_1086 = tpu.memref_slice %arg5[%dma_wait3A_1084, %dma_wait3A_1085] : memref<524288x32xf32, #tpu.memory_space<hbm>> -> memref<524288x32xf32, #tpu.memory_space<hbm>>
    tpu.wait_indirect_dma semaphore(%arg14 : memref<!tpu.dma_semaphore, #tpu.memory_space<semaphore_mem>>) src(%dma_wait3A_1080 : memref<128x32xf32, #tpu.memory_space<vmem>>) dst(%dma_wait3A_1086 : memref<524288x32xf32, #tpu.memory_space<hbm>>)
    %dma_wait3A_1087 = arith.constant 6 : i32
    %dma_wait3A_1088 = arith.constant 6 : i32
    %dma_wait3A_1089 = arith.constant 0 : i32
    %dma_wait3A_1090 = arith.constant 0 : i32
    %dma_wait3A_1091 = tpu.memref_slice %arg11[%dma_wait3A_1087, %dma_wait3A_1089, %dma_wait3A_1090] : memref<13x128x32xf32, #tpu.memory_space<vmem>> -> memref<1x128x32xf32, #tpu.memory_space<vmem>>
    %dma_wait3A_1092 = tpu.memref_squeeze %dma_wait3A_1091 : memref<1x128x32xf32, #tpu.memory_space<vmem>> -> memref<128x32xf32, #tpu.memory_space<vmem>>
    %dma_wait3A_1093 = arith.constant 0 : i32
    %dma_wait3A_1094 = tpu.memref_slice %arg9[%dma_wait3A_1088, %dma_wait3A_1093] : memref<26x128xi32, #tpu.memory_space<vmem>> -> memref<1x128xi32, #tpu.memory_space<vmem>>
    %dma_wait3A_1095 = tpu.memref_squeeze %dma_wait3A_1094 : memref<1x128xi32, #tpu.memory_space<vmem>> -> memref<128xi32, #tpu.memory_space<vmem>>
    %dma_wait3A_1096 = arith.constant 0 : i32
    %dma_wait3A_1097 = arith.constant 0 : i32
    %dma_wait3A_1098 = tpu.memref_slice %arg5[%dma_wait3A_1096, %dma_wait3A_1097] : memref<524288x32xf32, #tpu.memory_space<hbm>> -> memref<524288x32xf32, #tpu.memory_space<hbm>>
    tpu.wait_indirect_dma semaphore(%arg14 : memref<!tpu.dma_semaphore, #tpu.memory_space<semaphore_mem>>) src(%dma_wait3A_1092 : memref<128x32xf32, #tpu.memory_space<vmem>>) dst(%dma_wait3A_1098 : memref<524288x32xf32, #tpu.memory_space<hbm>>)
    %dma_wait3A_1099 = arith.constant 6 : i32
    %dma_wait3A_1100 = arith.constant 6 : i32
    %dma_wait3A_1101 = arith.constant 0 : i32
    %dma_wait3A_1102 = arith.constant 0 : i32
    %dma_wait3A_1103 = tpu.memref_slice %arg12[%dma_wait3A_1099, %dma_wait3A_1101, %dma_wait3A_1102] : memref<13x128x32xf32, #tpu.memory_space<vmem>> -> memref<1x128x32xf32, #tpu.memory_space<vmem>>
    %dma_wait3A_1104 = tpu.memref_squeeze %dma_wait3A_1103 : memref<1x128x32xf32, #tpu.memory_space<vmem>> -> memref<128x32xf32, #tpu.memory_space<vmem>>
    %dma_wait3A_1105 = arith.constant 0 : i32
    %dma_wait3A_1106 = tpu.memref_slice %arg10[%dma_wait3A_1100, %dma_wait3A_1105] : memref<26x128xi32, #tpu.memory_space<vmem>> -> memref<1x128xi32, #tpu.memory_space<vmem>>
    %dma_wait3A_1107 = tpu.memref_squeeze %dma_wait3A_1106 : memref<1x128xi32, #tpu.memory_space<vmem>> -> memref<128xi32, #tpu.memory_space<vmem>>
    %dma_wait3A_1108 = arith.constant 0 : i32
    %dma_wait3A_1109 = arith.constant 0 : i32
    %dma_wait3A_1110 = tpu.memref_slice %arg5[%dma_wait3A_1108, %dma_wait3A_1109] : memref<524288x32xf32, #tpu.memory_space<hbm>> -> memref<524288x32xf32, #tpu.memory_space<hbm>>
    tpu.wait_indirect_dma semaphore(%arg14 : memref<!tpu.dma_semaphore, #tpu.memory_space<semaphore_mem>>) src(%dma_wait3A_1104 : memref<128x32xf32, #tpu.memory_space<vmem>>) dst(%dma_wait3A_1110 : memref<524288x32xf32, #tpu.memory_space<hbm>>)
    %dma_wait3A_1111 = arith.constant 7 : i32
    %dma_wait3A_1112 = arith.constant 7 : i32
    %dma_wait3A_1113 = arith.constant 0 : i32
    %dma_wait3A_1114 = arith.constant 0 : i32
    %dma_wait3A_1115 = tpu.memref_slice %arg11[%dma_wait3A_1111, %dma_wait3A_1113, %dma_wait3A_1114] : memref<13x128x32xf32, #tpu.memory_space<vmem>> -> memref<1x128x32xf32, #tpu.memory_space<vmem>>
    %dma_wait3A_1116 = tpu.memref_squeeze %dma_wait3A_1115 : memref<1x128x32xf32, #tpu.memory_space<vmem>> -> memref<128x32xf32, #tpu.memory_space<vmem>>
    %dma_wait3A_1117 = arith.constant 0 : i32
    %dma_wait3A_1118 = tpu.memref_slice %arg9[%dma_wait3A_1112, %dma_wait3A_1117] : memref<26x128xi32, #tpu.memory_space<vmem>> -> memref<1x128xi32, #tpu.memory_space<vmem>>
    %dma_wait3A_1119 = tpu.memref_squeeze %dma_wait3A_1118 : memref<1x128xi32, #tpu.memory_space<vmem>> -> memref<128xi32, #tpu.memory_space<vmem>>
    %dma_wait3A_1120 = arith.constant 0 : i32
    %dma_wait3A_1121 = arith.constant 0 : i32
    %dma_wait3A_1122 = tpu.memref_slice %arg5[%dma_wait3A_1120, %dma_wait3A_1121] : memref<524288x32xf32, #tpu.memory_space<hbm>> -> memref<524288x32xf32, #tpu.memory_space<hbm>>
    tpu.wait_indirect_dma semaphore(%arg14 : memref<!tpu.dma_semaphore, #tpu.memory_space<semaphore_mem>>) src(%dma_wait3A_1116 : memref<128x32xf32, #tpu.memory_space<vmem>>) dst(%dma_wait3A_1122 : memref<524288x32xf32, #tpu.memory_space<hbm>>)
    %dma_wait3A_1123 = arith.constant 7 : i32
    %dma_wait3A_1124 = arith.constant 7 : i32
    %dma_wait3A_1125 = arith.constant 0 : i32
    %dma_wait3A_1126 = arith.constant 0 : i32
    %dma_wait3A_1127 = tpu.memref_slice %arg12[%dma_wait3A_1123, %dma_wait3A_1125, %dma_wait3A_1126] : memref<13x128x32xf32, #tpu.memory_space<vmem>> -> memref<1x128x32xf32, #tpu.memory_space<vmem>>
    %dma_wait3A_1128 = tpu.memref_squeeze %dma_wait3A_1127 : memref<1x128x32xf32, #tpu.memory_space<vmem>> -> memref<128x32xf32, #tpu.memory_space<vmem>>
    %dma_wait3A_1129 = arith.constant 0 : i32
    %dma_wait3A_1130 = tpu.memref_slice %arg10[%dma_wait3A_1124, %dma_wait3A_1129] : memref<26x128xi32, #tpu.memory_space<vmem>> -> memref<1x128xi32, #tpu.memory_space<vmem>>
    %dma_wait3A_1131 = tpu.memref_squeeze %dma_wait3A_1130 : memref<1x128xi32, #tpu.memory_space<vmem>> -> memref<128xi32, #tpu.memory_space<vmem>>
    %dma_wait3A_1132 = arith.constant 0 : i32
    %dma_wait3A_1133 = arith.constant 0 : i32
    %dma_wait3A_1134 = tpu.memref_slice %arg5[%dma_wait3A_1132, %dma_wait3A_1133] : memref<524288x32xf32, #tpu.memory_space<hbm>> -> memref<524288x32xf32, #tpu.memory_space<hbm>>
    tpu.wait_indirect_dma semaphore(%arg14 : memref<!tpu.dma_semaphore, #tpu.memory_space<semaphore_mem>>) src(%dma_wait3A_1128 : memref<128x32xf32, #tpu.memory_space<vmem>>) dst(%dma_wait3A_1134 : memref<524288x32xf32, #tpu.memory_space<hbm>>)
    %dma_wait3A_1135 = arith.constant 8 : i32
    %dma_wait3A_1136 = arith.constant 8 : i32
    %dma_wait3A_1137 = arith.constant 0 : i32
    %dma_wait3A_1138 = arith.constant 0 : i32
    %dma_wait3A_1139 = tpu.memref_slice %arg11[%dma_wait3A_1135, %dma_wait3A_1137, %dma_wait3A_1138] : memref<13x128x32xf32, #tpu.memory_space<vmem>> -> memref<1x128x32xf32, #tpu.memory_space<vmem>>
    %dma_wait3A_1140 = tpu.memref_squeeze %dma_wait3A_1139 : memref<1x128x32xf32, #tpu.memory_space<vmem>> -> memref<128x32xf32, #tpu.memory_space<vmem>>
    %dma_wait3A_1141 = arith.constant 0 : i32
    %dma_wait3A_1142 = tpu.memref_slice %arg9[%dma_wait3A_1136, %dma_wait3A_1141] : memref<26x128xi32, #tpu.memory_space<vmem>> -> memref<1x128xi32, #tpu.memory_space<vmem>>
    %dma_wait3A_1143 = tpu.memref_squeeze %dma_wait3A_1142 : memref<1x128xi32, #tpu.memory_space<vmem>> -> memref<128xi32, #tpu.memory_space<vmem>>
    %dma_wait3A_1144 = arith.constant 0 : i32
    %dma_wait3A_1145 = arith.constant 0 : i32
    %dma_wait3A_1146 = tpu.memref_slice %arg5[%dma_wait3A_1144, %dma_wait3A_1145] : memref<524288x32xf32, #tpu.memory_space<hbm>> -> memref<524288x32xf32, #tpu.memory_space<hbm>>
    tpu.wait_indirect_dma semaphore(%arg14 : memref<!tpu.dma_semaphore, #tpu.memory_space<semaphore_mem>>) src(%dma_wait3A_1140 : memref<128x32xf32, #tpu.memory_space<vmem>>) dst(%dma_wait3A_1146 : memref<524288x32xf32, #tpu.memory_space<hbm>>)
    %dma_wait3A_1147 = arith.constant 8 : i32
    %dma_wait3A_1148 = arith.constant 8 : i32
    %dma_wait3A_1149 = arith.constant 0 : i32
    %dma_wait3A_1150 = arith.constant 0 : i32
    %dma_wait3A_1151 = tpu.memref_slice %arg12[%dma_wait3A_1147, %dma_wait3A_1149, %dma_wait3A_1150] : memref<13x128x32xf32, #tpu.memory_space<vmem>> -> memref<1x128x32xf32, #tpu.memory_space<vmem>>
    %dma_wait3A_1152 = tpu.memref_squeeze %dma_wait3A_1151 : memref<1x128x32xf32, #tpu.memory_space<vmem>> -> memref<128x32xf32, #tpu.memory_space<vmem>>
    %dma_wait3A_1153 = arith.constant 0 : i32
    %dma_wait3A_1154 = tpu.memref_slice %arg10[%dma_wait3A_1148, %dma_wait3A_1153] : memref<26x128xi32, #tpu.memory_space<vmem>> -> memref<1x128xi32, #tpu.memory_space<vmem>>
    %dma_wait3A_1155 = tpu.memref_squeeze %dma_wait3A_1154 : memref<1x128xi32, #tpu.memory_space<vmem>> -> memref<128xi32, #tpu.memory_space<vmem>>
    %dma_wait3A_1156 = arith.constant 0 : i32
    %dma_wait3A_1157 = arith.constant 0 : i32
    %dma_wait3A_1158 = tpu.memref_slice %arg5[%dma_wait3A_1156, %dma_wait3A_1157] : memref<524288x32xf32, #tpu.memory_space<hbm>> -> memref<524288x32xf32, #tpu.memory_space<hbm>>
    tpu.wait_indirect_dma semaphore(%arg14 : memref<!tpu.dma_semaphore, #tpu.memory_space<semaphore_mem>>) src(%dma_wait3A_1152 : memref<128x32xf32, #tpu.memory_space<vmem>>) dst(%dma_wait3A_1158 : memref<524288x32xf32, #tpu.memory_space<hbm>>)
    %dma_wait3A_1159 = arith.constant 9 : i32
    %dma_wait3A_1160 = arith.constant 9 : i32
    %dma_wait3A_1161 = arith.constant 0 : i32
    %dma_wait3A_1162 = arith.constant 0 : i32
    %dma_wait3A_1163 = tpu.memref_slice %arg11[%dma_wait3A_1159, %dma_wait3A_1161, %dma_wait3A_1162] : memref<13x128x32xf32, #tpu.memory_space<vmem>> -> memref<1x128x32xf32, #tpu.memory_space<vmem>>
    %dma_wait3A_1164 = tpu.memref_squeeze %dma_wait3A_1163 : memref<1x128x32xf32, #tpu.memory_space<vmem>> -> memref<128x32xf32, #tpu.memory_space<vmem>>
    %dma_wait3A_1165 = arith.constant 0 : i32
    %dma_wait3A_1166 = tpu.memref_slice %arg9[%dma_wait3A_1160, %dma_wait3A_1165] : memref<26x128xi32, #tpu.memory_space<vmem>> -> memref<1x128xi32, #tpu.memory_space<vmem>>
    %dma_wait3A_1167 = tpu.memref_squeeze %dma_wait3A_1166 : memref<1x128xi32, #tpu.memory_space<vmem>> -> memref<128xi32, #tpu.memory_space<vmem>>
    %dma_wait3A_1168 = arith.constant 0 : i32
    %dma_wait3A_1169 = arith.constant 0 : i32
    %dma_wait3A_1170 = tpu.memref_slice %arg5[%dma_wait3A_1168, %dma_wait3A_1169] : memref<524288x32xf32, #tpu.memory_space<hbm>> -> memref<524288x32xf32, #tpu.memory_space<hbm>>
    tpu.wait_indirect_dma semaphore(%arg14 : memref<!tpu.dma_semaphore, #tpu.memory_space<semaphore_mem>>) src(%dma_wait3A_1164 : memref<128x32xf32, #tpu.memory_space<vmem>>) dst(%dma_wait3A_1170 : memref<524288x32xf32, #tpu.memory_space<hbm>>)
    %dma_wait3A_1171 = arith.constant 9 : i32
    %dma_wait3A_1172 = arith.constant 9 : i32
    %dma_wait3A_1173 = arith.constant 0 : i32
    %dma_wait3A_1174 = arith.constant 0 : i32
    %dma_wait3A_1175 = tpu.memref_slice %arg12[%dma_wait3A_1171, %dma_wait3A_1173, %dma_wait3A_1174] : memref<13x128x32xf32, #tpu.memory_space<vmem>> -> memref<1x128x32xf32, #tpu.memory_space<vmem>>
    %dma_wait3A_1176 = tpu.memref_squeeze %dma_wait3A_1175 : memref<1x128x32xf32, #tpu.memory_space<vmem>> -> memref<128x32xf32, #tpu.memory_space<vmem>>
    %dma_wait3A_1177 = arith.constant 0 : i32
    %dma_wait3A_1178 = tpu.memref_slice %arg10[%dma_wait3A_1172, %dma_wait3A_1177] : memref<26x128xi32, #tpu.memory_space<vmem>> -> memref<1x128xi32, #tpu.memory_space<vmem>>
    %dma_wait3A_1179 = tpu.memref_squeeze %dma_wait3A_1178 : memref<1x128xi32, #tpu.memory_space<vmem>> -> memref<128xi32, #tpu.memory_space<vmem>>
    %dma_wait3A_1180 = arith.constant 0 : i32
    %dma_wait3A_1181 = arith.constant 0 : i32
    %dma_wait3A_1182 = tpu.memref_slice %arg5[%dma_wait3A_1180, %dma_wait3A_1181] : memref<524288x32xf32, #tpu.memory_space<hbm>> -> memref<524288x32xf32, #tpu.memory_space<hbm>>
    tpu.wait_indirect_dma semaphore(%arg14 : memref<!tpu.dma_semaphore, #tpu.memory_space<semaphore_mem>>) src(%dma_wait3A_1176 : memref<128x32xf32, #tpu.memory_space<vmem>>) dst(%dma_wait3A_1182 : memref<524288x32xf32, #tpu.memory_space<hbm>>)
    %dma_wait3A_1183 = arith.constant 10 : i32
    %dma_wait3A_1184 = arith.constant 10 : i32
    %dma_wait3A_1185 = arith.constant 0 : i32
    %dma_wait3A_1186 = arith.constant 0 : i32
    %dma_wait3A_1187 = tpu.memref_slice %arg11[%dma_wait3A_1183, %dma_wait3A_1185, %dma_wait3A_1186] : memref<13x128x32xf32, #tpu.memory_space<vmem>> -> memref<1x128x32xf32, #tpu.memory_space<vmem>>
    %dma_wait3A_1188 = tpu.memref_squeeze %dma_wait3A_1187 : memref<1x128x32xf32, #tpu.memory_space<vmem>> -> memref<128x32xf32, #tpu.memory_space<vmem>>
    %dma_wait3A_1189 = arith.constant 0 : i32
    %dma_wait3A_1190 = tpu.memref_slice %arg9[%dma_wait3A_1184, %dma_wait3A_1189] : memref<26x128xi32, #tpu.memory_space<vmem>> -> memref<1x128xi32, #tpu.memory_space<vmem>>
    %dma_wait3A_1191 = tpu.memref_squeeze %dma_wait3A_1190 : memref<1x128xi32, #tpu.memory_space<vmem>> -> memref<128xi32, #tpu.memory_space<vmem>>
    %dma_wait3A_1192 = arith.constant 0 : i32
    %dma_wait3A_1193 = arith.constant 0 : i32
    %dma_wait3A_1194 = tpu.memref_slice %arg5[%dma_wait3A_1192, %dma_wait3A_1193] : memref<524288x32xf32, #tpu.memory_space<hbm>> -> memref<524288x32xf32, #tpu.memory_space<hbm>>
    tpu.wait_indirect_dma semaphore(%arg14 : memref<!tpu.dma_semaphore, #tpu.memory_space<semaphore_mem>>) src(%dma_wait3A_1188 : memref<128x32xf32, #tpu.memory_space<vmem>>) dst(%dma_wait3A_1194 : memref<524288x32xf32, #tpu.memory_space<hbm>>)
    %dma_wait3A_1195 = arith.constant 10 : i32
    %dma_wait3A_1196 = arith.constant 10 : i32
    %dma_wait3A_1197 = arith.constant 0 : i32
    %dma_wait3A_1198 = arith.constant 0 : i32
    %dma_wait3A_1199 = tpu.memref_slice %arg12[%dma_wait3A_1195, %dma_wait3A_1197, %dma_wait3A_1198] : memref<13x128x32xf32, #tpu.memory_space<vmem>> -> memref<1x128x32xf32, #tpu.memory_space<vmem>>
    %dma_wait3A_1200 = tpu.memref_squeeze %dma_wait3A_1199 : memref<1x128x32xf32, #tpu.memory_space<vmem>> -> memref<128x32xf32, #tpu.memory_space<vmem>>
    %dma_wait3A_1201 = arith.constant 0 : i32
    %dma_wait3A_1202 = tpu.memref_slice %arg10[%dma_wait3A_1196, %dma_wait3A_1201] : memref<26x128xi32, #tpu.memory_space<vmem>> -> memref<1x128xi32, #tpu.memory_space<vmem>>
    %dma_wait3A_1203 = tpu.memref_squeeze %dma_wait3A_1202 : memref<1x128xi32, #tpu.memory_space<vmem>> -> memref<128xi32, #tpu.memory_space<vmem>>
    %dma_wait3A_1204 = arith.constant 0 : i32
    %dma_wait3A_1205 = arith.constant 0 : i32
    %dma_wait3A_1206 = tpu.memref_slice %arg5[%dma_wait3A_1204, %dma_wait3A_1205] : memref<524288x32xf32, #tpu.memory_space<hbm>> -> memref<524288x32xf32, #tpu.memory_space<hbm>>
    tpu.wait_indirect_dma semaphore(%arg14 : memref<!tpu.dma_semaphore, #tpu.memory_space<semaphore_mem>>) src(%dma_wait3A_1200 : memref<128x32xf32, #tpu.memory_space<vmem>>) dst(%dma_wait3A_1206 : memref<524288x32xf32, #tpu.memory_space<hbm>>)
    %dma_wait3A_1207 = arith.constant 11 : i32
    %dma_wait3A_1208 = arith.constant 11 : i32
    %dma_wait3A_1209 = arith.constant 0 : i32
    %dma_wait3A_1210 = arith.constant 0 : i32
    %dma_wait3A_1211 = tpu.memref_slice %arg11[%dma_wait3A_1207, %dma_wait3A_1209, %dma_wait3A_1210] : memref<13x128x32xf32, #tpu.memory_space<vmem>> -> memref<1x128x32xf32, #tpu.memory_space<vmem>>
    %dma_wait3A_1212 = tpu.memref_squeeze %dma_wait3A_1211 : memref<1x128x32xf32, #tpu.memory_space<vmem>> -> memref<128x32xf32, #tpu.memory_space<vmem>>
    %dma_wait3A_1213 = arith.constant 0 : i32
    %dma_wait3A_1214 = tpu.memref_slice %arg9[%dma_wait3A_1208, %dma_wait3A_1213] : memref<26x128xi32, #tpu.memory_space<vmem>> -> memref<1x128xi32, #tpu.memory_space<vmem>>
    %dma_wait3A_1215 = tpu.memref_squeeze %dma_wait3A_1214 : memref<1x128xi32, #tpu.memory_space<vmem>> -> memref<128xi32, #tpu.memory_space<vmem>>
    %dma_wait3A_1216 = arith.constant 0 : i32
    %dma_wait3A_1217 = arith.constant 0 : i32
    %dma_wait3A_1218 = tpu.memref_slice %arg5[%dma_wait3A_1216, %dma_wait3A_1217] : memref<524288x32xf32, #tpu.memory_space<hbm>> -> memref<524288x32xf32, #tpu.memory_space<hbm>>
    tpu.wait_indirect_dma semaphore(%arg14 : memref<!tpu.dma_semaphore, #tpu.memory_space<semaphore_mem>>) src(%dma_wait3A_1212 : memref<128x32xf32, #tpu.memory_space<vmem>>) dst(%dma_wait3A_1218 : memref<524288x32xf32, #tpu.memory_space<hbm>>)
    %dma_wait3A_1219 = arith.constant 11 : i32
    %dma_wait3A_1220 = arith.constant 11 : i32
    %dma_wait3A_1221 = arith.constant 0 : i32
    %dma_wait3A_1222 = arith.constant 0 : i32
    %dma_wait3A_1223 = tpu.memref_slice %arg12[%dma_wait3A_1219, %dma_wait3A_1221, %dma_wait3A_1222] : memref<13x128x32xf32, #tpu.memory_space<vmem>> -> memref<1x128x32xf32, #tpu.memory_space<vmem>>
    %dma_wait3A_1224 = tpu.memref_squeeze %dma_wait3A_1223 : memref<1x128x32xf32, #tpu.memory_space<vmem>> -> memref<128x32xf32, #tpu.memory_space<vmem>>
    %dma_wait3A_1225 = arith.constant 0 : i32
    %dma_wait3A_1226 = tpu.memref_slice %arg10[%dma_wait3A_1220, %dma_wait3A_1225] : memref<26x128xi32, #tpu.memory_space<vmem>> -> memref<1x128xi32, #tpu.memory_space<vmem>>
    %dma_wait3A_1227 = tpu.memref_squeeze %dma_wait3A_1226 : memref<1x128xi32, #tpu.memory_space<vmem>> -> memref<128xi32, #tpu.memory_space<vmem>>
    %dma_wait3A_1228 = arith.constant 0 : i32
    %dma_wait3A_1229 = arith.constant 0 : i32
    %dma_wait3A_1230 = tpu.memref_slice %arg5[%dma_wait3A_1228, %dma_wait3A_1229] : memref<524288x32xf32, #tpu.memory_space<hbm>> -> memref<524288x32xf32, #tpu.memory_space<hbm>>
    tpu.wait_indirect_dma semaphore(%arg14 : memref<!tpu.dma_semaphore, #tpu.memory_space<semaphore_mem>>) src(%dma_wait3A_1224 : memref<128x32xf32, #tpu.memory_space<vmem>>) dst(%dma_wait3A_1230 : memref<524288x32xf32, #tpu.memory_space<hbm>>)
    %dma_wait3A_1231 = arith.constant 12 : i32
    %dma_wait3A_1232 = arith.constant 12 : i32
    %dma_wait3A_1233 = arith.constant 0 : i32
    %dma_wait3A_1234 = arith.constant 0 : i32
    %dma_wait3A_1235 = tpu.memref_slice %arg11[%dma_wait3A_1231, %dma_wait3A_1233, %dma_wait3A_1234] : memref<13x128x32xf32, #tpu.memory_space<vmem>> -> memref<1x128x32xf32, #tpu.memory_space<vmem>>
    %dma_wait3A_1236 = tpu.memref_squeeze %dma_wait3A_1235 : memref<1x128x32xf32, #tpu.memory_space<vmem>> -> memref<128x32xf32, #tpu.memory_space<vmem>>
    %dma_wait3A_1237 = arith.constant 0 : i32
    %dma_wait3A_1238 = tpu.memref_slice %arg9[%dma_wait3A_1232, %dma_wait3A_1237] : memref<26x128xi32, #tpu.memory_space<vmem>> -> memref<1x128xi32, #tpu.memory_space<vmem>>
    %dma_wait3A_1239 = tpu.memref_squeeze %dma_wait3A_1238 : memref<1x128xi32, #tpu.memory_space<vmem>> -> memref<128xi32, #tpu.memory_space<vmem>>
    %dma_wait3A_1240 = arith.constant 0 : i32
    %dma_wait3A_1241 = arith.constant 0 : i32
    %dma_wait3A_1242 = tpu.memref_slice %arg5[%dma_wait3A_1240, %dma_wait3A_1241] : memref<524288x32xf32, #tpu.memory_space<hbm>> -> memref<524288x32xf32, #tpu.memory_space<hbm>>
    tpu.wait_indirect_dma semaphore(%arg14 : memref<!tpu.dma_semaphore, #tpu.memory_space<semaphore_mem>>) src(%dma_wait3A_1236 : memref<128x32xf32, #tpu.memory_space<vmem>>) dst(%dma_wait3A_1242 : memref<524288x32xf32, #tpu.memory_space<hbm>>)
    %dma_wait3A_1243 = arith.constant 12 : i32
    %dma_wait3A_1244 = arith.constant 12 : i32
    %dma_wait3A_1245 = arith.constant 0 : i32
    %dma_wait3A_1246 = arith.constant 0 : i32
    %dma_wait3A_1247 = tpu.memref_slice %arg12[%dma_wait3A_1243, %dma_wait3A_1245, %dma_wait3A_1246] : memref<13x128x32xf32, #tpu.memory_space<vmem>> -> memref<1x128x32xf32, #tpu.memory_space<vmem>>
    %dma_wait3A_1248 = tpu.memref_squeeze %dma_wait3A_1247 : memref<1x128x32xf32, #tpu.memory_space<vmem>> -> memref<128x32xf32, #tpu.memory_space<vmem>>
    %dma_wait3A_1249 = arith.constant 0 : i32
    %dma_wait3A_1250 = tpu.memref_slice %arg10[%dma_wait3A_1244, %dma_wait3A_1249] : memref<26x128xi32, #tpu.memory_space<vmem>> -> memref<1x128xi32, #tpu.memory_space<vmem>>
    %dma_wait3A_1251 = tpu.memref_squeeze %dma_wait3A_1250 : memref<1x128xi32, #tpu.memory_space<vmem>> -> memref<128xi32, #tpu.memory_space<vmem>>
    %dma_wait3A_1252 = arith.constant 0 : i32
    %dma_wait3A_1253 = arith.constant 0 : i32
    %dma_wait3A_1254 = tpu.memref_slice %arg5[%dma_wait3A_1252, %dma_wait3A_1253] : memref<524288x32xf32, #tpu.memory_space<hbm>> -> memref<524288x32xf32, #tpu.memory_space<hbm>>
    tpu.wait_indirect_dma semaphore(%arg14 : memref<!tpu.dma_semaphore, #tpu.memory_space<semaphore_mem>>) src(%dma_wait3A_1248 : memref<128x32xf32, #tpu.memory_space<vmem>>) dst(%dma_wait3A_1254 : memref<524288x32xf32, #tpu.memory_space<hbm>>)
    %dma_start3A_1255 = arith.constant 13 : i32
    %dma_start3A_1256 = arith.constant 0 : i32
    %dma_start3A_1257 = arith.constant 0 : i32
    %dma_start3A_1258 = arith.constant 0 : i32
    %dma_start3A_1259 = tpu.memref_slice %arg11[%dma_start3A_1256, %dma_start3A_1257, %dma_start3A_1258] : memref<13x128x32xf32, #tpu.memory_space<vmem>> -> memref<1x128x32xf32, #tpu.memory_space<vmem>>
    %dma_start3A_1260 = tpu.memref_squeeze %dma_start3A_1259 : memref<1x128x32xf32, #tpu.memory_space<vmem>> -> memref<128x32xf32, #tpu.memory_space<vmem>>
    %dma_start3A_1261 = arith.constant 0 : i32
    %dma_start3A_1262 = tpu.memref_slice %arg7[%dma_start3A_1255, %dma_start3A_1261] : memref<26x128xi32, #tpu.memory_space<vmem>> -> memref<1x128xi32, #tpu.memory_space<vmem>>
    %dma_start3A_1263 = tpu.memref_squeeze %dma_start3A_1262 : memref<1x128xi32, #tpu.memory_space<vmem>> -> memref<128xi32, #tpu.memory_space<vmem>>
    %dma_start3A_1264 = arith.constant 0 : i32
    %dma_start3A_1265 = arith.constant 0 : i32
    %dma_start3A_1266 = tpu.memref_slice %arg3[%dma_start3A_1264, %dma_start3A_1265] : memref<1000000x32xf32, #tpu.memory_space<hbm>> -> memref<1000000x32xf32, #tpu.memory_space<hbm>>
    tpu.enqueue_indirect_dma source(%dma_start3A_1266 : memref<1000000x32xf32, #tpu.memory_space<hbm>>) target(%dma_start3A_1260 : memref<128x32xf32, #tpu.memory_space<vmem>>) offsets(%dma_start3A_1263 : memref<128xi32, #tpu.memory_space<vmem>>) semaphore(%arg13 : memref<!tpu.dma_semaphore, #tpu.memory_space<semaphore_mem>>)
    %dma_start3A_1267 = arith.constant 13 : i32
    %dma_start3A_1268 = arith.constant 0 : i32
    %dma_start3A_1269 = arith.constant 0 : i32
    %dma_start3A_1270 = arith.constant 0 : i32
    %dma_start3A_1271 = tpu.memref_slice %arg12[%dma_start3A_1268, %dma_start3A_1269, %dma_start3A_1270] : memref<13x128x32xf32, #tpu.memory_space<vmem>> -> memref<1x128x32xf32, #tpu.memory_space<vmem>>
    %dma_start3A_1272 = tpu.memref_squeeze %dma_start3A_1271 : memref<1x128x32xf32, #tpu.memory_space<vmem>> -> memref<128x32xf32, #tpu.memory_space<vmem>>
    %dma_start3A_1273 = arith.constant 0 : i32
    %dma_start3A_1274 = tpu.memref_slice %arg8[%dma_start3A_1267, %dma_start3A_1273] : memref<26x128xi32, #tpu.memory_space<vmem>> -> memref<1x128xi32, #tpu.memory_space<vmem>>
    %dma_start3A_1275 = tpu.memref_squeeze %dma_start3A_1274 : memref<1x128xi32, #tpu.memory_space<vmem>> -> memref<128xi32, #tpu.memory_space<vmem>>
    %dma_start3A_1276 = arith.constant 0 : i32
    %dma_start3A_1277 = arith.constant 0 : i32
    %dma_start3A_1278 = tpu.memref_slice %arg4[%dma_start3A_1276, %dma_start3A_1277] : memref<1000000x32xf32, #tpu.memory_space<hbm>> -> memref<1000000x32xf32, #tpu.memory_space<hbm>>
    tpu.enqueue_indirect_dma source(%dma_start3A_1278 : memref<1000000x32xf32, #tpu.memory_space<hbm>>) target(%dma_start3A_1272 : memref<128x32xf32, #tpu.memory_space<vmem>>) offsets(%dma_start3A_1275 : memref<128xi32, #tpu.memory_space<vmem>>) semaphore(%arg13 : memref<!tpu.dma_semaphore, #tpu.memory_space<semaphore_mem>>)
    %dma_start3A_1279 = arith.constant 14 : i32
    %dma_start3A_1280 = arith.constant 1 : i32
    %dma_start3A_1281 = arith.constant 0 : i32
    %dma_start3A_1282 = arith.constant 0 : i32
    %dma_start3A_1283 = tpu.memref_slice %arg11[%dma_start3A_1280, %dma_start3A_1281, %dma_start3A_1282] : memref<13x128x32xf32, #tpu.memory_space<vmem>> -> memref<1x128x32xf32, #tpu.memory_space<vmem>>
    %dma_start3A_1284 = tpu.memref_squeeze %dma_start3A_1283 : memref<1x128x32xf32, #tpu.memory_space<vmem>> -> memref<128x32xf32, #tpu.memory_space<vmem>>
    %dma_start3A_1285 = arith.constant 0 : i32
    %dma_start3A_1286 = tpu.memref_slice %arg7[%dma_start3A_1279, %dma_start3A_1285] : memref<26x128xi32, #tpu.memory_space<vmem>> -> memref<1x128xi32, #tpu.memory_space<vmem>>
    %dma_start3A_1287 = tpu.memref_squeeze %dma_start3A_1286 : memref<1x128xi32, #tpu.memory_space<vmem>> -> memref<128xi32, #tpu.memory_space<vmem>>
    %dma_start3A_1288 = arith.constant 0 : i32
    %dma_start3A_1289 = arith.constant 0 : i32
    %dma_start3A_1290 = tpu.memref_slice %arg3[%dma_start3A_1288, %dma_start3A_1289] : memref<1000000x32xf32, #tpu.memory_space<hbm>> -> memref<1000000x32xf32, #tpu.memory_space<hbm>>
    tpu.enqueue_indirect_dma source(%dma_start3A_1290 : memref<1000000x32xf32, #tpu.memory_space<hbm>>) target(%dma_start3A_1284 : memref<128x32xf32, #tpu.memory_space<vmem>>) offsets(%dma_start3A_1287 : memref<128xi32, #tpu.memory_space<vmem>>) semaphore(%arg13 : memref<!tpu.dma_semaphore, #tpu.memory_space<semaphore_mem>>)
    %dma_start3A_1291 = arith.constant 14 : i32
    %dma_start3A_1292 = arith.constant 1 : i32
    %dma_start3A_1293 = arith.constant 0 : i32
    %dma_start3A_1294 = arith.constant 0 : i32
    %dma_start3A_1295 = tpu.memref_slice %arg12[%dma_start3A_1292, %dma_start3A_1293, %dma_start3A_1294] : memref<13x128x32xf32, #tpu.memory_space<vmem>> -> memref<1x128x32xf32, #tpu.memory_space<vmem>>
    %dma_start3A_1296 = tpu.memref_squeeze %dma_start3A_1295 : memref<1x128x32xf32, #tpu.memory_space<vmem>> -> memref<128x32xf32, #tpu.memory_space<vmem>>
    %dma_start3A_1297 = arith.constant 0 : i32
    %dma_start3A_1298 = tpu.memref_slice %arg8[%dma_start3A_1291, %dma_start3A_1297] : memref<26x128xi32, #tpu.memory_space<vmem>> -> memref<1x128xi32, #tpu.memory_space<vmem>>
    %dma_start3A_1299 = tpu.memref_squeeze %dma_start3A_1298 : memref<1x128xi32, #tpu.memory_space<vmem>> -> memref<128xi32, #tpu.memory_space<vmem>>
    %dma_start3A_1300 = arith.constant 0 : i32
    %dma_start3A_1301 = arith.constant 0 : i32
    %dma_start3A_1302 = tpu.memref_slice %arg4[%dma_start3A_1300, %dma_start3A_1301] : memref<1000000x32xf32, #tpu.memory_space<hbm>> -> memref<1000000x32xf32, #tpu.memory_space<hbm>>
    tpu.enqueue_indirect_dma source(%dma_start3A_1302 : memref<1000000x32xf32, #tpu.memory_space<hbm>>) target(%dma_start3A_1296 : memref<128x32xf32, #tpu.memory_space<vmem>>) offsets(%dma_start3A_1299 : memref<128xi32, #tpu.memory_space<vmem>>) semaphore(%arg13 : memref<!tpu.dma_semaphore, #tpu.memory_space<semaphore_mem>>)
    %dma_start3A_1303 = arith.constant 15 : i32
    %dma_start3A_1304 = arith.constant 2 : i32
    %dma_start3A_1305 = arith.constant 0 : i32
    %dma_start3A_1306 = arith.constant 0 : i32
    %dma_start3A_1307 = tpu.memref_slice %arg11[%dma_start3A_1304, %dma_start3A_1305, %dma_start3A_1306] : memref<13x128x32xf32, #tpu.memory_space<vmem>> -> memref<1x128x32xf32, #tpu.memory_space<vmem>>
    %dma_start3A_1308 = tpu.memref_squeeze %dma_start3A_1307 : memref<1x128x32xf32, #tpu.memory_space<vmem>> -> memref<128x32xf32, #tpu.memory_space<vmem>>
    %dma_start3A_1309 = arith.constant 0 : i32
    %dma_start3A_1310 = tpu.memref_slice %arg7[%dma_start3A_1303, %dma_start3A_1309] : memref<26x128xi32, #tpu.memory_space<vmem>> -> memref<1x128xi32, #tpu.memory_space<vmem>>
    %dma_start3A_1311 = tpu.memref_squeeze %dma_start3A_1310 : memref<1x128xi32, #tpu.memory_space<vmem>> -> memref<128xi32, #tpu.memory_space<vmem>>
    %dma_start3A_1312 = arith.constant 0 : i32
    %dma_start3A_1313 = arith.constant 0 : i32
    %dma_start3A_1314 = tpu.memref_slice %arg3[%dma_start3A_1312, %dma_start3A_1313] : memref<1000000x32xf32, #tpu.memory_space<hbm>> -> memref<1000000x32xf32, #tpu.memory_space<hbm>>
    tpu.enqueue_indirect_dma source(%dma_start3A_1314 : memref<1000000x32xf32, #tpu.memory_space<hbm>>) target(%dma_start3A_1308 : memref<128x32xf32, #tpu.memory_space<vmem>>) offsets(%dma_start3A_1311 : memref<128xi32, #tpu.memory_space<vmem>>) semaphore(%arg13 : memref<!tpu.dma_semaphore, #tpu.memory_space<semaphore_mem>>)
    %dma_start3A_1315 = arith.constant 15 : i32
    %dma_start3A_1316 = arith.constant 2 : i32
    %dma_start3A_1317 = arith.constant 0 : i32
    %dma_start3A_1318 = arith.constant 0 : i32
    %dma_start3A_1319 = tpu.memref_slice %arg12[%dma_start3A_1316, %dma_start3A_1317, %dma_start3A_1318] : memref<13x128x32xf32, #tpu.memory_space<vmem>> -> memref<1x128x32xf32, #tpu.memory_space<vmem>>
    %dma_start3A_1320 = tpu.memref_squeeze %dma_start3A_1319 : memref<1x128x32xf32, #tpu.memory_space<vmem>> -> memref<128x32xf32, #tpu.memory_space<vmem>>
    %dma_start3A_1321 = arith.constant 0 : i32
    %dma_start3A_1322 = tpu.memref_slice %arg8[%dma_start3A_1315, %dma_start3A_1321] : memref<26x128xi32, #tpu.memory_space<vmem>> -> memref<1x128xi32, #tpu.memory_space<vmem>>
    %dma_start3A_1323 = tpu.memref_squeeze %dma_start3A_1322 : memref<1x128xi32, #tpu.memory_space<vmem>> -> memref<128xi32, #tpu.memory_space<vmem>>
    %dma_start3A_1324 = arith.constant 0 : i32
    %dma_start3A_1325 = arith.constant 0 : i32
    %dma_start3A_1326 = tpu.memref_slice %arg4[%dma_start3A_1324, %dma_start3A_1325] : memref<1000000x32xf32, #tpu.memory_space<hbm>> -> memref<1000000x32xf32, #tpu.memory_space<hbm>>
    tpu.enqueue_indirect_dma source(%dma_start3A_1326 : memref<1000000x32xf32, #tpu.memory_space<hbm>>) target(%dma_start3A_1320 : memref<128x32xf32, #tpu.memory_space<vmem>>) offsets(%dma_start3A_1323 : memref<128xi32, #tpu.memory_space<vmem>>) semaphore(%arg13 : memref<!tpu.dma_semaphore, #tpu.memory_space<semaphore_mem>>)
    %dma_start3A_1327 = arith.constant 16 : i32
    %dma_start3A_1328 = arith.constant 3 : i32
    %dma_start3A_1329 = arith.constant 0 : i32
    %dma_start3A_1330 = arith.constant 0 : i32
    %dma_start3A_1331 = tpu.memref_slice %arg11[%dma_start3A_1328, %dma_start3A_1329, %dma_start3A_1330] : memref<13x128x32xf32, #tpu.memory_space<vmem>> -> memref<1x128x32xf32, #tpu.memory_space<vmem>>
    %dma_start3A_1332 = tpu.memref_squeeze %dma_start3A_1331 : memref<1x128x32xf32, #tpu.memory_space<vmem>> -> memref<128x32xf32, #tpu.memory_space<vmem>>
    %dma_start3A_1333 = arith.constant 0 : i32
    %dma_start3A_1334 = tpu.memref_slice %arg7[%dma_start3A_1327, %dma_start3A_1333] : memref<26x128xi32, #tpu.memory_space<vmem>> -> memref<1x128xi32, #tpu.memory_space<vmem>>
    %dma_start3A_1335 = tpu.memref_squeeze %dma_start3A_1334 : memref<1x128xi32, #tpu.memory_space<vmem>> -> memref<128xi32, #tpu.memory_space<vmem>>
    %dma_start3A_1336 = arith.constant 0 : i32
    %dma_start3A_1337 = arith.constant 0 : i32
    %dma_start3A_1338 = tpu.memref_slice %arg3[%dma_start3A_1336, %dma_start3A_1337] : memref<1000000x32xf32, #tpu.memory_space<hbm>> -> memref<1000000x32xf32, #tpu.memory_space<hbm>>
    tpu.enqueue_indirect_dma source(%dma_start3A_1338 : memref<1000000x32xf32, #tpu.memory_space<hbm>>) target(%dma_start3A_1332 : memref<128x32xf32, #tpu.memory_space<vmem>>) offsets(%dma_start3A_1335 : memref<128xi32, #tpu.memory_space<vmem>>) semaphore(%arg13 : memref<!tpu.dma_semaphore, #tpu.memory_space<semaphore_mem>>)
    %dma_start3A_1339 = arith.constant 16 : i32
    %dma_start3A_1340 = arith.constant 3 : i32
    %dma_start3A_1341 = arith.constant 0 : i32
    %dma_start3A_1342 = arith.constant 0 : i32
    %dma_start3A_1343 = tpu.memref_slice %arg12[%dma_start3A_1340, %dma_start3A_1341, %dma_start3A_1342] : memref<13x128x32xf32, #tpu.memory_space<vmem>> -> memref<1x128x32xf32, #tpu.memory_space<vmem>>
    %dma_start3A_1344 = tpu.memref_squeeze %dma_start3A_1343 : memref<1x128x32xf32, #tpu.memory_space<vmem>> -> memref<128x32xf32, #tpu.memory_space<vmem>>
    %dma_start3A_1345 = arith.constant 0 : i32
    %dma_start3A_1346 = tpu.memref_slice %arg8[%dma_start3A_1339, %dma_start3A_1345] : memref<26x128xi32, #tpu.memory_space<vmem>> -> memref<1x128xi32, #tpu.memory_space<vmem>>
    %dma_start3A_1347 = tpu.memref_squeeze %dma_start3A_1346 : memref<1x128xi32, #tpu.memory_space<vmem>> -> memref<128xi32, #tpu.memory_space<vmem>>
    %dma_start3A_1348 = arith.constant 0 : i32
    %dma_start3A_1349 = arith.constant 0 : i32
    %dma_start3A_1350 = tpu.memref_slice %arg4[%dma_start3A_1348, %dma_start3A_1349] : memref<1000000x32xf32, #tpu.memory_space<hbm>> -> memref<1000000x32xf32, #tpu.memory_space<hbm>>
    tpu.enqueue_indirect_dma source(%dma_start3A_1350 : memref<1000000x32xf32, #tpu.memory_space<hbm>>) target(%dma_start3A_1344 : memref<128x32xf32, #tpu.memory_space<vmem>>) offsets(%dma_start3A_1347 : memref<128xi32, #tpu.memory_space<vmem>>) semaphore(%arg13 : memref<!tpu.dma_semaphore, #tpu.memory_space<semaphore_mem>>)
    %dma_start3A_1351 = arith.constant 17 : i32
    %dma_start3A_1352 = arith.constant 4 : i32
    %dma_start3A_1353 = arith.constant 0 : i32
    %dma_start3A_1354 = arith.constant 0 : i32
    %dma_start3A_1355 = tpu.memref_slice %arg11[%dma_start3A_1352, %dma_start3A_1353, %dma_start3A_1354] : memref<13x128x32xf32, #tpu.memory_space<vmem>> -> memref<1x128x32xf32, #tpu.memory_space<vmem>>
    %dma_start3A_1356 = tpu.memref_squeeze %dma_start3A_1355 : memref<1x128x32xf32, #tpu.memory_space<vmem>> -> memref<128x32xf32, #tpu.memory_space<vmem>>
    %dma_start3A_1357 = arith.constant 0 : i32
    %dma_start3A_1358 = tpu.memref_slice %arg7[%dma_start3A_1351, %dma_start3A_1357] : memref<26x128xi32, #tpu.memory_space<vmem>> -> memref<1x128xi32, #tpu.memory_space<vmem>>
    %dma_start3A_1359 = tpu.memref_squeeze %dma_start3A_1358 : memref<1x128xi32, #tpu.memory_space<vmem>> -> memref<128xi32, #tpu.memory_space<vmem>>
    %dma_start3A_1360 = arith.constant 0 : i32
    %dma_start3A_1361 = arith.constant 0 : i32
    %dma_start3A_1362 = tpu.memref_slice %arg3[%dma_start3A_1360, %dma_start3A_1361] : memref<1000000x32xf32, #tpu.memory_space<hbm>> -> memref<1000000x32xf32, #tpu.memory_space<hbm>>
    tpu.enqueue_indirect_dma source(%dma_start3A_1362 : memref<1000000x32xf32, #tpu.memory_space<hbm>>) target(%dma_start3A_1356 : memref<128x32xf32, #tpu.memory_space<vmem>>) offsets(%dma_start3A_1359 : memref<128xi32, #tpu.memory_space<vmem>>) semaphore(%arg13 : memref<!tpu.dma_semaphore, #tpu.memory_space<semaphore_mem>>)
    %dma_start3A_1363 = arith.constant 17 : i32
    %dma_start3A_1364 = arith.constant 4 : i32
    %dma_start3A_1365 = arith.constant 0 : i32
    %dma_start3A_1366 = arith.constant 0 : i32
    %dma_start3A_1367 = tpu.memref_slice %arg12[%dma_start3A_1364, %dma_start3A_1365, %dma_start3A_1366] : memref<13x128x32xf32, #tpu.memory_space<vmem>> -> memref<1x128x32xf32, #tpu.memory_space<vmem>>
    %dma_start3A_1368 = tpu.memref_squeeze %dma_start3A_1367 : memref<1x128x32xf32, #tpu.memory_space<vmem>> -> memref<128x32xf32, #tpu.memory_space<vmem>>
    %dma_start3A_1369 = arith.constant 0 : i32
    %dma_start3A_1370 = tpu.memref_slice %arg8[%dma_start3A_1363, %dma_start3A_1369] : memref<26x128xi32, #tpu.memory_space<vmem>> -> memref<1x128xi32, #tpu.memory_space<vmem>>
    %dma_start3A_1371 = tpu.memref_squeeze %dma_start3A_1370 : memref<1x128xi32, #tpu.memory_space<vmem>> -> memref<128xi32, #tpu.memory_space<vmem>>
    %dma_start3A_1372 = arith.constant 0 : i32
    %dma_start3A_1373 = arith.constant 0 : i32
    %dma_start3A_1374 = tpu.memref_slice %arg4[%dma_start3A_1372, %dma_start3A_1373] : memref<1000000x32xf32, #tpu.memory_space<hbm>> -> memref<1000000x32xf32, #tpu.memory_space<hbm>>
    tpu.enqueue_indirect_dma source(%dma_start3A_1374 : memref<1000000x32xf32, #tpu.memory_space<hbm>>) target(%dma_start3A_1368 : memref<128x32xf32, #tpu.memory_space<vmem>>) offsets(%dma_start3A_1371 : memref<128xi32, #tpu.memory_space<vmem>>) semaphore(%arg13 : memref<!tpu.dma_semaphore, #tpu.memory_space<semaphore_mem>>)
    %dma_start3A_1375 = arith.constant 18 : i32
    %dma_start3A_1376 = arith.constant 5 : i32
    %dma_start3A_1377 = arith.constant 0 : i32
    %dma_start3A_1378 = arith.constant 0 : i32
    %dma_start3A_1379 = tpu.memref_slice %arg11[%dma_start3A_1376, %dma_start3A_1377, %dma_start3A_1378] : memref<13x128x32xf32, #tpu.memory_space<vmem>> -> memref<1x128x32xf32, #tpu.memory_space<vmem>>
    %dma_start3A_1380 = tpu.memref_squeeze %dma_start3A_1379 : memref<1x128x32xf32, #tpu.memory_space<vmem>> -> memref<128x32xf32, #tpu.memory_space<vmem>>
    %dma_start3A_1381 = arith.constant 0 : i32
    %dma_start3A_1382 = tpu.memref_slice %arg7[%dma_start3A_1375, %dma_start3A_1381] : memref<26x128xi32, #tpu.memory_space<vmem>> -> memref<1x128xi32, #tpu.memory_space<vmem>>
    %dma_start3A_1383 = tpu.memref_squeeze %dma_start3A_1382 : memref<1x128xi32, #tpu.memory_space<vmem>> -> memref<128xi32, #tpu.memory_space<vmem>>
    %dma_start3A_1384 = arith.constant 0 : i32
    %dma_start3A_1385 = arith.constant 0 : i32
    %dma_start3A_1386 = tpu.memref_slice %arg3[%dma_start3A_1384, %dma_start3A_1385] : memref<1000000x32xf32, #tpu.memory_space<hbm>> -> memref<1000000x32xf32, #tpu.memory_space<hbm>>
    tpu.enqueue_indirect_dma source(%dma_start3A_1386 : memref<1000000x32xf32, #tpu.memory_space<hbm>>) target(%dma_start3A_1380 : memref<128x32xf32, #tpu.memory_space<vmem>>) offsets(%dma_start3A_1383 : memref<128xi32, #tpu.memory_space<vmem>>) semaphore(%arg13 : memref<!tpu.dma_semaphore, #tpu.memory_space<semaphore_mem>>)
    %dma_start3A_1387 = arith.constant 18 : i32
    %dma_start3A_1388 = arith.constant 5 : i32
    %dma_start3A_1389 = arith.constant 0 : i32
    %dma_start3A_1390 = arith.constant 0 : i32
    %dma_start3A_1391 = tpu.memref_slice %arg12[%dma_start3A_1388, %dma_start3A_1389, %dma_start3A_1390] : memref<13x128x32xf32, #tpu.memory_space<vmem>> -> memref<1x128x32xf32, #tpu.memory_space<vmem>>
    %dma_start3A_1392 = tpu.memref_squeeze %dma_start3A_1391 : memref<1x128x32xf32, #tpu.memory_space<vmem>> -> memref<128x32xf32, #tpu.memory_space<vmem>>
    %dma_start3A_1393 = arith.constant 0 : i32
    %dma_start3A_1394 = tpu.memref_slice %arg8[%dma_start3A_1387, %dma_start3A_1393] : memref<26x128xi32, #tpu.memory_space<vmem>> -> memref<1x128xi32, #tpu.memory_space<vmem>>
    %dma_start3A_1395 = tpu.memref_squeeze %dma_start3A_1394 : memref<1x128xi32, #tpu.memory_space<vmem>> -> memref<128xi32, #tpu.memory_space<vmem>>
    %dma_start3A_1396 = arith.constant 0 : i32
    %dma_start3A_1397 = arith.constant 0 : i32
    %dma_start3A_1398 = tpu.memref_slice %arg4[%dma_start3A_1396, %dma_start3A_1397] : memref<1000000x32xf32, #tpu.memory_space<hbm>> -> memref<1000000x32xf32, #tpu.memory_space<hbm>>
    tpu.enqueue_indirect_dma source(%dma_start3A_1398 : memref<1000000x32xf32, #tpu.memory_space<hbm>>) target(%dma_start3A_1392 : memref<128x32xf32, #tpu.memory_space<vmem>>) offsets(%dma_start3A_1395 : memref<128xi32, #tpu.memory_space<vmem>>) semaphore(%arg13 : memref<!tpu.dma_semaphore, #tpu.memory_space<semaphore_mem>>)
    %dma_start3A_1399 = arith.constant 19 : i32
    %dma_start3A_1400 = arith.constant 6 : i32
    %dma_start3A_1401 = arith.constant 0 : i32
    %dma_start3A_1402 = arith.constant 0 : i32
    %dma_start3A_1403 = tpu.memref_slice %arg11[%dma_start3A_1400, %dma_start3A_1401, %dma_start3A_1402] : memref<13x128x32xf32, #tpu.memory_space<vmem>> -> memref<1x128x32xf32, #tpu.memory_space<vmem>>
    %dma_start3A_1404 = tpu.memref_squeeze %dma_start3A_1403 : memref<1x128x32xf32, #tpu.memory_space<vmem>> -> memref<128x32xf32, #tpu.memory_space<vmem>>
    %dma_start3A_1405 = arith.constant 0 : i32
    %dma_start3A_1406 = tpu.memref_slice %arg7[%dma_start3A_1399, %dma_start3A_1405] : memref<26x128xi32, #tpu.memory_space<vmem>> -> memref<1x128xi32, #tpu.memory_space<vmem>>
    %dma_start3A_1407 = tpu.memref_squeeze %dma_start3A_1406 : memref<1x128xi32, #tpu.memory_space<vmem>> -> memref<128xi32, #tpu.memory_space<vmem>>
    %dma_start3A_1408 = arith.constant 0 : i32
    %dma_start3A_1409 = arith.constant 0 : i32
    %dma_start3A_1410 = tpu.memref_slice %arg3[%dma_start3A_1408, %dma_start3A_1409] : memref<1000000x32xf32, #tpu.memory_space<hbm>> -> memref<1000000x32xf32, #tpu.memory_space<hbm>>
    tpu.enqueue_indirect_dma source(%dma_start3A_1410 : memref<1000000x32xf32, #tpu.memory_space<hbm>>) target(%dma_start3A_1404 : memref<128x32xf32, #tpu.memory_space<vmem>>) offsets(%dma_start3A_1407 : memref<128xi32, #tpu.memory_space<vmem>>) semaphore(%arg13 : memref<!tpu.dma_semaphore, #tpu.memory_space<semaphore_mem>>)
    %dma_start3A_1411 = arith.constant 19 : i32
    %dma_start3A_1412 = arith.constant 6 : i32
    %dma_start3A_1413 = arith.constant 0 : i32
    %dma_start3A_1414 = arith.constant 0 : i32
    %dma_start3A_1415 = tpu.memref_slice %arg12[%dma_start3A_1412, %dma_start3A_1413, %dma_start3A_1414] : memref<13x128x32xf32, #tpu.memory_space<vmem>> -> memref<1x128x32xf32, #tpu.memory_space<vmem>>
    %dma_start3A_1416 = tpu.memref_squeeze %dma_start3A_1415 : memref<1x128x32xf32, #tpu.memory_space<vmem>> -> memref<128x32xf32, #tpu.memory_space<vmem>>
    %dma_start3A_1417 = arith.constant 0 : i32
    %dma_start3A_1418 = tpu.memref_slice %arg8[%dma_start3A_1411, %dma_start3A_1417] : memref<26x128xi32, #tpu.memory_space<vmem>> -> memref<1x128xi32, #tpu.memory_space<vmem>>
    %dma_start3A_1419 = tpu.memref_squeeze %dma_start3A_1418 : memref<1x128xi32, #tpu.memory_space<vmem>> -> memref<128xi32, #tpu.memory_space<vmem>>
    %dma_start3A_1420 = arith.constant 0 : i32
    %dma_start3A_1421 = arith.constant 0 : i32
    %dma_start3A_1422 = tpu.memref_slice %arg4[%dma_start3A_1420, %dma_start3A_1421] : memref<1000000x32xf32, #tpu.memory_space<hbm>> -> memref<1000000x32xf32, #tpu.memory_space<hbm>>
    tpu.enqueue_indirect_dma source(%dma_start3A_1422 : memref<1000000x32xf32, #tpu.memory_space<hbm>>) target(%dma_start3A_1416 : memref<128x32xf32, #tpu.memory_space<vmem>>) offsets(%dma_start3A_1419 : memref<128xi32, #tpu.memory_space<vmem>>) semaphore(%arg13 : memref<!tpu.dma_semaphore, #tpu.memory_space<semaphore_mem>>)
    %dma_start3A_1423 = arith.constant 20 : i32
    %dma_start3A_1424 = arith.constant 7 : i32
    %dma_start3A_1425 = arith.constant 0 : i32
    %dma_start3A_1426 = arith.constant 0 : i32
    %dma_start3A_1427 = tpu.memref_slice %arg11[%dma_start3A_1424, %dma_start3A_1425, %dma_start3A_1426] : memref<13x128x32xf32, #tpu.memory_space<vmem>> -> memref<1x128x32xf32, #tpu.memory_space<vmem>>
    %dma_start3A_1428 = tpu.memref_squeeze %dma_start3A_1427 : memref<1x128x32xf32, #tpu.memory_space<vmem>> -> memref<128x32xf32, #tpu.memory_space<vmem>>
    %dma_start3A_1429 = arith.constant 0 : i32
    %dma_start3A_1430 = tpu.memref_slice %arg7[%dma_start3A_1423, %dma_start3A_1429] : memref<26x128xi32, #tpu.memory_space<vmem>> -> memref<1x128xi32, #tpu.memory_space<vmem>>
    %dma_start3A_1431 = tpu.memref_squeeze %dma_start3A_1430 : memref<1x128xi32, #tpu.memory_space<vmem>> -> memref<128xi32, #tpu.memory_space<vmem>>
    %dma_start3A_1432 = arith.constant 0 : i32
    %dma_start3A_1433 = arith.constant 0 : i32
    %dma_start3A_1434 = tpu.memref_slice %arg3[%dma_start3A_1432, %dma_start3A_1433] : memref<1000000x32xf32, #tpu.memory_space<hbm>> -> memref<1000000x32xf32, #tpu.memory_space<hbm>>
    tpu.enqueue_indirect_dma source(%dma_start3A_1434 : memref<1000000x32xf32, #tpu.memory_space<hbm>>) target(%dma_start3A_1428 : memref<128x32xf32, #tpu.memory_space<vmem>>) offsets(%dma_start3A_1431 : memref<128xi32, #tpu.memory_space<vmem>>) semaphore(%arg13 : memref<!tpu.dma_semaphore, #tpu.memory_space<semaphore_mem>>)
    %dma_start3A_1435 = arith.constant 20 : i32
    %dma_start3A_1436 = arith.constant 7 : i32
    %dma_start3A_1437 = arith.constant 0 : i32
    %dma_start3A_1438 = arith.constant 0 : i32
    %dma_start3A_1439 = tpu.memref_slice %arg12[%dma_start3A_1436, %dma_start3A_1437, %dma_start3A_1438] : memref<13x128x32xf32, #tpu.memory_space<vmem>> -> memref<1x128x32xf32, #tpu.memory_space<vmem>>
    %dma_start3A_1440 = tpu.memref_squeeze %dma_start3A_1439 : memref<1x128x32xf32, #tpu.memory_space<vmem>> -> memref<128x32xf32, #tpu.memory_space<vmem>>
    %dma_start3A_1441 = arith.constant 0 : i32
    %dma_start3A_1442 = tpu.memref_slice %arg8[%dma_start3A_1435, %dma_start3A_1441] : memref<26x128xi32, #tpu.memory_space<vmem>> -> memref<1x128xi32, #tpu.memory_space<vmem>>
    %dma_start3A_1443 = tpu.memref_squeeze %dma_start3A_1442 : memref<1x128xi32, #tpu.memory_space<vmem>> -> memref<128xi32, #tpu.memory_space<vmem>>
    %dma_start3A_1444 = arith.constant 0 : i32
    %dma_start3A_1445 = arith.constant 0 : i32
    %dma_start3A_1446 = tpu.memref_slice %arg4[%dma_start3A_1444, %dma_start3A_1445] : memref<1000000x32xf32, #tpu.memory_space<hbm>> -> memref<1000000x32xf32, #tpu.memory_space<hbm>>
    tpu.enqueue_indirect_dma source(%dma_start3A_1446 : memref<1000000x32xf32, #tpu.memory_space<hbm>>) target(%dma_start3A_1440 : memref<128x32xf32, #tpu.memory_space<vmem>>) offsets(%dma_start3A_1443 : memref<128xi32, #tpu.memory_space<vmem>>) semaphore(%arg13 : memref<!tpu.dma_semaphore, #tpu.memory_space<semaphore_mem>>)
    %dma_start3A_1447 = arith.constant 21 : i32
    %dma_start3A_1448 = arith.constant 8 : i32
    %dma_start3A_1449 = arith.constant 0 : i32
    %dma_start3A_1450 = arith.constant 0 : i32
    %dma_start3A_1451 = tpu.memref_slice %arg11[%dma_start3A_1448, %dma_start3A_1449, %dma_start3A_1450] : memref<13x128x32xf32, #tpu.memory_space<vmem>> -> memref<1x128x32xf32, #tpu.memory_space<vmem>>
    %dma_start3A_1452 = tpu.memref_squeeze %dma_start3A_1451 : memref<1x128x32xf32, #tpu.memory_space<vmem>> -> memref<128x32xf32, #tpu.memory_space<vmem>>
    %dma_start3A_1453 = arith.constant 0 : i32
    %dma_start3A_1454 = tpu.memref_slice %arg7[%dma_start3A_1447, %dma_start3A_1453] : memref<26x128xi32, #tpu.memory_space<vmem>> -> memref<1x128xi32, #tpu.memory_space<vmem>>
    %dma_start3A_1455 = tpu.memref_squeeze %dma_start3A_1454 : memref<1x128xi32, #tpu.memory_space<vmem>> -> memref<128xi32, #tpu.memory_space<vmem>>
    %dma_start3A_1456 = arith.constant 0 : i32
    %dma_start3A_1457 = arith.constant 0 : i32
    %dma_start3A_1458 = tpu.memref_slice %arg3[%dma_start3A_1456, %dma_start3A_1457] : memref<1000000x32xf32, #tpu.memory_space<hbm>> -> memref<1000000x32xf32, #tpu.memory_space<hbm>>
    tpu.enqueue_indirect_dma source(%dma_start3A_1458 : memref<1000000x32xf32, #tpu.memory_space<hbm>>) target(%dma_start3A_1452 : memref<128x32xf32, #tpu.memory_space<vmem>>) offsets(%dma_start3A_1455 : memref<128xi32, #tpu.memory_space<vmem>>) semaphore(%arg13 : memref<!tpu.dma_semaphore, #tpu.memory_space<semaphore_mem>>)
    %dma_start3A_1459 = arith.constant 21 : i32
    %dma_start3A_1460 = arith.constant 8 : i32
    %dma_start3A_1461 = arith.constant 0 : i32
    %dma_start3A_1462 = arith.constant 0 : i32
    %dma_start3A_1463 = tpu.memref_slice %arg12[%dma_start3A_1460, %dma_start3A_1461, %dma_start3A_1462] : memref<13x128x32xf32, #tpu.memory_space<vmem>> -> memref<1x128x32xf32, #tpu.memory_space<vmem>>
    %dma_start3A_1464 = tpu.memref_squeeze %dma_start3A_1463 : memref<1x128x32xf32, #tpu.memory_space<vmem>> -> memref<128x32xf32, #tpu.memory_space<vmem>>
    %dma_start3A_1465 = arith.constant 0 : i32
    %dma_start3A_1466 = tpu.memref_slice %arg8[%dma_start3A_1459, %dma_start3A_1465] : memref<26x128xi32, #tpu.memory_space<vmem>> -> memref<1x128xi32, #tpu.memory_space<vmem>>
    %dma_start3A_1467 = tpu.memref_squeeze %dma_start3A_1466 : memref<1x128xi32, #tpu.memory_space<vmem>> -> memref<128xi32, #tpu.memory_space<vmem>>
    %dma_start3A_1468 = arith.constant 0 : i32
    %dma_start3A_1469 = arith.constant 0 : i32
    %dma_start3A_1470 = tpu.memref_slice %arg4[%dma_start3A_1468, %dma_start3A_1469] : memref<1000000x32xf32, #tpu.memory_space<hbm>> -> memref<1000000x32xf32, #tpu.memory_space<hbm>>
    tpu.enqueue_indirect_dma source(%dma_start3A_1470 : memref<1000000x32xf32, #tpu.memory_space<hbm>>) target(%dma_start3A_1464 : memref<128x32xf32, #tpu.memory_space<vmem>>) offsets(%dma_start3A_1467 : memref<128xi32, #tpu.memory_space<vmem>>) semaphore(%arg13 : memref<!tpu.dma_semaphore, #tpu.memory_space<semaphore_mem>>)
    %dma_start3A_1471 = arith.constant 22 : i32
    %dma_start3A_1472 = arith.constant 9 : i32
    %dma_start3A_1473 = arith.constant 0 : i32
    %dma_start3A_1474 = arith.constant 0 : i32
    %dma_start3A_1475 = tpu.memref_slice %arg11[%dma_start3A_1472, %dma_start3A_1473, %dma_start3A_1474] : memref<13x128x32xf32, #tpu.memory_space<vmem>> -> memref<1x128x32xf32, #tpu.memory_space<vmem>>
    %dma_start3A_1476 = tpu.memref_squeeze %dma_start3A_1475 : memref<1x128x32xf32, #tpu.memory_space<vmem>> -> memref<128x32xf32, #tpu.memory_space<vmem>>
    %dma_start3A_1477 = arith.constant 0 : i32
    %dma_start3A_1478 = tpu.memref_slice %arg7[%dma_start3A_1471, %dma_start3A_1477] : memref<26x128xi32, #tpu.memory_space<vmem>> -> memref<1x128xi32, #tpu.memory_space<vmem>>
    %dma_start3A_1479 = tpu.memref_squeeze %dma_start3A_1478 : memref<1x128xi32, #tpu.memory_space<vmem>> -> memref<128xi32, #tpu.memory_space<vmem>>
    %dma_start3A_1480 = arith.constant 0 : i32
    %dma_start3A_1481 = arith.constant 0 : i32
    %dma_start3A_1482 = tpu.memref_slice %arg3[%dma_start3A_1480, %dma_start3A_1481] : memref<1000000x32xf32, #tpu.memory_space<hbm>> -> memref<1000000x32xf32, #tpu.memory_space<hbm>>
    tpu.enqueue_indirect_dma source(%dma_start3A_1482 : memref<1000000x32xf32, #tpu.memory_space<hbm>>) target(%dma_start3A_1476 : memref<128x32xf32, #tpu.memory_space<vmem>>) offsets(%dma_start3A_1479 : memref<128xi32, #tpu.memory_space<vmem>>) semaphore(%arg13 : memref<!tpu.dma_semaphore, #tpu.memory_space<semaphore_mem>>)
    %dma_start3A_1483 = arith.constant 22 : i32
    %dma_start3A_1484 = arith.constant 9 : i32
    %dma_start3A_1485 = arith.constant 0 : i32
    %dma_start3A_1486 = arith.constant 0 : i32
    %dma_start3A_1487 = tpu.memref_slice %arg12[%dma_start3A_1484, %dma_start3A_1485, %dma_start3A_1486] : memref<13x128x32xf32, #tpu.memory_space<vmem>> -> memref<1x128x32xf32, #tpu.memory_space<vmem>>
    %dma_start3A_1488 = tpu.memref_squeeze %dma_start3A_1487 : memref<1x128x32xf32, #tpu.memory_space<vmem>> -> memref<128x32xf32, #tpu.memory_space<vmem>>
    %dma_start3A_1489 = arith.constant 0 : i32
    %dma_start3A_1490 = tpu.memref_slice %arg8[%dma_start3A_1483, %dma_start3A_1489] : memref<26x128xi32, #tpu.memory_space<vmem>> -> memref<1x128xi32, #tpu.memory_space<vmem>>
    %dma_start3A_1491 = tpu.memref_squeeze %dma_start3A_1490 : memref<1x128xi32, #tpu.memory_space<vmem>> -> memref<128xi32, #tpu.memory_space<vmem>>
    %dma_start3A_1492 = arith.constant 0 : i32
    %dma_start3A_1493 = arith.constant 0 : i32
    %dma_start3A_1494 = tpu.memref_slice %arg4[%dma_start3A_1492, %dma_start3A_1493] : memref<1000000x32xf32, #tpu.memory_space<hbm>> -> memref<1000000x32xf32, #tpu.memory_space<hbm>>
    tpu.enqueue_indirect_dma source(%dma_start3A_1494 : memref<1000000x32xf32, #tpu.memory_space<hbm>>) target(%dma_start3A_1488 : memref<128x32xf32, #tpu.memory_space<vmem>>) offsets(%dma_start3A_1491 : memref<128xi32, #tpu.memory_space<vmem>>) semaphore(%arg13 : memref<!tpu.dma_semaphore, #tpu.memory_space<semaphore_mem>>)
    %dma_start3A_1495 = arith.constant 23 : i32
    %dma_start3A_1496 = arith.constant 10 : i32
    %dma_start3A_1497 = arith.constant 0 : i32
    %dma_start3A_1498 = arith.constant 0 : i32
    %dma_start3A_1499 = tpu.memref_slice %arg11[%dma_start3A_1496, %dma_start3A_1497, %dma_start3A_1498] : memref<13x128x32xf32, #tpu.memory_space<vmem>> -> memref<1x128x32xf32, #tpu.memory_space<vmem>>
    %dma_start3A_1500 = tpu.memref_squeeze %dma_start3A_1499 : memref<1x128x32xf32, #tpu.memory_space<vmem>> -> memref<128x32xf32, #tpu.memory_space<vmem>>
    %dma_start3A_1501 = arith.constant 0 : i32
    %dma_start3A_1502 = tpu.memref_slice %arg7[%dma_start3A_1495, %dma_start3A_1501] : memref<26x128xi32, #tpu.memory_space<vmem>> -> memref<1x128xi32, #tpu.memory_space<vmem>>
    %dma_start3A_1503 = tpu.memref_squeeze %dma_start3A_1502 : memref<1x128xi32, #tpu.memory_space<vmem>> -> memref<128xi32, #tpu.memory_space<vmem>>
    %dma_start3A_1504 = arith.constant 0 : i32
    %dma_start3A_1505 = arith.constant 0 : i32
    %dma_start3A_1506 = tpu.memref_slice %arg3[%dma_start3A_1504, %dma_start3A_1505] : memref<1000000x32xf32, #tpu.memory_space<hbm>> -> memref<1000000x32xf32, #tpu.memory_space<hbm>>
    tpu.enqueue_indirect_dma source(%dma_start3A_1506 : memref<1000000x32xf32, #tpu.memory_space<hbm>>) target(%dma_start3A_1500 : memref<128x32xf32, #tpu.memory_space<vmem>>) offsets(%dma_start3A_1503 : memref<128xi32, #tpu.memory_space<vmem>>) semaphore(%arg13 : memref<!tpu.dma_semaphore, #tpu.memory_space<semaphore_mem>>)
    %dma_start3A_1507 = arith.constant 23 : i32
    %dma_start3A_1508 = arith.constant 10 : i32
    %dma_start3A_1509 = arith.constant 0 : i32
    %dma_start3A_1510 = arith.constant 0 : i32
    %dma_start3A_1511 = tpu.memref_slice %arg12[%dma_start3A_1508, %dma_start3A_1509, %dma_start3A_1510] : memref<13x128x32xf32, #tpu.memory_space<vmem>> -> memref<1x128x32xf32, #tpu.memory_space<vmem>>
    %dma_start3A_1512 = tpu.memref_squeeze %dma_start3A_1511 : memref<1x128x32xf32, #tpu.memory_space<vmem>> -> memref<128x32xf32, #tpu.memory_space<vmem>>
    %dma_start3A_1513 = arith.constant 0 : i32
    %dma_start3A_1514 = tpu.memref_slice %arg8[%dma_start3A_1507, %dma_start3A_1513] : memref<26x128xi32, #tpu.memory_space<vmem>> -> memref<1x128xi32, #tpu.memory_space<vmem>>
    %dma_start3A_1515 = tpu.memref_squeeze %dma_start3A_1514 : memref<1x128xi32, #tpu.memory_space<vmem>> -> memref<128xi32, #tpu.memory_space<vmem>>
    %dma_start3A_1516 = arith.constant 0 : i32
    %dma_start3A_1517 = arith.constant 0 : i32
    %dma_start3A_1518 = tpu.memref_slice %arg4[%dma_start3A_1516, %dma_start3A_1517] : memref<1000000x32xf32, #tpu.memory_space<hbm>> -> memref<1000000x32xf32, #tpu.memory_space<hbm>>
    tpu.enqueue_indirect_dma source(%dma_start3A_1518 : memref<1000000x32xf32, #tpu.memory_space<hbm>>) target(%dma_start3A_1512 : memref<128x32xf32, #tpu.memory_space<vmem>>) offsets(%dma_start3A_1515 : memref<128xi32, #tpu.memory_space<vmem>>) semaphore(%arg13 : memref<!tpu.dma_semaphore, #tpu.memory_space<semaphore_mem>>)
    %dma_start3A_1519 = arith.constant 24 : i32
    %dma_start3A_1520 = arith.constant 11 : i32
    %dma_start3A_1521 = arith.constant 0 : i32
    %dma_start3A_1522 = arith.constant 0 : i32
    %dma_start3A_1523 = tpu.memref_slice %arg11[%dma_start3A_1520, %dma_start3A_1521, %dma_start3A_1522] : memref<13x128x32xf32, #tpu.memory_space<vmem>> -> memref<1x128x32xf32, #tpu.memory_space<vmem>>
    %dma_start3A_1524 = tpu.memref_squeeze %dma_start3A_1523 : memref<1x128x32xf32, #tpu.memory_space<vmem>> -> memref<128x32xf32, #tpu.memory_space<vmem>>
    %dma_start3A_1525 = arith.constant 0 : i32
    %dma_start3A_1526 = tpu.memref_slice %arg7[%dma_start3A_1519, %dma_start3A_1525] : memref<26x128xi32, #tpu.memory_space<vmem>> -> memref<1x128xi32, #tpu.memory_space<vmem>>
    %dma_start3A_1527 = tpu.memref_squeeze %dma_start3A_1526 : memref<1x128xi32, #tpu.memory_space<vmem>> -> memref<128xi32, #tpu.memory_space<vmem>>
    %dma_start3A_1528 = arith.constant 0 : i32
    %dma_start3A_1529 = arith.constant 0 : i32
    %dma_start3A_1530 = tpu.memref_slice %arg3[%dma_start3A_1528, %dma_start3A_1529] : memref<1000000x32xf32, #tpu.memory_space<hbm>> -> memref<1000000x32xf32, #tpu.memory_space<hbm>>
    tpu.enqueue_indirect_dma source(%dma_start3A_1530 : memref<1000000x32xf32, #tpu.memory_space<hbm>>) target(%dma_start3A_1524 : memref<128x32xf32, #tpu.memory_space<vmem>>) offsets(%dma_start3A_1527 : memref<128xi32, #tpu.memory_space<vmem>>) semaphore(%arg13 : memref<!tpu.dma_semaphore, #tpu.memory_space<semaphore_mem>>)
    %dma_start3A_1531 = arith.constant 24 : i32
    %dma_start3A_1532 = arith.constant 11 : i32
    %dma_start3A_1533 = arith.constant 0 : i32
    %dma_start3A_1534 = arith.constant 0 : i32
    %dma_start3A_1535 = tpu.memref_slice %arg12[%dma_start3A_1532, %dma_start3A_1533, %dma_start3A_1534] : memref<13x128x32xf32, #tpu.memory_space<vmem>> -> memref<1x128x32xf32, #tpu.memory_space<vmem>>
    %dma_start3A_1536 = tpu.memref_squeeze %dma_start3A_1535 : memref<1x128x32xf32, #tpu.memory_space<vmem>> -> memref<128x32xf32, #tpu.memory_space<vmem>>
    %dma_start3A_1537 = arith.constant 0 : i32
    %dma_start3A_1538 = tpu.memref_slice %arg8[%dma_start3A_1531, %dma_start3A_1537] : memref<26x128xi32, #tpu.memory_space<vmem>> -> memref<1x128xi32, #tpu.memory_space<vmem>>
    %dma_start3A_1539 = tpu.memref_squeeze %dma_start3A_1538 : memref<1x128xi32, #tpu.memory_space<vmem>> -> memref<128xi32, #tpu.memory_space<vmem>>
    %dma_start3A_1540 = arith.constant 0 : i32
    %dma_start3A_1541 = arith.constant 0 : i32
    %dma_start3A_1542 = tpu.memref_slice %arg4[%dma_start3A_1540, %dma_start3A_1541] : memref<1000000x32xf32, #tpu.memory_space<hbm>> -> memref<1000000x32xf32, #tpu.memory_space<hbm>>
    tpu.enqueue_indirect_dma source(%dma_start3A_1542 : memref<1000000x32xf32, #tpu.memory_space<hbm>>) target(%dma_start3A_1536 : memref<128x32xf32, #tpu.memory_space<vmem>>) offsets(%dma_start3A_1539 : memref<128xi32, #tpu.memory_space<vmem>>) semaphore(%arg13 : memref<!tpu.dma_semaphore, #tpu.memory_space<semaphore_mem>>)
    %dma_start3A_1543 = arith.constant 25 : i32
    %dma_start3A_1544 = arith.constant 12 : i32
    %dma_start3A_1545 = arith.constant 0 : i32
    %dma_start3A_1546 = arith.constant 0 : i32
    %dma_start3A_1547 = tpu.memref_slice %arg11[%dma_start3A_1544, %dma_start3A_1545, %dma_start3A_1546] : memref<13x128x32xf32, #tpu.memory_space<vmem>> -> memref<1x128x32xf32, #tpu.memory_space<vmem>>
    %dma_start3A_1548 = tpu.memref_squeeze %dma_start3A_1547 : memref<1x128x32xf32, #tpu.memory_space<vmem>> -> memref<128x32xf32, #tpu.memory_space<vmem>>
    %dma_start3A_1549 = arith.constant 0 : i32
    %dma_start3A_1550 = tpu.memref_slice %arg7[%dma_start3A_1543, %dma_start3A_1549] : memref<26x128xi32, #tpu.memory_space<vmem>> -> memref<1x128xi32, #tpu.memory_space<vmem>>
    %dma_start3A_1551 = tpu.memref_squeeze %dma_start3A_1550 : memref<1x128xi32, #tpu.memory_space<vmem>> -> memref<128xi32, #tpu.memory_space<vmem>>
    %dma_start3A_1552 = arith.constant 0 : i32
    %dma_start3A_1553 = arith.constant 0 : i32
    %dma_start3A_1554 = tpu.memref_slice %arg3[%dma_start3A_1552, %dma_start3A_1553] : memref<1000000x32xf32, #tpu.memory_space<hbm>> -> memref<1000000x32xf32, #tpu.memory_space<hbm>>
    tpu.enqueue_indirect_dma source(%dma_start3A_1554 : memref<1000000x32xf32, #tpu.memory_space<hbm>>) target(%dma_start3A_1548 : memref<128x32xf32, #tpu.memory_space<vmem>>) offsets(%dma_start3A_1551 : memref<128xi32, #tpu.memory_space<vmem>>) semaphore(%arg13 : memref<!tpu.dma_semaphore, #tpu.memory_space<semaphore_mem>>)
    %dma_start3A_1555 = arith.constant 25 : i32
    %dma_start3A_1556 = arith.constant 12 : i32
    %dma_start3A_1557 = arith.constant 0 : i32
    %dma_start3A_1558 = arith.constant 0 : i32
    %dma_start3A_1559 = tpu.memref_slice %arg12[%dma_start3A_1556, %dma_start3A_1557, %dma_start3A_1558] : memref<13x128x32xf32, #tpu.memory_space<vmem>> -> memref<1x128x32xf32, #tpu.memory_space<vmem>>
    %dma_start3A_1560 = tpu.memref_squeeze %dma_start3A_1559 : memref<1x128x32xf32, #tpu.memory_space<vmem>> -> memref<128x32xf32, #tpu.memory_space<vmem>>
    %dma_start3A_1561 = arith.constant 0 : i32
    %dma_start3A_1562 = tpu.memref_slice %arg8[%dma_start3A_1555, %dma_start3A_1561] : memref<26x128xi32, #tpu.memory_space<vmem>> -> memref<1x128xi32, #tpu.memory_space<vmem>>
    %dma_start3A_1563 = tpu.memref_squeeze %dma_start3A_1562 : memref<1x128xi32, #tpu.memory_space<vmem>> -> memref<128xi32, #tpu.memory_space<vmem>>
    %dma_start3A_1564 = arith.constant 0 : i32
    %dma_start3A_1565 = arith.constant 0 : i32
    %dma_start3A_1566 = tpu.memref_slice %arg4[%dma_start3A_1564, %dma_start3A_1565] : memref<1000000x32xf32, #tpu.memory_space<hbm>> -> memref<1000000x32xf32, #tpu.memory_space<hbm>>
    tpu.enqueue_indirect_dma source(%dma_start3A_1566 : memref<1000000x32xf32, #tpu.memory_space<hbm>>) target(%dma_start3A_1560 : memref<128x32xf32, #tpu.memory_space<vmem>>) offsets(%dma_start3A_1563 : memref<128xi32, #tpu.memory_space<vmem>>) semaphore(%arg13 : memref<!tpu.dma_semaphore, #tpu.memory_space<semaphore_mem>>)
    %dma_wait3A_1567 = arith.constant 13 : i32
    %dma_wait3A_1568 = arith.constant 0 : i32
    %dma_wait3A_1569 = arith.constant 0 : i32
    %dma_wait3A_1570 = arith.constant 0 : i32
    %dma_wait3A_1571 = tpu.memref_slice %arg11[%dma_wait3A_1568, %dma_wait3A_1569, %dma_wait3A_1570] : memref<13x128x32xf32, #tpu.memory_space<vmem>> -> memref<1x128x32xf32, #tpu.memory_space<vmem>>
    %dma_wait3A_1572 = tpu.memref_squeeze %dma_wait3A_1571 : memref<1x128x32xf32, #tpu.memory_space<vmem>> -> memref<128x32xf32, #tpu.memory_space<vmem>>
    %dma_wait3A_1573 = arith.constant 0 : i32
    %dma_wait3A_1574 = tpu.memref_slice %arg7[%dma_wait3A_1567, %dma_wait3A_1573] : memref<26x128xi32, #tpu.memory_space<vmem>> -> memref<1x128xi32, #tpu.memory_space<vmem>>
    %dma_wait3A_1575 = tpu.memref_squeeze %dma_wait3A_1574 : memref<1x128xi32, #tpu.memory_space<vmem>> -> memref<128xi32, #tpu.memory_space<vmem>>
    %dma_wait3A_1576 = arith.constant 0 : i32
    %dma_wait3A_1577 = arith.constant 0 : i32
    %dma_wait3A_1578 = tpu.memref_slice %arg3[%dma_wait3A_1576, %dma_wait3A_1577] : memref<1000000x32xf32, #tpu.memory_space<hbm>> -> memref<1000000x32xf32, #tpu.memory_space<hbm>>
    tpu.wait_indirect_dma semaphore(%arg13 : memref<!tpu.dma_semaphore, #tpu.memory_space<semaphore_mem>>) src(%dma_wait3A_1578 : memref<1000000x32xf32, #tpu.memory_space<hbm>>) dst(%dma_wait3A_1572 : memref<128x32xf32, #tpu.memory_space<vmem>>)
    %dma_wait3A_1579 = arith.constant 13 : i32
    %dma_wait3A_1580 = arith.constant 0 : i32
    %dma_wait3A_1581 = arith.constant 0 : i32
    %dma_wait3A_1582 = arith.constant 0 : i32
    %dma_wait3A_1583 = tpu.memref_slice %arg12[%dma_wait3A_1580, %dma_wait3A_1581, %dma_wait3A_1582] : memref<13x128x32xf32, #tpu.memory_space<vmem>> -> memref<1x128x32xf32, #tpu.memory_space<vmem>>
    %dma_wait3A_1584 = tpu.memref_squeeze %dma_wait3A_1583 : memref<1x128x32xf32, #tpu.memory_space<vmem>> -> memref<128x32xf32, #tpu.memory_space<vmem>>
    %dma_wait3A_1585 = arith.constant 0 : i32
    %dma_wait3A_1586 = tpu.memref_slice %arg8[%dma_wait3A_1579, %dma_wait3A_1585] : memref<26x128xi32, #tpu.memory_space<vmem>> -> memref<1x128xi32, #tpu.memory_space<vmem>>
    %dma_wait3A_1587 = tpu.memref_squeeze %dma_wait3A_1586 : memref<1x128xi32, #tpu.memory_space<vmem>> -> memref<128xi32, #tpu.memory_space<vmem>>
    %dma_wait3A_1588 = arith.constant 0 : i32
    %dma_wait3A_1589 = arith.constant 0 : i32
    %dma_wait3A_1590 = tpu.memref_slice %arg4[%dma_wait3A_1588, %dma_wait3A_1589] : memref<1000000x32xf32, #tpu.memory_space<hbm>> -> memref<1000000x32xf32, #tpu.memory_space<hbm>>
    tpu.wait_indirect_dma semaphore(%arg13 : memref<!tpu.dma_semaphore, #tpu.memory_space<semaphore_mem>>) src(%dma_wait3A_1590 : memref<1000000x32xf32, #tpu.memory_space<hbm>>) dst(%dma_wait3A_1584 : memref<128x32xf32, #tpu.memory_space<vmem>>)
    %dma_wait3A_1591 = arith.constant 14 : i32
    %dma_wait3A_1592 = arith.constant 1 : i32
    %dma_wait3A_1593 = arith.constant 0 : i32
    %dma_wait3A_1594 = arith.constant 0 : i32
    %dma_wait3A_1595 = tpu.memref_slice %arg11[%dma_wait3A_1592, %dma_wait3A_1593, %dma_wait3A_1594] : memref<13x128x32xf32, #tpu.memory_space<vmem>> -> memref<1x128x32xf32, #tpu.memory_space<vmem>>
    %dma_wait3A_1596 = tpu.memref_squeeze %dma_wait3A_1595 : memref<1x128x32xf32, #tpu.memory_space<vmem>> -> memref<128x32xf32, #tpu.memory_space<vmem>>
    %dma_wait3A_1597 = arith.constant 0 : i32
    %dma_wait3A_1598 = tpu.memref_slice %arg7[%dma_wait3A_1591, %dma_wait3A_1597] : memref<26x128xi32, #tpu.memory_space<vmem>> -> memref<1x128xi32, #tpu.memory_space<vmem>>
    %dma_wait3A_1599 = tpu.memref_squeeze %dma_wait3A_1598 : memref<1x128xi32, #tpu.memory_space<vmem>> -> memref<128xi32, #tpu.memory_space<vmem>>
    %dma_wait3A_1600 = arith.constant 0 : i32
    %dma_wait3A_1601 = arith.constant 0 : i32
    %dma_wait3A_1602 = tpu.memref_slice %arg3[%dma_wait3A_1600, %dma_wait3A_1601] : memref<1000000x32xf32, #tpu.memory_space<hbm>> -> memref<1000000x32xf32, #tpu.memory_space<hbm>>
    tpu.wait_indirect_dma semaphore(%arg13 : memref<!tpu.dma_semaphore, #tpu.memory_space<semaphore_mem>>) src(%dma_wait3A_1602 : memref<1000000x32xf32, #tpu.memory_space<hbm>>) dst(%dma_wait3A_1596 : memref<128x32xf32, #tpu.memory_space<vmem>>)
    %dma_wait3A_1603 = arith.constant 14 : i32
    %dma_wait3A_1604 = arith.constant 1 : i32
    %dma_wait3A_1605 = arith.constant 0 : i32
    %dma_wait3A_1606 = arith.constant 0 : i32
    %dma_wait3A_1607 = tpu.memref_slice %arg12[%dma_wait3A_1604, %dma_wait3A_1605, %dma_wait3A_1606] : memref<13x128x32xf32, #tpu.memory_space<vmem>> -> memref<1x128x32xf32, #tpu.memory_space<vmem>>
    %dma_wait3A_1608 = tpu.memref_squeeze %dma_wait3A_1607 : memref<1x128x32xf32, #tpu.memory_space<vmem>> -> memref<128x32xf32, #tpu.memory_space<vmem>>
    %dma_wait3A_1609 = arith.constant 0 : i32
    %dma_wait3A_1610 = tpu.memref_slice %arg8[%dma_wait3A_1603, %dma_wait3A_1609] : memref<26x128xi32, #tpu.memory_space<vmem>> -> memref<1x128xi32, #tpu.memory_space<vmem>>
    %dma_wait3A_1611 = tpu.memref_squeeze %dma_wait3A_1610 : memref<1x128xi32, #tpu.memory_space<vmem>> -> memref<128xi32, #tpu.memory_space<vmem>>
    %dma_wait3A_1612 = arith.constant 0 : i32
    %dma_wait3A_1613 = arith.constant 0 : i32
    %dma_wait3A_1614 = tpu.memref_slice %arg4[%dma_wait3A_1612, %dma_wait3A_1613] : memref<1000000x32xf32, #tpu.memory_space<hbm>> -> memref<1000000x32xf32, #tpu.memory_space<hbm>>
    tpu.wait_indirect_dma semaphore(%arg13 : memref<!tpu.dma_semaphore, #tpu.memory_space<semaphore_mem>>) src(%dma_wait3A_1614 : memref<1000000x32xf32, #tpu.memory_space<hbm>>) dst(%dma_wait3A_1608 : memref<128x32xf32, #tpu.memory_space<vmem>>)
    %dma_wait3A_1615 = arith.constant 15 : i32
    %dma_wait3A_1616 = arith.constant 2 : i32
    %dma_wait3A_1617 = arith.constant 0 : i32
    %dma_wait3A_1618 = arith.constant 0 : i32
    %dma_wait3A_1619 = tpu.memref_slice %arg11[%dma_wait3A_1616, %dma_wait3A_1617, %dma_wait3A_1618] : memref<13x128x32xf32, #tpu.memory_space<vmem>> -> memref<1x128x32xf32, #tpu.memory_space<vmem>>
    %dma_wait3A_1620 = tpu.memref_squeeze %dma_wait3A_1619 : memref<1x128x32xf32, #tpu.memory_space<vmem>> -> memref<128x32xf32, #tpu.memory_space<vmem>>
    %dma_wait3A_1621 = arith.constant 0 : i32
    %dma_wait3A_1622 = tpu.memref_slice %arg7[%dma_wait3A_1615, %dma_wait3A_1621] : memref<26x128xi32, #tpu.memory_space<vmem>> -> memref<1x128xi32, #tpu.memory_space<vmem>>
    %dma_wait3A_1623 = tpu.memref_squeeze %dma_wait3A_1622 : memref<1x128xi32, #tpu.memory_space<vmem>> -> memref<128xi32, #tpu.memory_space<vmem>>
    %dma_wait3A_1624 = arith.constant 0 : i32
    %dma_wait3A_1625 = arith.constant 0 : i32
    %dma_wait3A_1626 = tpu.memref_slice %arg3[%dma_wait3A_1624, %dma_wait3A_1625] : memref<1000000x32xf32, #tpu.memory_space<hbm>> -> memref<1000000x32xf32, #tpu.memory_space<hbm>>
    tpu.wait_indirect_dma semaphore(%arg13 : memref<!tpu.dma_semaphore, #tpu.memory_space<semaphore_mem>>) src(%dma_wait3A_1626 : memref<1000000x32xf32, #tpu.memory_space<hbm>>) dst(%dma_wait3A_1620 : memref<128x32xf32, #tpu.memory_space<vmem>>)
    %dma_wait3A_1627 = arith.constant 15 : i32
    %dma_wait3A_1628 = arith.constant 2 : i32
    %dma_wait3A_1629 = arith.constant 0 : i32
    %dma_wait3A_1630 = arith.constant 0 : i32
    %dma_wait3A_1631 = tpu.memref_slice %arg12[%dma_wait3A_1628, %dma_wait3A_1629, %dma_wait3A_1630] : memref<13x128x32xf32, #tpu.memory_space<vmem>> -> memref<1x128x32xf32, #tpu.memory_space<vmem>>
    %dma_wait3A_1632 = tpu.memref_squeeze %dma_wait3A_1631 : memref<1x128x32xf32, #tpu.memory_space<vmem>> -> memref<128x32xf32, #tpu.memory_space<vmem>>
    %dma_wait3A_1633 = arith.constant 0 : i32
    %dma_wait3A_1634 = tpu.memref_slice %arg8[%dma_wait3A_1627, %dma_wait3A_1633] : memref<26x128xi32, #tpu.memory_space<vmem>> -> memref<1x128xi32, #tpu.memory_space<vmem>>
    %dma_wait3A_1635 = tpu.memref_squeeze %dma_wait3A_1634 : memref<1x128xi32, #tpu.memory_space<vmem>> -> memref<128xi32, #tpu.memory_space<vmem>>
    %dma_wait3A_1636 = arith.constant 0 : i32
    %dma_wait3A_1637 = arith.constant 0 : i32
    %dma_wait3A_1638 = tpu.memref_slice %arg4[%dma_wait3A_1636, %dma_wait3A_1637] : memref<1000000x32xf32, #tpu.memory_space<hbm>> -> memref<1000000x32xf32, #tpu.memory_space<hbm>>
    tpu.wait_indirect_dma semaphore(%arg13 : memref<!tpu.dma_semaphore, #tpu.memory_space<semaphore_mem>>) src(%dma_wait3A_1638 : memref<1000000x32xf32, #tpu.memory_space<hbm>>) dst(%dma_wait3A_1632 : memref<128x32xf32, #tpu.memory_space<vmem>>)
    %dma_wait3A_1639 = arith.constant 16 : i32
    %dma_wait3A_1640 = arith.constant 3 : i32
    %dma_wait3A_1641 = arith.constant 0 : i32
    %dma_wait3A_1642 = arith.constant 0 : i32
    %dma_wait3A_1643 = tpu.memref_slice %arg11[%dma_wait3A_1640, %dma_wait3A_1641, %dma_wait3A_1642] : memref<13x128x32xf32, #tpu.memory_space<vmem>> -> memref<1x128x32xf32, #tpu.memory_space<vmem>>
    %dma_wait3A_1644 = tpu.memref_squeeze %dma_wait3A_1643 : memref<1x128x32xf32, #tpu.memory_space<vmem>> -> memref<128x32xf32, #tpu.memory_space<vmem>>
    %dma_wait3A_1645 = arith.constant 0 : i32
    %dma_wait3A_1646 = tpu.memref_slice %arg7[%dma_wait3A_1639, %dma_wait3A_1645] : memref<26x128xi32, #tpu.memory_space<vmem>> -> memref<1x128xi32, #tpu.memory_space<vmem>>
    %dma_wait3A_1647 = tpu.memref_squeeze %dma_wait3A_1646 : memref<1x128xi32, #tpu.memory_space<vmem>> -> memref<128xi32, #tpu.memory_space<vmem>>
    %dma_wait3A_1648 = arith.constant 0 : i32
    %dma_wait3A_1649 = arith.constant 0 : i32
    %dma_wait3A_1650 = tpu.memref_slice %arg3[%dma_wait3A_1648, %dma_wait3A_1649] : memref<1000000x32xf32, #tpu.memory_space<hbm>> -> memref<1000000x32xf32, #tpu.memory_space<hbm>>
    tpu.wait_indirect_dma semaphore(%arg13 : memref<!tpu.dma_semaphore, #tpu.memory_space<semaphore_mem>>) src(%dma_wait3A_1650 : memref<1000000x32xf32, #tpu.memory_space<hbm>>) dst(%dma_wait3A_1644 : memref<128x32xf32, #tpu.memory_space<vmem>>)
    %dma_wait3A_1651 = arith.constant 16 : i32
    %dma_wait3A_1652 = arith.constant 3 : i32
    %dma_wait3A_1653 = arith.constant 0 : i32
    %dma_wait3A_1654 = arith.constant 0 : i32
    %dma_wait3A_1655 = tpu.memref_slice %arg12[%dma_wait3A_1652, %dma_wait3A_1653, %dma_wait3A_1654] : memref<13x128x32xf32, #tpu.memory_space<vmem>> -> memref<1x128x32xf32, #tpu.memory_space<vmem>>
    %dma_wait3A_1656 = tpu.memref_squeeze %dma_wait3A_1655 : memref<1x128x32xf32, #tpu.memory_space<vmem>> -> memref<128x32xf32, #tpu.memory_space<vmem>>
    %dma_wait3A_1657 = arith.constant 0 : i32
    %dma_wait3A_1658 = tpu.memref_slice %arg8[%dma_wait3A_1651, %dma_wait3A_1657] : memref<26x128xi32, #tpu.memory_space<vmem>> -> memref<1x128xi32, #tpu.memory_space<vmem>>
    %dma_wait3A_1659 = tpu.memref_squeeze %dma_wait3A_1658 : memref<1x128xi32, #tpu.memory_space<vmem>> -> memref<128xi32, #tpu.memory_space<vmem>>
    %dma_wait3A_1660 = arith.constant 0 : i32
    %dma_wait3A_1661 = arith.constant 0 : i32
    %dma_wait3A_1662 = tpu.memref_slice %arg4[%dma_wait3A_1660, %dma_wait3A_1661] : memref<1000000x32xf32, #tpu.memory_space<hbm>> -> memref<1000000x32xf32, #tpu.memory_space<hbm>>
    tpu.wait_indirect_dma semaphore(%arg13 : memref<!tpu.dma_semaphore, #tpu.memory_space<semaphore_mem>>) src(%dma_wait3A_1662 : memref<1000000x32xf32, #tpu.memory_space<hbm>>) dst(%dma_wait3A_1656 : memref<128x32xf32, #tpu.memory_space<vmem>>)
    %dma_wait3A_1663 = arith.constant 17 : i32
    %dma_wait3A_1664 = arith.constant 4 : i32
    %dma_wait3A_1665 = arith.constant 0 : i32
    %dma_wait3A_1666 = arith.constant 0 : i32
    %dma_wait3A_1667 = tpu.memref_slice %arg11[%dma_wait3A_1664, %dma_wait3A_1665, %dma_wait3A_1666] : memref<13x128x32xf32, #tpu.memory_space<vmem>> -> memref<1x128x32xf32, #tpu.memory_space<vmem>>
    %dma_wait3A_1668 = tpu.memref_squeeze %dma_wait3A_1667 : memref<1x128x32xf32, #tpu.memory_space<vmem>> -> memref<128x32xf32, #tpu.memory_space<vmem>>
    %dma_wait3A_1669 = arith.constant 0 : i32
    %dma_wait3A_1670 = tpu.memref_slice %arg7[%dma_wait3A_1663, %dma_wait3A_1669] : memref<26x128xi32, #tpu.memory_space<vmem>> -> memref<1x128xi32, #tpu.memory_space<vmem>>
    %dma_wait3A_1671 = tpu.memref_squeeze %dma_wait3A_1670 : memref<1x128xi32, #tpu.memory_space<vmem>> -> memref<128xi32, #tpu.memory_space<vmem>>
    %dma_wait3A_1672 = arith.constant 0 : i32
    %dma_wait3A_1673 = arith.constant 0 : i32
    %dma_wait3A_1674 = tpu.memref_slice %arg3[%dma_wait3A_1672, %dma_wait3A_1673] : memref<1000000x32xf32, #tpu.memory_space<hbm>> -> memref<1000000x32xf32, #tpu.memory_space<hbm>>
    tpu.wait_indirect_dma semaphore(%arg13 : memref<!tpu.dma_semaphore, #tpu.memory_space<semaphore_mem>>) src(%dma_wait3A_1674 : memref<1000000x32xf32, #tpu.memory_space<hbm>>) dst(%dma_wait3A_1668 : memref<128x32xf32, #tpu.memory_space<vmem>>)
    %dma_wait3A_1675 = arith.constant 17 : i32
    %dma_wait3A_1676 = arith.constant 4 : i32
    %dma_wait3A_1677 = arith.constant 0 : i32
    %dma_wait3A_1678 = arith.constant 0 : i32
    %dma_wait3A_1679 = tpu.memref_slice %arg12[%dma_wait3A_1676, %dma_wait3A_1677, %dma_wait3A_1678] : memref<13x128x32xf32, #tpu.memory_space<vmem>> -> memref<1x128x32xf32, #tpu.memory_space<vmem>>
    %dma_wait3A_1680 = tpu.memref_squeeze %dma_wait3A_1679 : memref<1x128x32xf32, #tpu.memory_space<vmem>> -> memref<128x32xf32, #tpu.memory_space<vmem>>
    %dma_wait3A_1681 = arith.constant 0 : i32
    %dma_wait3A_1682 = tpu.memref_slice %arg8[%dma_wait3A_1675, %dma_wait3A_1681] : memref<26x128xi32, #tpu.memory_space<vmem>> -> memref<1x128xi32, #tpu.memory_space<vmem>>
    %dma_wait3A_1683 = tpu.memref_squeeze %dma_wait3A_1682 : memref<1x128xi32, #tpu.memory_space<vmem>> -> memref<128xi32, #tpu.memory_space<vmem>>
    %dma_wait3A_1684 = arith.constant 0 : i32
    %dma_wait3A_1685 = arith.constant 0 : i32
    %dma_wait3A_1686 = tpu.memref_slice %arg4[%dma_wait3A_1684, %dma_wait3A_1685] : memref<1000000x32xf32, #tpu.memory_space<hbm>> -> memref<1000000x32xf32, #tpu.memory_space<hbm>>
    tpu.wait_indirect_dma semaphore(%arg13 : memref<!tpu.dma_semaphore, #tpu.memory_space<semaphore_mem>>) src(%dma_wait3A_1686 : memref<1000000x32xf32, #tpu.memory_space<hbm>>) dst(%dma_wait3A_1680 : memref<128x32xf32, #tpu.memory_space<vmem>>)
    %dma_wait3A_1687 = arith.constant 18 : i32
    %dma_wait3A_1688 = arith.constant 5 : i32
    %dma_wait3A_1689 = arith.constant 0 : i32
    %dma_wait3A_1690 = arith.constant 0 : i32
    %dma_wait3A_1691 = tpu.memref_slice %arg11[%dma_wait3A_1688, %dma_wait3A_1689, %dma_wait3A_1690] : memref<13x128x32xf32, #tpu.memory_space<vmem>> -> memref<1x128x32xf32, #tpu.memory_space<vmem>>
    %dma_wait3A_1692 = tpu.memref_squeeze %dma_wait3A_1691 : memref<1x128x32xf32, #tpu.memory_space<vmem>> -> memref<128x32xf32, #tpu.memory_space<vmem>>
    %dma_wait3A_1693 = arith.constant 0 : i32
    %dma_wait3A_1694 = tpu.memref_slice %arg7[%dma_wait3A_1687, %dma_wait3A_1693] : memref<26x128xi32, #tpu.memory_space<vmem>> -> memref<1x128xi32, #tpu.memory_space<vmem>>
    %dma_wait3A_1695 = tpu.memref_squeeze %dma_wait3A_1694 : memref<1x128xi32, #tpu.memory_space<vmem>> -> memref<128xi32, #tpu.memory_space<vmem>>
    %dma_wait3A_1696 = arith.constant 0 : i32
    %dma_wait3A_1697 = arith.constant 0 : i32
    %dma_wait3A_1698 = tpu.memref_slice %arg3[%dma_wait3A_1696, %dma_wait3A_1697] : memref<1000000x32xf32, #tpu.memory_space<hbm>> -> memref<1000000x32xf32, #tpu.memory_space<hbm>>
    tpu.wait_indirect_dma semaphore(%arg13 : memref<!tpu.dma_semaphore, #tpu.memory_space<semaphore_mem>>) src(%dma_wait3A_1698 : memref<1000000x32xf32, #tpu.memory_space<hbm>>) dst(%dma_wait3A_1692 : memref<128x32xf32, #tpu.memory_space<vmem>>)
    %dma_wait3A_1699 = arith.constant 18 : i32
    %dma_wait3A_1700 = arith.constant 5 : i32
    %dma_wait3A_1701 = arith.constant 0 : i32
    %dma_wait3A_1702 = arith.constant 0 : i32
    %dma_wait3A_1703 = tpu.memref_slice %arg12[%dma_wait3A_1700, %dma_wait3A_1701, %dma_wait3A_1702] : memref<13x128x32xf32, #tpu.memory_space<vmem>> -> memref<1x128x32xf32, #tpu.memory_space<vmem>>
    %dma_wait3A_1704 = tpu.memref_squeeze %dma_wait3A_1703 : memref<1x128x32xf32, #tpu.memory_space<vmem>> -> memref<128x32xf32, #tpu.memory_space<vmem>>
    %dma_wait3A_1705 = arith.constant 0 : i32
    %dma_wait3A_1706 = tpu.memref_slice %arg8[%dma_wait3A_1699, %dma_wait3A_1705] : memref<26x128xi32, #tpu.memory_space<vmem>> -> memref<1x128xi32, #tpu.memory_space<vmem>>
    %dma_wait3A_1707 = tpu.memref_squeeze %dma_wait3A_1706 : memref<1x128xi32, #tpu.memory_space<vmem>> -> memref<128xi32, #tpu.memory_space<vmem>>
    %dma_wait3A_1708 = arith.constant 0 : i32
    %dma_wait3A_1709 = arith.constant 0 : i32
    %dma_wait3A_1710 = tpu.memref_slice %arg4[%dma_wait3A_1708, %dma_wait3A_1709] : memref<1000000x32xf32, #tpu.memory_space<hbm>> -> memref<1000000x32xf32, #tpu.memory_space<hbm>>
    tpu.wait_indirect_dma semaphore(%arg13 : memref<!tpu.dma_semaphore, #tpu.memory_space<semaphore_mem>>) src(%dma_wait3A_1710 : memref<1000000x32xf32, #tpu.memory_space<hbm>>) dst(%dma_wait3A_1704 : memref<128x32xf32, #tpu.memory_space<vmem>>)
    %dma_wait3A_1711 = arith.constant 19 : i32
    %dma_wait3A_1712 = arith.constant 6 : i32
    %dma_wait3A_1713 = arith.constant 0 : i32
    %dma_wait3A_1714 = arith.constant 0 : i32
    %dma_wait3A_1715 = tpu.memref_slice %arg11[%dma_wait3A_1712, %dma_wait3A_1713, %dma_wait3A_1714] : memref<13x128x32xf32, #tpu.memory_space<vmem>> -> memref<1x128x32xf32, #tpu.memory_space<vmem>>
    %dma_wait3A_1716 = tpu.memref_squeeze %dma_wait3A_1715 : memref<1x128x32xf32, #tpu.memory_space<vmem>> -> memref<128x32xf32, #tpu.memory_space<vmem>>
    %dma_wait3A_1717 = arith.constant 0 : i32
    %dma_wait3A_1718 = tpu.memref_slice %arg7[%dma_wait3A_1711, %dma_wait3A_1717] : memref<26x128xi32, #tpu.memory_space<vmem>> -> memref<1x128xi32, #tpu.memory_space<vmem>>
    %dma_wait3A_1719 = tpu.memref_squeeze %dma_wait3A_1718 : memref<1x128xi32, #tpu.memory_space<vmem>> -> memref<128xi32, #tpu.memory_space<vmem>>
    %dma_wait3A_1720 = arith.constant 0 : i32
    %dma_wait3A_1721 = arith.constant 0 : i32
    %dma_wait3A_1722 = tpu.memref_slice %arg3[%dma_wait3A_1720, %dma_wait3A_1721] : memref<1000000x32xf32, #tpu.memory_space<hbm>> -> memref<1000000x32xf32, #tpu.memory_space<hbm>>
    tpu.wait_indirect_dma semaphore(%arg13 : memref<!tpu.dma_semaphore, #tpu.memory_space<semaphore_mem>>) src(%dma_wait3A_1722 : memref<1000000x32xf32, #tpu.memory_space<hbm>>) dst(%dma_wait3A_1716 : memref<128x32xf32, #tpu.memory_space<vmem>>)
    %dma_wait3A_1723 = arith.constant 19 : i32
    %dma_wait3A_1724 = arith.constant 6 : i32
    %dma_wait3A_1725 = arith.constant 0 : i32
    %dma_wait3A_1726 = arith.constant 0 : i32
    %dma_wait3A_1727 = tpu.memref_slice %arg12[%dma_wait3A_1724, %dma_wait3A_1725, %dma_wait3A_1726] : memref<13x128x32xf32, #tpu.memory_space<vmem>> -> memref<1x128x32xf32, #tpu.memory_space<vmem>>
    %dma_wait3A_1728 = tpu.memref_squeeze %dma_wait3A_1727 : memref<1x128x32xf32, #tpu.memory_space<vmem>> -> memref<128x32xf32, #tpu.memory_space<vmem>>
    %dma_wait3A_1729 = arith.constant 0 : i32
    %dma_wait3A_1730 = tpu.memref_slice %arg8[%dma_wait3A_1723, %dma_wait3A_1729] : memref<26x128xi32, #tpu.memory_space<vmem>> -> memref<1x128xi32, #tpu.memory_space<vmem>>
    %dma_wait3A_1731 = tpu.memref_squeeze %dma_wait3A_1730 : memref<1x128xi32, #tpu.memory_space<vmem>> -> memref<128xi32, #tpu.memory_space<vmem>>
    %dma_wait3A_1732 = arith.constant 0 : i32
    %dma_wait3A_1733 = arith.constant 0 : i32
    %dma_wait3A_1734 = tpu.memref_slice %arg4[%dma_wait3A_1732, %dma_wait3A_1733] : memref<1000000x32xf32, #tpu.memory_space<hbm>> -> memref<1000000x32xf32, #tpu.memory_space<hbm>>
    tpu.wait_indirect_dma semaphore(%arg13 : memref<!tpu.dma_semaphore, #tpu.memory_space<semaphore_mem>>) src(%dma_wait3A_1734 : memref<1000000x32xf32, #tpu.memory_space<hbm>>) dst(%dma_wait3A_1728 : memref<128x32xf32, #tpu.memory_space<vmem>>)
    %dma_wait3A_1735 = arith.constant 20 : i32
    %dma_wait3A_1736 = arith.constant 7 : i32
    %dma_wait3A_1737 = arith.constant 0 : i32
    %dma_wait3A_1738 = arith.constant 0 : i32
    %dma_wait3A_1739 = tpu.memref_slice %arg11[%dma_wait3A_1736, %dma_wait3A_1737, %dma_wait3A_1738] : memref<13x128x32xf32, #tpu.memory_space<vmem>> -> memref<1x128x32xf32, #tpu.memory_space<vmem>>
    %dma_wait3A_1740 = tpu.memref_squeeze %dma_wait3A_1739 : memref<1x128x32xf32, #tpu.memory_space<vmem>> -> memref<128x32xf32, #tpu.memory_space<vmem>>
    %dma_wait3A_1741 = arith.constant 0 : i32
    %dma_wait3A_1742 = tpu.memref_slice %arg7[%dma_wait3A_1735, %dma_wait3A_1741] : memref<26x128xi32, #tpu.memory_space<vmem>> -> memref<1x128xi32, #tpu.memory_space<vmem>>
    %dma_wait3A_1743 = tpu.memref_squeeze %dma_wait3A_1742 : memref<1x128xi32, #tpu.memory_space<vmem>> -> memref<128xi32, #tpu.memory_space<vmem>>
    %dma_wait3A_1744 = arith.constant 0 : i32
    %dma_wait3A_1745 = arith.constant 0 : i32
    %dma_wait3A_1746 = tpu.memref_slice %arg3[%dma_wait3A_1744, %dma_wait3A_1745] : memref<1000000x32xf32, #tpu.memory_space<hbm>> -> memref<1000000x32xf32, #tpu.memory_space<hbm>>
    tpu.wait_indirect_dma semaphore(%arg13 : memref<!tpu.dma_semaphore, #tpu.memory_space<semaphore_mem>>) src(%dma_wait3A_1746 : memref<1000000x32xf32, #tpu.memory_space<hbm>>) dst(%dma_wait3A_1740 : memref<128x32xf32, #tpu.memory_space<vmem>>)
    %dma_wait3A_1747 = arith.constant 20 : i32
    %dma_wait3A_1748 = arith.constant 7 : i32
    %dma_wait3A_1749 = arith.constant 0 : i32
    %dma_wait3A_1750 = arith.constant 0 : i32
    %dma_wait3A_1751 = tpu.memref_slice %arg12[%dma_wait3A_1748, %dma_wait3A_1749, %dma_wait3A_1750] : memref<13x128x32xf32, #tpu.memory_space<vmem>> -> memref<1x128x32xf32, #tpu.memory_space<vmem>>
    %dma_wait3A_1752 = tpu.memref_squeeze %dma_wait3A_1751 : memref<1x128x32xf32, #tpu.memory_space<vmem>> -> memref<128x32xf32, #tpu.memory_space<vmem>>
    %dma_wait3A_1753 = arith.constant 0 : i32
    %dma_wait3A_1754 = tpu.memref_slice %arg8[%dma_wait3A_1747, %dma_wait3A_1753] : memref<26x128xi32, #tpu.memory_space<vmem>> -> memref<1x128xi32, #tpu.memory_space<vmem>>
    %dma_wait3A_1755 = tpu.memref_squeeze %dma_wait3A_1754 : memref<1x128xi32, #tpu.memory_space<vmem>> -> memref<128xi32, #tpu.memory_space<vmem>>
    %dma_wait3A_1756 = arith.constant 0 : i32
    %dma_wait3A_1757 = arith.constant 0 : i32
    %dma_wait3A_1758 = tpu.memref_slice %arg4[%dma_wait3A_1756, %dma_wait3A_1757] : memref<1000000x32xf32, #tpu.memory_space<hbm>> -> memref<1000000x32xf32, #tpu.memory_space<hbm>>
    tpu.wait_indirect_dma semaphore(%arg13 : memref<!tpu.dma_semaphore, #tpu.memory_space<semaphore_mem>>) src(%dma_wait3A_1758 : memref<1000000x32xf32, #tpu.memory_space<hbm>>) dst(%dma_wait3A_1752 : memref<128x32xf32, #tpu.memory_space<vmem>>)
    %dma_wait3A_1759 = arith.constant 21 : i32
    %dma_wait3A_1760 = arith.constant 8 : i32
    %dma_wait3A_1761 = arith.constant 0 : i32
    %dma_wait3A_1762 = arith.constant 0 : i32
    %dma_wait3A_1763 = tpu.memref_slice %arg11[%dma_wait3A_1760, %dma_wait3A_1761, %dma_wait3A_1762] : memref<13x128x32xf32, #tpu.memory_space<vmem>> -> memref<1x128x32xf32, #tpu.memory_space<vmem>>
    %dma_wait3A_1764 = tpu.memref_squeeze %dma_wait3A_1763 : memref<1x128x32xf32, #tpu.memory_space<vmem>> -> memref<128x32xf32, #tpu.memory_space<vmem>>
    %dma_wait3A_1765 = arith.constant 0 : i32
    %dma_wait3A_1766 = tpu.memref_slice %arg7[%dma_wait3A_1759, %dma_wait3A_1765] : memref<26x128xi32, #tpu.memory_space<vmem>> -> memref<1x128xi32, #tpu.memory_space<vmem>>
    %dma_wait3A_1767 = tpu.memref_squeeze %dma_wait3A_1766 : memref<1x128xi32, #tpu.memory_space<vmem>> -> memref<128xi32, #tpu.memory_space<vmem>>
    %dma_wait3A_1768 = arith.constant 0 : i32
    %dma_wait3A_1769 = arith.constant 0 : i32
    %dma_wait3A_1770 = tpu.memref_slice %arg3[%dma_wait3A_1768, %dma_wait3A_1769] : memref<1000000x32xf32, #tpu.memory_space<hbm>> -> memref<1000000x32xf32, #tpu.memory_space<hbm>>
    tpu.wait_indirect_dma semaphore(%arg13 : memref<!tpu.dma_semaphore, #tpu.memory_space<semaphore_mem>>) src(%dma_wait3A_1770 : memref<1000000x32xf32, #tpu.memory_space<hbm>>) dst(%dma_wait3A_1764 : memref<128x32xf32, #tpu.memory_space<vmem>>)
    %dma_wait3A_1771 = arith.constant 21 : i32
    %dma_wait3A_1772 = arith.constant 8 : i32
    %dma_wait3A_1773 = arith.constant 0 : i32
    %dma_wait3A_1774 = arith.constant 0 : i32
    %dma_wait3A_1775 = tpu.memref_slice %arg12[%dma_wait3A_1772, %dma_wait3A_1773, %dma_wait3A_1774] : memref<13x128x32xf32, #tpu.memory_space<vmem>> -> memref<1x128x32xf32, #tpu.memory_space<vmem>>
    %dma_wait3A_1776 = tpu.memref_squeeze %dma_wait3A_1775 : memref<1x128x32xf32, #tpu.memory_space<vmem>> -> memref<128x32xf32, #tpu.memory_space<vmem>>
    %dma_wait3A_1777 = arith.constant 0 : i32
    %dma_wait3A_1778 = tpu.memref_slice %arg8[%dma_wait3A_1771, %dma_wait3A_1777] : memref<26x128xi32, #tpu.memory_space<vmem>> -> memref<1x128xi32, #tpu.memory_space<vmem>>
    %dma_wait3A_1779 = tpu.memref_squeeze %dma_wait3A_1778 : memref<1x128xi32, #tpu.memory_space<vmem>> -> memref<128xi32, #tpu.memory_space<vmem>>
    %dma_wait3A_1780 = arith.constant 0 : i32
    %dma_wait3A_1781 = arith.constant 0 : i32
    %dma_wait3A_1782 = tpu.memref_slice %arg4[%dma_wait3A_1780, %dma_wait3A_1781] : memref<1000000x32xf32, #tpu.memory_space<hbm>> -> memref<1000000x32xf32, #tpu.memory_space<hbm>>
    tpu.wait_indirect_dma semaphore(%arg13 : memref<!tpu.dma_semaphore, #tpu.memory_space<semaphore_mem>>) src(%dma_wait3A_1782 : memref<1000000x32xf32, #tpu.memory_space<hbm>>) dst(%dma_wait3A_1776 : memref<128x32xf32, #tpu.memory_space<vmem>>)
    %dma_wait3A_1783 = arith.constant 22 : i32
    %dma_wait3A_1784 = arith.constant 9 : i32
    %dma_wait3A_1785 = arith.constant 0 : i32
    %dma_wait3A_1786 = arith.constant 0 : i32
    %dma_wait3A_1787 = tpu.memref_slice %arg11[%dma_wait3A_1784, %dma_wait3A_1785, %dma_wait3A_1786] : memref<13x128x32xf32, #tpu.memory_space<vmem>> -> memref<1x128x32xf32, #tpu.memory_space<vmem>>
    %dma_wait3A_1788 = tpu.memref_squeeze %dma_wait3A_1787 : memref<1x128x32xf32, #tpu.memory_space<vmem>> -> memref<128x32xf32, #tpu.memory_space<vmem>>
    %dma_wait3A_1789 = arith.constant 0 : i32
    %dma_wait3A_1790 = tpu.memref_slice %arg7[%dma_wait3A_1783, %dma_wait3A_1789] : memref<26x128xi32, #tpu.memory_space<vmem>> -> memref<1x128xi32, #tpu.memory_space<vmem>>
    %dma_wait3A_1791 = tpu.memref_squeeze %dma_wait3A_1790 : memref<1x128xi32, #tpu.memory_space<vmem>> -> memref<128xi32, #tpu.memory_space<vmem>>
    %dma_wait3A_1792 = arith.constant 0 : i32
    %dma_wait3A_1793 = arith.constant 0 : i32
    %dma_wait3A_1794 = tpu.memref_slice %arg3[%dma_wait3A_1792, %dma_wait3A_1793] : memref<1000000x32xf32, #tpu.memory_space<hbm>> -> memref<1000000x32xf32, #tpu.memory_space<hbm>>
    tpu.wait_indirect_dma semaphore(%arg13 : memref<!tpu.dma_semaphore, #tpu.memory_space<semaphore_mem>>) src(%dma_wait3A_1794 : memref<1000000x32xf32, #tpu.memory_space<hbm>>) dst(%dma_wait3A_1788 : memref<128x32xf32, #tpu.memory_space<vmem>>)
    %dma_wait3A_1795 = arith.constant 22 : i32
    %dma_wait3A_1796 = arith.constant 9 : i32
    %dma_wait3A_1797 = arith.constant 0 : i32
    %dma_wait3A_1798 = arith.constant 0 : i32
    %dma_wait3A_1799 = tpu.memref_slice %arg12[%dma_wait3A_1796, %dma_wait3A_1797, %dma_wait3A_1798] : memref<13x128x32xf32, #tpu.memory_space<vmem>> -> memref<1x128x32xf32, #tpu.memory_space<vmem>>
    %dma_wait3A_1800 = tpu.memref_squeeze %dma_wait3A_1799 : memref<1x128x32xf32, #tpu.memory_space<vmem>> -> memref<128x32xf32, #tpu.memory_space<vmem>>
    %dma_wait3A_1801 = arith.constant 0 : i32
    %dma_wait3A_1802 = tpu.memref_slice %arg8[%dma_wait3A_1795, %dma_wait3A_1801] : memref<26x128xi32, #tpu.memory_space<vmem>> -> memref<1x128xi32, #tpu.memory_space<vmem>>
    %dma_wait3A_1803 = tpu.memref_squeeze %dma_wait3A_1802 : memref<1x128xi32, #tpu.memory_space<vmem>> -> memref<128xi32, #tpu.memory_space<vmem>>
    %dma_wait3A_1804 = arith.constant 0 : i32
    %dma_wait3A_1805 = arith.constant 0 : i32
    %dma_wait3A_1806 = tpu.memref_slice %arg4[%dma_wait3A_1804, %dma_wait3A_1805] : memref<1000000x32xf32, #tpu.memory_space<hbm>> -> memref<1000000x32xf32, #tpu.memory_space<hbm>>
    tpu.wait_indirect_dma semaphore(%arg13 : memref<!tpu.dma_semaphore, #tpu.memory_space<semaphore_mem>>) src(%dma_wait3A_1806 : memref<1000000x32xf32, #tpu.memory_space<hbm>>) dst(%dma_wait3A_1800 : memref<128x32xf32, #tpu.memory_space<vmem>>)
    %dma_wait3A_1807 = arith.constant 23 : i32
    %dma_wait3A_1808 = arith.constant 10 : i32
    %dma_wait3A_1809 = arith.constant 0 : i32
    %dma_wait3A_1810 = arith.constant 0 : i32
    %dma_wait3A_1811 = tpu.memref_slice %arg11[%dma_wait3A_1808, %dma_wait3A_1809, %dma_wait3A_1810] : memref<13x128x32xf32, #tpu.memory_space<vmem>> -> memref<1x128x32xf32, #tpu.memory_space<vmem>>
    %dma_wait3A_1812 = tpu.memref_squeeze %dma_wait3A_1811 : memref<1x128x32xf32, #tpu.memory_space<vmem>> -> memref<128x32xf32, #tpu.memory_space<vmem>>
    %dma_wait3A_1813 = arith.constant 0 : i32
    %dma_wait3A_1814 = tpu.memref_slice %arg7[%dma_wait3A_1807, %dma_wait3A_1813] : memref<26x128xi32, #tpu.memory_space<vmem>> -> memref<1x128xi32, #tpu.memory_space<vmem>>
    %dma_wait3A_1815 = tpu.memref_squeeze %dma_wait3A_1814 : memref<1x128xi32, #tpu.memory_space<vmem>> -> memref<128xi32, #tpu.memory_space<vmem>>
    %dma_wait3A_1816 = arith.constant 0 : i32
    %dma_wait3A_1817 = arith.constant 0 : i32
    %dma_wait3A_1818 = tpu.memref_slice %arg3[%dma_wait3A_1816, %dma_wait3A_1817] : memref<1000000x32xf32, #tpu.memory_space<hbm>> -> memref<1000000x32xf32, #tpu.memory_space<hbm>>
    tpu.wait_indirect_dma semaphore(%arg13 : memref<!tpu.dma_semaphore, #tpu.memory_space<semaphore_mem>>) src(%dma_wait3A_1818 : memref<1000000x32xf32, #tpu.memory_space<hbm>>) dst(%dma_wait3A_1812 : memref<128x32xf32, #tpu.memory_space<vmem>>)
    %dma_wait3A_1819 = arith.constant 23 : i32
    %dma_wait3A_1820 = arith.constant 10 : i32
    %dma_wait3A_1821 = arith.constant 0 : i32
    %dma_wait3A_1822 = arith.constant 0 : i32
    %dma_wait3A_1823 = tpu.memref_slice %arg12[%dma_wait3A_1820, %dma_wait3A_1821, %dma_wait3A_1822] : memref<13x128x32xf32, #tpu.memory_space<vmem>> -> memref<1x128x32xf32, #tpu.memory_space<vmem>>
    %dma_wait3A_1824 = tpu.memref_squeeze %dma_wait3A_1823 : memref<1x128x32xf32, #tpu.memory_space<vmem>> -> memref<128x32xf32, #tpu.memory_space<vmem>>
    %dma_wait3A_1825 = arith.constant 0 : i32
    %dma_wait3A_1826 = tpu.memref_slice %arg8[%dma_wait3A_1819, %dma_wait3A_1825] : memref<26x128xi32, #tpu.memory_space<vmem>> -> memref<1x128xi32, #tpu.memory_space<vmem>>
    %dma_wait3A_1827 = tpu.memref_squeeze %dma_wait3A_1826 : memref<1x128xi32, #tpu.memory_space<vmem>> -> memref<128xi32, #tpu.memory_space<vmem>>
    %dma_wait3A_1828 = arith.constant 0 : i32
    %dma_wait3A_1829 = arith.constant 0 : i32
    %dma_wait3A_1830 = tpu.memref_slice %arg4[%dma_wait3A_1828, %dma_wait3A_1829] : memref<1000000x32xf32, #tpu.memory_space<hbm>> -> memref<1000000x32xf32, #tpu.memory_space<hbm>>
    tpu.wait_indirect_dma semaphore(%arg13 : memref<!tpu.dma_semaphore, #tpu.memory_space<semaphore_mem>>) src(%dma_wait3A_1830 : memref<1000000x32xf32, #tpu.memory_space<hbm>>) dst(%dma_wait3A_1824 : memref<128x32xf32, #tpu.memory_space<vmem>>)
    %dma_wait3A_1831 = arith.constant 24 : i32
    %dma_wait3A_1832 = arith.constant 11 : i32
    %dma_wait3A_1833 = arith.constant 0 : i32
    %dma_wait3A_1834 = arith.constant 0 : i32
    %dma_wait3A_1835 = tpu.memref_slice %arg11[%dma_wait3A_1832, %dma_wait3A_1833, %dma_wait3A_1834] : memref<13x128x32xf32, #tpu.memory_space<vmem>> -> memref<1x128x32xf32, #tpu.memory_space<vmem>>
    %dma_wait3A_1836 = tpu.memref_squeeze %dma_wait3A_1835 : memref<1x128x32xf32, #tpu.memory_space<vmem>> -> memref<128x32xf32, #tpu.memory_space<vmem>>
    %dma_wait3A_1837 = arith.constant 0 : i32
    %dma_wait3A_1838 = tpu.memref_slice %arg7[%dma_wait3A_1831, %dma_wait3A_1837] : memref<26x128xi32, #tpu.memory_space<vmem>> -> memref<1x128xi32, #tpu.memory_space<vmem>>
    %dma_wait3A_1839 = tpu.memref_squeeze %dma_wait3A_1838 : memref<1x128xi32, #tpu.memory_space<vmem>> -> memref<128xi32, #tpu.memory_space<vmem>>
    %dma_wait3A_1840 = arith.constant 0 : i32
    %dma_wait3A_1841 = arith.constant 0 : i32
    %dma_wait3A_1842 = tpu.memref_slice %arg3[%dma_wait3A_1840, %dma_wait3A_1841] : memref<1000000x32xf32, #tpu.memory_space<hbm>> -> memref<1000000x32xf32, #tpu.memory_space<hbm>>
    tpu.wait_indirect_dma semaphore(%arg13 : memref<!tpu.dma_semaphore, #tpu.memory_space<semaphore_mem>>) src(%dma_wait3A_1842 : memref<1000000x32xf32, #tpu.memory_space<hbm>>) dst(%dma_wait3A_1836 : memref<128x32xf32, #tpu.memory_space<vmem>>)
    %dma_wait3A_1843 = arith.constant 24 : i32
    %dma_wait3A_1844 = arith.constant 11 : i32
    %dma_wait3A_1845 = arith.constant 0 : i32
    %dma_wait3A_1846 = arith.constant 0 : i32
    %dma_wait3A_1847 = tpu.memref_slice %arg12[%dma_wait3A_1844, %dma_wait3A_1845, %dma_wait3A_1846] : memref<13x128x32xf32, #tpu.memory_space<vmem>> -> memref<1x128x32xf32, #tpu.memory_space<vmem>>
    %dma_wait3A_1848 = tpu.memref_squeeze %dma_wait3A_1847 : memref<1x128x32xf32, #tpu.memory_space<vmem>> -> memref<128x32xf32, #tpu.memory_space<vmem>>
    %dma_wait3A_1849 = arith.constant 0 : i32
    %dma_wait3A_1850 = tpu.memref_slice %arg8[%dma_wait3A_1843, %dma_wait3A_1849] : memref<26x128xi32, #tpu.memory_space<vmem>> -> memref<1x128xi32, #tpu.memory_space<vmem>>
    %dma_wait3A_1851 = tpu.memref_squeeze %dma_wait3A_1850 : memref<1x128xi32, #tpu.memory_space<vmem>> -> memref<128xi32, #tpu.memory_space<vmem>>
    %dma_wait3A_1852 = arith.constant 0 : i32
    %dma_wait3A_1853 = arith.constant 0 : i32
    %dma_wait3A_1854 = tpu.memref_slice %arg4[%dma_wait3A_1852, %dma_wait3A_1853] : memref<1000000x32xf32, #tpu.memory_space<hbm>> -> memref<1000000x32xf32, #tpu.memory_space<hbm>>
    tpu.wait_indirect_dma semaphore(%arg13 : memref<!tpu.dma_semaphore, #tpu.memory_space<semaphore_mem>>) src(%dma_wait3A_1854 : memref<1000000x32xf32, #tpu.memory_space<hbm>>) dst(%dma_wait3A_1848 : memref<128x32xf32, #tpu.memory_space<vmem>>)
    %dma_wait3A_1855 = arith.constant 25 : i32
    %dma_wait3A_1856 = arith.constant 12 : i32
    %dma_wait3A_1857 = arith.constant 0 : i32
    %dma_wait3A_1858 = arith.constant 0 : i32
    %dma_wait3A_1859 = tpu.memref_slice %arg11[%dma_wait3A_1856, %dma_wait3A_1857, %dma_wait3A_1858] : memref<13x128x32xf32, #tpu.memory_space<vmem>> -> memref<1x128x32xf32, #tpu.memory_space<vmem>>
    %dma_wait3A_1860 = tpu.memref_squeeze %dma_wait3A_1859 : memref<1x128x32xf32, #tpu.memory_space<vmem>> -> memref<128x32xf32, #tpu.memory_space<vmem>>
    %dma_wait3A_1861 = arith.constant 0 : i32
    %dma_wait3A_1862 = tpu.memref_slice %arg7[%dma_wait3A_1855, %dma_wait3A_1861] : memref<26x128xi32, #tpu.memory_space<vmem>> -> memref<1x128xi32, #tpu.memory_space<vmem>>
    %dma_wait3A_1863 = tpu.memref_squeeze %dma_wait3A_1862 : memref<1x128xi32, #tpu.memory_space<vmem>> -> memref<128xi32, #tpu.memory_space<vmem>>
    %dma_wait3A_1864 = arith.constant 0 : i32
    %dma_wait3A_1865 = arith.constant 0 : i32
    %dma_wait3A_1866 = tpu.memref_slice %arg3[%dma_wait3A_1864, %dma_wait3A_1865] : memref<1000000x32xf32, #tpu.memory_space<hbm>> -> memref<1000000x32xf32, #tpu.memory_space<hbm>>
    tpu.wait_indirect_dma semaphore(%arg13 : memref<!tpu.dma_semaphore, #tpu.memory_space<semaphore_mem>>) src(%dma_wait3A_1866 : memref<1000000x32xf32, #tpu.memory_space<hbm>>) dst(%dma_wait3A_1860 : memref<128x32xf32, #tpu.memory_space<vmem>>)
    %dma_wait3A_1867 = arith.constant 25 : i32
    %dma_wait3A_1868 = arith.constant 12 : i32
    %dma_wait3A_1869 = arith.constant 0 : i32
    %dma_wait3A_1870 = arith.constant 0 : i32
    %dma_wait3A_1871 = tpu.memref_slice %arg12[%dma_wait3A_1868, %dma_wait3A_1869, %dma_wait3A_1870] : memref<13x128x32xf32, #tpu.memory_space<vmem>> -> memref<1x128x32xf32, #tpu.memory_space<vmem>>
    %dma_wait3A_1872 = tpu.memref_squeeze %dma_wait3A_1871 : memref<1x128x32xf32, #tpu.memory_space<vmem>> -> memref<128x32xf32, #tpu.memory_space<vmem>>
    %dma_wait3A_1873 = arith.constant 0 : i32
    %dma_wait3A_1874 = tpu.memref_slice %arg8[%dma_wait3A_1867, %dma_wait3A_1873] : memref<26x128xi32, #tpu.memory_space<vmem>> -> memref<1x128xi32, #tpu.memory_space<vmem>>
    %dma_wait3A_1875 = tpu.memref_squeeze %dma_wait3A_1874 : memref<1x128xi32, #tpu.memory_space<vmem>> -> memref<128xi32, #tpu.memory_space<vmem>>
    %dma_wait3A_1876 = arith.constant 0 : i32
    %dma_wait3A_1877 = arith.constant 0 : i32
    %dma_wait3A_1878 = tpu.memref_slice %arg4[%dma_wait3A_1876, %dma_wait3A_1877] : memref<1000000x32xf32, #tpu.memory_space<hbm>> -> memref<1000000x32xf32, #tpu.memory_space<hbm>>
    tpu.wait_indirect_dma semaphore(%arg13 : memref<!tpu.dma_semaphore, #tpu.memory_space<semaphore_mem>>) src(%dma_wait3A_1878 : memref<1000000x32xf32, #tpu.memory_space<hbm>>) dst(%dma_wait3A_1872 : memref<128x32xf32, #tpu.memory_space<vmem>>)
    %dma_start3A_1879 = arith.constant 0 : i32
    %dma_start3A_1880 = arith.constant 13 : i32
    %dma_start3A_1881 = arith.constant 0 : i32
    %dma_start3A_1882 = arith.constant 0 : i32
    %dma_start3A_1883 = tpu.memref_slice %arg11[%dma_start3A_1879, %dma_start3A_1881, %dma_start3A_1882] : memref<13x128x32xf32, #tpu.memory_space<vmem>> -> memref<1x128x32xf32, #tpu.memory_space<vmem>>
    %dma_start3A_1884 = tpu.memref_squeeze %dma_start3A_1883 : memref<1x128x32xf32, #tpu.memory_space<vmem>> -> memref<128x32xf32, #tpu.memory_space<vmem>>
    %dma_start3A_1885 = arith.constant 0 : i32
    %dma_start3A_1886 = tpu.memref_slice %arg9[%dma_start3A_1880, %dma_start3A_1885] : memref<26x128xi32, #tpu.memory_space<vmem>> -> memref<1x128xi32, #tpu.memory_space<vmem>>
    %dma_start3A_1887 = tpu.memref_squeeze %dma_start3A_1886 : memref<1x128xi32, #tpu.memory_space<vmem>> -> memref<128xi32, #tpu.memory_space<vmem>>
    %dma_start3A_1888 = arith.constant 0 : i32
    %dma_start3A_1889 = arith.constant 0 : i32
    %dma_start3A_1890 = tpu.memref_slice %arg5[%dma_start3A_1888, %dma_start3A_1889] : memref<524288x32xf32, #tpu.memory_space<hbm>> -> memref<524288x32xf32, #tpu.memory_space<hbm>>
    tpu.enqueue_indirect_dma source(%dma_start3A_1884 : memref<128x32xf32, #tpu.memory_space<vmem>>) target(%dma_start3A_1890 : memref<524288x32xf32, #tpu.memory_space<hbm>>) offsets(%dma_start3A_1887 : memref<128xi32, #tpu.memory_space<vmem>>) semaphore(%arg14 : memref<!tpu.dma_semaphore, #tpu.memory_space<semaphore_mem>>)
    %dma_start3A_1891 = arith.constant 0 : i32
    %dma_start3A_1892 = arith.constant 13 : i32
    %dma_start3A_1893 = arith.constant 0 : i32
    %dma_start3A_1894 = arith.constant 0 : i32
    %dma_start3A_1895 = tpu.memref_slice %arg12[%dma_start3A_1891, %dma_start3A_1893, %dma_start3A_1894] : memref<13x128x32xf32, #tpu.memory_space<vmem>> -> memref<1x128x32xf32, #tpu.memory_space<vmem>>
    %dma_start3A_1896 = tpu.memref_squeeze %dma_start3A_1895 : memref<1x128x32xf32, #tpu.memory_space<vmem>> -> memref<128x32xf32, #tpu.memory_space<vmem>>
    %dma_start3A_1897 = arith.constant 0 : i32
    %dma_start3A_1898 = tpu.memref_slice %arg10[%dma_start3A_1892, %dma_start3A_1897] : memref<26x128xi32, #tpu.memory_space<vmem>> -> memref<1x128xi32, #tpu.memory_space<vmem>>
    %dma_start3A_1899 = tpu.memref_squeeze %dma_start3A_1898 : memref<1x128xi32, #tpu.memory_space<vmem>> -> memref<128xi32, #tpu.memory_space<vmem>>
    %dma_start3A_1900 = arith.constant 0 : i32
    %dma_start3A_1901 = arith.constant 0 : i32
    %dma_start3A_1902 = tpu.memref_slice %arg5[%dma_start3A_1900, %dma_start3A_1901] : memref<524288x32xf32, #tpu.memory_space<hbm>> -> memref<524288x32xf32, #tpu.memory_space<hbm>>
    tpu.enqueue_indirect_dma source(%dma_start3A_1896 : memref<128x32xf32, #tpu.memory_space<vmem>>) target(%dma_start3A_1902 : memref<524288x32xf32, #tpu.memory_space<hbm>>) offsets(%dma_start3A_1899 : memref<128xi32, #tpu.memory_space<vmem>>) semaphore(%arg14 : memref<!tpu.dma_semaphore, #tpu.memory_space<semaphore_mem>>)
    %dma_start3A_1903 = arith.constant 1 : i32
    %dma_start3A_1904 = arith.constant 14 : i32
    %dma_start3A_1905 = arith.constant 0 : i32
    %dma_start3A_1906 = arith.constant 0 : i32
    %dma_start3A_1907 = tpu.memref_slice %arg11[%dma_start3A_1903, %dma_start3A_1905, %dma_start3A_1906] : memref<13x128x32xf32, #tpu.memory_space<vmem>> -> memref<1x128x32xf32, #tpu.memory_space<vmem>>
    %dma_start3A_1908 = tpu.memref_squeeze %dma_start3A_1907 : memref<1x128x32xf32, #tpu.memory_space<vmem>> -> memref<128x32xf32, #tpu.memory_space<vmem>>
    %dma_start3A_1909 = arith.constant 0 : i32
    %dma_start3A_1910 = tpu.memref_slice %arg9[%dma_start3A_1904, %dma_start3A_1909] : memref<26x128xi32, #tpu.memory_space<vmem>> -> memref<1x128xi32, #tpu.memory_space<vmem>>
    %dma_start3A_1911 = tpu.memref_squeeze %dma_start3A_1910 : memref<1x128xi32, #tpu.memory_space<vmem>> -> memref<128xi32, #tpu.memory_space<vmem>>
    %dma_start3A_1912 = arith.constant 0 : i32
    %dma_start3A_1913 = arith.constant 0 : i32
    %dma_start3A_1914 = tpu.memref_slice %arg5[%dma_start3A_1912, %dma_start3A_1913] : memref<524288x32xf32, #tpu.memory_space<hbm>> -> memref<524288x32xf32, #tpu.memory_space<hbm>>
    tpu.enqueue_indirect_dma source(%dma_start3A_1908 : memref<128x32xf32, #tpu.memory_space<vmem>>) target(%dma_start3A_1914 : memref<524288x32xf32, #tpu.memory_space<hbm>>) offsets(%dma_start3A_1911 : memref<128xi32, #tpu.memory_space<vmem>>) semaphore(%arg14 : memref<!tpu.dma_semaphore, #tpu.memory_space<semaphore_mem>>)
    %dma_start3A_1915 = arith.constant 1 : i32
    %dma_start3A_1916 = arith.constant 14 : i32
    %dma_start3A_1917 = arith.constant 0 : i32
    %dma_start3A_1918 = arith.constant 0 : i32
    %dma_start3A_1919 = tpu.memref_slice %arg12[%dma_start3A_1915, %dma_start3A_1917, %dma_start3A_1918] : memref<13x128x32xf32, #tpu.memory_space<vmem>> -> memref<1x128x32xf32, #tpu.memory_space<vmem>>
    %dma_start3A_1920 = tpu.memref_squeeze %dma_start3A_1919 : memref<1x128x32xf32, #tpu.memory_space<vmem>> -> memref<128x32xf32, #tpu.memory_space<vmem>>
    %dma_start3A_1921 = arith.constant 0 : i32
    %dma_start3A_1922 = tpu.memref_slice %arg10[%dma_start3A_1916, %dma_start3A_1921] : memref<26x128xi32, #tpu.memory_space<vmem>> -> memref<1x128xi32, #tpu.memory_space<vmem>>
    %dma_start3A_1923 = tpu.memref_squeeze %dma_start3A_1922 : memref<1x128xi32, #tpu.memory_space<vmem>> -> memref<128xi32, #tpu.memory_space<vmem>>
    %dma_start3A_1924 = arith.constant 0 : i32
    %dma_start3A_1925 = arith.constant 0 : i32
    %dma_start3A_1926 = tpu.memref_slice %arg5[%dma_start3A_1924, %dma_start3A_1925] : memref<524288x32xf32, #tpu.memory_space<hbm>> -> memref<524288x32xf32, #tpu.memory_space<hbm>>
    tpu.enqueue_indirect_dma source(%dma_start3A_1920 : memref<128x32xf32, #tpu.memory_space<vmem>>) target(%dma_start3A_1926 : memref<524288x32xf32, #tpu.memory_space<hbm>>) offsets(%dma_start3A_1923 : memref<128xi32, #tpu.memory_space<vmem>>) semaphore(%arg14 : memref<!tpu.dma_semaphore, #tpu.memory_space<semaphore_mem>>)
    %dma_start3A_1927 = arith.constant 2 : i32
    %dma_start3A_1928 = arith.constant 15 : i32
    %dma_start3A_1929 = arith.constant 0 : i32
    %dma_start3A_1930 = arith.constant 0 : i32
    %dma_start3A_1931 = tpu.memref_slice %arg11[%dma_start3A_1927, %dma_start3A_1929, %dma_start3A_1930] : memref<13x128x32xf32, #tpu.memory_space<vmem>> -> memref<1x128x32xf32, #tpu.memory_space<vmem>>
    %dma_start3A_1932 = tpu.memref_squeeze %dma_start3A_1931 : memref<1x128x32xf32, #tpu.memory_space<vmem>> -> memref<128x32xf32, #tpu.memory_space<vmem>>
    %dma_start3A_1933 = arith.constant 0 : i32
    %dma_start3A_1934 = tpu.memref_slice %arg9[%dma_start3A_1928, %dma_start3A_1933] : memref<26x128xi32, #tpu.memory_space<vmem>> -> memref<1x128xi32, #tpu.memory_space<vmem>>
    %dma_start3A_1935 = tpu.memref_squeeze %dma_start3A_1934 : memref<1x128xi32, #tpu.memory_space<vmem>> -> memref<128xi32, #tpu.memory_space<vmem>>
    %dma_start3A_1936 = arith.constant 0 : i32
    %dma_start3A_1937 = arith.constant 0 : i32
    %dma_start3A_1938 = tpu.memref_slice %arg5[%dma_start3A_1936, %dma_start3A_1937] : memref<524288x32xf32, #tpu.memory_space<hbm>> -> memref<524288x32xf32, #tpu.memory_space<hbm>>
    tpu.enqueue_indirect_dma source(%dma_start3A_1932 : memref<128x32xf32, #tpu.memory_space<vmem>>) target(%dma_start3A_1938 : memref<524288x32xf32, #tpu.memory_space<hbm>>) offsets(%dma_start3A_1935 : memref<128xi32, #tpu.memory_space<vmem>>) semaphore(%arg14 : memref<!tpu.dma_semaphore, #tpu.memory_space<semaphore_mem>>)
    %dma_start3A_1939 = arith.constant 2 : i32
    %dma_start3A_1940 = arith.constant 15 : i32
    %dma_start3A_1941 = arith.constant 0 : i32
    %dma_start3A_1942 = arith.constant 0 : i32
    %dma_start3A_1943 = tpu.memref_slice %arg12[%dma_start3A_1939, %dma_start3A_1941, %dma_start3A_1942] : memref<13x128x32xf32, #tpu.memory_space<vmem>> -> memref<1x128x32xf32, #tpu.memory_space<vmem>>
    %dma_start3A_1944 = tpu.memref_squeeze %dma_start3A_1943 : memref<1x128x32xf32, #tpu.memory_space<vmem>> -> memref<128x32xf32, #tpu.memory_space<vmem>>
    %dma_start3A_1945 = arith.constant 0 : i32
    %dma_start3A_1946 = tpu.memref_slice %arg10[%dma_start3A_1940, %dma_start3A_1945] : memref<26x128xi32, #tpu.memory_space<vmem>> -> memref<1x128xi32, #tpu.memory_space<vmem>>
    %dma_start3A_1947 = tpu.memref_squeeze %dma_start3A_1946 : memref<1x128xi32, #tpu.memory_space<vmem>> -> memref<128xi32, #tpu.memory_space<vmem>>
    %dma_start3A_1948 = arith.constant 0 : i32
    %dma_start3A_1949 = arith.constant 0 : i32
    %dma_start3A_1950 = tpu.memref_slice %arg5[%dma_start3A_1948, %dma_start3A_1949] : memref<524288x32xf32, #tpu.memory_space<hbm>> -> memref<524288x32xf32, #tpu.memory_space<hbm>>
    tpu.enqueue_indirect_dma source(%dma_start3A_1944 : memref<128x32xf32, #tpu.memory_space<vmem>>) target(%dma_start3A_1950 : memref<524288x32xf32, #tpu.memory_space<hbm>>) offsets(%dma_start3A_1947 : memref<128xi32, #tpu.memory_space<vmem>>) semaphore(%arg14 : memref<!tpu.dma_semaphore, #tpu.memory_space<semaphore_mem>>)
    %dma_start3A_1951 = arith.constant 3 : i32
    %dma_start3A_1952 = arith.constant 16 : i32
    %dma_start3A_1953 = arith.constant 0 : i32
    %dma_start3A_1954 = arith.constant 0 : i32
    %dma_start3A_1955 = tpu.memref_slice %arg11[%dma_start3A_1951, %dma_start3A_1953, %dma_start3A_1954] : memref<13x128x32xf32, #tpu.memory_space<vmem>> -> memref<1x128x32xf32, #tpu.memory_space<vmem>>
    %dma_start3A_1956 = tpu.memref_squeeze %dma_start3A_1955 : memref<1x128x32xf32, #tpu.memory_space<vmem>> -> memref<128x32xf32, #tpu.memory_space<vmem>>
    %dma_start3A_1957 = arith.constant 0 : i32
    %dma_start3A_1958 = tpu.memref_slice %arg9[%dma_start3A_1952, %dma_start3A_1957] : memref<26x128xi32, #tpu.memory_space<vmem>> -> memref<1x128xi32, #tpu.memory_space<vmem>>
    %dma_start3A_1959 = tpu.memref_squeeze %dma_start3A_1958 : memref<1x128xi32, #tpu.memory_space<vmem>> -> memref<128xi32, #tpu.memory_space<vmem>>
    %dma_start3A_1960 = arith.constant 0 : i32
    %dma_start3A_1961 = arith.constant 0 : i32
    %dma_start3A_1962 = tpu.memref_slice %arg5[%dma_start3A_1960, %dma_start3A_1961] : memref<524288x32xf32, #tpu.memory_space<hbm>> -> memref<524288x32xf32, #tpu.memory_space<hbm>>
    tpu.enqueue_indirect_dma source(%dma_start3A_1956 : memref<128x32xf32, #tpu.memory_space<vmem>>) target(%dma_start3A_1962 : memref<524288x32xf32, #tpu.memory_space<hbm>>) offsets(%dma_start3A_1959 : memref<128xi32, #tpu.memory_space<vmem>>) semaphore(%arg14 : memref<!tpu.dma_semaphore, #tpu.memory_space<semaphore_mem>>)
    %dma_start3A_1963 = arith.constant 3 : i32
    %dma_start3A_1964 = arith.constant 16 : i32
    %dma_start3A_1965 = arith.constant 0 : i32
    %dma_start3A_1966 = arith.constant 0 : i32
    %dma_start3A_1967 = tpu.memref_slice %arg12[%dma_start3A_1963, %dma_start3A_1965, %dma_start3A_1966] : memref<13x128x32xf32, #tpu.memory_space<vmem>> -> memref<1x128x32xf32, #tpu.memory_space<vmem>>
    %dma_start3A_1968 = tpu.memref_squeeze %dma_start3A_1967 : memref<1x128x32xf32, #tpu.memory_space<vmem>> -> memref<128x32xf32, #tpu.memory_space<vmem>>
    %dma_start3A_1969 = arith.constant 0 : i32
    %dma_start3A_1970 = tpu.memref_slice %arg10[%dma_start3A_1964, %dma_start3A_1969] : memref<26x128xi32, #tpu.memory_space<vmem>> -> memref<1x128xi32, #tpu.memory_space<vmem>>
    %dma_start3A_1971 = tpu.memref_squeeze %dma_start3A_1970 : memref<1x128xi32, #tpu.memory_space<vmem>> -> memref<128xi32, #tpu.memory_space<vmem>>
    %dma_start3A_1972 = arith.constant 0 : i32
    %dma_start3A_1973 = arith.constant 0 : i32
    %dma_start3A_1974 = tpu.memref_slice %arg5[%dma_start3A_1972, %dma_start3A_1973] : memref<524288x32xf32, #tpu.memory_space<hbm>> -> memref<524288x32xf32, #tpu.memory_space<hbm>>
    tpu.enqueue_indirect_dma source(%dma_start3A_1968 : memref<128x32xf32, #tpu.memory_space<vmem>>) target(%dma_start3A_1974 : memref<524288x32xf32, #tpu.memory_space<hbm>>) offsets(%dma_start3A_1971 : memref<128xi32, #tpu.memory_space<vmem>>) semaphore(%arg14 : memref<!tpu.dma_semaphore, #tpu.memory_space<semaphore_mem>>)
    %dma_start3A_1975 = arith.constant 4 : i32
    %dma_start3A_1976 = arith.constant 17 : i32
    %dma_start3A_1977 = arith.constant 0 : i32
    %dma_start3A_1978 = arith.constant 0 : i32
    %dma_start3A_1979 = tpu.memref_slice %arg11[%dma_start3A_1975, %dma_start3A_1977, %dma_start3A_1978] : memref<13x128x32xf32, #tpu.memory_space<vmem>> -> memref<1x128x32xf32, #tpu.memory_space<vmem>>
    %dma_start3A_1980 = tpu.memref_squeeze %dma_start3A_1979 : memref<1x128x32xf32, #tpu.memory_space<vmem>> -> memref<128x32xf32, #tpu.memory_space<vmem>>
    %dma_start3A_1981 = arith.constant 0 : i32
    %dma_start3A_1982 = tpu.memref_slice %arg9[%dma_start3A_1976, %dma_start3A_1981] : memref<26x128xi32, #tpu.memory_space<vmem>> -> memref<1x128xi32, #tpu.memory_space<vmem>>
    %dma_start3A_1983 = tpu.memref_squeeze %dma_start3A_1982 : memref<1x128xi32, #tpu.memory_space<vmem>> -> memref<128xi32, #tpu.memory_space<vmem>>
    %dma_start3A_1984 = arith.constant 0 : i32
    %dma_start3A_1985 = arith.constant 0 : i32
    %dma_start3A_1986 = tpu.memref_slice %arg5[%dma_start3A_1984, %dma_start3A_1985] : memref<524288x32xf32, #tpu.memory_space<hbm>> -> memref<524288x32xf32, #tpu.memory_space<hbm>>
    tpu.enqueue_indirect_dma source(%dma_start3A_1980 : memref<128x32xf32, #tpu.memory_space<vmem>>) target(%dma_start3A_1986 : memref<524288x32xf32, #tpu.memory_space<hbm>>) offsets(%dma_start3A_1983 : memref<128xi32, #tpu.memory_space<vmem>>) semaphore(%arg14 : memref<!tpu.dma_semaphore, #tpu.memory_space<semaphore_mem>>)
    %dma_start3A_1987 = arith.constant 4 : i32
    %dma_start3A_1988 = arith.constant 17 : i32
    %dma_start3A_1989 = arith.constant 0 : i32
    %dma_start3A_1990 = arith.constant 0 : i32
    %dma_start3A_1991 = tpu.memref_slice %arg12[%dma_start3A_1987, %dma_start3A_1989, %dma_start3A_1990] : memref<13x128x32xf32, #tpu.memory_space<vmem>> -> memref<1x128x32xf32, #tpu.memory_space<vmem>>
    %dma_start3A_1992 = tpu.memref_squeeze %dma_start3A_1991 : memref<1x128x32xf32, #tpu.memory_space<vmem>> -> memref<128x32xf32, #tpu.memory_space<vmem>>
    %dma_start3A_1993 = arith.constant 0 : i32
    %dma_start3A_1994 = tpu.memref_slice %arg10[%dma_start3A_1988, %dma_start3A_1993] : memref<26x128xi32, #tpu.memory_space<vmem>> -> memref<1x128xi32, #tpu.memory_space<vmem>>
    %dma_start3A_1995 = tpu.memref_squeeze %dma_start3A_1994 : memref<1x128xi32, #tpu.memory_space<vmem>> -> memref<128xi32, #tpu.memory_space<vmem>>
    %dma_start3A_1996 = arith.constant 0 : i32
    %dma_start3A_1997 = arith.constant 0 : i32
    %dma_start3A_1998 = tpu.memref_slice %arg5[%dma_start3A_1996, %dma_start3A_1997] : memref<524288x32xf32, #tpu.memory_space<hbm>> -> memref<524288x32xf32, #tpu.memory_space<hbm>>
    tpu.enqueue_indirect_dma source(%dma_start3A_1992 : memref<128x32xf32, #tpu.memory_space<vmem>>) target(%dma_start3A_1998 : memref<524288x32xf32, #tpu.memory_space<hbm>>) offsets(%dma_start3A_1995 : memref<128xi32, #tpu.memory_space<vmem>>) semaphore(%arg14 : memref<!tpu.dma_semaphore, #tpu.memory_space<semaphore_mem>>)
    %dma_start3A_1999 = arith.constant 5 : i32
    %dma_start3A_2000 = arith.constant 18 : i32
    %dma_start3A_2001 = arith.constant 0 : i32
    %dma_start3A_2002 = arith.constant 0 : i32
    %dma_start3A_2003 = tpu.memref_slice %arg11[%dma_start3A_1999, %dma_start3A_2001, %dma_start3A_2002] : memref<13x128x32xf32, #tpu.memory_space<vmem>> -> memref<1x128x32xf32, #tpu.memory_space<vmem>>
    %dma_start3A_2004 = tpu.memref_squeeze %dma_start3A_2003 : memref<1x128x32xf32, #tpu.memory_space<vmem>> -> memref<128x32xf32, #tpu.memory_space<vmem>>
    %dma_start3A_2005 = arith.constant 0 : i32
    %dma_start3A_2006 = tpu.memref_slice %arg9[%dma_start3A_2000, %dma_start3A_2005] : memref<26x128xi32, #tpu.memory_space<vmem>> -> memref<1x128xi32, #tpu.memory_space<vmem>>
    %dma_start3A_2007 = tpu.memref_squeeze %dma_start3A_2006 : memref<1x128xi32, #tpu.memory_space<vmem>> -> memref<128xi32, #tpu.memory_space<vmem>>
    %dma_start3A_2008 = arith.constant 0 : i32
    %dma_start3A_2009 = arith.constant 0 : i32
    %dma_start3A_2010 = tpu.memref_slice %arg5[%dma_start3A_2008, %dma_start3A_2009] : memref<524288x32xf32, #tpu.memory_space<hbm>> -> memref<524288x32xf32, #tpu.memory_space<hbm>>
    tpu.enqueue_indirect_dma source(%dma_start3A_2004 : memref<128x32xf32, #tpu.memory_space<vmem>>) target(%dma_start3A_2010 : memref<524288x32xf32, #tpu.memory_space<hbm>>) offsets(%dma_start3A_2007 : memref<128xi32, #tpu.memory_space<vmem>>) semaphore(%arg14 : memref<!tpu.dma_semaphore, #tpu.memory_space<semaphore_mem>>)
    %dma_start3A_2011 = arith.constant 5 : i32
    %dma_start3A_2012 = arith.constant 18 : i32
    %dma_start3A_2013 = arith.constant 0 : i32
    %dma_start3A_2014 = arith.constant 0 : i32
    %dma_start3A_2015 = tpu.memref_slice %arg12[%dma_start3A_2011, %dma_start3A_2013, %dma_start3A_2014] : memref<13x128x32xf32, #tpu.memory_space<vmem>> -> memref<1x128x32xf32, #tpu.memory_space<vmem>>
    %dma_start3A_2016 = tpu.memref_squeeze %dma_start3A_2015 : memref<1x128x32xf32, #tpu.memory_space<vmem>> -> memref<128x32xf32, #tpu.memory_space<vmem>>
    %dma_start3A_2017 = arith.constant 0 : i32
    %dma_start3A_2018 = tpu.memref_slice %arg10[%dma_start3A_2012, %dma_start3A_2017] : memref<26x128xi32, #tpu.memory_space<vmem>> -> memref<1x128xi32, #tpu.memory_space<vmem>>
    %dma_start3A_2019 = tpu.memref_squeeze %dma_start3A_2018 : memref<1x128xi32, #tpu.memory_space<vmem>> -> memref<128xi32, #tpu.memory_space<vmem>>
    %dma_start3A_2020 = arith.constant 0 : i32
    %dma_start3A_2021 = arith.constant 0 : i32
    %dma_start3A_2022 = tpu.memref_slice %arg5[%dma_start3A_2020, %dma_start3A_2021] : memref<524288x32xf32, #tpu.memory_space<hbm>> -> memref<524288x32xf32, #tpu.memory_space<hbm>>
    tpu.enqueue_indirect_dma source(%dma_start3A_2016 : memref<128x32xf32, #tpu.memory_space<vmem>>) target(%dma_start3A_2022 : memref<524288x32xf32, #tpu.memory_space<hbm>>) offsets(%dma_start3A_2019 : memref<128xi32, #tpu.memory_space<vmem>>) semaphore(%arg14 : memref<!tpu.dma_semaphore, #tpu.memory_space<semaphore_mem>>)
    %dma_start3A_2023 = arith.constant 6 : i32
    %dma_start3A_2024 = arith.constant 19 : i32
    %dma_start3A_2025 = arith.constant 0 : i32
    %dma_start3A_2026 = arith.constant 0 : i32
    %dma_start3A_2027 = tpu.memref_slice %arg11[%dma_start3A_2023, %dma_start3A_2025, %dma_start3A_2026] : memref<13x128x32xf32, #tpu.memory_space<vmem>> -> memref<1x128x32xf32, #tpu.memory_space<vmem>>
    %dma_start3A_2028 = tpu.memref_squeeze %dma_start3A_2027 : memref<1x128x32xf32, #tpu.memory_space<vmem>> -> memref<128x32xf32, #tpu.memory_space<vmem>>
    %dma_start3A_2029 = arith.constant 0 : i32
    %dma_start3A_2030 = tpu.memref_slice %arg9[%dma_start3A_2024, %dma_start3A_2029] : memref<26x128xi32, #tpu.memory_space<vmem>> -> memref<1x128xi32, #tpu.memory_space<vmem>>
    %dma_start3A_2031 = tpu.memref_squeeze %dma_start3A_2030 : memref<1x128xi32, #tpu.memory_space<vmem>> -> memref<128xi32, #tpu.memory_space<vmem>>
    %dma_start3A_2032 = arith.constant 0 : i32
    %dma_start3A_2033 = arith.constant 0 : i32
    %dma_start3A_2034 = tpu.memref_slice %arg5[%dma_start3A_2032, %dma_start3A_2033] : memref<524288x32xf32, #tpu.memory_space<hbm>> -> memref<524288x32xf32, #tpu.memory_space<hbm>>
    tpu.enqueue_indirect_dma source(%dma_start3A_2028 : memref<128x32xf32, #tpu.memory_space<vmem>>) target(%dma_start3A_2034 : memref<524288x32xf32, #tpu.memory_space<hbm>>) offsets(%dma_start3A_2031 : memref<128xi32, #tpu.memory_space<vmem>>) semaphore(%arg14 : memref<!tpu.dma_semaphore, #tpu.memory_space<semaphore_mem>>)
    %dma_start3A_2035 = arith.constant 6 : i32
    %dma_start3A_2036 = arith.constant 19 : i32
    %dma_start3A_2037 = arith.constant 0 : i32
    %dma_start3A_2038 = arith.constant 0 : i32
    %dma_start3A_2039 = tpu.memref_slice %arg12[%dma_start3A_2035, %dma_start3A_2037, %dma_start3A_2038] : memref<13x128x32xf32, #tpu.memory_space<vmem>> -> memref<1x128x32xf32, #tpu.memory_space<vmem>>
    %dma_start3A_2040 = tpu.memref_squeeze %dma_start3A_2039 : memref<1x128x32xf32, #tpu.memory_space<vmem>> -> memref<128x32xf32, #tpu.memory_space<vmem>>
    %dma_start3A_2041 = arith.constant 0 : i32
    %dma_start3A_2042 = tpu.memref_slice %arg10[%dma_start3A_2036, %dma_start3A_2041] : memref<26x128xi32, #tpu.memory_space<vmem>> -> memref<1x128xi32, #tpu.memory_space<vmem>>
    %dma_start3A_2043 = tpu.memref_squeeze %dma_start3A_2042 : memref<1x128xi32, #tpu.memory_space<vmem>> -> memref<128xi32, #tpu.memory_space<vmem>>
    %dma_start3A_2044 = arith.constant 0 : i32
    %dma_start3A_2045 = arith.constant 0 : i32
    %dma_start3A_2046 = tpu.memref_slice %arg5[%dma_start3A_2044, %dma_start3A_2045] : memref<524288x32xf32, #tpu.memory_space<hbm>> -> memref<524288x32xf32, #tpu.memory_space<hbm>>
    tpu.enqueue_indirect_dma source(%dma_start3A_2040 : memref<128x32xf32, #tpu.memory_space<vmem>>) target(%dma_start3A_2046 : memref<524288x32xf32, #tpu.memory_space<hbm>>) offsets(%dma_start3A_2043 : memref<128xi32, #tpu.memory_space<vmem>>) semaphore(%arg14 : memref<!tpu.dma_semaphore, #tpu.memory_space<semaphore_mem>>)
    %dma_start3A_2047 = arith.constant 7 : i32
    %dma_start3A_2048 = arith.constant 20 : i32
    %dma_start3A_2049 = arith.constant 0 : i32
    %dma_start3A_2050 = arith.constant 0 : i32
    %dma_start3A_2051 = tpu.memref_slice %arg11[%dma_start3A_2047, %dma_start3A_2049, %dma_start3A_2050] : memref<13x128x32xf32, #tpu.memory_space<vmem>> -> memref<1x128x32xf32, #tpu.memory_space<vmem>>
    %dma_start3A_2052 = tpu.memref_squeeze %dma_start3A_2051 : memref<1x128x32xf32, #tpu.memory_space<vmem>> -> memref<128x32xf32, #tpu.memory_space<vmem>>
    %dma_start3A_2053 = arith.constant 0 : i32
    %dma_start3A_2054 = tpu.memref_slice %arg9[%dma_start3A_2048, %dma_start3A_2053] : memref<26x128xi32, #tpu.memory_space<vmem>> -> memref<1x128xi32, #tpu.memory_space<vmem>>
    %dma_start3A_2055 = tpu.memref_squeeze %dma_start3A_2054 : memref<1x128xi32, #tpu.memory_space<vmem>> -> memref<128xi32, #tpu.memory_space<vmem>>
    %dma_start3A_2056 = arith.constant 0 : i32
    %dma_start3A_2057 = arith.constant 0 : i32
    %dma_start3A_2058 = tpu.memref_slice %arg5[%dma_start3A_2056, %dma_start3A_2057] : memref<524288x32xf32, #tpu.memory_space<hbm>> -> memref<524288x32xf32, #tpu.memory_space<hbm>>
    tpu.enqueue_indirect_dma source(%dma_start3A_2052 : memref<128x32xf32, #tpu.memory_space<vmem>>) target(%dma_start3A_2058 : memref<524288x32xf32, #tpu.memory_space<hbm>>) offsets(%dma_start3A_2055 : memref<128xi32, #tpu.memory_space<vmem>>) semaphore(%arg14 : memref<!tpu.dma_semaphore, #tpu.memory_space<semaphore_mem>>)
    %dma_start3A_2059 = arith.constant 7 : i32
    %dma_start3A_2060 = arith.constant 20 : i32
    %dma_start3A_2061 = arith.constant 0 : i32
    %dma_start3A_2062 = arith.constant 0 : i32
    %dma_start3A_2063 = tpu.memref_slice %arg12[%dma_start3A_2059, %dma_start3A_2061, %dma_start3A_2062] : memref<13x128x32xf32, #tpu.memory_space<vmem>> -> memref<1x128x32xf32, #tpu.memory_space<vmem>>
    %dma_start3A_2064 = tpu.memref_squeeze %dma_start3A_2063 : memref<1x128x32xf32, #tpu.memory_space<vmem>> -> memref<128x32xf32, #tpu.memory_space<vmem>>
    %dma_start3A_2065 = arith.constant 0 : i32
    %dma_start3A_2066 = tpu.memref_slice %arg10[%dma_start3A_2060, %dma_start3A_2065] : memref<26x128xi32, #tpu.memory_space<vmem>> -> memref<1x128xi32, #tpu.memory_space<vmem>>
    %dma_start3A_2067 = tpu.memref_squeeze %dma_start3A_2066 : memref<1x128xi32, #tpu.memory_space<vmem>> -> memref<128xi32, #tpu.memory_space<vmem>>
    %dma_start3A_2068 = arith.constant 0 : i32
    %dma_start3A_2069 = arith.constant 0 : i32
    %dma_start3A_2070 = tpu.memref_slice %arg5[%dma_start3A_2068, %dma_start3A_2069] : memref<524288x32xf32, #tpu.memory_space<hbm>> -> memref<524288x32xf32, #tpu.memory_space<hbm>>
    tpu.enqueue_indirect_dma source(%dma_start3A_2064 : memref<128x32xf32, #tpu.memory_space<vmem>>) target(%dma_start3A_2070 : memref<524288x32xf32, #tpu.memory_space<hbm>>) offsets(%dma_start3A_2067 : memref<128xi32, #tpu.memory_space<vmem>>) semaphore(%arg14 : memref<!tpu.dma_semaphore, #tpu.memory_space<semaphore_mem>>)
    %dma_start3A_2071 = arith.constant 8 : i32
    %dma_start3A_2072 = arith.constant 21 : i32
    %dma_start3A_2073 = arith.constant 0 : i32
    %dma_start3A_2074 = arith.constant 0 : i32
    %dma_start3A_2075 = tpu.memref_slice %arg11[%dma_start3A_2071, %dma_start3A_2073, %dma_start3A_2074] : memref<13x128x32xf32, #tpu.memory_space<vmem>> -> memref<1x128x32xf32, #tpu.memory_space<vmem>>
    %dma_start3A_2076 = tpu.memref_squeeze %dma_start3A_2075 : memref<1x128x32xf32, #tpu.memory_space<vmem>> -> memref<128x32xf32, #tpu.memory_space<vmem>>
    %dma_start3A_2077 = arith.constant 0 : i32
    %dma_start3A_2078 = tpu.memref_slice %arg9[%dma_start3A_2072, %dma_start3A_2077] : memref<26x128xi32, #tpu.memory_space<vmem>> -> memref<1x128xi32, #tpu.memory_space<vmem>>
    %dma_start3A_2079 = tpu.memref_squeeze %dma_start3A_2078 : memref<1x128xi32, #tpu.memory_space<vmem>> -> memref<128xi32, #tpu.memory_space<vmem>>
    %dma_start3A_2080 = arith.constant 0 : i32
    %dma_start3A_2081 = arith.constant 0 : i32
    %dma_start3A_2082 = tpu.memref_slice %arg5[%dma_start3A_2080, %dma_start3A_2081] : memref<524288x32xf32, #tpu.memory_space<hbm>> -> memref<524288x32xf32, #tpu.memory_space<hbm>>
    tpu.enqueue_indirect_dma source(%dma_start3A_2076 : memref<128x32xf32, #tpu.memory_space<vmem>>) target(%dma_start3A_2082 : memref<524288x32xf32, #tpu.memory_space<hbm>>) offsets(%dma_start3A_2079 : memref<128xi32, #tpu.memory_space<vmem>>) semaphore(%arg14 : memref<!tpu.dma_semaphore, #tpu.memory_space<semaphore_mem>>)
    %dma_start3A_2083 = arith.constant 8 : i32
    %dma_start3A_2084 = arith.constant 21 : i32
    %dma_start3A_2085 = arith.constant 0 : i32
    %dma_start3A_2086 = arith.constant 0 : i32
    %dma_start3A_2087 = tpu.memref_slice %arg12[%dma_start3A_2083, %dma_start3A_2085, %dma_start3A_2086] : memref<13x128x32xf32, #tpu.memory_space<vmem>> -> memref<1x128x32xf32, #tpu.memory_space<vmem>>
    %dma_start3A_2088 = tpu.memref_squeeze %dma_start3A_2087 : memref<1x128x32xf32, #tpu.memory_space<vmem>> -> memref<128x32xf32, #tpu.memory_space<vmem>>
    %dma_start3A_2089 = arith.constant 0 : i32
    %dma_start3A_2090 = tpu.memref_slice %arg10[%dma_start3A_2084, %dma_start3A_2089] : memref<26x128xi32, #tpu.memory_space<vmem>> -> memref<1x128xi32, #tpu.memory_space<vmem>>
    %dma_start3A_2091 = tpu.memref_squeeze %dma_start3A_2090 : memref<1x128xi32, #tpu.memory_space<vmem>> -> memref<128xi32, #tpu.memory_space<vmem>>
    %dma_start3A_2092 = arith.constant 0 : i32
    %dma_start3A_2093 = arith.constant 0 : i32
    %dma_start3A_2094 = tpu.memref_slice %arg5[%dma_start3A_2092, %dma_start3A_2093] : memref<524288x32xf32, #tpu.memory_space<hbm>> -> memref<524288x32xf32, #tpu.memory_space<hbm>>
    tpu.enqueue_indirect_dma source(%dma_start3A_2088 : memref<128x32xf32, #tpu.memory_space<vmem>>) target(%dma_start3A_2094 : memref<524288x32xf32, #tpu.memory_space<hbm>>) offsets(%dma_start3A_2091 : memref<128xi32, #tpu.memory_space<vmem>>) semaphore(%arg14 : memref<!tpu.dma_semaphore, #tpu.memory_space<semaphore_mem>>)
    %dma_start3A_2095 = arith.constant 9 : i32
    %dma_start3A_2096 = arith.constant 22 : i32
    %dma_start3A_2097 = arith.constant 0 : i32
    %dma_start3A_2098 = arith.constant 0 : i32
    %dma_start3A_2099 = tpu.memref_slice %arg11[%dma_start3A_2095, %dma_start3A_2097, %dma_start3A_2098] : memref<13x128x32xf32, #tpu.memory_space<vmem>> -> memref<1x128x32xf32, #tpu.memory_space<vmem>>
    %dma_start3A_2100 = tpu.memref_squeeze %dma_start3A_2099 : memref<1x128x32xf32, #tpu.memory_space<vmem>> -> memref<128x32xf32, #tpu.memory_space<vmem>>
    %dma_start3A_2101 = arith.constant 0 : i32
    %dma_start3A_2102 = tpu.memref_slice %arg9[%dma_start3A_2096, %dma_start3A_2101] : memref<26x128xi32, #tpu.memory_space<vmem>> -> memref<1x128xi32, #tpu.memory_space<vmem>>
    %dma_start3A_2103 = tpu.memref_squeeze %dma_start3A_2102 : memref<1x128xi32, #tpu.memory_space<vmem>> -> memref<128xi32, #tpu.memory_space<vmem>>
    %dma_start3A_2104 = arith.constant 0 : i32
    %dma_start3A_2105 = arith.constant 0 : i32
    %dma_start3A_2106 = tpu.memref_slice %arg5[%dma_start3A_2104, %dma_start3A_2105] : memref<524288x32xf32, #tpu.memory_space<hbm>> -> memref<524288x32xf32, #tpu.memory_space<hbm>>
    tpu.enqueue_indirect_dma source(%dma_start3A_2100 : memref<128x32xf32, #tpu.memory_space<vmem>>) target(%dma_start3A_2106 : memref<524288x32xf32, #tpu.memory_space<hbm>>) offsets(%dma_start3A_2103 : memref<128xi32, #tpu.memory_space<vmem>>) semaphore(%arg14 : memref<!tpu.dma_semaphore, #tpu.memory_space<semaphore_mem>>)
    %dma_start3A_2107 = arith.constant 9 : i32
    %dma_start3A_2108 = arith.constant 22 : i32
    %dma_start3A_2109 = arith.constant 0 : i32
    %dma_start3A_2110 = arith.constant 0 : i32
    %dma_start3A_2111 = tpu.memref_slice %arg12[%dma_start3A_2107, %dma_start3A_2109, %dma_start3A_2110] : memref<13x128x32xf32, #tpu.memory_space<vmem>> -> memref<1x128x32xf32, #tpu.memory_space<vmem>>
    %dma_start3A_2112 = tpu.memref_squeeze %dma_start3A_2111 : memref<1x128x32xf32, #tpu.memory_space<vmem>> -> memref<128x32xf32, #tpu.memory_space<vmem>>
    %dma_start3A_2113 = arith.constant 0 : i32
    %dma_start3A_2114 = tpu.memref_slice %arg10[%dma_start3A_2108, %dma_start3A_2113] : memref<26x128xi32, #tpu.memory_space<vmem>> -> memref<1x128xi32, #tpu.memory_space<vmem>>
    %dma_start3A_2115 = tpu.memref_squeeze %dma_start3A_2114 : memref<1x128xi32, #tpu.memory_space<vmem>> -> memref<128xi32, #tpu.memory_space<vmem>>
    %dma_start3A_2116 = arith.constant 0 : i32
    %dma_start3A_2117 = arith.constant 0 : i32
    %dma_start3A_2118 = tpu.memref_slice %arg5[%dma_start3A_2116, %dma_start3A_2117] : memref<524288x32xf32, #tpu.memory_space<hbm>> -> memref<524288x32xf32, #tpu.memory_space<hbm>>
    tpu.enqueue_indirect_dma source(%dma_start3A_2112 : memref<128x32xf32, #tpu.memory_space<vmem>>) target(%dma_start3A_2118 : memref<524288x32xf32, #tpu.memory_space<hbm>>) offsets(%dma_start3A_2115 : memref<128xi32, #tpu.memory_space<vmem>>) semaphore(%arg14 : memref<!tpu.dma_semaphore, #tpu.memory_space<semaphore_mem>>)
    %dma_start3A_2119 = arith.constant 10 : i32
    %dma_start3A_2120 = arith.constant 23 : i32
    %dma_start3A_2121 = arith.constant 0 : i32
    %dma_start3A_2122 = arith.constant 0 : i32
    %dma_start3A_2123 = tpu.memref_slice %arg11[%dma_start3A_2119, %dma_start3A_2121, %dma_start3A_2122] : memref<13x128x32xf32, #tpu.memory_space<vmem>> -> memref<1x128x32xf32, #tpu.memory_space<vmem>>
    %dma_start3A_2124 = tpu.memref_squeeze %dma_start3A_2123 : memref<1x128x32xf32, #tpu.memory_space<vmem>> -> memref<128x32xf32, #tpu.memory_space<vmem>>
    %dma_start3A_2125 = arith.constant 0 : i32
    %dma_start3A_2126 = tpu.memref_slice %arg9[%dma_start3A_2120, %dma_start3A_2125] : memref<26x128xi32, #tpu.memory_space<vmem>> -> memref<1x128xi32, #tpu.memory_space<vmem>>
    %dma_start3A_2127 = tpu.memref_squeeze %dma_start3A_2126 : memref<1x128xi32, #tpu.memory_space<vmem>> -> memref<128xi32, #tpu.memory_space<vmem>>
    %dma_start3A_2128 = arith.constant 0 : i32
    %dma_start3A_2129 = arith.constant 0 : i32
    %dma_start3A_2130 = tpu.memref_slice %arg5[%dma_start3A_2128, %dma_start3A_2129] : memref<524288x32xf32, #tpu.memory_space<hbm>> -> memref<524288x32xf32, #tpu.memory_space<hbm>>
    tpu.enqueue_indirect_dma source(%dma_start3A_2124 : memref<128x32xf32, #tpu.memory_space<vmem>>) target(%dma_start3A_2130 : memref<524288x32xf32, #tpu.memory_space<hbm>>) offsets(%dma_start3A_2127 : memref<128xi32, #tpu.memory_space<vmem>>) semaphore(%arg14 : memref<!tpu.dma_semaphore, #tpu.memory_space<semaphore_mem>>)
    %dma_start3A_2131 = arith.constant 10 : i32
    %dma_start3A_2132 = arith.constant 23 : i32
    %dma_start3A_2133 = arith.constant 0 : i32
    %dma_start3A_2134 = arith.constant 0 : i32
    %dma_start3A_2135 = tpu.memref_slice %arg12[%dma_start3A_2131, %dma_start3A_2133, %dma_start3A_2134] : memref<13x128x32xf32, #tpu.memory_space<vmem>> -> memref<1x128x32xf32, #tpu.memory_space<vmem>>
    %dma_start3A_2136 = tpu.memref_squeeze %dma_start3A_2135 : memref<1x128x32xf32, #tpu.memory_space<vmem>> -> memref<128x32xf32, #tpu.memory_space<vmem>>
    %dma_start3A_2137 = arith.constant 0 : i32
    %dma_start3A_2138 = tpu.memref_slice %arg10[%dma_start3A_2132, %dma_start3A_2137] : memref<26x128xi32, #tpu.memory_space<vmem>> -> memref<1x128xi32, #tpu.memory_space<vmem>>
    %dma_start3A_2139 = tpu.memref_squeeze %dma_start3A_2138 : memref<1x128xi32, #tpu.memory_space<vmem>> -> memref<128xi32, #tpu.memory_space<vmem>>
    %dma_start3A_2140 = arith.constant 0 : i32
    %dma_start3A_2141 = arith.constant 0 : i32
    %dma_start3A_2142 = tpu.memref_slice %arg5[%dma_start3A_2140, %dma_start3A_2141] : memref<524288x32xf32, #tpu.memory_space<hbm>> -> memref<524288x32xf32, #tpu.memory_space<hbm>>
    tpu.enqueue_indirect_dma source(%dma_start3A_2136 : memref<128x32xf32, #tpu.memory_space<vmem>>) target(%dma_start3A_2142 : memref<524288x32xf32, #tpu.memory_space<hbm>>) offsets(%dma_start3A_2139 : memref<128xi32, #tpu.memory_space<vmem>>) semaphore(%arg14 : memref<!tpu.dma_semaphore, #tpu.memory_space<semaphore_mem>>)
    %dma_start3A_2143 = arith.constant 11 : i32
    %dma_start3A_2144 = arith.constant 24 : i32
    %dma_start3A_2145 = arith.constant 0 : i32
    %dma_start3A_2146 = arith.constant 0 : i32
    %dma_start3A_2147 = tpu.memref_slice %arg11[%dma_start3A_2143, %dma_start3A_2145, %dma_start3A_2146] : memref<13x128x32xf32, #tpu.memory_space<vmem>> -> memref<1x128x32xf32, #tpu.memory_space<vmem>>
    %dma_start3A_2148 = tpu.memref_squeeze %dma_start3A_2147 : memref<1x128x32xf32, #tpu.memory_space<vmem>> -> memref<128x32xf32, #tpu.memory_space<vmem>>
    %dma_start3A_2149 = arith.constant 0 : i32
    %dma_start3A_2150 = tpu.memref_slice %arg9[%dma_start3A_2144, %dma_start3A_2149] : memref<26x128xi32, #tpu.memory_space<vmem>> -> memref<1x128xi32, #tpu.memory_space<vmem>>
    %dma_start3A_2151 = tpu.memref_squeeze %dma_start3A_2150 : memref<1x128xi32, #tpu.memory_space<vmem>> -> memref<128xi32, #tpu.memory_space<vmem>>
    %dma_start3A_2152 = arith.constant 0 : i32
    %dma_start3A_2153 = arith.constant 0 : i32
    %dma_start3A_2154 = tpu.memref_slice %arg5[%dma_start3A_2152, %dma_start3A_2153] : memref<524288x32xf32, #tpu.memory_space<hbm>> -> memref<524288x32xf32, #tpu.memory_space<hbm>>
    tpu.enqueue_indirect_dma source(%dma_start3A_2148 : memref<128x32xf32, #tpu.memory_space<vmem>>) target(%dma_start3A_2154 : memref<524288x32xf32, #tpu.memory_space<hbm>>) offsets(%dma_start3A_2151 : memref<128xi32, #tpu.memory_space<vmem>>) semaphore(%arg14 : memref<!tpu.dma_semaphore, #tpu.memory_space<semaphore_mem>>)
    %dma_start3A_2155 = arith.constant 11 : i32
    %dma_start3A_2156 = arith.constant 24 : i32
    %dma_start3A_2157 = arith.constant 0 : i32
    %dma_start3A_2158 = arith.constant 0 : i32
    %dma_start3A_2159 = tpu.memref_slice %arg12[%dma_start3A_2155, %dma_start3A_2157, %dma_start3A_2158] : memref<13x128x32xf32, #tpu.memory_space<vmem>> -> memref<1x128x32xf32, #tpu.memory_space<vmem>>
    %dma_start3A_2160 = tpu.memref_squeeze %dma_start3A_2159 : memref<1x128x32xf32, #tpu.memory_space<vmem>> -> memref<128x32xf32, #tpu.memory_space<vmem>>
    %dma_start3A_2161 = arith.constant 0 : i32
    %dma_start3A_2162 = tpu.memref_slice %arg10[%dma_start3A_2156, %dma_start3A_2161] : memref<26x128xi32, #tpu.memory_space<vmem>> -> memref<1x128xi32, #tpu.memory_space<vmem>>
    %dma_start3A_2163 = tpu.memref_squeeze %dma_start3A_2162 : memref<1x128xi32, #tpu.memory_space<vmem>> -> memref<128xi32, #tpu.memory_space<vmem>>
    %dma_start3A_2164 = arith.constant 0 : i32
    %dma_start3A_2165 = arith.constant 0 : i32
    %dma_start3A_2166 = tpu.memref_slice %arg5[%dma_start3A_2164, %dma_start3A_2165] : memref<524288x32xf32, #tpu.memory_space<hbm>> -> memref<524288x32xf32, #tpu.memory_space<hbm>>
    tpu.enqueue_indirect_dma source(%dma_start3A_2160 : memref<128x32xf32, #tpu.memory_space<vmem>>) target(%dma_start3A_2166 : memref<524288x32xf32, #tpu.memory_space<hbm>>) offsets(%dma_start3A_2163 : memref<128xi32, #tpu.memory_space<vmem>>) semaphore(%arg14 : memref<!tpu.dma_semaphore, #tpu.memory_space<semaphore_mem>>)
    %dma_start3A_2167 = arith.constant 12 : i32
    %dma_start3A_2168 = arith.constant 25 : i32
    %dma_start3A_2169 = arith.constant 0 : i32
    %dma_start3A_2170 = arith.constant 0 : i32
    %dma_start3A_2171 = tpu.memref_slice %arg11[%dma_start3A_2167, %dma_start3A_2169, %dma_start3A_2170] : memref<13x128x32xf32, #tpu.memory_space<vmem>> -> memref<1x128x32xf32, #tpu.memory_space<vmem>>
    %dma_start3A_2172 = tpu.memref_squeeze %dma_start3A_2171 : memref<1x128x32xf32, #tpu.memory_space<vmem>> -> memref<128x32xf32, #tpu.memory_space<vmem>>
    %dma_start3A_2173 = arith.constant 0 : i32
    %dma_start3A_2174 = tpu.memref_slice %arg9[%dma_start3A_2168, %dma_start3A_2173] : memref<26x128xi32, #tpu.memory_space<vmem>> -> memref<1x128xi32, #tpu.memory_space<vmem>>
    %dma_start3A_2175 = tpu.memref_squeeze %dma_start3A_2174 : memref<1x128xi32, #tpu.memory_space<vmem>> -> memref<128xi32, #tpu.memory_space<vmem>>
    %dma_start3A_2176 = arith.constant 0 : i32
    %dma_start3A_2177 = arith.constant 0 : i32
    %dma_start3A_2178 = tpu.memref_slice %arg5[%dma_start3A_2176, %dma_start3A_2177] : memref<524288x32xf32, #tpu.memory_space<hbm>> -> memref<524288x32xf32, #tpu.memory_space<hbm>>
    tpu.enqueue_indirect_dma source(%dma_start3A_2172 : memref<128x32xf32, #tpu.memory_space<vmem>>) target(%dma_start3A_2178 : memref<524288x32xf32, #tpu.memory_space<hbm>>) offsets(%dma_start3A_2175 : memref<128xi32, #tpu.memory_space<vmem>>) semaphore(%arg14 : memref<!tpu.dma_semaphore, #tpu.memory_space<semaphore_mem>>)
    %dma_start3A_2179 = arith.constant 12 : i32
    %dma_start3A_2180 = arith.constant 25 : i32
    %dma_start3A_2181 = arith.constant 0 : i32
    %dma_start3A_2182 = arith.constant 0 : i32
    %dma_start3A_2183 = tpu.memref_slice %arg12[%dma_start3A_2179, %dma_start3A_2181, %dma_start3A_2182] : memref<13x128x32xf32, #tpu.memory_space<vmem>> -> memref<1x128x32xf32, #tpu.memory_space<vmem>>
    %dma_start3A_2184 = tpu.memref_squeeze %dma_start3A_2183 : memref<1x128x32xf32, #tpu.memory_space<vmem>> -> memref<128x32xf32, #tpu.memory_space<vmem>>
    %dma_start3A_2185 = arith.constant 0 : i32
    %dma_start3A_2186 = tpu.memref_slice %arg10[%dma_start3A_2180, %dma_start3A_2185] : memref<26x128xi32, #tpu.memory_space<vmem>> -> memref<1x128xi32, #tpu.memory_space<vmem>>
    %dma_start3A_2187 = tpu.memref_squeeze %dma_start3A_2186 : memref<1x128xi32, #tpu.memory_space<vmem>> -> memref<128xi32, #tpu.memory_space<vmem>>
    %dma_start3A_2188 = arith.constant 0 : i32
    %dma_start3A_2189 = arith.constant 0 : i32
    %dma_start3A_2190 = tpu.memref_slice %arg5[%dma_start3A_2188, %dma_start3A_2189] : memref<524288x32xf32, #tpu.memory_space<hbm>> -> memref<524288x32xf32, #tpu.memory_space<hbm>>
    tpu.enqueue_indirect_dma source(%dma_start3A_2184 : memref<128x32xf32, #tpu.memory_space<vmem>>) target(%dma_start3A_2190 : memref<524288x32xf32, #tpu.memory_space<hbm>>) offsets(%dma_start3A_2187 : memref<128xi32, #tpu.memory_space<vmem>>) semaphore(%arg14 : memref<!tpu.dma_semaphore, #tpu.memory_space<semaphore_mem>>)
    %dma_wait3A_2191 = arith.constant 0 : i32
    %dma_wait3A_2192 = arith.constant 13 : i32
    %dma_wait3A_2193 = arith.constant 0 : i32
    %dma_wait3A_2194 = arith.constant 0 : i32
    %dma_wait3A_2195 = tpu.memref_slice %arg11[%dma_wait3A_2191, %dma_wait3A_2193, %dma_wait3A_2194] : memref<13x128x32xf32, #tpu.memory_space<vmem>> -> memref<1x128x32xf32, #tpu.memory_space<vmem>>
    %dma_wait3A_2196 = tpu.memref_squeeze %dma_wait3A_2195 : memref<1x128x32xf32, #tpu.memory_space<vmem>> -> memref<128x32xf32, #tpu.memory_space<vmem>>
    %dma_wait3A_2197 = arith.constant 0 : i32
    %dma_wait3A_2198 = tpu.memref_slice %arg9[%dma_wait3A_2192, %dma_wait3A_2197] : memref<26x128xi32, #tpu.memory_space<vmem>> -> memref<1x128xi32, #tpu.memory_space<vmem>>
    %dma_wait3A_2199 = tpu.memref_squeeze %dma_wait3A_2198 : memref<1x128xi32, #tpu.memory_space<vmem>> -> memref<128xi32, #tpu.memory_space<vmem>>
    %dma_wait3A_2200 = arith.constant 0 : i32
    %dma_wait3A_2201 = arith.constant 0 : i32
    %dma_wait3A_2202 = tpu.memref_slice %arg5[%dma_wait3A_2200, %dma_wait3A_2201] : memref<524288x32xf32, #tpu.memory_space<hbm>> -> memref<524288x32xf32, #tpu.memory_space<hbm>>
    tpu.wait_indirect_dma semaphore(%arg14 : memref<!tpu.dma_semaphore, #tpu.memory_space<semaphore_mem>>) src(%dma_wait3A_2196 : memref<128x32xf32, #tpu.memory_space<vmem>>) dst(%dma_wait3A_2202 : memref<524288x32xf32, #tpu.memory_space<hbm>>)
    %dma_wait3A_2203 = arith.constant 0 : i32
    %dma_wait3A_2204 = arith.constant 13 : i32
    %dma_wait3A_2205 = arith.constant 0 : i32
    %dma_wait3A_2206 = arith.constant 0 : i32
    %dma_wait3A_2207 = tpu.memref_slice %arg12[%dma_wait3A_2203, %dma_wait3A_2205, %dma_wait3A_2206] : memref<13x128x32xf32, #tpu.memory_space<vmem>> -> memref<1x128x32xf32, #tpu.memory_space<vmem>>
    %dma_wait3A_2208 = tpu.memref_squeeze %dma_wait3A_2207 : memref<1x128x32xf32, #tpu.memory_space<vmem>> -> memref<128x32xf32, #tpu.memory_space<vmem>>
    %dma_wait3A_2209 = arith.constant 0 : i32
    %dma_wait3A_2210 = tpu.memref_slice %arg10[%dma_wait3A_2204, %dma_wait3A_2209] : memref<26x128xi32, #tpu.memory_space<vmem>> -> memref<1x128xi32, #tpu.memory_space<vmem>>
    %dma_wait3A_2211 = tpu.memref_squeeze %dma_wait3A_2210 : memref<1x128xi32, #tpu.memory_space<vmem>> -> memref<128xi32, #tpu.memory_space<vmem>>
    %dma_wait3A_2212 = arith.constant 0 : i32
    %dma_wait3A_2213 = arith.constant 0 : i32
    %dma_wait3A_2214 = tpu.memref_slice %arg5[%dma_wait3A_2212, %dma_wait3A_2213] : memref<524288x32xf32, #tpu.memory_space<hbm>> -> memref<524288x32xf32, #tpu.memory_space<hbm>>
    tpu.wait_indirect_dma semaphore(%arg14 : memref<!tpu.dma_semaphore, #tpu.memory_space<semaphore_mem>>) src(%dma_wait3A_2208 : memref<128x32xf32, #tpu.memory_space<vmem>>) dst(%dma_wait3A_2214 : memref<524288x32xf32, #tpu.memory_space<hbm>>)
    %dma_wait3A_2215 = arith.constant 1 : i32
    %dma_wait3A_2216 = arith.constant 14 : i32
    %dma_wait3A_2217 = arith.constant 0 : i32
    %dma_wait3A_2218 = arith.constant 0 : i32
    %dma_wait3A_2219 = tpu.memref_slice %arg11[%dma_wait3A_2215, %dma_wait3A_2217, %dma_wait3A_2218] : memref<13x128x32xf32, #tpu.memory_space<vmem>> -> memref<1x128x32xf32, #tpu.memory_space<vmem>>
    %dma_wait3A_2220 = tpu.memref_squeeze %dma_wait3A_2219 : memref<1x128x32xf32, #tpu.memory_space<vmem>> -> memref<128x32xf32, #tpu.memory_space<vmem>>
    %dma_wait3A_2221 = arith.constant 0 : i32
    %dma_wait3A_2222 = tpu.memref_slice %arg9[%dma_wait3A_2216, %dma_wait3A_2221] : memref<26x128xi32, #tpu.memory_space<vmem>> -> memref<1x128xi32, #tpu.memory_space<vmem>>
    %dma_wait3A_2223 = tpu.memref_squeeze %dma_wait3A_2222 : memref<1x128xi32, #tpu.memory_space<vmem>> -> memref<128xi32, #tpu.memory_space<vmem>>
    %dma_wait3A_2224 = arith.constant 0 : i32
    %dma_wait3A_2225 = arith.constant 0 : i32
    %dma_wait3A_2226 = tpu.memref_slice %arg5[%dma_wait3A_2224, %dma_wait3A_2225] : memref<524288x32xf32, #tpu.memory_space<hbm>> -> memref<524288x32xf32, #tpu.memory_space<hbm>>
    tpu.wait_indirect_dma semaphore(%arg14 : memref<!tpu.dma_semaphore, #tpu.memory_space<semaphore_mem>>) src(%dma_wait3A_2220 : memref<128x32xf32, #tpu.memory_space<vmem>>) dst(%dma_wait3A_2226 : memref<524288x32xf32, #tpu.memory_space<hbm>>)
    %dma_wait3A_2227 = arith.constant 1 : i32
    %dma_wait3A_2228 = arith.constant 14 : i32
    %dma_wait3A_2229 = arith.constant 0 : i32
    %dma_wait3A_2230 = arith.constant 0 : i32
    %dma_wait3A_2231 = tpu.memref_slice %arg12[%dma_wait3A_2227, %dma_wait3A_2229, %dma_wait3A_2230] : memref<13x128x32xf32, #tpu.memory_space<vmem>> -> memref<1x128x32xf32, #tpu.memory_space<vmem>>
    %dma_wait3A_2232 = tpu.memref_squeeze %dma_wait3A_2231 : memref<1x128x32xf32, #tpu.memory_space<vmem>> -> memref<128x32xf32, #tpu.memory_space<vmem>>
    %dma_wait3A_2233 = arith.constant 0 : i32
    %dma_wait3A_2234 = tpu.memref_slice %arg10[%dma_wait3A_2228, %dma_wait3A_2233] : memref<26x128xi32, #tpu.memory_space<vmem>> -> memref<1x128xi32, #tpu.memory_space<vmem>>
    %dma_wait3A_2235 = tpu.memref_squeeze %dma_wait3A_2234 : memref<1x128xi32, #tpu.memory_space<vmem>> -> memref<128xi32, #tpu.memory_space<vmem>>
    %dma_wait3A_2236 = arith.constant 0 : i32
    %dma_wait3A_2237 = arith.constant 0 : i32
    %dma_wait3A_2238 = tpu.memref_slice %arg5[%dma_wait3A_2236, %dma_wait3A_2237] : memref<524288x32xf32, #tpu.memory_space<hbm>> -> memref<524288x32xf32, #tpu.memory_space<hbm>>
    tpu.wait_indirect_dma semaphore(%arg14 : memref<!tpu.dma_semaphore, #tpu.memory_space<semaphore_mem>>) src(%dma_wait3A_2232 : memref<128x32xf32, #tpu.memory_space<vmem>>) dst(%dma_wait3A_2238 : memref<524288x32xf32, #tpu.memory_space<hbm>>)
    %dma_wait3A_2239 = arith.constant 2 : i32
    %dma_wait3A_2240 = arith.constant 15 : i32
    %dma_wait3A_2241 = arith.constant 0 : i32
    %dma_wait3A_2242 = arith.constant 0 : i32
    %dma_wait3A_2243 = tpu.memref_slice %arg11[%dma_wait3A_2239, %dma_wait3A_2241, %dma_wait3A_2242] : memref<13x128x32xf32, #tpu.memory_space<vmem>> -> memref<1x128x32xf32, #tpu.memory_space<vmem>>
    %dma_wait3A_2244 = tpu.memref_squeeze %dma_wait3A_2243 : memref<1x128x32xf32, #tpu.memory_space<vmem>> -> memref<128x32xf32, #tpu.memory_space<vmem>>
    %dma_wait3A_2245 = arith.constant 0 : i32
    %dma_wait3A_2246 = tpu.memref_slice %arg9[%dma_wait3A_2240, %dma_wait3A_2245] : memref<26x128xi32, #tpu.memory_space<vmem>> -> memref<1x128xi32, #tpu.memory_space<vmem>>
    %dma_wait3A_2247 = tpu.memref_squeeze %dma_wait3A_2246 : memref<1x128xi32, #tpu.memory_space<vmem>> -> memref<128xi32, #tpu.memory_space<vmem>>
    %dma_wait3A_2248 = arith.constant 0 : i32
    %dma_wait3A_2249 = arith.constant 0 : i32
    %dma_wait3A_2250 = tpu.memref_slice %arg5[%dma_wait3A_2248, %dma_wait3A_2249] : memref<524288x32xf32, #tpu.memory_space<hbm>> -> memref<524288x32xf32, #tpu.memory_space<hbm>>
    tpu.wait_indirect_dma semaphore(%arg14 : memref<!tpu.dma_semaphore, #tpu.memory_space<semaphore_mem>>) src(%dma_wait3A_2244 : memref<128x32xf32, #tpu.memory_space<vmem>>) dst(%dma_wait3A_2250 : memref<524288x32xf32, #tpu.memory_space<hbm>>)
    %dma_wait3A_2251 = arith.constant 2 : i32
    %dma_wait3A_2252 = arith.constant 15 : i32
    %dma_wait3A_2253 = arith.constant 0 : i32
    %dma_wait3A_2254 = arith.constant 0 : i32
    %dma_wait3A_2255 = tpu.memref_slice %arg12[%dma_wait3A_2251, %dma_wait3A_2253, %dma_wait3A_2254] : memref<13x128x32xf32, #tpu.memory_space<vmem>> -> memref<1x128x32xf32, #tpu.memory_space<vmem>>
    %dma_wait3A_2256 = tpu.memref_squeeze %dma_wait3A_2255 : memref<1x128x32xf32, #tpu.memory_space<vmem>> -> memref<128x32xf32, #tpu.memory_space<vmem>>
    %dma_wait3A_2257 = arith.constant 0 : i32
    %dma_wait3A_2258 = tpu.memref_slice %arg10[%dma_wait3A_2252, %dma_wait3A_2257] : memref<26x128xi32, #tpu.memory_space<vmem>> -> memref<1x128xi32, #tpu.memory_space<vmem>>
    %dma_wait3A_2259 = tpu.memref_squeeze %dma_wait3A_2258 : memref<1x128xi32, #tpu.memory_space<vmem>> -> memref<128xi32, #tpu.memory_space<vmem>>
    %dma_wait3A_2260 = arith.constant 0 : i32
    %dma_wait3A_2261 = arith.constant 0 : i32
    %dma_wait3A_2262 = tpu.memref_slice %arg5[%dma_wait3A_2260, %dma_wait3A_2261] : memref<524288x32xf32, #tpu.memory_space<hbm>> -> memref<524288x32xf32, #tpu.memory_space<hbm>>
    tpu.wait_indirect_dma semaphore(%arg14 : memref<!tpu.dma_semaphore, #tpu.memory_space<semaphore_mem>>) src(%dma_wait3A_2256 : memref<128x32xf32, #tpu.memory_space<vmem>>) dst(%dma_wait3A_2262 : memref<524288x32xf32, #tpu.memory_space<hbm>>)
    %dma_wait3A_2263 = arith.constant 3 : i32
    %dma_wait3A_2264 = arith.constant 16 : i32
    %dma_wait3A_2265 = arith.constant 0 : i32
    %dma_wait3A_2266 = arith.constant 0 : i32
    %dma_wait3A_2267 = tpu.memref_slice %arg11[%dma_wait3A_2263, %dma_wait3A_2265, %dma_wait3A_2266] : memref<13x128x32xf32, #tpu.memory_space<vmem>> -> memref<1x128x32xf32, #tpu.memory_space<vmem>>
    %dma_wait3A_2268 = tpu.memref_squeeze %dma_wait3A_2267 : memref<1x128x32xf32, #tpu.memory_space<vmem>> -> memref<128x32xf32, #tpu.memory_space<vmem>>
    %dma_wait3A_2269 = arith.constant 0 : i32
    %dma_wait3A_2270 = tpu.memref_slice %arg9[%dma_wait3A_2264, %dma_wait3A_2269] : memref<26x128xi32, #tpu.memory_space<vmem>> -> memref<1x128xi32, #tpu.memory_space<vmem>>
    %dma_wait3A_2271 = tpu.memref_squeeze %dma_wait3A_2270 : memref<1x128xi32, #tpu.memory_space<vmem>> -> memref<128xi32, #tpu.memory_space<vmem>>
    %dma_wait3A_2272 = arith.constant 0 : i32
    %dma_wait3A_2273 = arith.constant 0 : i32
    %dma_wait3A_2274 = tpu.memref_slice %arg5[%dma_wait3A_2272, %dma_wait3A_2273] : memref<524288x32xf32, #tpu.memory_space<hbm>> -> memref<524288x32xf32, #tpu.memory_space<hbm>>
    tpu.wait_indirect_dma semaphore(%arg14 : memref<!tpu.dma_semaphore, #tpu.memory_space<semaphore_mem>>) src(%dma_wait3A_2268 : memref<128x32xf32, #tpu.memory_space<vmem>>) dst(%dma_wait3A_2274 : memref<524288x32xf32, #tpu.memory_space<hbm>>)
    %dma_wait3A_2275 = arith.constant 3 : i32
    %dma_wait3A_2276 = arith.constant 16 : i32
    %dma_wait3A_2277 = arith.constant 0 : i32
    %dma_wait3A_2278 = arith.constant 0 : i32
    %dma_wait3A_2279 = tpu.memref_slice %arg12[%dma_wait3A_2275, %dma_wait3A_2277, %dma_wait3A_2278] : memref<13x128x32xf32, #tpu.memory_space<vmem>> -> memref<1x128x32xf32, #tpu.memory_space<vmem>>
    %dma_wait3A_2280 = tpu.memref_squeeze %dma_wait3A_2279 : memref<1x128x32xf32, #tpu.memory_space<vmem>> -> memref<128x32xf32, #tpu.memory_space<vmem>>
    %dma_wait3A_2281 = arith.constant 0 : i32
    %dma_wait3A_2282 = tpu.memref_slice %arg10[%dma_wait3A_2276, %dma_wait3A_2281] : memref<26x128xi32, #tpu.memory_space<vmem>> -> memref<1x128xi32, #tpu.memory_space<vmem>>
    %dma_wait3A_2283 = tpu.memref_squeeze %dma_wait3A_2282 : memref<1x128xi32, #tpu.memory_space<vmem>> -> memref<128xi32, #tpu.memory_space<vmem>>
    %dma_wait3A_2284 = arith.constant 0 : i32
    %dma_wait3A_2285 = arith.constant 0 : i32
    %dma_wait3A_2286 = tpu.memref_slice %arg5[%dma_wait3A_2284, %dma_wait3A_2285] : memref<524288x32xf32, #tpu.memory_space<hbm>> -> memref<524288x32xf32, #tpu.memory_space<hbm>>
    tpu.wait_indirect_dma semaphore(%arg14 : memref<!tpu.dma_semaphore, #tpu.memory_space<semaphore_mem>>) src(%dma_wait3A_2280 : memref<128x32xf32, #tpu.memory_space<vmem>>) dst(%dma_wait3A_2286 : memref<524288x32xf32, #tpu.memory_space<hbm>>)
    %dma_wait3A_2287 = arith.constant 4 : i32
    %dma_wait3A_2288 = arith.constant 17 : i32
    %dma_wait3A_2289 = arith.constant 0 : i32
    %dma_wait3A_2290 = arith.constant 0 : i32
    %dma_wait3A_2291 = tpu.memref_slice %arg11[%dma_wait3A_2287, %dma_wait3A_2289, %dma_wait3A_2290] : memref<13x128x32xf32, #tpu.memory_space<vmem>> -> memref<1x128x32xf32, #tpu.memory_space<vmem>>
    %dma_wait3A_2292 = tpu.memref_squeeze %dma_wait3A_2291 : memref<1x128x32xf32, #tpu.memory_space<vmem>> -> memref<128x32xf32, #tpu.memory_space<vmem>>
    %dma_wait3A_2293 = arith.constant 0 : i32
    %dma_wait3A_2294 = tpu.memref_slice %arg9[%dma_wait3A_2288, %dma_wait3A_2293] : memref<26x128xi32, #tpu.memory_space<vmem>> -> memref<1x128xi32, #tpu.memory_space<vmem>>
    %dma_wait3A_2295 = tpu.memref_squeeze %dma_wait3A_2294 : memref<1x128xi32, #tpu.memory_space<vmem>> -> memref<128xi32, #tpu.memory_space<vmem>>
    %dma_wait3A_2296 = arith.constant 0 : i32
    %dma_wait3A_2297 = arith.constant 0 : i32
    %dma_wait3A_2298 = tpu.memref_slice %arg5[%dma_wait3A_2296, %dma_wait3A_2297] : memref<524288x32xf32, #tpu.memory_space<hbm>> -> memref<524288x32xf32, #tpu.memory_space<hbm>>
    tpu.wait_indirect_dma semaphore(%arg14 : memref<!tpu.dma_semaphore, #tpu.memory_space<semaphore_mem>>) src(%dma_wait3A_2292 : memref<128x32xf32, #tpu.memory_space<vmem>>) dst(%dma_wait3A_2298 : memref<524288x32xf32, #tpu.memory_space<hbm>>)
    %dma_wait3A_2299 = arith.constant 4 : i32
    %dma_wait3A_2300 = arith.constant 17 : i32
    %dma_wait3A_2301 = arith.constant 0 : i32
    %dma_wait3A_2302 = arith.constant 0 : i32
    %dma_wait3A_2303 = tpu.memref_slice %arg12[%dma_wait3A_2299, %dma_wait3A_2301, %dma_wait3A_2302] : memref<13x128x32xf32, #tpu.memory_space<vmem>> -> memref<1x128x32xf32, #tpu.memory_space<vmem>>
    %dma_wait3A_2304 = tpu.memref_squeeze %dma_wait3A_2303 : memref<1x128x32xf32, #tpu.memory_space<vmem>> -> memref<128x32xf32, #tpu.memory_space<vmem>>
    %dma_wait3A_2305 = arith.constant 0 : i32
    %dma_wait3A_2306 = tpu.memref_slice %arg10[%dma_wait3A_2300, %dma_wait3A_2305] : memref<26x128xi32, #tpu.memory_space<vmem>> -> memref<1x128xi32, #tpu.memory_space<vmem>>
    %dma_wait3A_2307 = tpu.memref_squeeze %dma_wait3A_2306 : memref<1x128xi32, #tpu.memory_space<vmem>> -> memref<128xi32, #tpu.memory_space<vmem>>
    %dma_wait3A_2308 = arith.constant 0 : i32
    %dma_wait3A_2309 = arith.constant 0 : i32
    %dma_wait3A_2310 = tpu.memref_slice %arg5[%dma_wait3A_2308, %dma_wait3A_2309] : memref<524288x32xf32, #tpu.memory_space<hbm>> -> memref<524288x32xf32, #tpu.memory_space<hbm>>
    tpu.wait_indirect_dma semaphore(%arg14 : memref<!tpu.dma_semaphore, #tpu.memory_space<semaphore_mem>>) src(%dma_wait3A_2304 : memref<128x32xf32, #tpu.memory_space<vmem>>) dst(%dma_wait3A_2310 : memref<524288x32xf32, #tpu.memory_space<hbm>>)
    %dma_wait3A_2311 = arith.constant 5 : i32
    %dma_wait3A_2312 = arith.constant 18 : i32
    %dma_wait3A_2313 = arith.constant 0 : i32
    %dma_wait3A_2314 = arith.constant 0 : i32
    %dma_wait3A_2315 = tpu.memref_slice %arg11[%dma_wait3A_2311, %dma_wait3A_2313, %dma_wait3A_2314] : memref<13x128x32xf32, #tpu.memory_space<vmem>> -> memref<1x128x32xf32, #tpu.memory_space<vmem>>
    %dma_wait3A_2316 = tpu.memref_squeeze %dma_wait3A_2315 : memref<1x128x32xf32, #tpu.memory_space<vmem>> -> memref<128x32xf32, #tpu.memory_space<vmem>>
    %dma_wait3A_2317 = arith.constant 0 : i32
    %dma_wait3A_2318 = tpu.memref_slice %arg9[%dma_wait3A_2312, %dma_wait3A_2317] : memref<26x128xi32, #tpu.memory_space<vmem>> -> memref<1x128xi32, #tpu.memory_space<vmem>>
    %dma_wait3A_2319 = tpu.memref_squeeze %dma_wait3A_2318 : memref<1x128xi32, #tpu.memory_space<vmem>> -> memref<128xi32, #tpu.memory_space<vmem>>
    %dma_wait3A_2320 = arith.constant 0 : i32
    %dma_wait3A_2321 = arith.constant 0 : i32
    %dma_wait3A_2322 = tpu.memref_slice %arg5[%dma_wait3A_2320, %dma_wait3A_2321] : memref<524288x32xf32, #tpu.memory_space<hbm>> -> memref<524288x32xf32, #tpu.memory_space<hbm>>
    tpu.wait_indirect_dma semaphore(%arg14 : memref<!tpu.dma_semaphore, #tpu.memory_space<semaphore_mem>>) src(%dma_wait3A_2316 : memref<128x32xf32, #tpu.memory_space<vmem>>) dst(%dma_wait3A_2322 : memref<524288x32xf32, #tpu.memory_space<hbm>>)
    %dma_wait3A_2323 = arith.constant 5 : i32
    %dma_wait3A_2324 = arith.constant 18 : i32
    %dma_wait3A_2325 = arith.constant 0 : i32
    %dma_wait3A_2326 = arith.constant 0 : i32
    %dma_wait3A_2327 = tpu.memref_slice %arg12[%dma_wait3A_2323, %dma_wait3A_2325, %dma_wait3A_2326] : memref<13x128x32xf32, #tpu.memory_space<vmem>> -> memref<1x128x32xf32, #tpu.memory_space<vmem>>
    %dma_wait3A_2328 = tpu.memref_squeeze %dma_wait3A_2327 : memref<1x128x32xf32, #tpu.memory_space<vmem>> -> memref<128x32xf32, #tpu.memory_space<vmem>>
    %dma_wait3A_2329 = arith.constant 0 : i32
    %dma_wait3A_2330 = tpu.memref_slice %arg10[%dma_wait3A_2324, %dma_wait3A_2329] : memref<26x128xi32, #tpu.memory_space<vmem>> -> memref<1x128xi32, #tpu.memory_space<vmem>>
    %dma_wait3A_2331 = tpu.memref_squeeze %dma_wait3A_2330 : memref<1x128xi32, #tpu.memory_space<vmem>> -> memref<128xi32, #tpu.memory_space<vmem>>
    %dma_wait3A_2332 = arith.constant 0 : i32
    %dma_wait3A_2333 = arith.constant 0 : i32
    %dma_wait3A_2334 = tpu.memref_slice %arg5[%dma_wait3A_2332, %dma_wait3A_2333] : memref<524288x32xf32, #tpu.memory_space<hbm>> -> memref<524288x32xf32, #tpu.memory_space<hbm>>
    tpu.wait_indirect_dma semaphore(%arg14 : memref<!tpu.dma_semaphore, #tpu.memory_space<semaphore_mem>>) src(%dma_wait3A_2328 : memref<128x32xf32, #tpu.memory_space<vmem>>) dst(%dma_wait3A_2334 : memref<524288x32xf32, #tpu.memory_space<hbm>>)
    %dma_wait3A_2335 = arith.constant 6 : i32
    %dma_wait3A_2336 = arith.constant 19 : i32
    %dma_wait3A_2337 = arith.constant 0 : i32
    %dma_wait3A_2338 = arith.constant 0 : i32
    %dma_wait3A_2339 = tpu.memref_slice %arg11[%dma_wait3A_2335, %dma_wait3A_2337, %dma_wait3A_2338] : memref<13x128x32xf32, #tpu.memory_space<vmem>> -> memref<1x128x32xf32, #tpu.memory_space<vmem>>
    %dma_wait3A_2340 = tpu.memref_squeeze %dma_wait3A_2339 : memref<1x128x32xf32, #tpu.memory_space<vmem>> -> memref<128x32xf32, #tpu.memory_space<vmem>>
    %dma_wait3A_2341 = arith.constant 0 : i32
    %dma_wait3A_2342 = tpu.memref_slice %arg9[%dma_wait3A_2336, %dma_wait3A_2341] : memref<26x128xi32, #tpu.memory_space<vmem>> -> memref<1x128xi32, #tpu.memory_space<vmem>>
    %dma_wait3A_2343 = tpu.memref_squeeze %dma_wait3A_2342 : memref<1x128xi32, #tpu.memory_space<vmem>> -> memref<128xi32, #tpu.memory_space<vmem>>
    %dma_wait3A_2344 = arith.constant 0 : i32
    %dma_wait3A_2345 = arith.constant 0 : i32
    %dma_wait3A_2346 = tpu.memref_slice %arg5[%dma_wait3A_2344, %dma_wait3A_2345] : memref<524288x32xf32, #tpu.memory_space<hbm>> -> memref<524288x32xf32, #tpu.memory_space<hbm>>
    tpu.wait_indirect_dma semaphore(%arg14 : memref<!tpu.dma_semaphore, #tpu.memory_space<semaphore_mem>>) src(%dma_wait3A_2340 : memref<128x32xf32, #tpu.memory_space<vmem>>) dst(%dma_wait3A_2346 : memref<524288x32xf32, #tpu.memory_space<hbm>>)
    %dma_wait3A_2347 = arith.constant 6 : i32
    %dma_wait3A_2348 = arith.constant 19 : i32
    %dma_wait3A_2349 = arith.constant 0 : i32
    %dma_wait3A_2350 = arith.constant 0 : i32
    %dma_wait3A_2351 = tpu.memref_slice %arg12[%dma_wait3A_2347, %dma_wait3A_2349, %dma_wait3A_2350] : memref<13x128x32xf32, #tpu.memory_space<vmem>> -> memref<1x128x32xf32, #tpu.memory_space<vmem>>
    %dma_wait3A_2352 = tpu.memref_squeeze %dma_wait3A_2351 : memref<1x128x32xf32, #tpu.memory_space<vmem>> -> memref<128x32xf32, #tpu.memory_space<vmem>>
    %dma_wait3A_2353 = arith.constant 0 : i32
    %dma_wait3A_2354 = tpu.memref_slice %arg10[%dma_wait3A_2348, %dma_wait3A_2353] : memref<26x128xi32, #tpu.memory_space<vmem>> -> memref<1x128xi32, #tpu.memory_space<vmem>>
    %dma_wait3A_2355 = tpu.memref_squeeze %dma_wait3A_2354 : memref<1x128xi32, #tpu.memory_space<vmem>> -> memref<128xi32, #tpu.memory_space<vmem>>
    %dma_wait3A_2356 = arith.constant 0 : i32
    %dma_wait3A_2357 = arith.constant 0 : i32
    %dma_wait3A_2358 = tpu.memref_slice %arg5[%dma_wait3A_2356, %dma_wait3A_2357] : memref<524288x32xf32, #tpu.memory_space<hbm>> -> memref<524288x32xf32, #tpu.memory_space<hbm>>
    tpu.wait_indirect_dma semaphore(%arg14 : memref<!tpu.dma_semaphore, #tpu.memory_space<semaphore_mem>>) src(%dma_wait3A_2352 : memref<128x32xf32, #tpu.memory_space<vmem>>) dst(%dma_wait3A_2358 : memref<524288x32xf32, #tpu.memory_space<hbm>>)
    %dma_wait3A_2359 = arith.constant 7 : i32
    %dma_wait3A_2360 = arith.constant 20 : i32
    %dma_wait3A_2361 = arith.constant 0 : i32
    %dma_wait3A_2362 = arith.constant 0 : i32
    %dma_wait3A_2363 = tpu.memref_slice %arg11[%dma_wait3A_2359, %dma_wait3A_2361, %dma_wait3A_2362] : memref<13x128x32xf32, #tpu.memory_space<vmem>> -> memref<1x128x32xf32, #tpu.memory_space<vmem>>
    %dma_wait3A_2364 = tpu.memref_squeeze %dma_wait3A_2363 : memref<1x128x32xf32, #tpu.memory_space<vmem>> -> memref<128x32xf32, #tpu.memory_space<vmem>>
    %dma_wait3A_2365 = arith.constant 0 : i32
    %dma_wait3A_2366 = tpu.memref_slice %arg9[%dma_wait3A_2360, %dma_wait3A_2365] : memref<26x128xi32, #tpu.memory_space<vmem>> -> memref<1x128xi32, #tpu.memory_space<vmem>>
    %dma_wait3A_2367 = tpu.memref_squeeze %dma_wait3A_2366 : memref<1x128xi32, #tpu.memory_space<vmem>> -> memref<128xi32, #tpu.memory_space<vmem>>
    %dma_wait3A_2368 = arith.constant 0 : i32
    %dma_wait3A_2369 = arith.constant 0 : i32
    %dma_wait3A_2370 = tpu.memref_slice %arg5[%dma_wait3A_2368, %dma_wait3A_2369] : memref<524288x32xf32, #tpu.memory_space<hbm>> -> memref<524288x32xf32, #tpu.memory_space<hbm>>
    tpu.wait_indirect_dma semaphore(%arg14 : memref<!tpu.dma_semaphore, #tpu.memory_space<semaphore_mem>>) src(%dma_wait3A_2364 : memref<128x32xf32, #tpu.memory_space<vmem>>) dst(%dma_wait3A_2370 : memref<524288x32xf32, #tpu.memory_space<hbm>>)
    %dma_wait3A_2371 = arith.constant 7 : i32
    %dma_wait3A_2372 = arith.constant 20 : i32
    %dma_wait3A_2373 = arith.constant 0 : i32
    %dma_wait3A_2374 = arith.constant 0 : i32
    %dma_wait3A_2375 = tpu.memref_slice %arg12[%dma_wait3A_2371, %dma_wait3A_2373, %dma_wait3A_2374] : memref<13x128x32xf32, #tpu.memory_space<vmem>> -> memref<1x128x32xf32, #tpu.memory_space<vmem>>
    %dma_wait3A_2376 = tpu.memref_squeeze %dma_wait3A_2375 : memref<1x128x32xf32, #tpu.memory_space<vmem>> -> memref<128x32xf32, #tpu.memory_space<vmem>>
    %dma_wait3A_2377 = arith.constant 0 : i32
    %dma_wait3A_2378 = tpu.memref_slice %arg10[%dma_wait3A_2372, %dma_wait3A_2377] : memref<26x128xi32, #tpu.memory_space<vmem>> -> memref<1x128xi32, #tpu.memory_space<vmem>>
    %dma_wait3A_2379 = tpu.memref_squeeze %dma_wait3A_2378 : memref<1x128xi32, #tpu.memory_space<vmem>> -> memref<128xi32, #tpu.memory_space<vmem>>
    %dma_wait3A_2380 = arith.constant 0 : i32
    %dma_wait3A_2381 = arith.constant 0 : i32
    %dma_wait3A_2382 = tpu.memref_slice %arg5[%dma_wait3A_2380, %dma_wait3A_2381] : memref<524288x32xf32, #tpu.memory_space<hbm>> -> memref<524288x32xf32, #tpu.memory_space<hbm>>
    tpu.wait_indirect_dma semaphore(%arg14 : memref<!tpu.dma_semaphore, #tpu.memory_space<semaphore_mem>>) src(%dma_wait3A_2376 : memref<128x32xf32, #tpu.memory_space<vmem>>) dst(%dma_wait3A_2382 : memref<524288x32xf32, #tpu.memory_space<hbm>>)
    %dma_wait3A_2383 = arith.constant 8 : i32
    %dma_wait3A_2384 = arith.constant 21 : i32
    %dma_wait3A_2385 = arith.constant 0 : i32
    %dma_wait3A_2386 = arith.constant 0 : i32
    %dma_wait3A_2387 = tpu.memref_slice %arg11[%dma_wait3A_2383, %dma_wait3A_2385, %dma_wait3A_2386] : memref<13x128x32xf32, #tpu.memory_space<vmem>> -> memref<1x128x32xf32, #tpu.memory_space<vmem>>
    %dma_wait3A_2388 = tpu.memref_squeeze %dma_wait3A_2387 : memref<1x128x32xf32, #tpu.memory_space<vmem>> -> memref<128x32xf32, #tpu.memory_space<vmem>>
    %dma_wait3A_2389 = arith.constant 0 : i32
    %dma_wait3A_2390 = tpu.memref_slice %arg9[%dma_wait3A_2384, %dma_wait3A_2389] : memref<26x128xi32, #tpu.memory_space<vmem>> -> memref<1x128xi32, #tpu.memory_space<vmem>>
    %dma_wait3A_2391 = tpu.memref_squeeze %dma_wait3A_2390 : memref<1x128xi32, #tpu.memory_space<vmem>> -> memref<128xi32, #tpu.memory_space<vmem>>
    %dma_wait3A_2392 = arith.constant 0 : i32
    %dma_wait3A_2393 = arith.constant 0 : i32
    %dma_wait3A_2394 = tpu.memref_slice %arg5[%dma_wait3A_2392, %dma_wait3A_2393] : memref<524288x32xf32, #tpu.memory_space<hbm>> -> memref<524288x32xf32, #tpu.memory_space<hbm>>
    tpu.wait_indirect_dma semaphore(%arg14 : memref<!tpu.dma_semaphore, #tpu.memory_space<semaphore_mem>>) src(%dma_wait3A_2388 : memref<128x32xf32, #tpu.memory_space<vmem>>) dst(%dma_wait3A_2394 : memref<524288x32xf32, #tpu.memory_space<hbm>>)
    %dma_wait3A_2395 = arith.constant 8 : i32
    %dma_wait3A_2396 = arith.constant 21 : i32
    %dma_wait3A_2397 = arith.constant 0 : i32
    %dma_wait3A_2398 = arith.constant 0 : i32
    %dma_wait3A_2399 = tpu.memref_slice %arg12[%dma_wait3A_2395, %dma_wait3A_2397, %dma_wait3A_2398] : memref<13x128x32xf32, #tpu.memory_space<vmem>> -> memref<1x128x32xf32, #tpu.memory_space<vmem>>
    %dma_wait3A_2400 = tpu.memref_squeeze %dma_wait3A_2399 : memref<1x128x32xf32, #tpu.memory_space<vmem>> -> memref<128x32xf32, #tpu.memory_space<vmem>>
    %dma_wait3A_2401 = arith.constant 0 : i32
    %dma_wait3A_2402 = tpu.memref_slice %arg10[%dma_wait3A_2396, %dma_wait3A_2401] : memref<26x128xi32, #tpu.memory_space<vmem>> -> memref<1x128xi32, #tpu.memory_space<vmem>>
    %dma_wait3A_2403 = tpu.memref_squeeze %dma_wait3A_2402 : memref<1x128xi32, #tpu.memory_space<vmem>> -> memref<128xi32, #tpu.memory_space<vmem>>
    %dma_wait3A_2404 = arith.constant 0 : i32
    %dma_wait3A_2405 = arith.constant 0 : i32
    %dma_wait3A_2406 = tpu.memref_slice %arg5[%dma_wait3A_2404, %dma_wait3A_2405] : memref<524288x32xf32, #tpu.memory_space<hbm>> -> memref<524288x32xf32, #tpu.memory_space<hbm>>
    tpu.wait_indirect_dma semaphore(%arg14 : memref<!tpu.dma_semaphore, #tpu.memory_space<semaphore_mem>>) src(%dma_wait3A_2400 : memref<128x32xf32, #tpu.memory_space<vmem>>) dst(%dma_wait3A_2406 : memref<524288x32xf32, #tpu.memory_space<hbm>>)
    %dma_wait3A_2407 = arith.constant 9 : i32
    %dma_wait3A_2408 = arith.constant 22 : i32
    %dma_wait3A_2409 = arith.constant 0 : i32
    %dma_wait3A_2410 = arith.constant 0 : i32
    %dma_wait3A_2411 = tpu.memref_slice %arg11[%dma_wait3A_2407, %dma_wait3A_2409, %dma_wait3A_2410] : memref<13x128x32xf32, #tpu.memory_space<vmem>> -> memref<1x128x32xf32, #tpu.memory_space<vmem>>
    %dma_wait3A_2412 = tpu.memref_squeeze %dma_wait3A_2411 : memref<1x128x32xf32, #tpu.memory_space<vmem>> -> memref<128x32xf32, #tpu.memory_space<vmem>>
    %dma_wait3A_2413 = arith.constant 0 : i32
    %dma_wait3A_2414 = tpu.memref_slice %arg9[%dma_wait3A_2408, %dma_wait3A_2413] : memref<26x128xi32, #tpu.memory_space<vmem>> -> memref<1x128xi32, #tpu.memory_space<vmem>>
    %dma_wait3A_2415 = tpu.memref_squeeze %dma_wait3A_2414 : memref<1x128xi32, #tpu.memory_space<vmem>> -> memref<128xi32, #tpu.memory_space<vmem>>
    %dma_wait3A_2416 = arith.constant 0 : i32
    %dma_wait3A_2417 = arith.constant 0 : i32
    %dma_wait3A_2418 = tpu.memref_slice %arg5[%dma_wait3A_2416, %dma_wait3A_2417] : memref<524288x32xf32, #tpu.memory_space<hbm>> -> memref<524288x32xf32, #tpu.memory_space<hbm>>
    tpu.wait_indirect_dma semaphore(%arg14 : memref<!tpu.dma_semaphore, #tpu.memory_space<semaphore_mem>>) src(%dma_wait3A_2412 : memref<128x32xf32, #tpu.memory_space<vmem>>) dst(%dma_wait3A_2418 : memref<524288x32xf32, #tpu.memory_space<hbm>>)
    %dma_wait3A_2419 = arith.constant 9 : i32
    %dma_wait3A_2420 = arith.constant 22 : i32
    %dma_wait3A_2421 = arith.constant 0 : i32
    %dma_wait3A_2422 = arith.constant 0 : i32
    %dma_wait3A_2423 = tpu.memref_slice %arg12[%dma_wait3A_2419, %dma_wait3A_2421, %dma_wait3A_2422] : memref<13x128x32xf32, #tpu.memory_space<vmem>> -> memref<1x128x32xf32, #tpu.memory_space<vmem>>
    %dma_wait3A_2424 = tpu.memref_squeeze %dma_wait3A_2423 : memref<1x128x32xf32, #tpu.memory_space<vmem>> -> memref<128x32xf32, #tpu.memory_space<vmem>>
    %dma_wait3A_2425 = arith.constant 0 : i32
    %dma_wait3A_2426 = tpu.memref_slice %arg10[%dma_wait3A_2420, %dma_wait3A_2425] : memref<26x128xi32, #tpu.memory_space<vmem>> -> memref<1x128xi32, #tpu.memory_space<vmem>>
    %dma_wait3A_2427 = tpu.memref_squeeze %dma_wait3A_2426 : memref<1x128xi32, #tpu.memory_space<vmem>> -> memref<128xi32, #tpu.memory_space<vmem>>
    %dma_wait3A_2428 = arith.constant 0 : i32
    %dma_wait3A_2429 = arith.constant 0 : i32
    %dma_wait3A_2430 = tpu.memref_slice %arg5[%dma_wait3A_2428, %dma_wait3A_2429] : memref<524288x32xf32, #tpu.memory_space<hbm>> -> memref<524288x32xf32, #tpu.memory_space<hbm>>
    tpu.wait_indirect_dma semaphore(%arg14 : memref<!tpu.dma_semaphore, #tpu.memory_space<semaphore_mem>>) src(%dma_wait3A_2424 : memref<128x32xf32, #tpu.memory_space<vmem>>) dst(%dma_wait3A_2430 : memref<524288x32xf32, #tpu.memory_space<hbm>>)
    %dma_wait3A_2431 = arith.constant 10 : i32
    %dma_wait3A_2432 = arith.constant 23 : i32
    %dma_wait3A_2433 = arith.constant 0 : i32
    %dma_wait3A_2434 = arith.constant 0 : i32
    %dma_wait3A_2435 = tpu.memref_slice %arg11[%dma_wait3A_2431, %dma_wait3A_2433, %dma_wait3A_2434] : memref<13x128x32xf32, #tpu.memory_space<vmem>> -> memref<1x128x32xf32, #tpu.memory_space<vmem>>
    %dma_wait3A_2436 = tpu.memref_squeeze %dma_wait3A_2435 : memref<1x128x32xf32, #tpu.memory_space<vmem>> -> memref<128x32xf32, #tpu.memory_space<vmem>>
    %dma_wait3A_2437 = arith.constant 0 : i32
    %dma_wait3A_2438 = tpu.memref_slice %arg9[%dma_wait3A_2432, %dma_wait3A_2437] : memref<26x128xi32, #tpu.memory_space<vmem>> -> memref<1x128xi32, #tpu.memory_space<vmem>>
    %dma_wait3A_2439 = tpu.memref_squeeze %dma_wait3A_2438 : memref<1x128xi32, #tpu.memory_space<vmem>> -> memref<128xi32, #tpu.memory_space<vmem>>
    %dma_wait3A_2440 = arith.constant 0 : i32
    %dma_wait3A_2441 = arith.constant 0 : i32
    %dma_wait3A_2442 = tpu.memref_slice %arg5[%dma_wait3A_2440, %dma_wait3A_2441] : memref<524288x32xf32, #tpu.memory_space<hbm>> -> memref<524288x32xf32, #tpu.memory_space<hbm>>
    tpu.wait_indirect_dma semaphore(%arg14 : memref<!tpu.dma_semaphore, #tpu.memory_space<semaphore_mem>>) src(%dma_wait3A_2436 : memref<128x32xf32, #tpu.memory_space<vmem>>) dst(%dma_wait3A_2442 : memref<524288x32xf32, #tpu.memory_space<hbm>>)
    %dma_wait3A_2443 = arith.constant 10 : i32
    %dma_wait3A_2444 = arith.constant 23 : i32
    %dma_wait3A_2445 = arith.constant 0 : i32
    %dma_wait3A_2446 = arith.constant 0 : i32
    %dma_wait3A_2447 = tpu.memref_slice %arg12[%dma_wait3A_2443, %dma_wait3A_2445, %dma_wait3A_2446] : memref<13x128x32xf32, #tpu.memory_space<vmem>> -> memref<1x128x32xf32, #tpu.memory_space<vmem>>
    %dma_wait3A_2448 = tpu.memref_squeeze %dma_wait3A_2447 : memref<1x128x32xf32, #tpu.memory_space<vmem>> -> memref<128x32xf32, #tpu.memory_space<vmem>>
    %dma_wait3A_2449 = arith.constant 0 : i32
    %dma_wait3A_2450 = tpu.memref_slice %arg10[%dma_wait3A_2444, %dma_wait3A_2449] : memref<26x128xi32, #tpu.memory_space<vmem>> -> memref<1x128xi32, #tpu.memory_space<vmem>>
    %dma_wait3A_2451 = tpu.memref_squeeze %dma_wait3A_2450 : memref<1x128xi32, #tpu.memory_space<vmem>> -> memref<128xi32, #tpu.memory_space<vmem>>
    %dma_wait3A_2452 = arith.constant 0 : i32
    %dma_wait3A_2453 = arith.constant 0 : i32
    %dma_wait3A_2454 = tpu.memref_slice %arg5[%dma_wait3A_2452, %dma_wait3A_2453] : memref<524288x32xf32, #tpu.memory_space<hbm>> -> memref<524288x32xf32, #tpu.memory_space<hbm>>
    tpu.wait_indirect_dma semaphore(%arg14 : memref<!tpu.dma_semaphore, #tpu.memory_space<semaphore_mem>>) src(%dma_wait3A_2448 : memref<128x32xf32, #tpu.memory_space<vmem>>) dst(%dma_wait3A_2454 : memref<524288x32xf32, #tpu.memory_space<hbm>>)
    %dma_wait3A_2455 = arith.constant 11 : i32
    %dma_wait3A_2456 = arith.constant 24 : i32
    %dma_wait3A_2457 = arith.constant 0 : i32
    %dma_wait3A_2458 = arith.constant 0 : i32
    %dma_wait3A_2459 = tpu.memref_slice %arg11[%dma_wait3A_2455, %dma_wait3A_2457, %dma_wait3A_2458] : memref<13x128x32xf32, #tpu.memory_space<vmem>> -> memref<1x128x32xf32, #tpu.memory_space<vmem>>
    %dma_wait3A_2460 = tpu.memref_squeeze %dma_wait3A_2459 : memref<1x128x32xf32, #tpu.memory_space<vmem>> -> memref<128x32xf32, #tpu.memory_space<vmem>>
    %dma_wait3A_2461 = arith.constant 0 : i32
    %dma_wait3A_2462 = tpu.memref_slice %arg9[%dma_wait3A_2456, %dma_wait3A_2461] : memref<26x128xi32, #tpu.memory_space<vmem>> -> memref<1x128xi32, #tpu.memory_space<vmem>>
    %dma_wait3A_2463 = tpu.memref_squeeze %dma_wait3A_2462 : memref<1x128xi32, #tpu.memory_space<vmem>> -> memref<128xi32, #tpu.memory_space<vmem>>
    %dma_wait3A_2464 = arith.constant 0 : i32
    %dma_wait3A_2465 = arith.constant 0 : i32
    %dma_wait3A_2466 = tpu.memref_slice %arg5[%dma_wait3A_2464, %dma_wait3A_2465] : memref<524288x32xf32, #tpu.memory_space<hbm>> -> memref<524288x32xf32, #tpu.memory_space<hbm>>
    tpu.wait_indirect_dma semaphore(%arg14 : memref<!tpu.dma_semaphore, #tpu.memory_space<semaphore_mem>>) src(%dma_wait3A_2460 : memref<128x32xf32, #tpu.memory_space<vmem>>) dst(%dma_wait3A_2466 : memref<524288x32xf32, #tpu.memory_space<hbm>>)
    %dma_wait3A_2467 = arith.constant 11 : i32
    %dma_wait3A_2468 = arith.constant 24 : i32
    %dma_wait3A_2469 = arith.constant 0 : i32
    %dma_wait3A_2470 = arith.constant 0 : i32
    %dma_wait3A_2471 = tpu.memref_slice %arg12[%dma_wait3A_2467, %dma_wait3A_2469, %dma_wait3A_2470] : memref<13x128x32xf32, #tpu.memory_space<vmem>> -> memref<1x128x32xf32, #tpu.memory_space<vmem>>
    %dma_wait3A_2472 = tpu.memref_squeeze %dma_wait3A_2471 : memref<1x128x32xf32, #tpu.memory_space<vmem>> -> memref<128x32xf32, #tpu.memory_space<vmem>>
    %dma_wait3A_2473 = arith.constant 0 : i32
    %dma_wait3A_2474 = tpu.memref_slice %arg10[%dma_wait3A_2468, %dma_wait3A_2473] : memref<26x128xi32, #tpu.memory_space<vmem>> -> memref<1x128xi32, #tpu.memory_space<vmem>>
    %dma_wait3A_2475 = tpu.memref_squeeze %dma_wait3A_2474 : memref<1x128xi32, #tpu.memory_space<vmem>> -> memref<128xi32, #tpu.memory_space<vmem>>
    %dma_wait3A_2476 = arith.constant 0 : i32
    %dma_wait3A_2477 = arith.constant 0 : i32
    %dma_wait3A_2478 = tpu.memref_slice %arg5[%dma_wait3A_2476, %dma_wait3A_2477] : memref<524288x32xf32, #tpu.memory_space<hbm>> -> memref<524288x32xf32, #tpu.memory_space<hbm>>
    tpu.wait_indirect_dma semaphore(%arg14 : memref<!tpu.dma_semaphore, #tpu.memory_space<semaphore_mem>>) src(%dma_wait3A_2472 : memref<128x32xf32, #tpu.memory_space<vmem>>) dst(%dma_wait3A_2478 : memref<524288x32xf32, #tpu.memory_space<hbm>>)
    %dma_wait3A_2479 = arith.constant 12 : i32
    %dma_wait3A_2480 = arith.constant 25 : i32
    %dma_wait3A_2481 = arith.constant 0 : i32
    %dma_wait3A_2482 = arith.constant 0 : i32
    %dma_wait3A_2483 = tpu.memref_slice %arg11[%dma_wait3A_2479, %dma_wait3A_2481, %dma_wait3A_2482] : memref<13x128x32xf32, #tpu.memory_space<vmem>> -> memref<1x128x32xf32, #tpu.memory_space<vmem>>
    %dma_wait3A_2484 = tpu.memref_squeeze %dma_wait3A_2483 : memref<1x128x32xf32, #tpu.memory_space<vmem>> -> memref<128x32xf32, #tpu.memory_space<vmem>>
    %dma_wait3A_2485 = arith.constant 0 : i32
    %dma_wait3A_2486 = tpu.memref_slice %arg9[%dma_wait3A_2480, %dma_wait3A_2485] : memref<26x128xi32, #tpu.memory_space<vmem>> -> memref<1x128xi32, #tpu.memory_space<vmem>>
    %dma_wait3A_2487 = tpu.memref_squeeze %dma_wait3A_2486 : memref<1x128xi32, #tpu.memory_space<vmem>> -> memref<128xi32, #tpu.memory_space<vmem>>
    %dma_wait3A_2488 = arith.constant 0 : i32
    %dma_wait3A_2489 = arith.constant 0 : i32
    %dma_wait3A_2490 = tpu.memref_slice %arg5[%dma_wait3A_2488, %dma_wait3A_2489] : memref<524288x32xf32, #tpu.memory_space<hbm>> -> memref<524288x32xf32, #tpu.memory_space<hbm>>
    tpu.wait_indirect_dma semaphore(%arg14 : memref<!tpu.dma_semaphore, #tpu.memory_space<semaphore_mem>>) src(%dma_wait3A_2484 : memref<128x32xf32, #tpu.memory_space<vmem>>) dst(%dma_wait3A_2490 : memref<524288x32xf32, #tpu.memory_space<hbm>>)
    %dma_wait3A_2491 = arith.constant 12 : i32
    %dma_wait3A_2492 = arith.constant 25 : i32
    %dma_wait3A_2493 = arith.constant 0 : i32
    %dma_wait3A_2494 = arith.constant 0 : i32
    %dma_wait3A_2495 = tpu.memref_slice %arg12[%dma_wait3A_2491, %dma_wait3A_2493, %dma_wait3A_2494] : memref<13x128x32xf32, #tpu.memory_space<vmem>> -> memref<1x128x32xf32, #tpu.memory_space<vmem>>
    %dma_wait3A_2496 = tpu.memref_squeeze %dma_wait3A_2495 : memref<1x128x32xf32, #tpu.memory_space<vmem>> -> memref<128x32xf32, #tpu.memory_space<vmem>>
    %dma_wait3A_2497 = arith.constant 0 : i32
    %dma_wait3A_2498 = tpu.memref_slice %arg10[%dma_wait3A_2492, %dma_wait3A_2497] : memref<26x128xi32, #tpu.memory_space<vmem>> -> memref<1x128xi32, #tpu.memory_space<vmem>>
    %dma_wait3A_2499 = tpu.memref_squeeze %dma_wait3A_2498 : memref<1x128xi32, #tpu.memory_space<vmem>> -> memref<128xi32, #tpu.memory_space<vmem>>
    %dma_wait3A_2500 = arith.constant 0 : i32
    %dma_wait3A_2501 = arith.constant 0 : i32
    %dma_wait3A_2502 = tpu.memref_slice %arg5[%dma_wait3A_2500, %dma_wait3A_2501] : memref<524288x32xf32, #tpu.memory_space<hbm>> -> memref<524288x32xf32, #tpu.memory_space<hbm>>
    tpu.wait_indirect_dma semaphore(%arg14 : memref<!tpu.dma_semaphore, #tpu.memory_space<semaphore_mem>>) src(%dma_wait3A_2496 : memref<128x32xf32, #tpu.memory_space<vmem>>) dst(%dma_wait3A_2502 : memref<524288x32xf32, #tpu.memory_space<hbm>>)
    return
  }
}

</mosaic_0001>

<sc_bundles>
// kernel: kernel.3.cloned.1.call-start
scs
__scs_entry_jumppad:
0x0: {  	(pc) =	sbr.rel $0x88, $3  }
0x1: {  	(tag) =	ssettag $0x0;
	lr =	simm.s32 $0x1  }
0x2: {  	[smem:$0x3F9E] =	sst lr;
	_ =	strace $0xD0000000  }
0x3: {  	_ = 	snop  }
0x4: {  	_ = 	snop  }
0x5: {  	_ = 	snop  }
0x6: {  	_ = 	snop  }
0x7: {  	_ = 	snop  }
__scs_overlays_trampoline_lowered:
0x8: {  	[smem:$0x3FAD] =	sst s0  }
0x9: {  	[smem:$0x3FAE] =	sst s1  }
0xa: {  	[smem:$0x3FAF] =	sst s2  }
0xb: {  	[smem:$0x3FB0] =	sst s3  }
0xc: {  	[smem:$0x3FB1] =	sst s4  }
0xd: {  	[smem:$0x3FB2] =	sst s5  }
0xe: {  	[smem:$0x3FB3] =	sst s6  }
0xf: {  	[smem:$0x3FB4] =	sst s7  }
0x10: {  	[smem:$0x3FB5] =	sst s8  }
0x11: {  	[smem:$0x3FB6] =	sst s9;
	s0 =	simm.s32 @!p0 $0x0  }
0x12: {  	s1 =	sld [smem:$0x3F9C];
	s0 =	simm.s32 @p0 $0x1  }
0x13: {  	[smem:$0x3FB7] =	sst s0;
	s0 =	simm.s32 @!p1 $0x0  }
0x14: {  	s2 =	sld [smem:$0x3F9B];
	s0 =	simm.s32 @p1 $0x1  }
0x15: {  	[smem:$0x3FB8] =	sst s0;
	s0 =	simm.s32 @!p2 $0x0  }
0x16: {  	s3 =	sld [smem:$0x3FDB];
	s0 =	simm.s32 @p2 $0x1  }
0x17: {  	s4 =	simm.s32 $0x1BF5;
	[smem:$0x3FBA] =	sst s0  }
0x18: {  	s0 =	sld [smem:$0x3F9D];
	_ =	swait.ge [sflag:s4], $0x0  }
0x19: {  	s7 =	sld [smem:$0x3F9E]  }
0x1a: {  	s8 =	sadd.s32 $0xFFFFE003, lr  }
0x1b: {  	s9 =	sadd.s32 $0xFFFFFEF7, lr;
	s5 =	simm.s32 $0xFFFFFFFF;
	p2 =	slt.u32 s8, $0xFFFFF086  }
0x1c: {  	p1 =	slt.u32 s9, $0xF7A;
	s5 =	simm.s32 @!p2 $0x0  }
0x1d: {  	s5 =	simm.s32 @p1 $0x1;
	p0 =	seq.s32 s7, s2  }
0x1e: {  	s7 =	smul.u32 @!p0 $0xF7A, s2;
	p2 =	seq.s32 @!p0 s5, $0x0  }
0x1f: {  	s9 =	smul.u32 $0xF7A, s1;
	s8 =	simm.s32 @!p0 $0x1BF5;
	p2 =	por !p2, p0  }
0x20: {  	[sflag:s8] =	ssyncset.s32 @!p0 $0xFFFFF086;
	s6 =	sadd.s32 @!p0 s3, s7;
	s7 =	simm.s32 @!p0 $0x108  }
0x21: {  	s3 =	sadd.s32 s3, s9;
	s6 =	sadd.s32 @!p0 $0x88, s6;
	s7 =	simm.s32 @p2 $0x1082  }
0x22: {  	[simem:s7], [sflag:s8] =	dma.local @!p0 [hbm:s6], $0xF7A  }
0x23: {  	s9 =	sor.u32 $0xD0000000, s2;
	s6 =	simm.s32 $0x108;
	_ =	swait.ge @!p0 [sflag:s8], $0x0  }
0x24: {  	s3 =	sadd.s32 $0x88, s3;
	s6 =	simm.s32 @!p1 $0x1082;
	[sflag:s4] =	ssyncset.s32 $0xFFFFF086  }
0x25: {  	[simem:s6], [sflag:s4] =	dma.local [hbm:s3], $0xF7A  }
0x26: {  	[smem:$0x3F9E] =	sst s1;
	(tag) =	ssettag s2;
	_ =	strace s9  }
0x27: {  	s1 =	sld [smem:$0x3FAE]  }
0x28: {  	s2 =	sld [smem:$0x3FAF]  }
0x29: {  	s4 =	sld [smem:$0x3FB1]  }
0x2a: {  	p0 =	seq.s32 s5, $0x0;
	s5 =	sld [smem:$0x3FB2]  }
0x2b: {  	s6 =	sld [smem:$0x3FB3]  }
0x2c: {  	s7 =	sld [smem:$0x3FB4]  }
0x2d: {  	s3 =	simm.s32 $0x108;
	s8 =	sld [smem:$0x3FB5]  }
0x2e: {  	s3 =	simm.s32 @!p0 $0x1082;
	s9 =	sld [smem:$0x3FB6]  }
0x2f: {  	lr =	sadd.s32 s0, s3;
	s0 =	sld [smem:$0x3FAD]  }
0x30: {  	s3 =	sld [smem:$0x3FB0]  }
0x31: {  	[smem:$0x3FB9] =	sst s10  }
0x32: {  	s10 =	sld [smem:$0x3FB7];
	_ =	sdelay $0x3  }
0x33: {  	p0 =	seq.s32 s10, $0x1;
	s10 =	sld [smem:$0x3FB9];
	_ =	sdelay $0x3  }
0x34: {  	[smem:$0x3FB9] =	sst s10  }
0x35: {  	s10 =	sld [smem:$0x3FB8];
	_ =	sdelay $0x3  }
0x36: {  	p1 =	seq.s32 s10, $0x1;
	s10 =	sld [smem:$0x3FB9];
	_ =	sdelay $0x3  }
0x37: {  	[smem:$0x3FB9] =	sst s10  }
0x38: {  	s10 =	sld [smem:$0x3FBA]  }
0x39: {  	_ = 	snop;
	(pc) =	sbr.ind lr, $3  }
0x3a: {  	_ = 	snop  }
0x3b: {  	_ = 	snop  }
0x3c: {  	p2 =	seq.s32 s10, $0x1;
	s10 =	sld [smem:$0x3FB9]  }
0x3d: {  	_ =	shalt  }
0x3e: {  	_ =	shalt  }
0x3f: {  	_ =	shalt  }
0x40: {  	_ =	shalt  }
0x41: {  	_ =	shalt  }
0x42: {  	_ =	shalt  }
0x43: {  	_ =	shalt  }
0x44: {  	_ =	shalt  }
0x45: {  	_ =	shalt  }
0x46: {  	_ =	shalt  }
0x47: {  	_ =	shalt  }
0x48: {  	_ =	shalt  }
0x49: {  	_ =	shalt  }
0x4a: {  	_ =	shalt  }
0x4b: {  	_ =	shalt  }
0x4c: {  	_ =	shalt  }
0x4d: {  	_ =	shalt  }
0x4e: {  	_ =	shalt  }
0x4f: {  	_ =	shalt  }
0x50: {  	_ =	shalt  }
0x51: {  	_ =	shalt  }
0x52: {  	_ =	shalt  }
0x53: {  	_ =	shalt  }
0x54: {  	_ =	shalt  }
0x55: {  	_ =	shalt  }
0x56: {  	_ =	shalt  }
0x57: {  	_ =	shalt  }
0x58: {  	_ =	shalt  }
0x59: {  	_ =	shalt  }
0x5a: {  	_ =	shalt  }
0x5b: {  	_ =	shalt  }
0x5c: {  	_ =	shalt  }
0x5d: {  	_ =	shalt  }
0x5e: {  	_ =	shalt  }
0x5f: {  	_ =	shalt  }
0x60: {  	_ =	shalt  }
0x61: {  	_ =	shalt  }
0x62: {  	_ =	shalt  }
0x63: {  	_ =	shalt  }
0x64: {  	_ =	shalt  }
0x65: {  	_ =	shalt  }
0x66: {  	_ =	shalt  }
0x67: {  	_ =	shalt  }
0x68: {  	_ =	shalt  }
0x69: {  	_ =	shalt  }
0x6a: {  	_ =	shalt  }
0x6b: {  	_ =	shalt  }
0x6c: {  	_ =	shalt  }
0x6d: {  	_ =	shalt  }
0x6e: {  	_ =	shalt  }
0x6f: {  	_ =	shalt  }
0x70: {  	_ =	shalt  }
0x71: {  	_ =	shalt  }
0x72: {  	_ =	shalt  }
0x73: {  	_ =	shalt  }
0x74: {  	_ =	shalt  }
0x75: {  	_ =	shalt  }
0x76: {  	_ =	shalt  }
0x77: {  	_ =	shalt  }
0x78: {  	_ =	shalt  }
0x79: {  	_ =	shalt  }
0x7a: {  	_ =	shalt  }
0x7b: {  	_ =	shalt  }
0x7c: {  	_ =	shalt  }
0x7d: {  	_ =	shalt  }
0x7e: {  	_ =	shalt  }
0x7f: {  	_ =	shalt  }
0x80: {  	_ =	shalt  }
0x81: {  	_ =	shalt  }
0x82: {  	_ =	shalt  }
0x83: {  	_ =	shalt  }
0x84: {  	_ =	shalt  }
0x85: {  	_ =	shalt  }
0x86: {  	_ =	shalt  }
0x87: {  	_ =	shalt  }
.Lfunc_end0:
.L_simem_size_0:
called_computation_lowered:
.L_overlay_start_0:
0x88: {  	s2 =	sld [smem:$0x3FD9]  }
0x89: {  	s3 =	sld [smem:$0x3FFE];
	_ =	sdelay $0x1  }
0x8a: {  	s1 =	srdreg.scid  }
0x8b: {  	s0 =	sand.u32 $0x1, s1  }
0x8c: {  	s17 =	sshll.u32 s0, $0xA;
	s2 =	sadd.s32 s3, s2  }
0x8d: {  	s2 =	sadd.s32 s2, s17  }
0x8e: {  	[smem:$0x3FC5] =	sst s2  }
0x8f: {  	_ = 	snop  }
0x90: {  	s2 =	sld [smem:$0x3FD0];
	(tm) =	ssettm $0x1  }
0x91: {  	s18 =	sld [smem:$0x3FFB];
	_ =	sdelay $0x3  }
0x92: {  	_ =	strace s18  }
0x93: {  	s3 =	sld [smem:$0x3FFC];
	_ =	sdelay $0x3  }
0x94: {  	_ =	strace s3  }
0x95: {  	s3 =	sld [smem:$0x3FFD];
	_ =	sdelay $0x3  }
0x96: {  	_ =	strace s3  }
0x97: {  	_ =	strace $0x8FFFFFFF  }
0x98: {  	s19 =	sld [smem:$0x3FDB];
	_ =	sdelay $0x1  }
0x99: {  	s4 =	simm.s32 $_scs_section_size  }
0x9a: {  	s5 =	simm.s32 $_size__tile_overlayer_lowered;
	s6 =	simm.s32 $_tile_overlayer_lowered  }
0x9b: {  	s22 =	simm.s32 $0x1BFF;
	s21 =	sshll.u32 s6, $0x1;
	s3 =	sadd.s32 s4, s19  }
0x9c: {  	s7 =	simm.s32 $0x0;
	s20 =	sshll.u32 s5, $0x1;
	s5 =	sadd.s32 s21, s3  }
0x9d: {  	[timem:s7], [sflag:s22] =	dma.local [hbm:s5], s20  }
0x9e: {  	_ =	swait.ge [sflag:s22], s20  }
0x9f: {  	s4 =	ssub.s32 $0x0, s20;
	[sflag:s22] =	ssyncset.done $0x0  }
0xa0: {  	[sflag:s22] =	ssyncadd.s32 s4;
	_ =	sdelay $0x1  }
0xa1: {  	s23 =	simm.s32 $0x1B8B  }
0xa2: {  	_ =	swait.ge [sflag:s23], $0x1  }
0xa3: {  	[sflag:s23] =	ssyncset.done $0x0  }
0xa4: {  	s25 =	simm.s32 $0x1B8E;
	s24 =	sld [smem:$0x3FFE];
	[sflag:s23] =	ssyncadd.s32 $0xFFFFFFFF  }
0xa5: {  	s26 =	simm.s32 $execute0_lowered;
	[smem:$0x3FD2] =	sst s25  }
0xa6: {  	s5 =	sshll.u32 s26, $0x1;
	_ =	strace $0x80000046;
	[dreg:$0x1] =	wrdreg $0xFFFFFFFF  }
0xa7: {  	s28 =	simm.s32 $_size_execute0_lowered;
	s3 =	sadd.s32 s3, s5;
	[dreg:$0x0] =	wrdreg $0x0  }
0xa8: {  	s5 =	sshll.u32 s28, $0x1;
	[dreg:$0x2] =	wrdreg s3  }
0xa9: {  	[dreg:$0x3] =	wrdreg s5  }
0xaa: {  	[dreg:$0x4] =	wrdreg $0xC0  }
0xab: {  	_ =	task [dreg:s7], $0x5FFFF  }
0xac: {  	[dreg:$0x1] =	wrdreg $0xFFFFFFFF  }
0xad: {  	[dreg:$0x0] =	wrdreg $0x60  }
0xae: {  	[dreg:$0x2] =	wrdreg s2  }
0xaf: {  	[dreg:$0x3] =	wrdreg s24  }
0xb0: {  	[dreg:$0x4] =	wrdreg $0x9  }
0xb1: {  	_ =	task.clear_ibuf [dreg:s7], $0x5FFFF;
	_ =	strace $0x90000046  }
0xb2: {  	s29 =	simm.s32 $0x9;
	_ =	strace $0x80000048  }
0xb3: {  	_ =	swait.ge [sflag:s29], $0x1  }
0xb4: {  	[sflag:s29] =	ssyncadd.s32 $0xFFFFFFFF  }
0xb5: {  	_ =	strace $0x90000048  }
0xb6: {  	_ =	sfence  }
0xb7: {  	s30 =	sld [smem:$0x0];
	_ =	sdelay $0x2  }
0xb8: {  	s31 =	sshll.u32 s1, $0xD;
	s1 =	sshrl.u32 s1, $0x2  }
0xb9: {  	s3 =	sand.u32 $0x4000, s31;
	s1 =	sadd.s32 s1, s30  }
0xba: {  	s0 =	sor.u32 s3, s0;
	s1 =	sshll.u32 s1, $0x11  }
0xbb: {  	s0 =	sor.u32 s1, s0  }
0xbc: {  	s0 =	sadd.s32 $0x8F2B, s0  }
0xbd: {  	[sflag:s0] =	ssyncadd.remote.s32 $0x1  }
0xbe: {  	_ =	sfence.sel $0xFFFF  }
0xbf: {  	[dreg:$0x0] =	wrdreg $0xFFFFFFFF;
	(pc) =	sbr.abs _section_cstart, $3  }
0xc0: {  	[dreg:$0x1] =	wrdreg $0xFFFFFFFF  }
0xc1: {  	_ =	task.clear_ibuf [dreg:s7], $0x2FFFF;
	_ =	strace $0x9FFFFFFF  }
0xc2: {  	(tm) =	ssettm $0x7FFFFFFF  }
0xc3: {  	_ =	shalt  }
tec
execute0_lowered:
.L_overlay_start_1:
0x0: {  	(tag) =	ssettag $0x1  }
0x1: {  	s0 =	rddreg [dreg:$0x0]  }
0x2: {  	s1 =	rddreg [dreg:$0x1]  }
0x3: {  	s2 =	srdreg.scid;
	s4 =	stileid.u32;
	s5 =	simm.s32 $0x0  }
0x4: {  	s10 =	simm.s32 $0x80;
	s12 =	simm.s32 $0x1;
	s14 =	simm.s32 $0x2  }
0x5: {  	s2 =	sand.u32 $0x1, s2;
	s3 =	sshll.u32 s4, $0x1;
	[smem:$0x7FF] =	sst s5  }
0x6: {  	s8 =	smul.u32 $0x1A00, s4;
	s3 =	sor.u32 s2, s3;
	s7 =	ssub.s32 $0x2, s2  }
0x7: {  	s4 =	sadd.s32 $0xF42A00, s1;
	s6 =	smul.u32 $0xD00, s3;
	s9 =	sshrl.u32 s7, $0x1  }
0x8: {  	s5 =	sadd.s32 $0x600, s1;
	_ =	strace $0x80000047;
	s30 =	ssub.s32 s7, s9  }
0x9: {  	s2 =	smul.u32 $0xD00, s2;
	s6 =	sshrl.u32 s6, $0x3;
	s31 =	smax.u32 s30, $0x1  }
0xa: {  	s3 =	sadd.s32 $0x1313400, s1;
	s0 =	sadd.s32 s0, s6;
	[dreg:$0x4] =	wrdreg s31  }
0xb: {  	v0 =	vimm.f32 $2.147483650e+09;
	v1 =	vlaneseq.u32;
	s8 =	sadd.s32 s2, s8;
	[dreg:$0x3] =	wrdreg s0;
	s0 =	simm.s32 $0x0  }
.LBB2_1:
0xc: {  	[dreg:$0x5] =	wrdreg s0  }
0xd: {  	s1 =	simm.s32 $0x0;
	s18 =	rddreg [dreg:$0x3];
	s31 =	simm.s32 $0x3  }
0xe: {  	[tilespmem:s1], [sflag:$0x3] =	stream.linear.gather [hbm4b:s18+s1], $0xD00, $0x38;
	[tilespmem:$0x1E100] =	vst v63  }
0xf: {  	s20 =	simm.s32 $0x2740;
	s22 =	simm.s32 $0x1A40;
	_ =	swait.ge [sflag:s31], $0xD00  }
0x10: {  	s24 =	simm.s32 $0xD40;
	s26 =	simm.s32 $0x40;
	[sflag:s31] =	ssyncset.done $0x0  }
0x11: {  	s29 =	simm.s32 $0x0;
	s18 =	simm.s32 $0x3440;
	[sflag:s31] =	ssyncadd.s32 $0xFFFFF300  }
.LBB2_2:
0x12: {  	v2 =	vld [tilespmem:s26+$0xFFFFFFC0];
	_ =	sdelay $0x4  }
0x13: {  	v3 =	vxor.u32 $0x2A, v2  }
0x14: {  	v3 =	vmul.u32 $0x9E3779B1, v3;
	_ =	sdelay $0x1  }
0x15: {  	v4 =	vshrl.u32 v3, $0x10  }
0x16: {  	v3 =	vxor.u32 v3, v4  }
0x17: {  	v3 =	vmul.u32 $0x85EBCA77, v3  }
0x18: {  	v2 =	vxor.u32 $0x2B, v2  }
0x19: {  	v2 =	vmul.u32 $0x9E3779B1, v2;
	v55 =	vshrl.u32 v3, $0xD  }
0x1a: {  	v3 =	vxor.u32 v3, v55  }
0x1b: {  	v6 =	vshrl.u32 v2, $0x10;
	v4 =	vshrl.u32 v3, $0x10  }
0x1c: {  	v2 =	vxor.u32 v2, v6;
	v4 =	vcvt.s32.f32 v4  }
0x1d: {  	v2 =	vmul.u32 $0x85EBCA77, v2;
	v5 =	vand.u32 $0xFFFF, v3  }
0x1e: {  	v5 =	vcvt.s32.f32 v5;
	v4 =	vmul.f32 $6.553600000e+04, v4  }
0x1f: {  	v56 =	vshrl.u32 v2, $0xD  }
0x20: {  	v2 =	vxor.u32 v2, v56;
	v4 =	vadd.f32 v5, v4  }
0x21: {  	v58 =	vshrl.u32 v2, $0x10  }
0x22: {  	v6 =	vcvt.s32.f32 v58;
	v4 =	vmul.f32 $9.999999970e-07, v4  }
0x23: {  	v8 =	vand.u32 $0xFFFF, v2  }
0x24: {  	v8 =	vcvt.s32.f32 v8;
	v6 =	vmul.f32 $6.553600000e+04, v6;
	v57 =	vsub.f32 v4, v0;
	_ =	sdelay $0x1  }
0x25: {  	v59 =	vadd.f32 v8, v6;
	v7 =	vtrunc.f32 v4;
	v5 =	vtrunc.f32 v57  }
0x26: {  	s31 =	sadd.s32 s29, s8;
	v7 =	vcvt.f32.s32 v7;
	v5 =	vcvt.f32.s32 v5  }
0x27: {  	v63 =	vor.u32 s31, v1;
	vm0 =	vlt.f32 v4, $2.147483650e+09;
	v4 =	vmul.f32 $9.999999970e-07, v59  }
0x28: {  	v10 =	vcvt.s32.f32 v63;
	v5 =	vsel vm0, v7, v5  }
0x29: {  	v60 =	vsub.f32 v4, v0;
	v5 =	vmul.u32 $0xFFF0BDC0, v5  }
0x2a: {  	v62 =	vtrunc.f32 v4;
	vm15 =	vlt.f32 v4, $2.147483650e+09;
	v4 =	vmul.f32 $3.846153990e-02, v10  }
0x2b: {  	v3 =	vadd.s32 v3, v5;
	v5 =	vtrunc.f32 v60  }
0x2c: {  	v4 =	vadd.f32 $1.000000050e-03, v4;
	v7 =	vcvt.f32.s32 v62;
	v5 =	vcvt.f32.s32 v5;
	_ =	sdelay $0x1  }
0x2d: {  	v4 =	vtrunc.f32 v4;
	v5 =	vsel vm15, v7, v5  }
0x2e: {  	v4 =	vcvt.f32.s32 v4;
	v5 =	vmul.u32 $0xFFF0BDC0, v5  }
0x2f: {  	vm14 =	vlt.s32 v3, $0x0;
	v61 =	vadd.s32 $0xF4240, v3  }
0x30: {  	v15 =	vmul.u32 $0x3FFFFFE6, v4;
	v3 =	vsel vm14, v61, v3;
	v2 =	vadd.s32 v2, v5  }
0x31: {  	vm1 =	vlt.s32 v3, $0x0;
	vm5 =	vlt.s32 v2, $0x0;
	v12 =	vadd.s32 $0xF4240, v2  }
0x32: {  	v6 =	vadd.s32 $0xF4240, v3;
	v16 =	vadd.s32 v63, v15;
	v2 =	vsel vm5, v12, v2  }
0x33: {  	v3 =	vsel vm1, v6, v3;
	vm6 =	vlt.s32 v2, $0x0;
	v13 =	vadd.s32 $0xF4240, v2  }
0x34: {  	vm4 =	vgt.s32 v3, $0xF423F;
	v11 =	vadd.s32 $0xFFF0BDC0, v3;
	v2 =	vsel vm6, v13, v2  }
0x35: {  	v3 =	vsel vm4, v11, v3;
	vm0 =	vgt.s32 v2, $0xF423F;
	v5 =	vadd.s32 $0xFFF0BDC0, v2  }
0x36: {  	vm7 =	vgt.s32 v3, $0xF423F;
	v14 =	vadd.s32 $0xFFF0BDC0, v3;
	v2 =	vsel vm0, v5, v2  }
0x37: {  	v3 =	vsel vm7, v14, v3;
	vm0 =	vgt.s32 v2, $0xF423F;
	v5 =	vadd.s32 $0xFFF0BDC0, v2  }
0x38: {  	v17 =	vshll.u32 v16, $0x2;
	[tilespmem:s24+$0xFFFFFFC0] =	vst v3;
	v3 =	vshll.u32 v4, $0x7;
	v2 =	vsel vm0, v5, v2  }
0x39: {  	[tilespmem:s22+$0xFFFFFFC0] =	vst v2;
	v2 =	vadd.s32 v3, v17  }
0x3a: {  	[tilespmem:s20+$0xFFFFFFC0] =	vst v2;
	v2 =	vor.u32 $0x1, v2  }
0x3b: {  	[tilespmem:s18+$0xFFFFFFC0] =	vst v2  }
0x3c: {  	v2 =	vld [tilespmem:s26+$0xFFFFFFD0];
	_ =	sdelay $0x4  }
0x3d: {  	v3 =	vxor.u32 $0x2A, v2  }
0x3e: {  	v3 =	vmul.u32 $0x9E3779B1, v3;
	_ =	sdelay $0x1  }
0x3f: {  	v18 =	vshrl.u32 v3, $0x10  }
0x40: {  	v3 =	vxor.u32 v3, v18  }
0x41: {  	v3 =	vmul.u32 $0x85EBCA77, v3  }
0x42: {  	v2 =	vxor.u32 $0x2B, v2  }
0x43: {  	v2 =	vmul.u32 $0x9E3779B1, v2;
	v19 =	vshrl.u32 v3, $0xD  }
0x44: {  	v3 =	vxor.u32 v3, v19  }
0x45: {  	v21 =	vshrl.u32 v2, $0x10;
	v4 =	vshrl.u32 v3, $0x10  }
0x46: {  	v2 =	vxor.u32 v2, v21;
	v4 =	vcvt.s32.f32 v4  }
0x47: {  	v2 =	vmul.u32 $0x85EBCA77, v2;
	v20 =	vand.u32 $0xFFFF, v3  }
0x48: {  	v5 =	vcvt.s32.f32 v20;
	v4 =	vmul.f32 $6.553600000e+04, v4  }
0x49: {  	v22 =	vshrl.u32 v2, $0xD  }
0x4a: {  	v2 =	vxor.u32 v2, v22;
	v4 =	vadd.f32 v5, v4  }
0x4b: {  	v24 =	vshrl.u32 v2, $0x10  }
0x4c: {  	v6 =	vcvt.s32.f32 v24;
	v4 =	vmul.f32 $9.999999970e-07, v4  }
0x4d: {  	v26 =	vand.u32 $0xFFFF, v2  }
0x4e: {  	v8 =	vcvt.s32.f32 v26;
	v6 =	vmul.f32 $6.553600000e+04, v6;
	v23 =	vsub.f32 v4, v0;
	_ =	sdelay $0x1  }
0x4f: {  	v27 =	vadd.f32 v8, v6;
	v25 =	vtrunc.f32 v4;
	v5 =	vtrunc.f32 v23  }
0x50: {  	s1 =	sadd.s32 $0x10, s31;
	v7 =	vcvt.f32.s32 v25;
	v5 =	vcvt.f32.s32 v5  }
0x51: {  	v31 =	vor.u32 s1, v1;
	vm8 =	vlt.f32 v4, $2.147483650e+09;
	v4 =	vmul.f32 $9.999999970e-07, v27  }
0x52: {  	v32 =	vcvt.s32.f32 v31;
	v5 =	vsel vm8, v7, v5  }
0x53: {  	v28 =	vsub.f32 v4, v0;
	v5 =	vmul.u32 $0xFFF0BDC0, v5  }
0x54: {  	v30 =	vtrunc.f32 v4;
	vm10 =	vlt.f32 v4, $2.147483650e+09;
	v4 =	vmul.f32 $3.846153990e-02, v32  }
0x55: {  	v3 =	vadd.s32 v3, v5;
	v5 =	vtrunc.f32 v28  }
0x56: {  	v4 =	vadd.f32 $1.000000050e-03, v4;
	v7 =	vcvt.f32.s32 v30;
	v5 =	vcvt.f32.s32 v5;
	_ =	sdelay $0x1  }
0x57: {  	v4 =	vtrunc.f32 v4;
	v5 =	vsel vm10, v7, v5  }
0x58: {  	v4 =	vcvt.f32.s32 v4;
	v5 =	vmul.u32 $0xFFF0BDC0, v5  }
0x59: {  	vm9 =	vlt.s32 v3, $0x0;
	v29 =	vadd.s32 $0xF4240, v3  }
0x5a: {  	v37 =	vmul.u32 $0x3FFFFFE6, v4;
	v3 =	vsel vm9, v29, v3;
	v2 =	vadd.s32 v2, v5  }
0x5b: {  	vm11 =	vlt.s32 v3, $0x0;
	vm13 =	vlt.s32 v2, $0x0;
	v34 =	vadd.s32 $0xF4240, v2  }
0x5c: {  	v6 =	vadd.s32 $0xF4240, v3;
	v38 =	vadd.s32 v31, v37;
	v2 =	vsel vm13, v34, v2  }
0x5d: {  	v3 =	vsel vm11, v6, v3;
	vm14 =	vlt.s32 v2, $0x0;
	v35 =	vadd.s32 $0xF4240, v2  }
0x5e: {  	vm12 =	vgt.s32 v3, $0xF423F;
	v33 =	vadd.s32 $0xFFF0BDC0, v3;
	v2 =	vsel vm14, v35, v2  }
0x5f: {  	v3 =	vsel vm12, v33, v3;
	vm0 =	vgt.s32 v2, $0xF423F;
	v5 =	vadd.s32 $0xFFF0BDC0, v2  }
0x60: {  	vm15 =	vgt.s32 v3, $0xF423F;
	v36 =	vadd.s32 $0xFFF0BDC0, v3;
	v2 =	vsel vm0, v5, v2  }
0x61: {  	v3 =	vsel vm15, v36, v3;
	vm0 =	vgt.s32 v2, $0xF423F;
	v5 =	vadd.s32 $0xFFF0BDC0, v2  }
0x62: {  	v39 =	vshll.u32 v38, $0x2;
	[tilespmem:s24+$0xFFFFFFD0] =	vst v3;
	v3 =	vshll.u32 v4, $0x7;
	v2 =	vsel vm0, v5, v2  }
0x63: {  	[tilespmem:s22+$0xFFFFFFD0] =	vst v2;
	v2 =	vadd.s32 v3, v39  }
0x64: {  	[tilespmem:s20+$0xFFFFFFD0] =	vst v2;
	v2 =	vor.u32 $0x1, v2  }
0x65: {  	[tilespmem:s18+$0xFFFFFFD0] =	vst v2  }
0x66: {  	v2 =	vld [tilespmem:s26+$0xFFFFFFE0];
	_ =	sdelay $0x4  }
0x67: {  	v3 =	vxor.u32 $0x2A, v2  }
0x68: {  	v3 =	vmul.u32 $0x9E3779B1, v3;
	_ =	sdelay $0x1  }
0x69: {  	v40 =	vshrl.u32 v3, $0x10  }
0x6a: {  	v3 =	vxor.u32 v3, v40  }
0x6b: {  	v3 =	vmul.u32 $0x85EBCA77, v3  }
0x6c: {  	v2 =	vxor.u32 $0x2B, v2  }
0x6d: {  	v2 =	vmul.u32 $0x9E3779B1, v2;
	v41 =	vshrl.u32 v3, $0xD  }
0x6e: {  	v3 =	vxor.u32 v3, v41  }
0x6f: {  	v43 =	vshrl.u32 v2, $0x10;
	v4 =	vshrl.u32 v3, $0x10  }
0x70: {  	v2 =	vxor.u32 v2, v43;
	v4 =	vcvt.s32.f32 v4  }
0x71: {  	v2 =	vmul.u32 $0x85EBCA77, v2;
	v42 =	vand.u32 $0xFFFF, v3  }
0x72: {  	v5 =	vcvt.s32.f32 v42;
	v4 =	vmul.f32 $6.553600000e+04, v4  }
0x73: {  	v44 =	vshrl.u32 v2, $0xD  }
0x74: {  	v2 =	vxor.u32 v2, v44;
	v4 =	vadd.f32 v5, v4  }
0x75: {  	v46 =	vshrl.u32 v2, $0x10  }
0x76: {  	v6 =	vcvt.s32.f32 v46;
	v4 =	vmul.f32 $9.999999970e-07, v4  }
0x77: {  	v48 =	vand.u32 $0xFFFF, v2  }
0x78: {  	v8 =	vcvt.s32.f32 v48;
	v6 =	vmul.f32 $6.553600000e+04, v6;
	v45 =	vsub.f32 v4, v0;
	_ =	sdelay $0x1  }
0x79: {  	v49 =	vadd.f32 v8, v6;
	v47 =	vtrunc.f32 v4;
	v5 =	vtrunc.f32 v45  }
0x7a: {  	s21 =	sadd.s32 $0x20, s31;
	v7 =	vcvt.f32.s32 v47;
	v5 =	vcvt.f32.s32 v5  }
0x7b: {  	v53 =	vor.u32 s21, v1;
	vm4 =	vlt.f32 v4, $2.147483650e+09;
	v4 =	vmul.f32 $9.999999970e-07, v49  }
0x7c: {  	v54 =	vcvt.s32.f32 v53;
	v5 =	vsel vm4, v7, v5  }
0x7d: {  	v50 =	vsub.f32 v4, v0;
	v5 =	vmul.u32 $0xFFF0BDC0, v5  }
0x7e: {  	v52 =	vtrunc.f32 v4;
	vm6 =	vlt.f32 v4, $2.147483650e+09;
	v4 =	vmul.f32 $3.846153990e-02, v54  }
0x7f: {  	v3 =	vadd.s32 v3, v5;
	v5 =	vtrunc.f32 v50  }
0x80: {  	v4 =	vadd.f32 $1.000000050e-03, v4;
	v7 =	vcvt.f32.s32 v52;
	v5 =	vcvt.f32.s32 v5;
	_ =	sdelay $0x1  }
0x81: {  	v4 =	vtrunc.f32 v4;
	v5 =	vsel vm6, v7, v5  }
0x82: {  	v4 =	vcvt.f32.s32 v4;
	v5 =	vmul.u32 $0xFFF0BDC0, v5  }
0x83: {  	vm5 =	vlt.s32 v3, $0x0;
	v51 =	vadd.s32 $0xF4240, v3  }
0x84: {  	v59 =	vmul.u32 $0x3FFFFFE6, v4;
	v3 =	vsel vm5, v51, v3;
	v2 =	vadd.s32 v2, v5  }
0x85: {  	vm7 =	vlt.s32 v3, $0x0;
	vm9 =	vlt.s32 v2, $0x0;
	v56 =	vadd.s32 $0xF4240, v2  }
0x86: {  	v6 =	vadd.s32 $0xF4240, v3;
	v60 =	vadd.s32 v53, v59;
	v2 =	vsel vm9, v56, v2  }
0x87: {  	v3 =	vsel vm7, v6, v3;
	vm10 =	vlt.s32 v2, $0x0;
	v57 =	vadd.s32 $0xF4240, v2  }
0x88: {  	vm8 =	vgt.s32 v3, $0xF423F;
	v55 =	vadd.s32 $0xFFF0BDC0, v3;
	v2 =	vsel vm10, v57, v2  }
0x89: {  	v3 =	vsel vm8, v55, v3;
	vm0 =	vgt.s32 v2, $0xF423F;
	v5 =	vadd.s32 $0xFFF0BDC0, v2  }
0x8a: {  	vm11 =	vgt.s32 v3, $0xF423F;
	v58 =	vadd.s32 $0xFFF0BDC0, v3;
	v2 =	vsel vm0, v5, v2  }
0x8b: {  	v3 =	vsel vm11, v58, v3;
	vm0 =	vgt.s32 v2, $0xF423F;
	v5 =	vadd.s32 $0xFFF0BDC0, v2  }
0x8c: {  	v61 =	vshll.u32 v60, $0x2;
	[tilespmem:s24+$0xFFFFFFE0] =	vst v3;
	v3 =	vshll.u32 v4, $0x7;
	v2 =	vsel vm0, v5, v2  }
0x8d: {  	[tilespmem:s22+$0xFFFFFFE0] =	vst v2;
	v2 =	vadd.s32 v3, v61  }
0x8e: {  	[tilespmem:s20+$0xFFFFFFE0] =	vst v2;
	v2 =	vor.u32 $0x1, v2  }
0x8f: {  	[tilespmem:s18+$0xFFFFFFE0] =	vst v2  }
0x90: {  	v2 =	vld [tilespmem:s26+$0xFFFFFFF0];
	_ =	sdelay $0x4  }
0x91: {  	v3 =	vxor.u32 $0x2A, v2  }
0x92: {  	v3 =	vmul.u32 $0x9E3779B1, v3;
	_ =	sdelay $0x1  }
0x93: {  	v62 =	vshrl.u32 v3, $0x10  }
0x94: {  	v3 =	vxor.u32 v3, v62  }
0x95: {  	v3 =	vmul.u32 $0x85EBCA77, v3  }
0x96: {  	v2 =	vxor.u32 $0x2B, v2  }
0x97: {  	v2 =	vmul.u32 $0x9E3779B1, v2;
	v63 =	vshrl.u32 v3, $0xD  }
0x98: {  	v3 =	vxor.u32 v3, v63  }
0x99: {  	v9 =	vshrl.u32 v2, $0x10;
	v4 =	vshrl.u32 v3, $0x10  }
0x9a: {  	v2 =	vxor.u32 v2, v9;
	v4 =	vcvt.s32.f32 v4  }
0x9b: {  	v2 =	vmul.u32 $0x85EBCA77, v2;
	v8 =	vand.u32 $0xFFFF, v3  }
0x9c: {  	v5 =	vcvt.s32.f32 v8;
	v4 =	vmul.f32 $6.553600000e+04, v4  }
0x9d: {  	v10 =	vshrl.u32 v2, $0xD  }
0x9e: {  	v2 =	vxor.u32 v2, v10;
	v4 =	vadd.f32 v5, v4  }
0x9f: {  	v12 =	vshrl.u32 v2, $0x10  }
0xa0: {  	v6 =	vcvt.s32.f32 v12;
	v4 =	vmul.f32 $9.999999970e-07, v4  }
0xa1: {  	v14 =	vand.u32 $0xFFFF, v2  }
0xa2: {  	v8 =	vcvt.s32.f32 v14;
	v6 =	vmul.f32 $6.553600000e+04, v6;
	v11 =	vsub.f32 v4, v0;
	_ =	sdelay $0x1  }
0xa3: {  	v15 =	vadd.f32 v8, v6;
	v13 =	vtrunc.f32 v4;
	v5 =	vtrunc.f32 v11  }
0xa4: {  	s23 =	sadd.s32 $0x30, s31;
	v7 =	vcvt.f32.s32 v13;
	v5 =	vcvt.f32.s32 v5  }
0xa5: {  	v19 =	vor.u32 s23, v1;
	vm12 =	vlt.f32 v4, $2.147483650e+09;
	v4 =	vmul.f32 $9.999999970e-07, v15  }
0xa6: {  	v20 =	vcvt.s32.f32 v19;
	v5 =	vsel vm12, v7, v5  }
0xa7: {  	v16 =	vsub.f32 v4, v0;
	v5 =	vmul.u32 $0xFFF0BDC0, v5  }
0xa8: {  	v18 =	vtrunc.f32 v4;
	vm14 =	vlt.f32 v4, $2.147483650e+09;
	v4 =	vmul.f32 $3.846153990e-02, v20  }
0xa9: {  	v3 =	vadd.s32 v3, v5;
	v5 =	vtrunc.f32 v16  }
0xaa: {  	v4 =	vadd.f32 $1.000000050e-03, v4;
	v7 =	vcvt.f32.s32 v18;
	v5 =	vcvt.f32.s32 v5;
	_ =	sdelay $0x1  }
0xab: {  	v4 =	vtrunc.f32 v4;
	v5 =	vsel vm14, v7, v5  }
0xac: {  	v4 =	vcvt.f32.s32 v4;
	v5 =	vmul.u32 $0xFFF0BDC0, v5  }
0xad: {  	vm13 =	vlt.s32 v3, $0x0;
	v17 =	vadd.s32 $0xF4240, v3  }
0xae: {  	v25 =	vmul.u32 $0x3FFFFFE6, v4;
	v3 =	vsel vm13, v17, v3;
	v2 =	vadd.s32 v2, v5  }
0xaf: {  	vm15 =	vlt.s32 v3, $0x0;
	vm5 =	vlt.s32 v2, $0x0;
	v22 =	vadd.s32 $0xF4240, v2  }
0xb0: {  	v6 =	vadd.s32 $0xF4240, v3;
	v26 =	vadd.s32 v19, v25;
	v2 =	vsel vm5, v22, v2  }
0xb1: {  	v3 =	vsel vm15, v6, v3;
	vm6 =	vlt.s32 v2, $0x0;
	v23 =	vadd.s32 $0xF4240, v2  }
0xb2: {  	vm4 =	vgt.s32 v3, $0xF423F;
	v21 =	vadd.s32 $0xFFF0BDC0, v3;
	v2 =	vsel vm6, v23, v2  }
0xb3: {  	v3 =	vsel vm4, v21, v3;
	vm0 =	vgt.s32 v2, $0xF423F;
	v5 =	vadd.s32 $0xFFF0BDC0, v2  }
0xb4: {  	vm7 =	vgt.s32 v3, $0xF423F;
	v24 =	vadd.s32 $0xFFF0BDC0, v3;
	v2 =	vsel vm0, v5, v2  }
0xb5: {  	v3 =	vsel vm7, v24, v3;
	vm0 =	vgt.s32 v2, $0xF423F;
	v5 =	vadd.s32 $0xFFF0BDC0, v2  }
0xb6: {  	v27 =	vshll.u32 v26, $0x2;
	[tilespmem:s24+$0xFFFFFFF0] =	vst v3;
	v3 =	vshll.u32 v4, $0x7;
	v2 =	vsel vm0, v5, v2  }
0xb7: {  	[tilespmem:s22+$0xFFFFFFF0] =	vst v2;
	v2 =	vadd.s32 v3, v27  }
0xb8: {  	[tilespmem:s20+$0xFFFFFFF0] =	vst v2;
	v2 =	vor.u32 $0x1, v2  }
0xb9: {  	[tilespmem:s18+$0xFFFFFFF0] =	vst v2  }
0xba: {  	v2 =	vld [tilespmem:s26+$0x0];
	_ =	sdelay $0x4  }
0xbb: {  	v3 =	vxor.u32 $0x2A, v2  }
0xbc: {  	v3 =	vmul.u32 $0x9E3779B1, v3;
	_ =	sdelay $0x1  }
0xbd: {  	v28 =	vshrl.u32 v3, $0x10  }
0xbe: {  	v3 =	vxor.u32 v3, v28  }
0xbf: {  	v3 =	vmul.u32 $0x85EBCA77, v3  }
0xc0: {  	v2 =	vxor.u32 $0x2B, v2  }
0xc1: {  	v2 =	vmul.u32 $0x9E3779B1, v2;
	v29 =	vshrl.u32 v3, $0xD  }
0xc2: {  	v3 =	vxor.u32 v3, v29  }
0xc3: {  	v31 =	vshrl.u32 v2, $0x10;
	v4 =	vshrl.u32 v3, $0x10  }
0xc4: {  	v2 =	vxor.u32 v2, v31;
	v4 =	vcvt.s32.f32 v4  }
0xc5: {  	v2 =	vmul.u32 $0x85EBCA77, v2;
	v30 =	vand.u32 $0xFFFF, v3  }
0xc6: {  	v5 =	vcvt.s32.f32 v30;
	v4 =	vmul.f32 $6.553600000e+04, v4  }
0xc7: {  	v32 =	vshrl.u32 v2, $0xD  }
0xc8: {  	v2 =	vxor.u32 v2, v32;
	v4 =	vadd.f32 v5, v4  }
0xc9: {  	v34 =	vshrl.u32 v2, $0x10  }
0xca: {  	v6 =	vcvt.s32.f32 v34;
	v4 =	vmul.f32 $9.999999970e-07, v4  }
0xcb: {  	v36 =	vand.u32 $0xFFFF, v2  }
0xcc: {  	v8 =	vcvt.s32.f32 v36;
	v6 =	vmul.f32 $6.553600000e+04, v6;
	v33 =	vsub.f32 v4, v0;
	_ =	sdelay $0x1  }
0xcd: {  	v37 =	vadd.f32 v8, v6;
	v35 =	vtrunc.f32 v4;
	v5 =	vtrunc.f32 v33  }
0xce: {  	s25 =	sadd.s32 $0x40, s31;
	v7 =	vcvt.f32.s32 v35;
	v5 =	vcvt.f32.s32 v5  }
0xcf: {  	v41 =	vor.u32 s25, v1;
	vm8 =	vlt.f32 v4, $2.147483650e+09;
	v4 =	vmul.f32 $9.999999970e-07, v37  }
0xd0: {  	v42 =	vcvt.s32.f32 v41;
	v5 =	vsel vm8, v7, v5  }
0xd1: {  	v38 =	vsub.f32 v4, v0;
	v5 =	vmul.u32 $0xFFF0BDC0, v5  }
0xd2: {  	v40 =	vtrunc.f32 v4;
	vm10 =	vlt.f32 v4, $2.147483650e+09;
	v4 =	vmul.f32 $3.846153990e-02, v42  }
0xd3: {  	v3 =	vadd.s32 v3, v5;
	v5 =	vtrunc.f32 v38  }
0xd4: {  	v4 =	vadd.f32 $1.000000050e-03, v4;
	v7 =	vcvt.f32.s32 v40;
	v5 =	vcvt.f32.s32 v5;
	_ =	sdelay $0x1  }
0xd5: {  	v4 =	vtrunc.f32 v4;
	v5 =	vsel vm10, v7, v5  }
0xd6: {  	v4 =	vcvt.f32.s32 v4;
	v5 =	vmul.u32 $0xFFF0BDC0, v5  }
0xd7: {  	vm9 =	vlt.s32 v3, $0x0;
	v39 =	vadd.s32 $0xF4240, v3  }
0xd8: {  	v47 =	vmul.u32 $0x3FFFFFE6, v4;
	v3 =	vsel vm9, v39, v3;
	v2 =	vadd.s32 v2, v5  }
0xd9: {  	vm11 =	vlt.s32 v3, $0x0;
	vm13 =	vlt.s32 v2, $0x0;
	v44 =	vadd.s32 $0xF4240, v2  }
0xda: {  	v6 =	vadd.s32 $0xF4240, v3;
	v48 =	vadd.s32 v41, v47;
	v2 =	vsel vm13, v44, v2  }
0xdb: {  	v3 =	vsel vm11, v6, v3;
	vm14 =	vlt.s32 v2, $0x0;
	v45 =	vadd.s32 $0xF4240, v2  }
0xdc: {  	vm12 =	vgt.s32 v3, $0xF423F;
	v43 =	vadd.s32 $0xFFF0BDC0, v3;
	v2 =	vsel vm14, v45, v2  }
0xdd: {  	v3 =	vsel vm12, v43, v3;
	vm0 =	vgt.s32 v2, $0xF423F;
	v5 =	vadd.s32 $0xFFF0BDC0, v2  }
0xde: {  	vm15 =	vgt.s32 v3, $0xF423F;
	v46 =	vadd.s32 $0xFFF0BDC0, v3;
	v2 =	vsel vm0, v5, v2  }
0xdf: {  	v3 =	vsel vm15, v46, v3;
	vm0 =	vgt.s32 v2, $0xF423F;
	v5 =	vadd.s32 $0xFFF0BDC0, v2  }
0xe0: {  	v49 =	vshll.u32 v48, $0x2;
	[tilespmem:s24+$0x0] =	vst v3;
	v3 =	vshll.u32 v4, $0x7;
	v2 =	vsel vm0, v5, v2  }
0xe1: {  	[tilespmem:s22+$0x0] =	vst v2;
	v2 =	vadd.s32 v3, v49  }
0xe2: {  	[tilespmem:s20+$0x0] =	vst v2;
	v2 =	vor.u32 $0x1, v2  }
0xe3: {  	[tilespmem:s18+$0x0] =	vst v2  }
0xe4: {  	v2 =	vld [tilespmem:s26+$0x10];
	_ =	sdelay $0x4  }
0xe5: {  	v3 =	vxor.u32 $0x2A, v2  }
0xe6: {  	v3 =	vmul.u32 $0x9E3779B1, v3;
	_ =	sdelay $0x1  }
0xe7: {  	v50 =	vshrl.u32 v3, $0x10  }
0xe8: {  	v3 =	vxor.u32 v3, v50  }
0xe9: {  	v3 =	vmul.u32 $0x85EBCA77, v3  }
0xea: {  	v2 =	vxor.u32 $0x2B, v2  }
0xeb: {  	v2 =	vmul.u32 $0x9E3779B1, v2;
	v51 =	vshrl.u32 v3, $0xD  }
0xec: {  	v3 =	vxor.u32 v3, v51  }
0xed: {  	v53 =	vshrl.u32 v2, $0x10;
	v4 =	vshrl.u32 v3, $0x10  }
0xee: {  	v2 =	vxor.u32 v2, v53;
	v4 =	vcvt.s32.f32 v4  }
0xef: {  	v2 =	vmul.u32 $0x85EBCA77, v2;
	v52 =	vand.u32 $0xFFFF, v3  }
0xf0: {  	v5 =	vcvt.s32.f32 v52;
	v4 =	vmul.f32 $6.553600000e+04, v4  }
0xf1: {  	v54 =	vshrl.u32 v2, $0xD  }
0xf2: {  	v2 =	vxor.u32 v2, v54;
	v4 =	vadd.f32 v5, v4  }
0xf3: {  	v56 =	vshrl.u32 v2, $0x10  }
0xf4: {  	v6 =	vcvt.s32.f32 v56;
	v4 =	vmul.f32 $9.999999970e-07, v4  }
0xf5: {  	v58 =	vand.u32 $0xFFFF, v2  }
0xf6: {  	v8 =	vcvt.s32.f32 v58;
	v6 =	vmul.f32 $6.553600000e+04, v6;
	v55 =	vsub.f32 v4, v0;
	_ =	sdelay $0x1  }
0xf7: {  	v59 =	vadd.f32 v8, v6;
	v57 =	vtrunc.f32 v4;
	v5 =	vtrunc.f32 v55  }
0xf8: {  	s28 =	sadd.s32 $0x50, s31;
	v7 =	vcvt.f32.s32 v57;
	v5 =	vcvt.f32.s32 v5  }
0xf9: {  	v63 =	vor.u32 s28, v1;
	vm4 =	vlt.f32 v4, $2.147483650e+09;
	v4 =	vmul.f32 $9.999999970e-07, v59  }
0xfa: {  	v11 =	vcvt.s32.f32 v63;
	v5 =	vsel vm4, v7, v5  }
0xfb: {  	v60 =	vsub.f32 v4, v0;
	v5 =	vmul.u32 $0xFFF0BDC0, v5  }
0xfc: {  	v62 =	vtrunc.f32 v4;
	vm6 =	vlt.f32 v4, $2.147483650e+09;
	v4 =	vmul.f32 $3.846153990e-02, v11  }
0xfd: {  	v3 =	vadd.s32 v3, v5;
	v5 =	vtrunc.f32 v60  }
0xfe: {  	v4 =	vadd.f32 $1.000000050e-03, v4;
	v7 =	vcvt.f32.s32 v62;
	v5 =	vcvt.f32.s32 v5;
	_ =	sdelay $0x1  }
0xff: {  	v4 =	vtrunc.f32 v4;
	v5 =	vsel vm6, v7, v5  }
0x100: {  	v4 =	vcvt.f32.s32 v4;
	v5 =	vmul.u32 $0xFFF0BDC0, v5  }
0x101: {  	vm5 =	vlt.s32 v3, $0x0;
	v61 =	vadd.s32 $0xF4240, v3  }
0x102: {  	v16 =	vmul.u32 $0x3FFFFFE6, v4;
	v3 =	vsel vm5, v61, v3;
	v2 =	vadd.s32 v2, v5  }
0x103: {  	vm7 =	vlt.s32 v3, $0x0;
	vm9 =	vlt.s32 v2, $0x0;
	v13 =	vadd.s32 $0xF4240, v2  }
0x104: {  	v6 =	vadd.s32 $0xF4240, v3;
	v17 =	vadd.s32 v63, v16;
	v2 =	vsel vm9, v13, v2  }
0x105: {  	v3 =	vsel vm7, v6, v3;
	vm10 =	vlt.s32 v2, $0x0;
	v14 =	vadd.s32 $0xF4240, v2  }
0x106: {  	vm8 =	vgt.s32 v3, $0xF423F;
	v12 =	vadd.s32 $0xFFF0BDC0, v3;
	v2 =	vsel vm10, v14, v2  }
0x107: {  	v3 =	vsel vm8, v12, v3;
	vm0 =	vgt.s32 v2, $0xF423F;
	v5 =	vadd.s32 $0xFFF0BDC0, v2  }
0x108: {  	vm11 =	vgt.s32 v3, $0xF423F;
	v15 =	vadd.s32 $0xFFF0BDC0, v3;
	v2 =	vsel vm0, v5, v2  }
0x109: {  	v3 =	vsel vm11, v15, v3;
	vm0 =	vgt.s32 v2, $0xF423F;
	v5 =	vadd.s32 $0xFFF0BDC0, v2  }
0x10a: {  	v18 =	vshll.u32 v17, $0x2;
	[tilespmem:s24+$0x10] =	vst v3;
	v3 =	vshll.u32 v4, $0x7;
	v2 =	vsel vm0, v5, v2  }
0x10b: {  	[tilespmem:s22+$0x10] =	vst v2;
	v2 =	vadd.s32 v3, v18  }
0x10c: {  	[tilespmem:s20+$0x10] =	vst v2;
	v2 =	vor.u32 $0x1, v2  }
0x10d: {  	[tilespmem:s18+$0x10] =	vst v2  }
0x10e: {  	v2 =	vld [tilespmem:s26+$0x20];
	_ =	sdelay $0x4  }
0x10f: {  	v3 =	vxor.u32 $0x2A, v2  }
0x110: {  	v3 =	vmul.u32 $0x9E3779B1, v3;
	_ =	sdelay $0x1  }
0x111: {  	v19 =	vshrl.u32 v3, $0x10  }
0x112: {  	v3 =	vxor.u32 v3, v19  }
0x113: {  	v3 =	vmul.u32 $0x85EBCA77, v3  }
0x114: {  	v2 =	vxor.u32 $0x2B, v2  }
0x115: {  	v2 =	vmul.u32 $0x9E3779B1, v2;
	v20 =	vshrl.u32 v3, $0xD  }
0x116: {  	v3 =	vxor.u32 v3, v20  }
0x117: {  	v22 =	vshrl.u32 v2, $0x10;
	v4 =	vshrl.u32 v3, $0x10  }
0x118: {  	v2 =	vxor.u32 v2, v22;
	v4 =	vcvt.s32.f32 v4  }
0x119: {  	v2 =	vmul.u32 $0x85EBCA77, v2;
	v21 =	vand.u32 $0xFFFF, v3  }
0x11a: {  	v5 =	vcvt.s32.f32 v21;
	v4 =	vmul.f32 $6.553600000e+04, v4  }
0x11b: {  	v23 =	vshrl.u32 v2, $0xD  }
0x11c: {  	v2 =	vxor.u32 v2, v23;
	v4 =	vadd.f32 v5, v4  }
0x11d: {  	v25 =	vshrl.u32 v2, $0x10  }
0x11e: {  	v6 =	vcvt.s32.f32 v25;
	v4 =	vmul.f32 $9.999999970e-07, v4  }
0x11f: {  	v27 =	vand.u32 $0xFFFF, v2  }
0x120: {  	v8 =	vcvt.s32.f32 v27;
	v6 =	vmul.f32 $6.553600000e+04, v6;
	v24 =	vsub.f32 v4, v0;
	_ =	sdelay $0x1  }
0x121: {  	v28 =	vadd.f32 v8, v6;
	v26 =	vtrunc.f32 v4;
	v5 =	vtrunc.f32 v24  }
0x122: {  	s30 =	sadd.s32 $0x60, s31;
	v7 =	vcvt.f32.s32 v26;
	v5 =	vcvt.f32.s32 v5  }
0x123: {  	v32 =	vor.u32 s30, v1;
	vm12 =	vlt.f32 v4, $2.147483650e+09;
	v4 =	vmul.f32 $9.999999970e-07, v28  }
0x124: {  	v33 =	vcvt.s32.f32 v32;
	v5 =	vsel vm12, v7, v5  }
0x125: {  	v29 =	vsub.f32 v4, v0;
	v5 =	vmul.u32 $0xFFF0BDC0, v5  }
0x126: {  	v31 =	vtrunc.f32 v4;
	vm14 =	vlt.f32 v4, $2.147483650e+09;
	v4 =	vmul.f32 $3.846153990e-02, v33  }
0x127: {  	v3 =	vadd.s32 v3, v5;
	v5 =	vtrunc.f32 v29  }
0x128: {  	v4 =	vadd.f32 $1.000000050e-03, v4;
	v7 =	vcvt.f32.s32 v31;
	v5 =	vcvt.f32.s32 v5;
	_ =	sdelay $0x1  }
0x129: {  	v4 =	vtrunc.f32 v4;
	v5 =	vsel vm14, v7, v5  }
0x12a: {  	v4 =	vcvt.f32.s32 v4;
	v5 =	vmul.u32 $0xFFF0BDC0, v5  }
0x12b: {  	vm13 =	vlt.s32 v3, $0x0;
	v30 =	vadd.s32 $0xF4240, v3  }
0x12c: {  	v38 =	vmul.u32 $0x3FFFFFE6, v4;
	v3 =	vsel vm13, v30, v3;
	v2 =	vadd.s32 v2, v5  }
0x12d: {  	vm15 =	vlt.s32 v3, $0x0;
	vm5 =	vlt.s32 v2, $0x0;
	v35 =	vadd.s32 $0xF4240, v2  }
0x12e: {  	v6 =	vadd.s32 $0xF4240, v3;
	v39 =	vadd.s32 v32, v38;
	v2 =	vsel vm5, v35, v2  }
0x12f: {  	v3 =	vsel vm15, v6, v3;
	vm6 =	vlt.s32 v2, $0x0;
	v36 =	vadd.s32 $0xF4240, v2  }
0x130: {  	vm4 =	vgt.s32 v3, $0xF423F;
	v34 =	vadd.s32 $0xFFF0BDC0, v3;
	v2 =	vsel vm6, v36, v2  }
0x131: {  	v3 =	vsel vm4, v34, v3;
	vm0 =	vgt.s32 v2, $0xF423F;
	v5 =	vadd.s32 $0xFFF0BDC0, v2  }
0x132: {  	vm7 =	vgt.s32 v3, $0xF423F;
	v37 =	vadd.s32 $0xFFF0BDC0, v3;
	v2 =	vsel vm0, v5, v2  }
0x133: {  	v3 =	vsel vm7, v37, v3;
	vm0 =	vgt.s32 v2, $0xF423F;
	v5 =	vadd.s32 $0xFFF0BDC0, v2  }
0x134: {  	v40 =	vshll.u32 v39, $0x2;
	[tilespmem:s24+$0x20] =	vst v3;
	v3 =	vshll.u32 v4, $0x7;
	v2 =	vsel vm0, v5, v2  }
0x135: {  	[tilespmem:s22+$0x20] =	vst v2;
	v2 =	vadd.s32 v3, v40  }
0x136: {  	[tilespmem:s20+$0x20] =	vst v2;
	v2 =	vor.u32 $0x1, v2  }
0x137: {  	[tilespmem:s18+$0x20] =	vst v2  }
0x138: {  	v2 =	vld [tilespmem:s26+$0x30];
	_ =	sdelay $0x4  }
0x139: {  	v3 =	vxor.u32 $0x2A, v2  }
0x13a: {  	v3 =	vmul.u32 $0x9E3779B1, v3;
	_ =	sdelay $0x1  }
0x13b: {  	v41 =	vshrl.u32 v3, $0x10  }
0x13c: {  	v3 =	vxor.u32 v3, v41  }
0x13d: {  	v3 =	vmul.u32 $0x85EBCA77, v3  }
0x13e: {  	v2 =	vxor.u32 $0x2B, v2  }
0x13f: {  	v2 =	vmul.u32 $0x9E3779B1, v2;
	v42 =	vshrl.u32 v3, $0xD  }
0x140: {  	v3 =	vxor.u32 v3, v42  }
0x141: {  	v44 =	vshrl.u32 v2, $0x10;
	v4 =	vshrl.u32 v3, $0x10  }
0x142: {  	v2 =	vxor.u32 v2, v44;
	v4 =	vcvt.s32.f32 v4  }
0x143: {  	v2 =	vmul.u32 $0x85EBCA77, v2;
	v43 =	vand.u32 $0xFFFF, v3  }
0x144: {  	v5 =	vcvt.s32.f32 v43;
	v4 =	vmul.f32 $6.553600000e+04, v4  }
0x145: {  	v45 =	vshrl.u32 v2, $0xD  }
0x146: {  	v2 =	vxor.u32 v2, v45;
	v4 =	vadd.f32 v5, v4  }
0x147: {  	v47 =	vshrl.u32 v2, $0x10  }
0x148: {  	v6 =	vcvt.s32.f32 v47;
	v4 =	vmul.f32 $9.999999970e-07, v4  }
0x149: {  	v49 =	vand.u32 $0xFFFF, v2  }
0x14a: {  	v8 =	vcvt.s32.f32 v49;
	v6 =	vmul.f32 $6.553600000e+04, v6;
	v46 =	vsub.f32 v4, v0;
	_ =	sdelay $0x1  }
0x14b: {  	v50 =	vadd.f32 v8, v6;
	v48 =	vtrunc.f32 v4;
	v5 =	vtrunc.f32 v46  }
0x14c: {  	s31 =	sadd.s32 $0x70, s31;
	v7 =	vcvt.f32.s32 v48;
	v5 =	vcvt.f32.s32 v5  }
0x14d: {  	v54 =	vor.u32 s31, v1;
	vm8 =	vlt.f32 v4, $2.147483650e+09;
	v4 =	vmul.f32 $9.999999970e-07, v50  }
0x14e: {  	v55 =	vcvt.s32.f32 v54;
	v5 =	vsel vm8, v7, v5  }
0x14f: {  	v51 =	vsub.f32 v4, v0;
	v5 =	vmul.u32 $0xFFF0BDC0, v5  }
0x150: {  	v53 =	vtrunc.f32 v4;
	vm10 =	vlt.f32 v4, $2.147483650e+09;
	v4 =	vmul.f32 $3.846153990e-02, v55  }
0x151: {  	v3 =	vadd.s32 v3, v5;
	v5 =	vtrunc.f32 v51  }
0x152: {  	v4 =	vadd.f32 $1.000000050e-03, v4;
	v7 =	vcvt.f32.s32 v53;
	v5 =	vcvt.f32.s32 v5;
	_ =	sdelay $0x1  }
0x153: {  	v4 =	vtrunc.f32 v4;
	v5 =	vsel vm10, v7, v5  }
0x154: {  	v4 =	vcvt.f32.s32 v4;
	v5 =	vmul.u32 $0xFFF0BDC0, v5  }
0x155: {  	vm9 =	vlt.s32 v3, $0x0;
	v52 =	vadd.s32 $0xF4240, v3  }
0x156: {  	v60 =	vmul.u32 $0x3FFFFFE6, v4;
	v3 =	vsel vm9, v52, v3;
	v2 =	vadd.s32 v2, v5  }
0x157: {  	vm11 =	vlt.s32 v3, $0x0;
	vm13 =	vlt.s32 v2, $0x0;
	v57 =	vadd.s32 $0xF4240, v2  }
0x158: {  	v6 =	vadd.s32 $0xF4240, v3;
	v61 =	vadd.s32 v54, v60;
	v2 =	vsel vm13, v57, v2  }
0x159: {  	v3 =	vsel vm11, v6, v3;
	vm14 =	vlt.s32 v2, $0x0;
	v58 =	vadd.s32 $0xF4240, v2  }
0x15a: {  	vm12 =	vgt.s32 v3, $0xF423F;
	v56 =	vadd.s32 $0xFFF0BDC0, v3;
	v2 =	vsel vm14, v58, v2  }
0x15b: {  	v3 =	vsel vm12, v56, v3;
	vm0 =	vgt.s32 v2, $0xF423F;
	v5 =	vadd.s32 $0xFFF0BDC0, v2  }
0x15c: {  	p0 =	sne.s32 s29, $0xC80;
	vm15 =	vgt.s32 v3, $0xF423F;
	v59 =	vadd.s32 $0xFFF0BDC0, v3;
	v2 =	vsel vm0, v5, v2  }
.Ltmp0:
0x15d: {  	v3 =	vsel vm15, v59, v3;
	vm0 =	vgt.s32 v2, $0xF423F;
	v62 =	vadd.s32 $0xFFF0BDC0, v2;
	(pc) =	sbr.rel @p0 .LBB2_2-.Ltmp0, $4  }
0x15e: {  	v63 =	vshll.u32 v61, $0x2;
	[tilespmem:s24+$0x30] =	vst v3;
	v3 =	vshll.u32 v4, $0x7;
	v2 =	vsel vm0, v62, v2  }
0x15f: {  	[tilespmem:s22+$0x30] =	vst v2;
	v2 =	vadd.s32 v3, v63  }
0x160: {  	s29 =	sadd.s32 $0x80, s29;
	s26 =	sadd.s32 $0x80, s26;
	s24 =	sadd.s32 $0x80, s24;
	[tilespmem:s20+$0x30] =	vst v2;
	v2 =	vor.u32 $0x1, v2  }
0x161: {  	s22 =	sadd.s32 $0x80, s22;
	s20 =	sadd.s32 $0x80, s20;
	[tilespmem:s18+$0x30] =	vst v2;
	s18 =	sadd.s32 $0x80, s18  }
0x162: {  	s1 =	simm.s32 $0xD00;
	s0 =	simm.s32 $0x4100  }
0x163: {  	[tilespmem:s0], [sflag:$0x1] =	stream.indirect.gather [hbm4b:s3+s10], $0x20, s1, s10, $0xb8;
	[tilespmem:$0x1E100] =	vst v63  }
0x164: {  	s15 =	simm.s32 $0x1A00;
	s17 =	simm.s32 $0x11100  }
0x165: {  	[tilespmem:s17], [sflag:$0x1] =	stream.indirect.gather [hbm4b:s4+s10], $0x20, s15, s10, $0xb8;
	[tilespmem:$0x1E100] =	vst v63  }
0x166: {  	s18 =	simm.s32 $0xD80;
	s19 =	simm.s32 $0x5100  }
0x167: {  	[tilespmem:s19], [sflag:$0x1] =	stream.indirect.gather [hbm4b:s3+s10], $0x20, s18, s10, $0xb8;
	[tilespmem:$0x1E100] =	vst v63  }
0x168: {  	s20 =	simm.s32 $0x1A80;
	s21 =	simm.s32 $0x12100  }
0x169: {  	[tilespmem:s21], [sflag:$0x1] =	stream.indirect.gather [hbm4b:s4+s10], $0x20, s20, s10, $0xb8;
	[tilespmem:$0x1E100] =	vst v63  }
0x16a: {  	s22 =	simm.s32 $0xE00;
	s23 =	simm.s32 $0x6100  }
0x16b: {  	[tilespmem:s23], [sflag:$0x1] =	stream.indirect.gather [hbm4b:s3+s10], $0x20, s22, s10, $0xb8;
	[tilespmem:$0x1E100] =	vst v63  }
0x16c: {  	s24 =	simm.s32 $0x1B00;
	s25 =	simm.s32 $0x13100  }
0x16d: {  	[tilespmem:s25], [sflag:$0x1] =	stream.indirect.gather [hbm4b:s4+s10], $0x20, s24, s10, $0xb8;
	[tilespmem:$0x1E100] =	vst v63  }
0x16e: {  	s26 =	simm.s32 $0xE80;
	s28 =	simm.s32 $0x7100  }
0x16f: {  	[tilespmem:s28], [sflag:$0x1] =	stream.indirect.gather [hbm4b:s3+s10], $0x20, s26, s10, $0xb8;
	[tilespmem:$0x1E100] =	vst v63  }
0x170: {  	s29 =	simm.s32 $0x1B80;
	s31 =	simm.s32 $0x14100  }
0x171: {  	[tilespmem:s31], [sflag:$0x1] =	stream.indirect.gather [hbm4b:s4+s10], $0x20, s29, s10, $0xb8;
	[tilespmem:$0x1E100] =	vst v63  }
0x172: {  	s2 =	simm.s32 $0x8100;
	s0 =	simm.s32 $0xF00  }
0x173: {  	[tilespmem:s2], [sflag:$0x1] =	stream.indirect.gather [hbm4b:s3+s10], $0x20, s0, s10, $0xb8;
	[tilespmem:$0x1E100] =	vst v63  }
0x174: {  	s6 =	simm.s32 $0x1C00;
	s9 =	simm.s32 $0x15100  }
0x175: {  	[tilespmem:s9], [sflag:$0x1] =	stream.indirect.gather [hbm4b:s4+s10], $0x20, s6, s10, $0xb8;
	[tilespmem:$0x1E100] =	vst v63  }
0x176: {  	s15 =	simm.s32 $0xF80;
	s20 =	simm.s32 $0x9100  }
0x177: {  	[tilespmem:s20], [sflag:$0x1] =	stream.indirect.gather [hbm4b:s3+s10], $0x20, s15, s10, $0xb8;
	[tilespmem:$0x1E100] =	vst v63  }
0x178: {  	s22 =	simm.s32 $0x1C80;
	s23 =	simm.s32 $0x16100  }
0x179: {  	[tilespmem:s23], [sflag:$0x1] =	stream.indirect.gather [hbm4b:s4+s10], $0x20, s22, s10, $0xb8;
	[tilespmem:$0x1E100] =	vst v63  }
0x17a: {  	s26 =	simm.s32 $0x1000;
	s28 =	simm.s32 $0xA100  }
0x17b: {  	[tilespmem:s28], [sflag:$0x1] =	stream.indirect.gather [hbm4b:s3+s10], $0x20, s26, s10, $0xb8;
	[tilespmem:$0x1E100] =	vst v63  }
0x17c: {  	s29 =	simm.s32 $0x1D00;
	s31 =	simm.s32 $0x17100  }
0x17d: {  	[tilespmem:s31], [sflag:$0x1] =	stream.indirect.gather [hbm4b:s4+s10], $0x20, s29, s10, $0xb8;
	[tilespmem:$0x1E100] =	vst v63  }
0x17e: {  	s0 =	simm.s32 $0x1080;
	s6 =	simm.s32 $0xB100  }
0x17f: {  	[tilespmem:s6], [sflag:$0x1] =	stream.indirect.gather [hbm4b:s3+s10], $0x20, s0, s10, $0xb8;
	[tilespmem:$0x1E100] =	vst v63  }
0x180: {  	s9 =	simm.s32 $0x1D80;
	s20 =	simm.s32 $0x18100  }
0x181: {  	[tilespmem:s20], [sflag:$0x1] =	stream.indirect.gather [hbm4b:s4+s10], $0x20, s9, s10, $0xb8;
	[tilespmem:$0x1E100] =	vst v63  }
0x182: {  	s22 =	simm.s32 $0x1100;
	s23 =	simm.s32 $0xC100  }
0x183: {  	[tilespmem:s23], [sflag:$0x1] =	stream.indirect.gather [hbm4b:s3+s10], $0x20, s22, s10, $0xb8;
	[tilespmem:$0x1E100] =	vst v63  }
0x184: {  	s26 =	simm.s32 $0x1E00;
	s28 =	simm.s32 $0x19100  }
0x185: {  	[tilespmem:s28], [sflag:$0x1] =	stream.indirect.gather [hbm4b:s4+s10], $0x20, s26, s10, $0xb8;
	[tilespmem:$0x1E100] =	vst v63  }
0x186: {  	s29 =	simm.s32 $0x1180;
	s31 =	simm.s32 $0xD100  }
0x187: {  	[tilespmem:s31], [sflag:$0x1] =	stream.indirect.gather [hbm4b:s3+s10], $0x20, s29, s10, $0xb8;
	[tilespmem:$0x1E100] =	vst v63  }
0x188: {  	s0 =	simm.s32 $0x1E80;
	s9 =	simm.s32 $0x1A100  }
0x189: {  	[tilespmem:s9], [sflag:$0x1] =	stream.indirect.gather [hbm4b:s4+s10], $0x20, s0, s10, $0xb8;
	[tilespmem:$0x1E100] =	vst v63  }
0x18a: {  	s20 =	simm.s32 $0x1200;
	s22 =	simm.s32 $0xE100  }
0x18b: {  	[tilespmem:s22], [sflag:$0x1] =	stream.indirect.gather [hbm4b:s3+s10], $0x20, s20, s10, $0xb8;
	[tilespmem:$0x1E100] =	vst v63  }
0x18c: {  	s23 =	simm.s32 $0x1F00;
	s26 =	simm.s32 $0x1B100  }
0x18d: {  	[tilespmem:s26], [sflag:$0x1] =	stream.indirect.gather [hbm4b:s4+s10], $0x20, s23, s10, $0xb8;
	[tilespmem:$0x1E100] =	vst v63  }
0x18e: {  	s29 =	simm.s32 $0x1280;
	s31 =	simm.s32 $0xF100  }
0x18f: {  	[tilespmem:s31], [sflag:$0x1] =	stream.indirect.gather [hbm4b:s3+s10], $0x20, s29, s10, $0xb8;
	[tilespmem:$0x1E100] =	vst v63  }
0x190: {  	s0 =	simm.s32 $0x1F80;
	s20 =	simm.s32 $0x1C100  }
0x191: {  	[tilespmem:s20], [sflag:$0x1] =	stream.indirect.gather [hbm4b:s4+s10], $0x20, s0, s10, $0xb8;
	[tilespmem:$0x1E100] =	vst v63  }
0x192: {  	s22 =	simm.s32 $0x1300;
	s23 =	simm.s32 $0x10100  }
0x193: {  	[tilespmem:s23], [sflag:$0x1] =	stream.indirect.gather [hbm4b:s3+s10], $0x20, s22, s10, $0xb8;
	[tilespmem:$0x1E100] =	vst v63  }
0x194: {  	s26 =	simm.s32 $0x2000;
	s29 =	simm.s32 $0x1D100  }
0x195: {  	[tilespmem:s29], [sflag:$0x1] =	stream.indirect.gather [hbm4b:s4+s10], $0x20, s26, s10, $0xb8;
	[tilespmem:$0x1E100] =	vst v63  }
0x196: {  	_ =	swait.ge [sflag:s12], $0x1000  }
0x197: {  	[sflag:s12] =	ssyncset.done $0x0  }
0x198: {  	[sflag:s12] =	ssyncadd.s32 $0xFFFFF000  }
0x199: {  	_ =	swait.ge [sflag:s12], $0x1000  }
0x19a: {  	[sflag:s12] =	ssyncset.done $0x0  }
0x19b: {  	[sflag:s12] =	ssyncadd.s32 $0xFFFFF000  }
0x19c: {  	_ =	swait.ge [sflag:s12], $0x1000  }
0x19d: {  	[sflag:s12] =	ssyncset.done $0x0  }
0x19e: {  	[sflag:s12] =	ssyncadd.s32 $0xFFFFF000  }
0x19f: {  	_ =	swait.ge [sflag:s12], $0x1000  }
0x1a0: {  	[sflag:s12] =	ssyncset.done $0x0  }
0x1a1: {  	[sflag:s12] =	ssyncadd.s32 $0xFFFFF000  }
0x1a2: {  	_ =	swait.ge [sflag:s12], $0x1000  }
0x1a3: {  	[sflag:s12] =	ssyncset.done $0x0  }
0x1a4: {  	[sflag:s12] =	ssyncadd.s32 $0xFFFFF000  }
0x1a5: {  	_ =	swait.ge [sflag:s12], $0x1000  }
0x1a6: {  	[sflag:s12] =	ssyncset.done $0x0  }
0x1a7: {  	[sflag:s12] =	ssyncadd.s32 $0xFFFFF000  }
0x1a8: {  	_ =	swait.ge [sflag:s12], $0x1000  }
0x1a9: {  	[sflag:s12] =	ssyncset.done $0x0  }
0x1aa: {  	[sflag:s12] =	ssyncadd.s32 $0xFFFFF000  }
0x1ab: {  	_ =	swait.ge [sflag:s12], $0x1000  }
0x1ac: {  	[sflag:s12] =	ssyncset.done $0x0  }
0x1ad: {  	[sflag:s12] =	ssyncadd.s32 $0xFFFFF000  }
0x1ae: {  	_ =	swait.ge [sflag:s12], $0x1000  }
0x1af: {  	[sflag:s12] =	ssyncset.done $0x0  }
0x1b0: {  	[sflag:s12] =	ssyncadd.s32 $0xFFFFF000  }
0x1b1: {  	_ =	swait.ge [sflag:s12], $0x1000  }
0x1b2: {  	[sflag:s12] =	ssyncset.done $0x0  }
0x1b3: {  	[sflag:s12] =	ssyncadd.s32 $0xFFFFF000  }
0x1b4: {  	_ =	swait.ge [sflag:s12], $0x1000  }
0x1b5: {  	[sflag:s12] =	ssyncset.done $0x0  }
0x1b6: {  	[sflag:s12] =	ssyncadd.s32 $0xFFFFF000  }
0x1b7: {  	_ =	swait.ge [sflag:s12], $0x1000  }
0x1b8: {  	[sflag:s12] =	ssyncset.done $0x0  }
0x1b9: {  	[sflag:s12] =	ssyncadd.s32 $0xFFFFF000  }
0x1ba: {  	_ =	swait.ge [sflag:s12], $0x1000  }
0x1bb: {  	[sflag:s12] =	ssyncset.done $0x0  }
0x1bc: {  	[sflag:s12] =	ssyncadd.s32 $0xFFFFF000  }
0x1bd: {  	_ =	swait.ge [sflag:s12], $0x1000  }
0x1be: {  	[sflag:s12] =	ssyncset.done $0x0  }
0x1bf: {  	[sflag:s12] =	ssyncadd.s32 $0xFFFFF000  }
0x1c0: {  	_ =	swait.ge [sflag:s12], $0x1000  }
0x1c1: {  	[sflag:s12] =	ssyncset.done $0x0  }
0x1c2: {  	[sflag:s12] =	ssyncadd.s32 $0xFFFFF000  }
0x1c3: {  	_ =	swait.ge [sflag:s12], $0x1000  }
0x1c4: {  	[sflag:s12] =	ssyncset.done $0x0  }
0x1c5: {  	[sflag:s12] =	ssyncadd.s32 $0xFFFFF000  }
0x1c6: {  	_ =	swait.ge [sflag:s12], $0x1000  }
0x1c7: {  	[sflag:s12] =	ssyncset.done $0x0  }
0x1c8: {  	[sflag:s12] =	ssyncadd.s32 $0xFFFFF000  }
0x1c9: {  	_ =	swait.ge [sflag:s12], $0x1000  }
0x1ca: {  	[sflag:s12] =	ssyncset.done $0x0  }
0x1cb: {  	[sflag:s12] =	ssyncadd.s32 $0xFFFFF000  }
0x1cc: {  	_ =	swait.ge [sflag:s12], $0x1000  }
0x1cd: {  	[sflag:s12] =	ssyncset.done $0x0  }
0x1ce: {  	[sflag:s12] =	ssyncadd.s32 $0xFFFFF000  }
0x1cf: {  	_ =	swait.ge [sflag:s12], $0x1000  }
0x1d0: {  	[sflag:s12] =	ssyncset.done $0x0  }
0x1d1: {  	[sflag:s12] =	ssyncadd.s32 $0xFFFFF000  }
0x1d2: {  	_ =	swait.ge [sflag:s12], $0x1000  }
0x1d3: {  	[sflag:s12] =	ssyncset.done $0x0  }
0x1d4: {  	[sflag:s12] =	ssyncadd.s32 $0xFFFFF000  }
0x1d5: {  	_ =	swait.ge [sflag:s12], $0x1000  }
0x1d6: {  	[sflag:s12] =	ssyncset.done $0x0  }
0x1d7: {  	[sflag:s12] =	ssyncadd.s32 $0xFFFFF000  }
0x1d8: {  	_ =	swait.ge [sflag:s12], $0x1000  }
0x1d9: {  	[sflag:s12] =	ssyncset.done $0x0  }
0x1da: {  	[sflag:s12] =	ssyncadd.s32 $0xFFFFF000  }
0x1db: {  	_ =	swait.ge [sflag:s12], $0x1000  }
0x1dc: {  	[sflag:s12] =	ssyncset.done $0x0  }
0x1dd: {  	[sflag:s12] =	ssyncadd.s32 $0xFFFFF000  }
0x1de: {  	_ =	swait.ge [sflag:s12], $0x1000  }
0x1df: {  	[sflag:s12] =	ssyncset.done $0x0  }
0x1e0: {  	[sflag:s12] =	ssyncadd.s32 $0xFFFFF000  }
0x1e1: {  	_ =	swait.ge [sflag:s12], $0x1000  }
0x1e2: {  	[sflag:s12] =	ssyncset.done $0x0  }
0x1e3: {  	s16 =	simm.s32 $0x4100;
	s31 =	simm.s32 $0x2700;
	[sflag:s12] =	ssyncadd.s32 $0xFFFFF000  }
0x1e4: {  	[hbm4b:s5+s10] =	stream.indirect.scatter [tilespmem:s16], [sflag:$0x2], $0x20, s31, s10, $0xb8;
	[tilespmem:$0x1E100] =	vst v63  }
0x1e5: {  	s13 =	simm.s32 $0x11100;
	s0 =	simm.s32 $0x3400  }
0x1e6: {  	[hbm4b:s5+s10] =	stream.indirect.scatter [tilespmem:s13], [sflag:$0x2], $0x20, s0, s10, $0xb8;
	[tilespmem:$0x1E100] =	vst v63  }
0x1e7: {  	s18 =	simm.s32 $0x5100;
	s16 =	simm.s32 $0x2780  }
0x1e8: {  	[hbm4b:s5+s10] =	stream.indirect.scatter [tilespmem:s18], [sflag:$0x2], $0x20, s16, s10, $0xb8;
	[tilespmem:$0x1E100] =	vst v63  }
0x1e9: {  	s19 =	simm.s32 $0x12100;
	s18 =	simm.s32 $0x3480  }
0x1ea: {  	[hbm4b:s5+s10] =	stream.indirect.scatter [tilespmem:s19], [sflag:$0x2], $0x20, s18, s10, $0xb8;
	[tilespmem:$0x1E100] =	vst v63  }
0x1eb: {  	s21 =	simm.s32 $0x6100;
	s19 =	simm.s32 $0x2800  }
0x1ec: {  	[hbm4b:s5+s10] =	stream.indirect.scatter [tilespmem:s21], [sflag:$0x2], $0x20, s19, s10, $0xb8;
	[tilespmem:$0x1E100] =	vst v63  }
0x1ed: {  	s25 =	simm.s32 $0x13100;
	s21 =	simm.s32 $0x3500  }
0x1ee: {  	[hbm4b:s5+s10] =	stream.indirect.scatter [tilespmem:s25], [sflag:$0x2], $0x20, s21, s10, $0xb8;
	[tilespmem:$0x1E100] =	vst v63  }
0x1ef: {  	s30 =	simm.s32 $0x7100;
	s31 =	simm.s32 $0x2880  }
0x1f0: {  	[hbm4b:s5+s10] =	stream.indirect.scatter [tilespmem:s30], [sflag:$0x2], $0x20, s31, s10, $0xb8;
	[tilespmem:$0x1E100] =	vst v63  }
0x1f1: {  	s7 =	simm.s32 $0x14100;
	s0 =	simm.s32 $0x3580  }
0x1f2: {  	[hbm4b:s5+s10] =	stream.indirect.scatter [tilespmem:s7], [sflag:$0x2], $0x20, s0, s10, $0xb8;
	[tilespmem:$0x1E100] =	vst v63  }
0x1f3: {  	s11 =	simm.s32 $0x8100;
	s13 =	simm.s32 $0x2900  }
0x1f4: {  	[hbm4b:s5+s10] =	stream.indirect.scatter [tilespmem:s11], [sflag:$0x2], $0x20, s13, s10, $0xb8;
	[tilespmem:$0x1E100] =	vst v63  }
0x1f5: {  	s17 =	simm.s32 $0x15100;
	s16 =	simm.s32 $0x3600  }
0x1f6: {  	[hbm4b:s5+s10] =	stream.indirect.scatter [tilespmem:s17], [sflag:$0x2], $0x20, s16, s10, $0xb8;
	[tilespmem:$0x1E100] =	vst v63  }
0x1f7: {  	s24 =	simm.s32 $0x9100;
	s17 =	simm.s32 $0x2980  }
0x1f8: {  	[hbm4b:s5+s10] =	stream.indirect.scatter [tilespmem:s24], [sflag:$0x2], $0x20, s17, s10, $0xb8;
	[tilespmem:$0x1E100] =	vst v63  }
0x1f9: {  	s19 =	simm.s32 $0x3680;
	s16 =	simm.s32 $0x16100  }
0x1fa: {  	[hbm4b:s5+s10] =	stream.indirect.scatter [tilespmem:s16], [sflag:$0x2], $0x20, s19, s10, $0xb8;
	[tilespmem:$0x1E100] =	vst v63  }
0x1fb: {  	s2 =	simm.s32 $0xA100;
	s24 =	simm.s32 $0x2A00  }
0x1fc: {  	[hbm4b:s5+s10] =	stream.indirect.scatter [tilespmem:s2], [sflag:$0x2], $0x20, s24, s10, $0xb8;
	[tilespmem:$0x1E100] =	vst v63  }
0x1fd: {  	s15 =	simm.s32 $0x17100;
	s31 =	simm.s32 $0x3700  }
0x1fe: {  	[hbm4b:s5+s10] =	stream.indirect.scatter [tilespmem:s15], [sflag:$0x2], $0x20, s31, s10, $0xb8;
	[tilespmem:$0x1E100] =	vst v63  }
0x1ff: {  	s0 =	simm.s32 $0x2A80;
	s15 =	simm.s32 $0xB100  }
0x200: {  	[hbm4b:s5+s10] =	stream.indirect.scatter [tilespmem:s15], [sflag:$0x2], $0x20, s0, s10, $0xb8;
	[tilespmem:$0x1E100] =	vst v63  }
0x201: {  	s6 =	simm.s32 $0x18100;
	s2 =	simm.s32 $0x3780  }
0x202: {  	[hbm4b:s5+s10] =	stream.indirect.scatter [tilespmem:s6], [sflag:$0x2], $0x20, s2, s10, $0xb8;
	[tilespmem:$0x1E100] =	vst v63  }
0x203: {  	s7 =	simm.s32 $0x2B00;
	s13 =	simm.s32 $0xC100  }
0x204: {  	[hbm4b:s5+s10] =	stream.indirect.scatter [tilespmem:s13], [sflag:$0x2], $0x20, s7, s10, $0xb8;
	[tilespmem:$0x1E100] =	vst v63  }
0x205: {  	s11 =	simm.s32 $0x3800;
	s7 =	simm.s32 $0x19100  }
0x206: {  	[hbm4b:s5+s10] =	stream.indirect.scatter [tilespmem:s7], [sflag:$0x2], $0x20, s11, s10, $0xb8;
	[tilespmem:$0x1E100] =	vst v63  }
0x207: {  	s28 =	simm.s32 $0xD100;
	s17 =	simm.s32 $0x2B80  }
0x208: {  	[hbm4b:s5+s10] =	stream.indirect.scatter [tilespmem:s28], [sflag:$0x2], $0x20, s17, s10, $0xb8;
	[tilespmem:$0x1E100] =	vst v63  }
0x209: {  	s6 =	simm.s32 $0x1A100;
	s28 =	simm.s32 $0x3880  }
0x20a: {  	[hbm4b:s5+s10] =	stream.indirect.scatter [tilespmem:s6], [sflag:$0x2], $0x20, s28, s10, $0xb8;
	[tilespmem:$0x1E100] =	vst v63  }
0x20b: {  	s9 =	simm.s32 $0xE100;
	s31 =	simm.s32 $0x2C00  }
0x20c: {  	[hbm4b:s5+s10] =	stream.indirect.scatter [tilespmem:s9], [sflag:$0x2], $0x20, s31, s10, $0xb8;
	[tilespmem:$0x1E100] =	vst v63  }
0x20d: {  	s0 =	simm.s32 $0x3900;
	s9 =	simm.s32 $0x1B100  }
0x20e: {  	[hbm4b:s5+s10] =	stream.indirect.scatter [tilespmem:s9], [sflag:$0x2], $0x20, s0, s10, $0xb8;
	[tilespmem:$0x1E100] =	vst v63  }
0x20f: {  	s2 =	simm.s32 $0x2C80;
	s11 =	simm.s32 $0xF100  }
0x210: {  	[hbm4b:s5+s10] =	stream.indirect.scatter [tilespmem:s11], [sflag:$0x2], $0x20, s2, s10, $0xb8;
	[tilespmem:$0x1E100] =	vst v63  }
0x211: {  	s17 =	simm.s32 $0x3980;
	s0 =	simm.s32 $0x1C100  }
0x212: {  	[hbm4b:s5+s10] =	stream.indirect.scatter [tilespmem:s0], [sflag:$0x2], $0x20, s17, s10, $0xb8;
	[tilespmem:$0x1E100] =	vst v63  }
0x213: {  	s28 =	simm.s32 $0x2D00;
	s2 =	simm.s32 $0x10100  }
0x214: {  	[hbm4b:s5+s10] =	stream.indirect.scatter [tilespmem:s2], [sflag:$0x2], $0x20, s28, s10, $0xb8;
	[tilespmem:$0x1E100] =	vst v63  }
0x215: {  	s20 =	simm.s32 $0x1D100;
	s17 =	simm.s32 $0x3A00  }
0x216: {  	[hbm4b:s5+s10] =	stream.indirect.scatter [tilespmem:s20], [sflag:$0x2], $0x20, s17, s10, $0xb8;
	[tilespmem:$0x1E100] =	vst v63  }
0x217: {  	_ =	swait.ge [sflag:s14], $0x1000  }
0x218: {  	[sflag:s14] =	ssyncset.done $0x0  }
0x219: {  	[sflag:s14] =	ssyncadd.s32 $0xFFFFF000  }
0x21a: {  	_ =	swait.ge [sflag:s14], $0x1000  }
0x21b: {  	[sflag:s14] =	ssyncset.done $0x0  }
0x21c: {  	[sflag:s14] =	ssyncadd.s32 $0xFFFFF000  }
0x21d: {  	_ =	swait.ge [sflag:s14], $0x1000  }
0x21e: {  	[sflag:s14] =	ssyncset.done $0x0  }
0x21f: {  	[sflag:s14] =	ssyncadd.s32 $0xFFFFF000  }
0x220: {  	_ =	swait.ge [sflag:s14], $0x1000  }
0x221: {  	[sflag:s14] =	ssyncset.done $0x0  }
0x222: {  	[sflag:s14] =	ssyncadd.s32 $0xFFFFF000  }
0x223: {  	_ =	swait.ge [sflag:s14], $0x1000  }
0x224: {  	[sflag:s14] =	ssyncset.done $0x0  }
0x225: {  	[sflag:s14] =	ssyncadd.s32 $0xFFFFF000  }
0x226: {  	_ =	swait.ge [sflag:s14], $0x1000  }
0x227: {  	[sflag:s14] =	ssyncset.done $0x0  }
0x228: {  	[sflag:s14] =	ssyncadd.s32 $0xFFFFF000  }
0x229: {  	_ =	swait.ge [sflag:s14], $0x1000  }
0x22a: {  	[sflag:s14] =	ssyncset.done $0x0  }
0x22b: {  	[sflag:s14] =	ssyncadd.s32 $0xFFFFF000  }
0x22c: {  	_ =	swait.ge [sflag:s14], $0x1000  }
0x22d: {  	[sflag:s14] =	ssyncset.done $0x0  }
0x22e: {  	[sflag:s14] =	ssyncadd.s32 $0xFFFFF000  }
0x22f: {  	_ =	swait.ge [sflag:s14], $0x1000  }
0x230: {  	[sflag:s14] =	ssyncset.done $0x0  }
0x231: {  	[sflag:s14] =	ssyncadd.s32 $0xFFFFF000  }
0x232: {  	_ =	swait.ge [sflag:s14], $0x1000  }
0x233: {  	[sflag:s14] =	ssyncset.done $0x0  }
0x234: {  	[sflag:s14] =	ssyncadd.s32 $0xFFFFF000  }
0x235: {  	_ =	swait.ge [sflag:s14], $0x1000  }
0x236: {  	[sflag:s14] =	ssyncset.done $0x0  }
0x237: {  	[sflag:s14] =	ssyncadd.s32 $0xFFFFF000  }
0x238: {  	_ =	swait.ge [sflag:s14], $0x1000  }
0x239: {  	[sflag:s14] =	ssyncset.done $0x0  }
0x23a: {  	[sflag:s14] =	ssyncadd.s32 $0xFFFFF000  }
0x23b: {  	_ =	swait.ge [sflag:s14], $0x1000  }
0x23c: {  	[sflag:s14] =	ssyncset.done $0x0  }
0x23d: {  	[sflag:s14] =	ssyncadd.s32 $0xFFFFF000  }
0x23e: {  	_ =	swait.ge [sflag:s14], $0x1000  }
0x23f: {  	[sflag:s14] =	ssyncset.done $0x0  }
0x240: {  	[sflag:s14] =	ssyncadd.s32 $0xFFFFF000  }
0x241: {  	_ =	swait.ge [sflag:s14], $0x1000  }
0x242: {  	[sflag:s14] =	ssyncset.done $0x0  }
0x243: {  	[sflag:s14] =	ssyncadd.s32 $0xFFFFF000  }
0x244: {  	_ =	swait.ge [sflag:s14], $0x1000  }
0x245: {  	[sflag:s14] =	ssyncset.done $0x0  }
0x246: {  	[sflag:s14] =	ssyncadd.s32 $0xFFFFF000  }
0x247: {  	_ =	swait.ge [sflag:s14], $0x1000  }
0x248: {  	[sflag:s14] =	ssyncset.done $0x0  }
0x249: {  	[sflag:s14] =	ssyncadd.s32 $0xFFFFF000  }
0x24a: {  	_ =	swait.ge [sflag:s14], $0x1000  }
0x24b: {  	[sflag:s14] =	ssyncset.done $0x0  }
0x24c: {  	[sflag:s14] =	ssyncadd.s32 $0xFFFFF000  }
0x24d: {  	_ =	swait.ge [sflag:s14], $0x1000  }
0x24e: {  	[sflag:s14] =	ssyncset.done $0x0  }
0x24f: {  	[sflag:s14] =	ssyncadd.s32 $0xFFFFF000  }
0x250: {  	_ =	swait.ge [sflag:s14], $0x1000  }
0x251: {  	[sflag:s14] =	ssyncset.done $0x0  }
0x252: {  	[sflag:s14] =	ssyncadd.s32 $0xFFFFF000  }
0x253: {  	_ =	swait.ge [sflag:s14], $0x1000  }
0x254: {  	[sflag:s14] =	ssyncset.done $0x0  }
0x255: {  	[sflag:s14] =	ssyncadd.s32 $0xFFFFF000  }
0x256: {  	_ =	swait.ge [sflag:s14], $0x1000  }
0x257: {  	[sflag:s14] =	ssyncset.done $0x0  }
0x258: {  	[sflag:s14] =	ssyncadd.s32 $0xFFFFF000  }
0x259: {  	_ =	swait.ge [sflag:s14], $0x1000  }
0x25a: {  	[sflag:s14] =	ssyncset.done $0x0  }
0x25b: {  	[sflag:s14] =	ssyncadd.s32 $0xFFFFF000  }
0x25c: {  	_ =	swait.ge [sflag:s14], $0x1000  }
0x25d: {  	[sflag:s14] =	ssyncset.done $0x0  }
0x25e: {  	[sflag:s14] =	ssyncadd.s32 $0xFFFFF000  }
0x25f: {  	_ =	swait.ge [sflag:s14], $0x1000  }
0x260: {  	[sflag:s14] =	ssyncset.done $0x0  }
0x261: {  	[sflag:s14] =	ssyncadd.s32 $0xFFFFF000  }
0x262: {  	_ =	swait.ge [sflag:s14], $0x1000  }
0x263: {  	[sflag:s14] =	ssyncset.done $0x0  }
0x264: {  	s22 =	simm.s32 $0x4100;
	s20 =	simm.s32 $0x1380;
	[sflag:s14] =	ssyncadd.s32 $0xFFFFF000  }
0x265: {  	[tilespmem:s22], [sflag:$0x1] =	stream.indirect.gather [hbm4b:s3+s10], $0x20, s20, s10, $0xb8;
	[tilespmem:$0x1E100] =	vst v63  }
0x266: {  	s23 =	simm.s32 $0x11100;
	s28 =	simm.s32 $0x2080  }
0x267: {  	[tilespmem:s23], [sflag:$0x1] =	stream.indirect.gather [hbm4b:s4+s10], $0x20, s28, s10, $0xb8;
	[tilespmem:$0x1E100] =	vst v63  }
0x268: {  	s26 =	simm.s32 $0x5100;
	s20 =	simm.s32 $0x1400  }
0x269: {  	[tilespmem:s26], [sflag:$0x1] =	stream.indirect.gather [hbm4b:s3+s10], $0x20, s20, s10, $0xb8;
	[tilespmem:$0x1E100] =	vst v63  }
0x26a: {  	s29 =	simm.s32 $0x12100;
	s26 =	simm.s32 $0x2100  }
0x26b: {  	[tilespmem:s29], [sflag:$0x1] =	stream.indirect.gather [hbm4b:s4+s10], $0x20, s26, s10, $0xb8;
	[tilespmem:$0x1E100] =	vst v63  }
0x26c: {  	s20 =	simm.s32 $0x1480;
	s26 =	simm.s32 $0x6100  }
0x26d: {  	[tilespmem:s26], [sflag:$0x1] =	stream.indirect.gather [hbm4b:s3+s10], $0x20, s20, s10, $0xb8;
	[tilespmem:$0x1E100] =	vst v63  }
0x26e: {  	s20 =	simm.s32 $0x2180;
	s26 =	simm.s32 $0x13100  }
0x26f: {  	[tilespmem:s26], [sflag:$0x1] =	stream.indirect.gather [hbm4b:s4+s10], $0x20, s20, s10, $0xb8;
	[tilespmem:$0x1E100] =	vst v63  }
0x270: {  	s20 =	simm.s32 $0x1500;
	s26 =	simm.s32 $0x7100  }
0x271: {  	[tilespmem:s26], [sflag:$0x1] =	stream.indirect.gather [hbm4b:s3+s10], $0x20, s20, s10, $0xb8;
	[tilespmem:$0x1E100] =	vst v63  }
0x272: {  	s18 =	simm.s32 $0x14100;
	s26 =	simm.s32 $0x2200  }
0x273: {  	[tilespmem:s18], [sflag:$0x1] =	stream.indirect.gather [hbm4b:s4+s10], $0x20, s26, s10, $0xb8;
	[tilespmem:$0x1E100] =	vst v63  }
0x274: {  	s21 =	simm.s32 $0x8100;
	s20 =	simm.s32 $0x1580  }
0x275: {  	[tilespmem:s21], [sflag:$0x1] =	stream.indirect.gather [hbm4b:s3+s10], $0x20, s20, s10, $0xb8;
	[tilespmem:$0x1E100] =	vst v63  }
0x276: {  	s25 =	simm.s32 $0x15100;
	s26 =	simm.s32 $0x2280  }
0x277: {  	[tilespmem:s25], [sflag:$0x1] =	stream.indirect.gather [hbm4b:s4+s10], $0x20, s26, s10, $0xb8;
	[tilespmem:$0x1E100] =	vst v63  }
0x278: {  	s30 =	simm.s32 $0x9100;
	s20 =	simm.s32 $0x1600  }
0x279: {  	[tilespmem:s30], [sflag:$0x1] =	stream.indirect.gather [hbm4b:s3+s10], $0x20, s20, s10, $0xb8;
	[tilespmem:$0x1E100] =	vst v63  }
0x27a: {  	s25 =	simm.s32 $0x2300  }
0x27b: {  	[tilespmem:s16], [sflag:$0x1] =	stream.indirect.gather [hbm4b:s4+s10], $0x20, s25, s10, $0xb8;
	[tilespmem:$0x1E100] =	vst v63  }
0x27c: {  	s20 =	simm.s32 $0xA100;
	s16 =	simm.s32 $0x1680  }
0x27d: {  	[tilespmem:s20], [sflag:$0x1] =	stream.indirect.gather [hbm4b:s3+s10], $0x20, s16, s10, $0xb8;
	[tilespmem:$0x1E100] =	vst v63  }
0x27e: {  	s19 =	simm.s32 $0x17100;
	s25 =	simm.s32 $0x2380  }
0x27f: {  	[tilespmem:s19], [sflag:$0x1] =	stream.indirect.gather [hbm4b:s4+s10], $0x20, s25, s10, $0xb8;
	[tilespmem:$0x1E100] =	vst v63  }
0x280: {  	s16 =	simm.s32 $0x1700  }
0x281: {  	[tilespmem:s15], [sflag:$0x1] =	stream.indirect.gather [hbm4b:s3+s10], $0x20, s16, s10, $0xb8;
	[tilespmem:$0x1E100] =	vst v63  }
0x282: {  	s24 =	simm.s32 $0x18100;
	s20 =	simm.s32 $0x2400  }
0x283: {  	[tilespmem:s24], [sflag:$0x1] =	stream.indirect.gather [hbm4b:s4+s10], $0x20, s20, s10, $0xb8;
	[tilespmem:$0x1E100] =	vst v63  }
0x284: {  	s24 =	simm.s32 $0x1780  }
0x285: {  	[tilespmem:s13], [sflag:$0x1] =	stream.indirect.gather [hbm4b:s3+s10], $0x20, s24, s10, $0xb8;
	[tilespmem:$0x1E100] =	vst v63  }
0x286: {  	s13 =	simm.s32 $0x2480  }
0x287: {  	[tilespmem:s7], [sflag:$0x1] =	stream.indirect.gather [hbm4b:s4+s10], $0x20, s13, s10, $0xb8;
	[tilespmem:$0x1E100] =	vst v63  }
0x288: {  	s16 =	simm.s32 $0x1800;
	s24 =	simm.s32 $0xD100  }
0x289: {  	[tilespmem:s24], [sflag:$0x1] =	stream.indirect.gather [hbm4b:s3+s10], $0x20, s16, s10, $0xb8;
	[tilespmem:$0x1E100] =	vst v63  }
0x28a: {  	s7 =	simm.s32 $0x2500  }
0x28b: {  	[tilespmem:s6], [sflag:$0x1] =	stream.indirect.gather [hbm4b:s4+s10], $0x20, s7, s10, $0xb8;
	[tilespmem:$0x1E100] =	vst v63  }
0x28c: {  	s31 =	simm.s32 $0xE100;
	s16 =	simm.s32 $0x1880  }
0x28d: {  	[tilespmem:s31], [sflag:$0x1] =	stream.indirect.gather [hbm4b:s3+s10], $0x20, s16, s10, $0xb8;
	[tilespmem:$0x1E100] =	vst v63  }
0x28e: {  	s6 =	simm.s32 $0x2580  }
0x28f: {  	[tilespmem:s9], [sflag:$0x1] =	stream.indirect.gather [hbm4b:s4+s10], $0x20, s6, s10, $0xb8;
	[tilespmem:$0x1E100] =	vst v63  }
0x290: {  	s31 =	simm.s32 $0x1900  }
0x291: {  	[tilespmem:s11], [sflag:$0x1] =	stream.indirect.gather [hbm4b:s3+s10], $0x20, s31, s10, $0xb8;
	[tilespmem:$0x1E100] =	vst v63  }
0x292: {  	s6 =	simm.s32 $0x2600  }
0x293: {  	[tilespmem:s0], [sflag:$0x1] =	stream.indirect.gather [hbm4b:s4+s10], $0x20, s6, s10, $0xb8;
	[tilespmem:$0x1E100] =	vst v63  }
0x294: {  	s31 =	simm.s32 $0x1980  }
0x295: {  	[tilespmem:s2], [sflag:$0x1] =	stream.indirect.gather [hbm4b:s3+s10], $0x20, s31, s10, $0xb8;
	[tilespmem:$0x1E100] =	vst v63  }
0x296: {  	s17 =	simm.s32 $0x1D100;
	s0 =	simm.s32 $0x2680  }
0x297: {  	[tilespmem:s17], [sflag:$0x1] =	stream.indirect.gather [hbm4b:s4+s10], $0x20, s0, s10, $0xb8;
	[tilespmem:$0x1E100] =	vst v63  }
0x298: {  	_ =	swait.ge [sflag:s12], $0x1000  }
0x299: {  	[sflag:s12] =	ssyncset.done $0x0  }
0x29a: {  	[sflag:s12] =	ssyncadd.s32 $0xFFFFF000  }
0x29b: {  	_ =	swait.ge [sflag:s12], $0x1000  }
0x29c: {  	[sflag:s12] =	ssyncset.done $0x0  }
0x29d: {  	[sflag:s12] =	ssyncadd.s32 $0xFFFFF000  }
0x29e: {  	_ =	swait.ge [sflag:s12], $0x1000  }
0x29f: {  	[sflag:s12] =	ssyncset.done $0x0  }
0x2a0: {  	[sflag:s12] =	ssyncadd.s32 $0xFFFFF000  }
0x2a1: {  	_ =	swait.ge [sflag:s12], $0x1000  }
0x2a2: {  	[sflag:s12] =	ssyncset.done $0x0  }
0x2a3: {  	[sflag:s12] =	ssyncadd.s32 $0xFFFFF000  }
0x2a4: {  	_ =	swait.ge [sflag:s12], $0x1000  }
0x2a5: {  	[sflag:s12] =	ssyncset.done $0x0  }
0x2a6: {  	[sflag:s12] =	ssyncadd.s32 $0xFFFFF000  }
0x2a7: {  	_ =	swait.ge [sflag:s12], $0x1000  }
0x2a8: {  	[sflag:s12] =	ssyncset.done $0x0  }
0x2a9: {  	[sflag:s12] =	ssyncadd.s32 $0xFFFFF000  }
0x2aa: {  	_ =	swait.ge [sflag:s12], $0x1000  }
0x2ab: {  	[sflag:s12] =	ssyncset.done $0x0  }
0x2ac: {  	[sflag:s12] =	ssyncadd.s32 $0xFFFFF000  }
0x2ad: {  	_ =	swait.ge [sflag:s12], $0x1000  }
0x2ae: {  	[sflag:s12] =	ssyncset.done $0x0  }
0x2af: {  	[sflag:s12] =	ssyncadd.s32 $0xFFFFF000  }
0x2b0: {  	_ =	swait.ge [sflag:s12], $0x1000  }
0x2b1: {  	[sflag:s12] =	ssyncset.done $0x0  }
0x2b2: {  	[sflag:s12] =	ssyncadd.s32 $0xFFFFF000  }
0x2b3: {  	_ =	swait.ge [sflag:s12], $0x1000  }
0x2b4: {  	[sflag:s12] =	ssyncset.done $0x0  }
0x2b5: {  	[sflag:s12] =	ssyncadd.s32 $0xFFFFF000  }
0x2b6: {  	_ =	swait.ge [sflag:s12], $0x1000  }
0x2b7: {  	[sflag:s12] =	ssyncset.done $0x0  }
0x2b8: {  	[sflag:s12] =	ssyncadd.s32 $0xFFFFF000  }
0x2b9: {  	_ =	swait.ge [sflag:s12], $0x1000  }
0x2ba: {  	[sflag:s12] =	ssyncset.done $0x0  }
0x2bb: {  	[sflag:s12] =	ssyncadd.s32 $0xFFFFF000  }
0x2bc: {  	_ =	swait.ge [sflag:s12], $0x1000  }
0x2bd: {  	[sflag:s12] =	ssyncset.done $0x0  }
0x2be: {  	[sflag:s12] =	ssyncadd.s32 $0xFFFFF000  }
0x2bf: {  	_ =	swait.ge [sflag:s12], $0x1000  }
0x2c0: {  	[sflag:s12] =	ssyncset.done $0x0  }
0x2c1: {  	[sflag:s12] =	ssyncadd.s32 $0xFFFFF000  }
0x2c2: {  	_ =	swait.ge [sflag:s12], $0x1000  }
0x2c3: {  	[sflag:s12] =	ssyncset.done $0x0  }
0x2c4: {  	[sflag:s12] =	ssyncadd.s32 $0xFFFFF000  }
0x2c5: {  	_ =	swait.ge [sflag:s12], $0x1000  }
0x2c6: {  	[sflag:s12] =	ssyncset.done $0x0  }
0x2c7: {  	[sflag:s12] =	ssyncadd.s32 $0xFFFFF000  }
0x2c8: {  	_ =	swait.ge [sflag:s12], $0x1000  }
0x2c9: {  	[sflag:s12] =	ssyncset.done $0x0  }
0x2ca: {  	[sflag:s12] =	ssyncadd.s32 $0xFFFFF000  }
0x2cb: {  	_ =	swait.ge [sflag:s12], $0x1000  }
0x2cc: {  	[sflag:s12] =	ssyncset.done $0x0  }
0x2cd: {  	[sflag:s12] =	ssyncadd.s32 $0xFFFFF000  }
0x2ce: {  	_ =	swait.ge [sflag:s12], $0x1000  }
0x2cf: {  	[sflag:s12] =	ssyncset.done $0x0  }
0x2d0: {  	[sflag:s12] =	ssyncadd.s32 $0xFFFFF000  }
0x2d1: {  	_ =	swait.ge [sflag:s12], $0x1000  }
0x2d2: {  	[sflag:s12] =	ssyncset.done $0x0  }
0x2d3: {  	[sflag:s12] =	ssyncadd.s32 $0xFFFFF000  }
0x2d4: {  	_ =	swait.ge [sflag:s12], $0x1000  }
0x2d5: {  	[sflag:s12] =	ssyncset.done $0x0  }
0x2d6: {  	[sflag:s12] =	ssyncadd.s32 $0xFFFFF000  }
0x2d7: {  	_ =	swait.ge [sflag:s12], $0x1000  }
0x2d8: {  	[sflag:s12] =	ssyncset.done $0x0  }
0x2d9: {  	[sflag:s12] =	ssyncadd.s32 $0xFFFFF000  }
0x2da: {  	_ =	swait.ge [sflag:s12], $0x1000  }
0x2db: {  	[sflag:s12] =	ssyncset.done $0x0  }
0x2dc: {  	[sflag:s12] =	ssyncadd.s32 $0xFFFFF000  }
0x2dd: {  	_ =	swait.ge [sflag:s12], $0x1000  }
0x2de: {  	[sflag:s12] =	ssyncset.done $0x0  }
0x2df: {  	[sflag:s12] =	ssyncadd.s32 $0xFFFFF000  }
0x2e0: {  	_ =	swait.ge [sflag:s12], $0x1000  }
0x2e1: {  	[sflag:s12] =	ssyncset.done $0x0  }
0x2e2: {  	[sflag:s12] =	ssyncadd.s32 $0xFFFFF000  }
0x2e3: {  	_ =	swait.ge [sflag:s12], $0x1000  }
0x2e4: {  	[sflag:s12] =	ssyncset.done $0x0  }
0x2e5: {  	s22 =	simm.s32 $0x4100;
	s17 =	simm.s32 $0x2D80;
	[sflag:s12] =	ssyncadd.s32 $0xFFFFF000  }
0x2e6: {  	[hbm4b:s5+s10] =	stream.indirect.scatter [tilespmem:s22], [sflag:$0x2], $0x20, s17, s10, $0xb8;
	[tilespmem:$0x1E100] =	vst v63  }
0x2e7: {  	s23 =	simm.s32 $0x11100;
	s22 =	simm.s32 $0x3A80  }
0x2e8: {  	[hbm4b:s5+s10] =	stream.indirect.scatter [tilespmem:s23], [sflag:$0x2], $0x20, s22, s10, $0xb8;
	[tilespmem:$0x1E100] =	vst v63  }
0x2e9: {  	s28 =	simm.s32 $0x5100;
	s23 =	simm.s32 $0x2E00  }
0x2ea: {  	[hbm4b:s5+s10] =	stream.indirect.scatter [tilespmem:s28], [sflag:$0x2], $0x20, s23, s10, $0xb8;
	[tilespmem:$0x1E100] =	vst v63  }
0x2eb: {  	s29 =	simm.s32 $0x12100;
	s28 =	simm.s32 $0x3B00  }
0x2ec: {  	[hbm4b:s5+s10] =	stream.indirect.scatter [tilespmem:s29], [sflag:$0x2], $0x20, s28, s10, $0xb8;
	[tilespmem:$0x1E100] =	vst v63  }
0x2ed: {  	s0 =	simm.s32 $0x2E80;
	s17 =	simm.s32 $0x6100  }
0x2ee: {  	[hbm4b:s5+s10] =	stream.indirect.scatter [tilespmem:s17], [sflag:$0x2], $0x20, s0, s10, $0xb8;
	[tilespmem:$0x1E100] =	vst v63  }
0x2ef: {  	s22 =	simm.s32 $0x3B80;
	s23 =	simm.s32 $0x13100  }
0x2f0: {  	[hbm4b:s5+s10] =	stream.indirect.scatter [tilespmem:s23], [sflag:$0x2], $0x20, s22, s10, $0xb8;
	[tilespmem:$0x1E100] =	vst v63  }
0x2f1: {  	s28 =	simm.s32 $0x2F00;
	s29 =	simm.s32 $0x7100  }
0x2f2: {  	[hbm4b:s5+s10] =	stream.indirect.scatter [tilespmem:s29], [sflag:$0x2], $0x20, s28, s10, $0xb8;
	[tilespmem:$0x1E100] =	vst v63  }
0x2f3: {  	s18 =	simm.s32 $0x14100;
	s17 =	simm.s32 $0x3C00  }
0x2f4: {  	[hbm4b:s5+s10] =	stream.indirect.scatter [tilespmem:s18], [sflag:$0x2], $0x20, s17, s10, $0xb8;
	[tilespmem:$0x1E100] =	vst v63  }
0x2f5: {  	s21 =	simm.s32 $0x8100;
	s18 =	simm.s32 $0x2F80  }
0x2f6: {  	[hbm4b:s5+s10] =	stream.indirect.scatter [tilespmem:s21], [sflag:$0x2], $0x20, s18, s10, $0xb8;
	[tilespmem:$0x1E100] =	vst v63  }
0x2f7: {  	s26 =	simm.s32 $0x15100;
	s22 =	simm.s32 $0x3C80  }
0x2f8: {  	[hbm4b:s5+s10] =	stream.indirect.scatter [tilespmem:s26], [sflag:$0x2], $0x20, s22, s10, $0xb8;
	[tilespmem:$0x1E100] =	vst v63  }
0x2f9: {  	s30 =	simm.s32 $0x9100;
	s23 =	simm.s32 $0x3000  }
0x2fa: {  	[hbm4b:s5+s10] =	stream.indirect.scatter [tilespmem:s30], [sflag:$0x2], $0x20, s23, s10, $0xb8;
	[tilespmem:$0x1E100] =	vst v63  }
0x2fb: {  	s28 =	simm.s32 $0x16100;
	s26 =	simm.s32 $0x3D00  }
0x2fc: {  	[hbm4b:s5+s10] =	stream.indirect.scatter [tilespmem:s28], [sflag:$0x2], $0x20, s26, s10, $0xb8;
	[tilespmem:$0x1E100] =	vst v63  }
0x2fd: {  	s29 =	simm.s32 $0x3080;
	s30 =	simm.s32 $0xA100  }
0x2fe: {  	[hbm4b:s5+s10] =	stream.indirect.scatter [tilespmem:s30], [sflag:$0x2], $0x20, s29, s10, $0xb8;
	[tilespmem:$0x1E100] =	vst v63  }
0x2ff: {  	s1 =	simm.s32 $0x3D80;
	s19 =	simm.s32 $0x17100  }
0x300: {  	[hbm4b:s5+s10] =	stream.indirect.scatter [tilespmem:s19], [sflag:$0x2], $0x20, s1, s10, $0xb8;
	[tilespmem:$0x1E100] =	vst v63  }
0x301: {  	s25 =	simm.s32 $0xB100;
	s17 =	simm.s32 $0x3100  }
0x302: {  	[hbm4b:s5+s10] =	stream.indirect.scatter [tilespmem:s25], [sflag:$0x2], $0x20, s17, s10, $0xb8;
	[tilespmem:$0x1E100] =	vst v63  }
0x303: {  	s15 =	simm.s32 $0x18100;
	s18 =	simm.s32 $0x3E00  }
0x304: {  	[hbm4b:s5+s10] =	stream.indirect.scatter [tilespmem:s15], [sflag:$0x2], $0x20, s18, s10, $0xb8;
	[tilespmem:$0x1E100] =	vst v63  }
0x305: {  	s20 =	simm.s32 $0xC100;
	s19 =	simm.s32 $0x3180  }
0x306: {  	[hbm4b:s5+s10] =	stream.indirect.scatter [tilespmem:s20], [sflag:$0x2], $0x20, s19, s10, $0xb8;
	[tilespmem:$0x1E100] =	vst v63  }
0x307: {  	s13 =	simm.s32 $0x19100;
	s20 =	simm.s32 $0x3E80  }
0x308: {  	[hbm4b:s5+s10] =	stream.indirect.scatter [tilespmem:s13], [sflag:$0x2], $0x20, s20, s10, $0xb8;
	[tilespmem:$0x1E100] =	vst v63  }
0x309: {  	s24 =	simm.s32 $0xD100;
	s21 =	simm.s32 $0x3200  }
0x30a: {  	[hbm4b:s5+s10] =	stream.indirect.scatter [tilespmem:s24], [sflag:$0x2], $0x20, s21, s10, $0xb8;
	[tilespmem:$0x1E100] =	vst v63  }
0x30b: {  	s7 =	simm.s32 $0x1A100;
	s22 =	simm.s32 $0x3F00  }
0x30c: {  	[hbm4b:s5+s10] =	stream.indirect.scatter [tilespmem:s7], [sflag:$0x2], $0x20, s22, s10, $0xb8;
	[tilespmem:$0x1E100] =	vst v63  }
0x30d: {  	s16 =	simm.s32 $0xE100;
	s23 =	simm.s32 $0x3280  }
0x30e: {  	[hbm4b:s5+s10] =	stream.indirect.scatter [tilespmem:s16], [sflag:$0x2], $0x20, s23, s10, $0xb8;
	[tilespmem:$0x1E100] =	vst v63  }
0x30f: {  	s9 =	simm.s32 $0x1B100;
	s24 =	simm.s32 $0x3F80  }
0x310: {  	[hbm4b:s5+s10] =	stream.indirect.scatter [tilespmem:s9], [sflag:$0x2], $0x20, s24, s10, $0xb8;
	[tilespmem:$0x1E100] =	vst v63  }
0x311: {  	s11 =	simm.s32 $0xF100;
	s25 =	simm.s32 $0x3300  }
0x312: {  	[hbm4b:s5+s10] =	stream.indirect.scatter [tilespmem:s11], [sflag:$0x2], $0x20, s25, s10, $0xb8;
	[tilespmem:$0x1E100] =	vst v63  }
0x313: {  	s6 =	simm.s32 $0x1C100;
	s26 =	simm.s32 $0x4000  }
0x314: {  	[hbm4b:s5+s10] =	stream.indirect.scatter [tilespmem:s6], [sflag:$0x2], $0x20, s26, s10, $0xb8;
	[tilespmem:$0x1E100] =	vst v63  }
0x315: {  	s2 =	simm.s32 $0x10100;
	s28 =	simm.s32 $0x3380  }
0x316: {  	[hbm4b:s5+s10] =	stream.indirect.scatter [tilespmem:s2], [sflag:$0x2], $0x20, s28, s10, $0xb8;
	[tilespmem:$0x1E100] =	vst v63  }
0x317: {  	s31 =	simm.s32 $0x1D100;
	s29 =	simm.s32 $0x4080  }
0x318: {  	[hbm4b:s5+s10] =	stream.indirect.scatter [tilespmem:s31], [sflag:$0x2], $0x20, s29, s10, $0xb8;
	[tilespmem:$0x1E100] =	vst v63  }
0x319: {  	_ =	swait.ge [sflag:s14], $0x1000  }
0x31a: {  	[sflag:s14] =	ssyncset.done $0x0  }
0x31b: {  	[sflag:s14] =	ssyncadd.s32 $0xFFFFF000  }
0x31c: {  	_ =	swait.ge [sflag:s14], $0x1000  }
0x31d: {  	[sflag:s14] =	ssyncset.done $0x0  }
0x31e: {  	[sflag:s14] =	ssyncadd.s32 $0xFFFFF000  }
0x31f: {  	_ =	swait.ge [sflag:s14], $0x1000  }
0x320: {  	[sflag:s14] =	ssyncset.done $0x0  }
0x321: {  	[sflag:s14] =	ssyncadd.s32 $0xFFFFF000  }
0x322: {  	_ =	swait.ge [sflag:s14], $0x1000  }
0x323: {  	[sflag:s14] =	ssyncset.done $0x0  }
0x324: {  	[sflag:s14] =	ssyncadd.s32 $0xFFFFF000  }
0x325: {  	_ =	swait.ge [sflag:s14], $0x1000  }
0x326: {  	[sflag:s14] =	ssyncset.done $0x0  }
0x327: {  	[sflag:s14] =	ssyncadd.s32 $0xFFFFF000  }
0x328: {  	_ =	swait.ge [sflag:s14], $0x1000  }
0x329: {  	[sflag:s14] =	ssyncset.done $0x0  }
0x32a: {  	[sflag:s14] =	ssyncadd.s32 $0xFFFFF000  }
0x32b: {  	_ =	swait.ge [sflag:s14], $0x1000  }
0x32c: {  	[sflag:s14] =	ssyncset.done $0x0  }
0x32d: {  	[sflag:s14] =	ssyncadd.s32 $0xFFFFF000  }
0x32e: {  	_ =	swait.ge [sflag:s14], $0x1000  }
0x32f: {  	[sflag:s14] =	ssyncset.done $0x0  }
0x330: {  	[sflag:s14] =	ssyncadd.s32 $0xFFFFF000  }
0x331: {  	_ =	swait.ge [sflag:s14], $0x1000  }
0x332: {  	[sflag:s14] =	ssyncset.done $0x0  }
0x333: {  	[sflag:s14] =	ssyncadd.s32 $0xFFFFF000  }
0x334: {  	_ =	swait.ge [sflag:s14], $0x1000  }
0x335: {  	[sflag:s14] =	ssyncset.done $0x0  }
0x336: {  	[sflag:s14] =	ssyncadd.s32 $0xFFFFF000  }
0x337: {  	_ =	swait.ge [sflag:s14], $0x1000  }
0x338: {  	[sflag:s14] =	ssyncset.done $0x0  }
0x339: {  	[sflag:s14] =	ssyncadd.s32 $0xFFFFF000  }
0x33a: {  	_ =	swait.ge [sflag:s14], $0x1000  }
0x33b: {  	[sflag:s14] =	ssyncset.done $0x0  }
0x33c: {  	[sflag:s14] =	ssyncadd.s32 $0xFFFFF000  }
0x33d: {  	_ =	swait.ge [sflag:s14], $0x1000  }
0x33e: {  	[sflag:s14] =	ssyncset.done $0x0  }
0x33f: {  	[sflag:s14] =	ssyncadd.s32 $0xFFFFF000  }
0x340: {  	_ =	swait.ge [sflag:s14], $0x1000  }
0x341: {  	[sflag:s14] =	ssyncset.done $0x0  }
0x342: {  	[sflag:s14] =	ssyncadd.s32 $0xFFFFF000  }
0x343: {  	_ =	swait.ge [sflag:s14], $0x1000  }
0x344: {  	[sflag:s14] =	ssyncset.done $0x0  }
0x345: {  	[sflag:s14] =	ssyncadd.s32 $0xFFFFF000  }
0x346: {  	_ =	swait.ge [sflag:s14], $0x1000  }
0x347: {  	[sflag:s14] =	ssyncset.done $0x0  }
0x348: {  	[sflag:s14] =	ssyncadd.s32 $0xFFFFF000  }
0x349: {  	_ =	swait.ge [sflag:s14], $0x1000  }
0x34a: {  	[sflag:s14] =	ssyncset.done $0x0  }
0x34b: {  	[sflag:s14] =	ssyncadd.s32 $0xFFFFF000  }
0x34c: {  	_ =	swait.ge [sflag:s14], $0x1000  }
0x34d: {  	[sflag:s14] =	ssyncset.done $0x0  }
0x34e: {  	[sflag:s14] =	ssyncadd.s32 $0xFFFFF000  }
0x34f: {  	_ =	swait.ge [sflag:s14], $0x1000  }
0x350: {  	[sflag:s14] =	ssyncset.done $0x0  }
0x351: {  	[sflag:s14] =	ssyncadd.s32 $0xFFFFF000  }
0x352: {  	_ =	swait.ge [sflag:s14], $0x1000  }
0x353: {  	[sflag:s14] =	ssyncset.done $0x0  }
0x354: {  	[sflag:s14] =	ssyncadd.s32 $0xFFFFF000  }
0x355: {  	_ =	swait.ge [sflag:s14], $0x1000  }
0x356: {  	[sflag:s14] =	ssyncset.done $0x0  }
0x357: {  	[sflag:s14] =	ssyncadd.s32 $0xFFFFF000  }
0x358: {  	_ =	swait.ge [sflag:s14], $0x1000  }
0x359: {  	[sflag:s14] =	ssyncset.done $0x0  }
0x35a: {  	[sflag:s14] =	ssyncadd.s32 $0xFFFFF000  }
0x35b: {  	_ =	swait.ge [sflag:s14], $0x1000  }
0x35c: {  	[sflag:s14] =	ssyncset.done $0x0  }
0x35d: {  	[sflag:s14] =	ssyncadd.s32 $0xFFFFF000  }
0x35e: {  	_ =	swait.ge [sflag:s14], $0x1000  }
0x35f: {  	[sflag:s14] =	ssyncset.done $0x0  }
0x360: {  	[sflag:s14] =	ssyncadd.s32 $0xFFFFF000  }
0x361: {  	_ =	swait.ge [sflag:s14], $0x1000  }
0x362: {  	[sflag:s14] =	ssyncset.done $0x0  }
0x363: {  	[sflag:s14] =	ssyncadd.s32 $0xFFFFF000  }
0x364: {  	_ =	swait.ge [sflag:s14], $0x1000  }
0x365: {  	s30 =	rddreg [dreg:$0x5]  }
0x366: {  	s31 =	rddreg [dreg:$0x4];
	s0 =	sadd.s32 $0x1, s30  }
0x367: {  	p0 =	sne.s32 s0, s31  }
.Ltmp1:
0x368: {  	_ = 	snop;
	(pc) =	sbr.rel @p0 .LBB2_1-.Ltmp1, $3  }
0x369: {  	_ =	sdelay $0x1  }
0x36a: {  	[sflag:s14] =	ssyncset.done $0x0  }
0x36b: {  	[sflag:s14] =	ssyncadd.s32 $0xFFFFF000  }
0x36c: {  	_ =	sfence.sel $0x180000  }
0x36d: {  	[bflag:$0x0] =	sbarrier.arrive $0xFFFF  }
0x36e: {  	_ =	strace $0x90000047  }
0x36f: {  	s0 =	stileid.u32;
	[bflag:$0x2] =	sbarrier.arrive $0xFFFF  }
0x370: {  	p0 =	sne.s32 s0, $0x0;
	s0 =	rddreg [dreg:$0x2]  }
0x371: {  	s0 =	sadd.s32 @!p0 $0x100000, s0  }
0x372: {  	[sflag:s0] =	ssyncadd.tile.s32 @!p0 $0x1;
	_ =	shalt  }
.Lfunc_end2:
_tile_overlayer_lowered:
.L_overlay_start_2:
0x373: {  	(tag) =	ssettag $0x2  }
0x374: {  	s0 =	rddreg [dreg:$0x0];
	s2 =	stileid.u32  }
0x375: {  	s1 =	rddreg [dreg:$0x1];
	p0 =	sne.s32 s2, $0x0  }
0x376: {  	s3 =	rddreg [dreg:$0x2];
	[bflag:$0x3] =	sbarrier.arrive $0xFFFF;
	s2 =	simm.s32 @!p0 $0x1C03  }
0x377: {  	[timem:s3], [sflag:s2] =	dma.local @!p0 [hbm:s0], s1  }
0x378: {  	s0 =	simm.s32 @!p0 $0x3  }
0x379: {  	_ =	swait.ge @!p0 [sflag:s0], s1  }
0x37a: {  	s1 =	ssub.s32 @!p0 $0x0, s1;
	[sflag:s0] =	ssyncset.done @!p0 $0x0  }
0x37b: {  	[sflag:s0] =	ssyncadd.s32 @!p0 s1  }
0x37c: {  	[bflag:$0x3] =	sbarrier.arrive $0xFFFF  }
0x37d: {  	_ =	shalt  }

</sc_bundles>
